<compile_context>
chip_gen: v7x
topology: tpu7x:2x2x1
jax: 0.10.2.dev20260603
libtpu: 0.0.44.dev20260713+nightly
codegen_flags: <defaults>
</compile_context>

<pallas_src>
import functools

import jax
import jax.numpy as jnp
from jax import lax
from jax.experimental import pallas as pl
from jax.experimental.pallas import tpu as pltpu
from jax.experimental.pallas import tpu_sc as plsc

H = 128
LANES = 16
VPR = H // LANES
T = 64
NBUF = 4
NCORES = 2
NSUB = 16
NW = NCORES * NSUB
EPS = 1e-5


def _allreduce_sum(v, perms):
    for p in perms:
        v = v + v.at[p].get(mode="promise_in_bounds", unique_indices=True)
    return v


def _rsqrt(v):
    vi = lax.bitcast_convert_type(v, jnp.int32)
    seed = jnp.full((LANES,), 0x5F3759DF, dtype=jnp.int32) - jnp.right_shift(vi, 1)
    y = lax.bitcast_convert_type(seed, jnp.float32)
    half = v * 0.5
    for _ in range(2):
        y = y * (1.5 - half * y * y)
    return y


def _ln_chunk(emb_r, rows_r, out_r, gams, bets, perms):
    @pl.loop(0, T)
    def _token(t):
        x = [emb_r[t, pl.ds(j * LANES, LANES)] + rows_r[t, pl.ds(j * LANES, LANES)]
             for j in range(VPR)]
        s = x[0]
        sq = x[0] * x[0]
        for j in range(1, VPR):
            s = s + x[j]
            sq = sq + x[j] * x[j]
        m_v = _allreduce_sum(s, perms) * (1.0 / H)
        var = _allreduce_sum(sq, perms) * (1.0 / H) - m_v * m_v + EPS
        r_v = _rsqrt(var)
        for j in range(VPR):
            out_r[t, pl.ds(j * LANES, LANES)] = (x[j] - m_v) * r_v * gams[j] + bets[j]


def _make_sc_call(n_tokens):
    tok_per_w = n_tokens // NW
    nchunk = tok_per_w // T
    mesh = plsc.VectorSubcoreMesh(core_axis_name="c", subcore_axis_name="s",
                                  num_cores=NCORES, num_subcores=NSUB)

    @functools.partial(
        pl.kernel,
        out_type=jax.ShapeDtypeStruct((n_tokens, H), jnp.float32),
        mesh=mesh,
        scratch_types=[
            pltpu.VMEM((nchunk, T), jnp.int32),
            pltpu.VMEM((H,), jnp.float32),
            pltpu.VMEM((H,), jnp.float32),
            pltpu.VMEM((NBUF, T, H), jnp.float32),
            pltpu.VMEM((NBUF, T, H), jnp.float32),
            pltpu.VMEM((NBUF, T, H), jnp.float32),
        ] + [pltpu.SemaphoreType.DMA] * (2 * NBUF),
    )
    def sc_call(emb_hbm, idx_hbm, table_hbm, gam_hbm, bet_hbm, out_hbm,
                idx_v, gam_v, bet_v, emb_v, rows_v, out_v, *sems):
        in_sems = sems[:NBUF]
        out_sems = sems[NBUF:]
        wid = lax.axis_index("s") * NCORES + lax.axis_index("c")
        base = wid * tok_per_w

        pltpu.sync_copy(idx_hbm.at[wid], idx_v)
        pltpu.sync_copy(gam_hbm, gam_v)
        pltpu.sync_copy(bet_hbm, bet_v)

        lanes = lax.iota(jnp.int32, LANES)
        perms = [jnp.bitwise_xor(lanes, sh) for sh in (1, 2, 4, 8)]
        gams = [gam_v[pl.ds(j * LANES, LANES)] for j in range(VPR)]
        bets = [bet_v[pl.ds(j * LANES, LANES)] for j in range(VPR)]

        def start_in(b, g):
            tok = base + g * T
            pltpu.async_copy(emb_hbm.at[pl.ds(tok, T)], emb_v.at[b], in_sems[b])
            pltpu.async_copy(table_hbm.at[idx_v.at[g]], rows_v.at[b], in_sems[b])

        def wait_in(b, g):
            tok = base + g * T
            pltpu.make_async_copy(emb_hbm.at[pl.ds(tok, T)], emb_v.at[b],
                                  in_sems[b]).wait()
            pltpu.make_async_copy(table_hbm.at[idx_v.at[g]], rows_v.at[b],
                                  in_sems[b]).wait()

        def start_out(b, g):
            tok = base + g * T
            pltpu.async_copy(out_v.at[b], out_hbm.at[pl.ds(tok, T)], out_sems[b])

        def wait_out(b, g):
            tok = base + g * T
            pltpu.make_async_copy(out_v.at[b], out_hbm.at[pl.ds(tok, T)],
                                  out_sems[b]).wait()

        for b in range(NBUF):
            start_in(b, b)

        @pl.loop(0, nchunk, step=NBUF)
        def _chunk(g0):
            for b in range(NBUF):
                g = g0 + b
                wait_in(b, g)

                @pl.when(g >= NBUF)
                def _():
                    wait_out(b, g - NBUF)

                _ln_chunk(emb_v.at[b], rows_v.at[b], out_v.at[b],
                          gams, bets, perms)
                start_out(b, g)

                @pl.when(g + NBUF < nchunk)
                def _():
                    start_in(b, g + NBUF)

        for b in range(NBUF):
            wait_out(b, nchunk - NBUF + b)

    return sc_call


def kernel(batch_mention_emb, mention_type_ids, table, gamma, beta):
    b, l, h = batch_mention_emb.shape
    n = b * l
    emb = jnp.transpose(batch_mention_emb, (1, 0, 2)).reshape(n, h)
    idx = jnp.transpose(mention_type_ids).astype(jnp.int32).reshape(-1)
    idx3 = idx.reshape(NW, n // (NW * T), T)
    out = _make_sc_call(n)(emb, idx3, table, gamma, beta)
    return jnp.transpose(out.reshape(l, b, h), (1, 0, 2))

# --- scband reference (transcript-rebuilt; emitter-appended) ---
"""Pipeline reference for scband-mention-type-encoder-32873679683908 (READ-ONLY COPY).

The authoritative reference and input builder live on the scoring server;
editing this copy changes nothing except your own understanding.
"""

import jax, jax.numpy as jnp
import numpy as np

HIDDEN = 128
NUM_TYPES = 1000
B, L = 4096, 50
EPS = 1e-5


def setup_inputs(seed: int = 0) -> dict:
    key = jax.random.key(seed)
    k1, k2, k3 = jax.random.split(key, 3)
    batch_mention_emb = jax.random.normal(k1, (B, L, HIDDEN), dtype=jnp.float32)
    mention_type_ids = jax.random.randint(k2, (B, L), 0, NUM_TYPES, dtype=jnp.int64)
    table = jax.random.normal(k3, (NUM_TYPES, HIDDEN), dtype=jnp.float32) * 0.02
    gamma = jnp.ones((HIDDEN,), dtype=jnp.float32)
    beta = jnp.zeros((HIDDEN,), dtype=jnp.float32)
    return {
        'batch_mention_emb': batch_mention_emb,
        'mention_type_ids': mention_type_ids,
        'table': table,
        'gamma': gamma,
        'beta': beta,
    }


def _layer_norm(x, gamma, beta):
    mean = jnp.mean(x, axis=-1, keepdims=True)
    var = jnp.mean(jnp.square(x - mean), axis=-1, keepdims=True)
    xhat = (x - mean) / jnp.sqrt(var + EPS)
    return xhat * gamma + beta


def reference(batch_mention_emb, mention_type_ids, table, gamma, beta):
    # embedding lookup (SparseCore gather)
    type_emb = jnp.take(table, mention_type_ids, axis=0)
    out = batch_mention_emb + type_emb
    out = _layer_norm(out, gamma, beta)
    # dropout is identity in eval / deterministic reference
    return out

if __name__ == "__main__":
    import jax
    _d = setup_inputs()
    print(jax.jit(kernel)(*tuple(_d.values())))

</pallas_src>

<mosaic_0001>
#map = affine_map<(d0, d1) -> (0, 0)>
#map1 = affine_map<(d0, d1) -> (0, 0, 0)>
#map2 = affine_map<(d0, d1) -> (0)>
module attributes {stable_mosaic.version = 14 : i64} {
  func.func @sc_call(%arg0: i32, %arg1: i32, %arg2: memref<204800x128xf32, #tpu.memory_space<hbm>>, %arg3: memref<32x100x64xi32, #tpu.memory_space<hbm>>, %arg4: memref<1000x128xf32, #tpu.memory_space<hbm>>, %arg5: memref<128xf32, #tpu.memory_space<hbm>>, %arg6: memref<128xf32, #tpu.memory_space<hbm>>, %arg7: memref<204800x128xf32, #tpu.memory_space<hbm>>, %arg8: memref<100x64xi32, #tpu.memory_space<vmem>>, %arg9: memref<128xf32, #tpu.memory_space<vmem>>, %arg10: memref<128xf32, #tpu.memory_space<vmem>>, %arg11: memref<4x64x128xf32, #tpu.memory_space<vmem>>, %arg12: memref<4x64x128xf32, #tpu.memory_space<vmem>>, %arg13: memref<4x64x128xf32, #tpu.memory_space<vmem>>, %arg14: memref<!tpu.dma_semaphore, #tpu.memory_space<semaphore_mem>>, %arg15: memref<!tpu.dma_semaphore, #tpu.memory_space<semaphore_mem>>, %arg16: memref<!tpu.dma_semaphore, #tpu.memory_space<semaphore_mem>>, %arg17: memref<!tpu.dma_semaphore, #tpu.memory_space<semaphore_mem>>, %arg18: memref<!tpu.dma_semaphore, #tpu.memory_space<semaphore_mem>>, %arg19: memref<!tpu.dma_semaphore, #tpu.memory_space<semaphore_mem>>, %arg20: memref<!tpu.dma_semaphore, #tpu.memory_space<semaphore_mem>>, %arg21: memref<!tpu.dma_semaphore, #tpu.memory_space<semaphore_mem>>) attributes {dimension_semantics = [#tpu.dimension_semantics<core_parallel>, #tpu.dimension_semantics<subcore_parallel>], iteration_bounds = array<i64: 2, 16>, scalar_prefetch = 0 : i64, scratch_operands = 14 : i64, tpu.core_type = #tpu.core_type<sc_vector_subcore>, window_params = [{transform_indices = #map}, {transform_indices = #map1}, {transform_indices = #map}, {transform_indices = #map2}, {transform_indices = #map2}, {transform_indices = #map}]} {
    %mul3A = arith.constant 2 : i32
    %mul3A_0 = arith.muli %arg1, %mul3A : i32
    %add3A = arith.addi %mul3A_0, %arg0 : i32
    %mul3A_1 = arith.constant 6400 : i32
    %mul3A_2 = arith.muli %add3A, %mul3A_1 : i32
    "tpu.region"() ({
      %run_scoped3A = tpu.sem_alloc : memref<!tpu.dma_semaphore, #tpu.memory_space<semaphore_mem>>
      %dma_start3A_231 = arith.constant 0 : i32
      %dma_start3A_232 = arith.constant 0 : i32
      %dma_start3A_233 = tpu.memref_slice %arg3[%add3A, %dma_start3A_231, %dma_start3A_232] : memref<32x100x64xi32, #tpu.memory_space<hbm>> -> memref<1x100x64xi32, #tpu.memory_space<hbm>>
      %dma_start3A_234 = tpu.memref_squeeze %dma_start3A_233 : memref<1x100x64xi32, #tpu.memory_space<hbm>> -> memref<100x64xi32, #tpu.memory_space<hbm>>
      %dma_start3A_235 = arith.constant 0 : i32
      %dma_start3A_236 = arith.constant 0 : i32
      %dma_start3A_237 = tpu.memref_slice %arg3[%add3A, %dma_start3A_235, %dma_start3A_236] : memref<32x100x64xi32, #tpu.memory_space<hbm>> -> memref<1x100x64xi32, #tpu.memory_space<hbm>>
      %dma_start3A_238 = tpu.memref_squeeze %dma_start3A_237 : memref<1x100x64xi32, #tpu.memory_space<hbm>> -> memref<100x64xi32, #tpu.memory_space<hbm>>
      tpu.enqueue_dma source(%dma_start3A_238 : memref<100x64xi32, #tpu.memory_space<hbm>>) target(%arg8 : memref<100x64xi32, #tpu.memory_space<vmem>>) target_semaphore(%run_scoped3A : memref<!tpu.dma_semaphore, #tpu.memory_space<semaphore_mem>>)
      %dma_wait3A_239 = arith.constant 0 : i32
      %dma_wait3A_240 = arith.constant 0 : i32
      %dma_wait3A_241 = tpu.memref_slice %arg3[%add3A, %dma_wait3A_239, %dma_wait3A_240] : memref<32x100x64xi32, #tpu.memory_space<hbm>> -> memref<1x100x64xi32, #tpu.memory_space<hbm>>
      %dma_wait3A_242 = tpu.memref_squeeze %dma_wait3A_241 : memref<1x100x64xi32, #tpu.memory_space<hbm>> -> memref<100x64xi32, #tpu.memory_space<hbm>>
      %dma_wait3A_243 = arith.constant 0 : i32
      %dma_wait3A_244 = arith.constant 0 : i32
      %dma_wait3A_245 = tpu.memref_slice %arg3[%add3A, %dma_wait3A_243, %dma_wait3A_244] : memref<32x100x64xi32, #tpu.memory_space<hbm>> -> memref<1x100x64xi32, #tpu.memory_space<hbm>>
      %dma_wait3A_246 = tpu.memref_squeeze %dma_wait3A_245 : memref<1x100x64xi32, #tpu.memory_space<hbm>> -> memref<100x64xi32, #tpu.memory_space<hbm>>
      tpu.wait_dma2 semaphore(%run_scoped3A : memref<!tpu.dma_semaphore, #tpu.memory_space<semaphore_mem>>) src(%dma_wait3A_246 : memref<100x64xi32, #tpu.memory_space<hbm>>) dst(%arg8 : memref<100x64xi32, #tpu.memory_space<vmem>>)
      tpu.yield
    }) : () -> ()
    "tpu.region"() ({
      %run_scoped3A = tpu.sem_alloc : memref<!tpu.dma_semaphore, #tpu.memory_space<semaphore_mem>>
      tpu.enqueue_dma source(%arg5 : memref<128xf32, #tpu.memory_space<hbm>>) target(%arg9 : memref<128xf32, #tpu.memory_space<vmem>>) target_semaphore(%run_scoped3A : memref<!tpu.dma_semaphore, #tpu.memory_space<semaphore_mem>>)
      tpu.wait_dma2 semaphore(%run_scoped3A : memref<!tpu.dma_semaphore, #tpu.memory_space<semaphore_mem>>) src(%arg5 : memref<128xf32, #tpu.memory_space<hbm>>) dst(%arg9 : memref<128xf32, #tpu.memory_space<vmem>>)
      tpu.yield
    }) : () -> ()
    "tpu.region"() ({
      %run_scoped3A = tpu.sem_alloc : memref<!tpu.dma_semaphore, #tpu.memory_space<semaphore_mem>>
      tpu.enqueue_dma source(%arg6 : memref<128xf32, #tpu.memory_space<hbm>>) target(%arg10 : memref<128xf32, #tpu.memory_space<vmem>>) target_semaphore(%run_scoped3A : memref<!tpu.dma_semaphore, #tpu.memory_space<semaphore_mem>>)
      tpu.wait_dma2 semaphore(%run_scoped3A : memref<!tpu.dma_semaphore, #tpu.memory_space<semaphore_mem>>) src(%arg6 : memref<128xf32, #tpu.memory_space<hbm>>) dst(%arg10 : memref<128xf32, #tpu.memory_space<vmem>>)
      tpu.yield
    }) : () -> ()
    %iota3A = tpu.iota {dimensions = array<i32: 0>} : vector<16xi32>
    %xor3A = arith.constant 1 : i32
    %xor3A_3 = vector.broadcast %xor3A : i32 to vector<16xi32>
    %xor3A_4 = arith.xori %iota3A, %xor3A_3 : vector<16xi32>
    %xor3A_5 = arith.constant 2 : i32
    %xor3A_6 = vector.broadcast %xor3A_5 : i32 to vector<16xi32>
    %xor3A_7 = arith.xori %iota3A, %xor3A_6 : vector<16xi32>
    %xor3A_8 = arith.constant 4 : i32
    %xor3A_9 = vector.broadcast %xor3A_8 : i32 to vector<16xi32>
    %xor3A_10 = arith.xori %iota3A, %xor3A_9 : vector<16xi32>
    %xor3A_11 = arith.constant 8 : i32
    %xor3A_12 = vector.broadcast %xor3A_11 : i32 to vector<16xi32>
    %xor3A_13 = arith.xori %iota3A, %xor3A_12 : vector<16xi32>
    %get3A = arith.constant 0 : index
    %get3A_14 = tpu.vector_load %arg9[%get3A] {strides = array<i32>} : memref<128xf32, #tpu.memory_space<vmem>>, vector<16xf32>,
    %get3A_15 = vector.shape_cast %get3A_14 : vector<16xf32> to vector<16xf32>
    %get3A_16 = arith.constant 16 : index
    %get3A_17 = tpu.vector_load %arg9[%get3A_16] {strides = array<i32>} : memref<128xf32, #tpu.memory_space<vmem>>, vector<16xf32>,
    %get3A_18 = vector.shape_cast %get3A_17 : vector<16xf32> to vector<16xf32>
    %get3A_19 = arith.constant 32 : index
    %get3A_20 = tpu.vector_load %arg9[%get3A_19] {strides = array<i32>} : memref<128xf32, #tpu.memory_space<vmem>>, vector<16xf32>,
    %get3A_21 = vector.shape_cast %get3A_20 : vector<16xf32> to vector<16xf32>
    %get3A_22 = arith.constant 48 : index
    %get3A_23 = tpu.vector_load %arg9[%get3A_22] {strides = array<i32>} : memref<128xf32, #tpu.memory_space<vmem>>, vector<16xf32>,
    %get3A_24 = vector.shape_cast %get3A_23 : vector<16xf32> to vector<16xf32>
    %get3A_25 = arith.constant 64 : index
    %get3A_26 = tpu.vector_load %arg9[%get3A_25] {strides = array<i32>} : memref<128xf32, #tpu.memory_space<vmem>>, vector<16xf32>,
    %get3A_27 = vector.shape_cast %get3A_26 : vector<16xf32> to vector<16xf32>
    %get3A_28 = arith.constant 80 : index
    %get3A_29 = tpu.vector_load %arg9[%get3A_28] {strides = array<i32>} : memref<128xf32, #tpu.memory_space<vmem>>, vector<16xf32>,
    %get3A_30 = vector.shape_cast %get3A_29 : vector<16xf32> to vector<16xf32>
    %get3A_31 = arith.constant 96 : index
    %get3A_32 = tpu.vector_load %arg9[%get3A_31] {strides = array<i32>} : memref<128xf32, #tpu.memory_space<vmem>>, vector<16xf32>,
    %get3A_33 = vector.shape_cast %get3A_32 : vector<16xf32> to vector<16xf32>
    %get3A_34 = arith.constant 112 : index
    %get3A_35 = tpu.vector_load %arg9[%get3A_34] {strides = array<i32>} : memref<128xf32, #tpu.memory_space<vmem>>, vector<16xf32>,
    %get3A_36 = vector.shape_cast %get3A_35 : vector<16xf32> to vector<16xf32>
    %get3A_37 = arith.constant 0 : index
    %get3A_38 = tpu.vector_load %arg10[%get3A_37] {strides = array<i32>} : memref<128xf32, #tpu.memory_space<vmem>>, vector<16xf32>,
    %get3A_39 = vector.shape_cast %get3A_38 : vector<16xf32> to vector<16xf32>
    %get3A_40 = arith.constant 16 : index
    %get3A_41 = tpu.vector_load %arg10[%get3A_40] {strides = array<i32>} : memref<128xf32, #tpu.memory_space<vmem>>, vector<16xf32>,
    %get3A_42 = vector.shape_cast %get3A_41 : vector<16xf32> to vector<16xf32>
    %get3A_43 = arith.constant 32 : index
    %get3A_44 = tpu.vector_load %arg10[%get3A_43] {strides = array<i32>} : memref<128xf32, #tpu.memory_space<vmem>>, vector<16xf32>,
    %get3A_45 = vector.shape_cast %get3A_44 : vector<16xf32> to vector<16xf32>
    %get3A_46 = arith.constant 48 : index
    %get3A_47 = tpu.vector_load %arg10[%get3A_46] {strides = array<i32>} : memref<128xf32, #tpu.memory_space<vmem>>, vector<16xf32>,
    %get3A_48 = vector.shape_cast %get3A_47 : vector<16xf32> to vector<16xf32>
    %get3A_49 = arith.constant 64 : index
    %get3A_50 = tpu.vector_load %arg10[%get3A_49] {strides = array<i32>} : memref<128xf32, #tpu.memory_space<vmem>>, vector<16xf32>,
    %get3A_51 = vector.shape_cast %get3A_50 : vector<16xf32> to vector<16xf32>
    %get3A_52 = arith.constant 80 : index
    %get3A_53 = tpu.vector_load %arg10[%get3A_52] {strides = array<i32>} : memref<128xf32, #tpu.memory_space<vmem>>, vector<16xf32>,
    %get3A_54 = vector.shape_cast %get3A_53 : vector<16xf32> to vector<16xf32>
    %get3A_55 = arith.constant 96 : index
    %get3A_56 = tpu.vector_load %arg10[%get3A_55] {strides = array<i32>} : memref<128xf32, #tpu.memory_space<vmem>>, vector<16xf32>,
    %get3A_57 = vector.shape_cast %get3A_56 : vector<16xf32> to vector<16xf32>
    %get3A_58 = arith.constant 112 : index
    %get3A_59 = tpu.vector_load %arg10[%get3A_58] {strides = array<i32>} : memref<128xf32, #tpu.memory_space<vmem>>, vector<16xf32>,
    %get3A_60 = vector.shape_cast %get3A_59 : vector<16xf32> to vector<16xf32>
    %add3A_61 = arith.constant 0 : i32
    %add3A_62 = arith.addi %mul3A_2, %add3A_61 : i32
    %dma_start3A = arith.constant 0 : i32
    %dma_start3A_63 = arith.constant 0 : i32
    %dma_start3A_64 = arith.constant 0 : i32
    %dma_start3A_65 = tpu.memref_slice %arg11[%dma_start3A, %dma_start3A_63, %dma_start3A_64] : memref<4x64x128xf32, #tpu.memory_space<vmem>> -> memref<1x64x128xf32, #tpu.memory_space<vmem>>
    %dma_start3A_66 = tpu.memref_squeeze %dma_start3A_65 : memref<1x64x128xf32, #tpu.memory_space<vmem>> -> memref<64x128xf32, #tpu.memory_space<vmem>>
    %dma_start3A_67 = arith.constant 0 : i32
    %dma_start3A_68 = tpu.memref_slice %arg2[%add3A_62, %dma_start3A_67] : memref<204800x128xf32, #tpu.memory_space<hbm>> -> memref<64x128xf32, #tpu.memory_space<hbm>>
    %dma_start3A_69 = arith.constant 0 : i32
    %dma_start3A_70 = arith.constant 0 : i32
    %dma_start3A_71 = tpu.memref_slice %arg11[%dma_start3A, %dma_start3A_69, %dma_start3A_70] : memref<4x64x128xf32, #tpu.memory_space<vmem>> -> memref<1x64x128xf32, #tpu.memory_space<vmem>>
    %dma_start3A_72 = tpu.memref_squeeze %dma_start3A_71 : memref<1x64x128xf32, #tpu.memory_space<vmem>> -> memref<64x128xf32, #tpu.memory_space<vmem>>
    %dma_start3A_73 = arith.constant 0 : i32
    %dma_start3A_74 = tpu.memref_slice %arg2[%add3A_62, %dma_start3A_73] : memref<204800x128xf32, #tpu.memory_space<hbm>> -> memref<64x128xf32, #tpu.memory_space<hbm>>
    tpu.enqueue_dma source(%dma_start3A_74 : memref<64x128xf32, #tpu.memory_space<hbm>>) target(%dma_start3A_72 : memref<64x128xf32, #tpu.memory_space<vmem>>) target_semaphore(%arg14 : memref<!tpu.dma_semaphore, #tpu.memory_space<semaphore_mem>>)
    %dma_start3A_75 = arith.constant 0 : i32
    %dma_start3A_76 = arith.constant 0 : i32
    %dma_start3A_77 = arith.constant 0 : i32
    %dma_start3A_78 = arith.constant 0 : i32
    %dma_start3A_79 = tpu.memref_slice %arg12[%dma_start3A_76, %dma_start3A_77, %dma_start3A_78] : memref<4x64x128xf32, #tpu.memory_space<vmem>> -> memref<1x64x128xf32, #tpu.memory_space<vmem>>
    %dma_start3A_80 = tpu.memref_squeeze %dma_start3A_79 : memref<1x64x128xf32, #tpu.memory_space<vmem>> -> memref<64x128xf32, #tpu.memory_space<vmem>>
    %dma_start3A_81 = arith.constant 0 : i32
    %dma_start3A_82 = tpu.memref_slice %arg8[%dma_start3A_75, %dma_start3A_81] : memref<100x64xi32, #tpu.memory_space<vmem>> -> memref<1x64xi32, #tpu.memory_space<vmem>>
    %dma_start3A_83 = tpu.memref_squeeze %dma_start3A_82 : memref<1x64xi32, #tpu.memory_space<vmem>> -> memref<64xi32, #tpu.memory_space<vmem>>
    %dma_start3A_84 = arith.constant 0 : i32
    %dma_start3A_85 = arith.constant 0 : i32
    %dma_start3A_86 = tpu.memref_slice %arg4[%dma_start3A_84, %dma_start3A_85] : memref<1000x128xf32, #tpu.memory_space<hbm>> -> memref<1000x128xf32, #tpu.memory_space<hbm>>
    tpu.enqueue_indirect_dma source(%dma_start3A_86 : memref<1000x128xf32, #tpu.memory_space<hbm>>) target(%dma_start3A_80 : memref<64x128xf32, #tpu.memory_space<vmem>>) offsets(%dma_start3A_83 : memref<64xi32, #tpu.memory_space<vmem>>) semaphore(%arg14 : memref<!tpu.dma_semaphore, #tpu.memory_space<semaphore_mem>>)
    %add3A_87 = arith.constant 64 : i32
    %add3A_88 = arith.addi %mul3A_2, %add3A_87 : i32
    %dma_start3A_89 = arith.constant 1 : i32
    %dma_start3A_90 = arith.constant 0 : i32
    %dma_start3A_91 = arith.constant 0 : i32
    %dma_start3A_92 = tpu.memref_slice %arg11[%dma_start3A_89, %dma_start3A_90, %dma_start3A_91] : memref<4x64x128xf32, #tpu.memory_space<vmem>> -> memref<1x64x128xf32, #tpu.memory_space<vmem>>
    %dma_start3A_93 = tpu.memref_squeeze %dma_start3A_92 : memref<1x64x128xf32, #tpu.memory_space<vmem>> -> memref<64x128xf32, #tpu.memory_space<vmem>>
    %dma_start3A_94 = arith.constant 0 : i32
    %dma_start3A_95 = tpu.memref_slice %arg2[%add3A_88, %dma_start3A_94] : memref<204800x128xf32, #tpu.memory_space<hbm>> -> memref<64x128xf32, #tpu.memory_space<hbm>>
    %dma_start3A_96 = arith.constant 0 : i32
    %dma_start3A_97 = arith.constant 0 : i32
    %dma_start3A_98 = tpu.memref_slice %arg11[%dma_start3A_89, %dma_start3A_96, %dma_start3A_97] : memref<4x64x128xf32, #tpu.memory_space<vmem>> -> memref<1x64x128xf32, #tpu.memory_space<vmem>>
    %dma_start3A_99 = tpu.memref_squeeze %dma_start3A_98 : memref<1x64x128xf32, #tpu.memory_space<vmem>> -> memref<64x128xf32, #tpu.memory_space<vmem>>
    %dma_start3A_100 = arith.constant 0 : i32
    %dma_start3A_101 = tpu.memref_slice %arg2[%add3A_88, %dma_start3A_100] : memref<204800x128xf32, #tpu.memory_space<hbm>> -> memref<64x128xf32, #tpu.memory_space<hbm>>
    tpu.enqueue_dma source(%dma_start3A_101 : memref<64x128xf32, #tpu.memory_space<hbm>>) target(%dma_start3A_99 : memref<64x128xf32, #tpu.memory_space<vmem>>) target_semaphore(%arg15 : memref<!tpu.dma_semaphore, #tpu.memory_space<semaphore_mem>>)
    %dma_start3A_102 = arith.constant 1 : i32
    %dma_start3A_103 = arith.constant 1 : i32
    %dma_start3A_104 = arith.constant 0 : i32
    %dma_start3A_105 = arith.constant 0 : i32
    %dma_start3A_106 = tpu.memref_slice %arg12[%dma_start3A_103, %dma_start3A_104, %dma_start3A_105] : memref<4x64x128xf32, #tpu.memory_space<vmem>> -> memref<1x64x128xf32, #tpu.memory_space<vmem>>
    %dma_start3A_107 = tpu.memref_squeeze %dma_start3A_106 : memref<1x64x128xf32, #tpu.memory_space<vmem>> -> memref<64x128xf32, #tpu.memory_space<vmem>>
    %dma_start3A_108 = arith.constant 0 : i32
    %dma_start3A_109 = tpu.memref_slice %arg8[%dma_start3A_102, %dma_start3A_108] : memref<100x64xi32, #tpu.memory_space<vmem>> -> memref<1x64xi32, #tpu.memory_space<vmem>>
    %dma_start3A_110 = tpu.memref_squeeze %dma_start3A_109 : memref<1x64xi32, #tpu.memory_space<vmem>> -> memref<64xi32, #tpu.memory_space<vmem>>
    %dma_start3A_111 = arith.constant 0 : i32
    %dma_start3A_112 = arith.constant 0 : i32
    %dma_start3A_113 = tpu.memref_slice %arg4[%dma_start3A_111, %dma_start3A_112] : memref<1000x128xf32, #tpu.memory_space<hbm>> -> memref<1000x128xf32, #tpu.memory_space<hbm>>
    tpu.enqueue_indirect_dma source(%dma_start3A_113 : memref<1000x128xf32, #tpu.memory_space<hbm>>) target(%dma_start3A_107 : memref<64x128xf32, #tpu.memory_space<vmem>>) offsets(%dma_start3A_110 : memref<64xi32, #tpu.memory_space<vmem>>) semaphore(%arg15 : memref<!tpu.dma_semaphore, #tpu.memory_space<semaphore_mem>>)
    %add3A_114 = arith.constant 128 : i32
    %add3A_115 = arith.addi %mul3A_2, %add3A_114 : i32
    %dma_start3A_116 = arith.constant 2 : i32
    %dma_start3A_117 = arith.constant 0 : i32
    %dma_start3A_118 = arith.constant 0 : i32
    %dma_start3A_119 = tpu.memref_slice %arg11[%dma_start3A_116, %dma_start3A_117, %dma_start3A_118] : memref<4x64x128xf32, #tpu.memory_space<vmem>> -> memref<1x64x128xf32, #tpu.memory_space<vmem>>
    %dma_start3A_120 = tpu.memref_squeeze %dma_start3A_119 : memref<1x64x128xf32, #tpu.memory_space<vmem>> -> memref<64x128xf32, #tpu.memory_space<vmem>>
    %dma_start3A_121 = arith.constant 0 : i32
    %dma_start3A_122 = tpu.memref_slice %arg2[%add3A_115, %dma_start3A_121] : memref<204800x128xf32, #tpu.memory_space<hbm>> -> memref<64x128xf32, #tpu.memory_space<hbm>>
    %dma_start3A_123 = arith.constant 0 : i32
    %dma_start3A_124 = arith.constant 0 : i32
    %dma_start3A_125 = tpu.memref_slice %arg11[%dma_start3A_116, %dma_start3A_123, %dma_start3A_124] : memref<4x64x128xf32, #tpu.memory_space<vmem>> -> memref<1x64x128xf32, #tpu.memory_space<vmem>>
    %dma_start3A_126 = tpu.memref_squeeze %dma_start3A_125 : memref<1x64x128xf32, #tpu.memory_space<vmem>> -> memref<64x128xf32, #tpu.memory_space<vmem>>
    %dma_start3A_127 = arith.constant 0 : i32
    %dma_start3A_128 = tpu.memref_slice %arg2[%add3A_115, %dma_start3A_127] : memref<204800x128xf32, #tpu.memory_space<hbm>> -> memref<64x128xf32, #tpu.memory_space<hbm>>
    tpu.enqueue_dma source(%dma_start3A_128 : memref<64x128xf32, #tpu.memory_space<hbm>>) target(%dma_start3A_126 : memref<64x128xf32, #tpu.memory_space<vmem>>) target_semaphore(%arg16 : memref<!tpu.dma_semaphore, #tpu.memory_space<semaphore_mem>>)
    %dma_start3A_129 = arith.constant 2 : i32
    %dma_start3A_130 = arith.constant 2 : i32
    %dma_start3A_131 = arith.constant 0 : i32
    %dma_start3A_132 = arith.constant 0 : i32
    %dma_start3A_133 = tpu.memref_slice %arg12[%dma_start3A_130, %dma_start3A_131, %dma_start3A_132] : memref<4x64x128xf32, #tpu.memory_space<vmem>> -> memref<1x64x128xf32, #tpu.memory_space<vmem>>
    %dma_start3A_134 = tpu.memref_squeeze %dma_start3A_133 : memref<1x64x128xf32, #tpu.memory_space<vmem>> -> memref<64x128xf32, #tpu.memory_space<vmem>>
    %dma_start3A_135 = arith.constant 0 : i32
    %dma_start3A_136 = tpu.memref_slice %arg8[%dma_start3A_129, %dma_start3A_135] : memref<100x64xi32, #tpu.memory_space<vmem>> -> memref<1x64xi32, #tpu.memory_space<vmem>>
    %dma_start3A_137 = tpu.memref_squeeze %dma_start3A_136 : memref<1x64xi32, #tpu.memory_space<vmem>> -> memref<64xi32, #tpu.memory_space<vmem>>
    %dma_start3A_138 = arith.constant 0 : i32
    %dma_start3A_139 = arith.constant 0 : i32
    %dma_start3A_140 = tpu.memref_slice %arg4[%dma_start3A_138, %dma_start3A_139] : memref<1000x128xf32, #tpu.memory_space<hbm>> -> memref<1000x128xf32, #tpu.memory_space<hbm>>
    tpu.enqueue_indirect_dma source(%dma_start3A_140 : memref<1000x128xf32, #tpu.memory_space<hbm>>) target(%dma_start3A_134 : memref<64x128xf32, #tpu.memory_space<vmem>>) offsets(%dma_start3A_137 : memref<64xi32, #tpu.memory_space<vmem>>) semaphore(%arg16 : memref<!tpu.dma_semaphore, #tpu.memory_space<semaphore_mem>>)
    %add3A_141 = arith.constant 192 : i32
    %add3A_142 = arith.addi %mul3A_2, %add3A_141 : i32
    %dma_start3A_143 = arith.constant 3 : i32
    %dma_start3A_144 = arith.constant 0 : i32
    %dma_start3A_145 = arith.constant 0 : i32
    %dma_start3A_146 = tpu.memref_slice %arg11[%dma_start3A_143, %dma_start3A_144, %dma_start3A_145] : memref<4x64x128xf32, #tpu.memory_space<vmem>> -> memref<1x64x128xf32, #tpu.memory_space<vmem>>
    %dma_start3A_147 = tpu.memref_squeeze %dma_start3A_146 : memref<1x64x128xf32, #tpu.memory_space<vmem>> -> memref<64x128xf32, #tpu.memory_space<vmem>>
    %dma_start3A_148 = arith.constant 0 : i32
    %dma_start3A_149 = tpu.memref_slice %arg2[%add3A_142, %dma_start3A_148] : memref<204800x128xf32, #tpu.memory_space<hbm>> -> memref<64x128xf32, #tpu.memory_space<hbm>>
    %dma_start3A_150 = arith.constant 0 : i32
    %dma_start3A_151 = arith.constant 0 : i32
    %dma_start3A_152 = tpu.memref_slice %arg11[%dma_start3A_143, %dma_start3A_150, %dma_start3A_151] : memref<4x64x128xf32, #tpu.memory_space<vmem>> -> memref<1x64x128xf32, #tpu.memory_space<vmem>>
    %dma_start3A_153 = tpu.memref_squeeze %dma_start3A_152 : memref<1x64x128xf32, #tpu.memory_space<vmem>> -> memref<64x128xf32, #tpu.memory_space<vmem>>
    %dma_start3A_154 = arith.constant 0 : i32
    %dma_start3A_155 = tpu.memref_slice %arg2[%add3A_142, %dma_start3A_154] : memref<204800x128xf32, #tpu.memory_space<hbm>> -> memref<64x128xf32, #tpu.memory_space<hbm>>
    tpu.enqueue_dma source(%dma_start3A_155 : memref<64x128xf32, #tpu.memory_space<hbm>>) target(%dma_start3A_153 : memref<64x128xf32, #tpu.memory_space<vmem>>) target_semaphore(%arg17 : memref<!tpu.dma_semaphore, #tpu.memory_space<semaphore_mem>>)
    %dma_start3A_156 = arith.constant 3 : i32
    %dma_start3A_157 = arith.constant 3 : i32
    %dma_start3A_158 = arith.constant 0 : i32
    %dma_start3A_159 = arith.constant 0 : i32
    %dma_start3A_160 = tpu.memref_slice %arg12[%dma_start3A_157, %dma_start3A_158, %dma_start3A_159] : memref<4x64x128xf32, #tpu.memory_space<vmem>> -> memref<1x64x128xf32, #tpu.memory_space<vmem>>
    %dma_start3A_161 = tpu.memref_squeeze %dma_start3A_160 : memref<1x64x128xf32, #tpu.memory_space<vmem>> -> memref<64x128xf32, #tpu.memory_space<vmem>>
    %dma_start3A_162 = arith.constant 0 : i32
    %dma_start3A_163 = tpu.memref_slice %arg8[%dma_start3A_156, %dma_start3A_162] : memref<100x64xi32, #tpu.memory_space<vmem>> -> memref<1x64xi32, #tpu.memory_space<vmem>>
    %dma_start3A_164 = tpu.memref_squeeze %dma_start3A_163 : memref<1x64xi32, #tpu.memory_space<vmem>> -> memref<64xi32, #tpu.memory_space<vmem>>
    %dma_start3A_165 = arith.constant 0 : i32
    %dma_start3A_166 = arith.constant 0 : i32
    %dma_start3A_167 = tpu.memref_slice %arg4[%dma_start3A_165, %dma_start3A_166] : memref<1000x128xf32, #tpu.memory_space<hbm>> -> memref<1000x128xf32, #tpu.memory_space<hbm>>
    tpu.enqueue_indirect_dma source(%dma_start3A_167 : memref<1000x128xf32, #tpu.memory_space<hbm>>) target(%dma_start3A_161 : memref<64x128xf32, #tpu.memory_space<vmem>>) offsets(%dma_start3A_164 : memref<64xi32, #tpu.memory_space<vmem>>) semaphore(%arg17 : memref<!tpu.dma_semaphore, #tpu.memory_space<semaphore_mem>>)
    %scan3A = arith.constant 0 : i32
    %scan3A_168 = arith.constant 25 : i32
    %scan3A_169 = arith.addi %scan3A, %scan3A_168 : i32
    %scan3A_170 = arith.constant 1 : i32
    scf.for %scan3A_231 = %scan3A to %scan3A_169 step %scan3A_170  : i32 {
      %mul3A_232 = arith.constant 4 : i32
      %mul3A_233 = arith.muli %scan3A_231, %mul3A_232 : i32
      %add3A_234 = arith.constant 0 : i32
      %add3A_235 = arith.addi %add3A_234, %mul3A_233 : i32
      %add3A_236 = arith.constant 0 : i32
      %add3A_237 = arith.addi %add3A_235, %add3A_236 : i32
      %mul3A_238 = arith.constant 64 : i32
      %mul3A_239 = arith.muli %add3A_237, %mul3A_238 : i32
      %add3A_240 = arith.addi %mul3A_2, %mul3A_239 : i32
      %dma_wait3A_241 = arith.constant 0 : i32
      %dma_wait3A_242 = arith.constant 0 : i32
      %dma_wait3A_243 = arith.constant 0 : i32
      %dma_wait3A_244 = tpu.memref_slice %arg11[%dma_wait3A_241, %dma_wait3A_242, %dma_wait3A_243] : memref<4x64x128xf32, #tpu.memory_space<vmem>> -> memref<1x64x128xf32, #tpu.memory_space<vmem>>
      %dma_wait3A_245 = tpu.memref_squeeze %dma_wait3A_244 : memref<1x64x128xf32, #tpu.memory_space<vmem>> -> memref<64x128xf32, #tpu.memory_space<vmem>>
      %dma_wait3A_246 = arith.constant 0 : i32
      %dma_wait3A_247 = tpu.memref_slice %arg2[%add3A_240, %dma_wait3A_246] : memref<204800x128xf32, #tpu.memory_space<hbm>> -> memref<64x128xf32, #tpu.memory_space<hbm>>
      %dma_wait3A_248 = arith.constant 0 : i32
      %dma_wait3A_249 = arith.constant 0 : i32
      %dma_wait3A_250 = tpu.memref_slice %arg11[%dma_wait3A_241, %dma_wait3A_248, %dma_wait3A_249] : memref<4x64x128xf32, #tpu.memory_space<vmem>> -> memref<1x64x128xf32, #tpu.memory_space<vmem>>
      %dma_wait3A_251 = tpu.memref_squeeze %dma_wait3A_250 : memref<1x64x128xf32, #tpu.memory_space<vmem>> -> memref<64x128xf32, #tpu.memory_space<vmem>>
      %dma_wait3A_252 = arith.constant 0 : i32
      %dma_wait3A_253 = tpu.memref_slice %arg2[%add3A_240, %dma_wait3A_252] : memref<204800x128xf32, #tpu.memory_space<hbm>> -> memref<64x128xf32, #tpu.memory_space<hbm>>
      tpu.wait_dma2 semaphore(%arg14 : memref<!tpu.dma_semaphore, #tpu.memory_space<semaphore_mem>>) src(%dma_wait3A_253 : memref<64x128xf32, #tpu.memory_space<hbm>>) dst(%dma_wait3A_251 : memref<64x128xf32, #tpu.memory_space<vmem>>)
      %dma_wait3A_254 = arith.constant 0 : i32
      %dma_wait3A_255 = arith.constant 0 : i32
      %dma_wait3A_256 = arith.constant 0 : i32
      %dma_wait3A_257 = tpu.memref_slice %arg12[%dma_wait3A_254, %dma_wait3A_255, %dma_wait3A_256] : memref<4x64x128xf32, #tpu.memory_space<vmem>> -> memref<1x64x128xf32, #tpu.memory_space<vmem>>
      %dma_wait3A_258 = tpu.memref_squeeze %dma_wait3A_257 : memref<1x64x128xf32, #tpu.memory_space<vmem>> -> memref<64x128xf32, #tpu.memory_space<vmem>>
      %dma_wait3A_259 = arith.constant 0 : i32
      %dma_wait3A_260 = tpu.memref_slice %arg8[%add3A_237, %dma_wait3A_259] : memref<100x64xi32, #tpu.memory_space<vmem>> -> memref<1x64xi32, #tpu.memory_space<vmem>>
      %dma_wait3A_261 = tpu.memref_squeeze %dma_wait3A_260 : memref<1x64xi32, #tpu.memory_space<vmem>> -> memref<64xi32, #tpu.memory_space<vmem>>
      %dma_wait3A_262 = arith.constant 0 : i32
      %dma_wait3A_263 = arith.constant 0 : i32
      %dma_wait3A_264 = tpu.memref_slice %arg4[%dma_wait3A_262, %dma_wait3A_263] : memref<1000x128xf32, #tpu.memory_space<hbm>> -> memref<1000x128xf32, #tpu.memory_space<hbm>>
      tpu.wait_indirect_dma semaphore(%arg14 : memref<!tpu.dma_semaphore, #tpu.memory_space<semaphore_mem>>) src(%dma_wait3A_264 : memref<1000x128xf32, #tpu.memory_space<hbm>>) dst(%dma_wait3A_258 : memref<64x128xf32, #tpu.memory_space<vmem>>)
      %ge3A = arith.constant 4 : i32
      %ge3A_265 = arith.cmpi sge, %add3A_237, %ge3A : i32
      %convert_element_type3A = arith.extui %ge3A_265 : i1 to i32
      %cond3A = arith.constant 0 : i32
      %cond3A_266 = arith.cmpi ne, %convert_element_type3A, %cond3A : i32
      scf.if %cond3A_266 {
        %sub3A = arith.constant 4 : i32
        %sub3A_492 = arith.subi %add3A_237, %sub3A : i32
        %mul3A_493 = arith.constant 64 : i32
        %mul3A_494 = arith.muli %sub3A_492, %mul3A_493 : i32
        %add3A_495 = arith.addi %mul3A_2, %mul3A_494 : i32
        %dma_wait3A_496 = arith.constant 0 : i32
        %dma_wait3A_497 = arith.constant 0 : i32
        %dma_wait3A_498 = arith.constant 0 : i32
        %dma_wait3A_499 = tpu.memref_slice %arg13[%dma_wait3A_496, %dma_wait3A_497, %dma_wait3A_498] : memref<4x64x128xf32, #tpu.memory_space<vmem>> -> memref<1x64x128xf32, #tpu.memory_space<vmem>>
        %dma_wait3A_500 = tpu.memref_squeeze %dma_wait3A_499 : memref<1x64x128xf32, #tpu.memory_space<vmem>> -> memref<64x128xf32, #tpu.memory_space<vmem>>
        %dma_wait3A_501 = arith.constant 0 : i32
        %dma_wait3A_502 = tpu.memref_slice %arg7[%add3A_495, %dma_wait3A_501] : memref<204800x128xf32, #tpu.memory_space<hbm>> -> memref<64x128xf32, #tpu.memory_space<hbm>>
        %dma_wait3A_503 = arith.constant 0 : i32
        %dma_wait3A_504 = tpu.memref_slice %arg7[%add3A_495, %dma_wait3A_503] : memref<204800x128xf32, #tpu.memory_space<hbm>> -> memref<64x128xf32, #tpu.memory_space<hbm>>
        %dma_wait3A_505 = arith.constant 0 : i32
        %dma_wait3A_506 = arith.constant 0 : i32
        %dma_wait3A_507 = tpu.memref_slice %arg13[%dma_wait3A_496, %dma_wait3A_505, %dma_wait3A_506] : memref<4x64x128xf32, #tpu.memory_space<vmem>> -> memref<1x64x128xf32, #tpu.memory_space<vmem>>
        %dma_wait3A_508 = tpu.memref_squeeze %dma_wait3A_507 : memref<1x64x128xf32, #tpu.memory_space<vmem>> -> memref<64x128xf32, #tpu.memory_space<vmem>>
        tpu.wait_dma2 semaphore(%arg18 : memref<!tpu.dma_semaphore, #tpu.memory_space<semaphore_mem>>) src(%dma_wait3A_508 : memref<64x128xf32, #tpu.memory_space<vmem>>) dst(%dma_wait3A_504 : memref<64x128xf32, #tpu.memory_space<hbm>>)
      } else {
      }
      %scan3A_267 = arith.constant 0 : i32
      %scan3A_268 = arith.constant 0 : i32
      %scan3A_269 = arith.constant 0 : i32
      %scan3A_270 = arith.constant 0 : i32
      %scan3A_271 = arith.constant 64 : i32
      %scan3A_272 = arith.addi %scan3A_270, %scan3A_271 : i32
      %scan3A_273 = arith.constant 1 : i32
      scf.for %scan3A_492 = %scan3A_270 to %scan3A_272 step %scan3A_273  : i32 {
        %mul3A_493 = arith.constant 1 : i32
        %mul3A_494 = arith.muli %scan3A_492, %mul3A_493 : i32
        %add3A_495 = arith.constant 0 : i32
        %add3A_496 = arith.addi %add3A_495, %mul3A_494 : i32
        %get3A_497 = arith.constant 0 : i32
        %get3A_498 = arith.constant 0 : i32
        %get3A_499 = tpu.memref_slice %arg11[%scan3A_267, %get3A_497, %get3A_498] : memref<4x64x128xf32, #tpu.memory_space<vmem>> -> memref<1x64x128xf32, #tpu.memory_space<vmem>>
        %get3A_500 = tpu.memref_squeeze %get3A_499 : memref<1x64x128xf32, #tpu.memory_space<vmem>> -> memref<64x128xf32, #tpu.memory_space<vmem>>
        %get3A_501 = arith.index_cast %add3A_496 : i32 to index
        %get3A_502 = arith.constant 0 : index
        %get3A_503 = tpu.vector_load %get3A_500[%get3A_501, %get3A_502] {strides = array<i32>} : memref<64x128xf32, #tpu.memory_space<vmem>>, vector<1x16xf32>,
        %get3A_504 = vector.shape_cast %get3A_503 : vector<1x16xf32> to vector<16xf32>
        %get3A_505 = arith.constant 0 : i32
        %get3A_506 = arith.constant 0 : i32
        %get3A_507 = tpu.memref_slice %arg12[%scan3A_268, %get3A_505, %get3A_506] : memref<4x64x128xf32, #tpu.memory_space<vmem>> -> memref<1x64x128xf32, #tpu.memory_space<vmem>>
        %get3A_508 = tpu.memref_squeeze %get3A_507 : memref<1x64x128xf32, #tpu.memory_space<vmem>> -> memref<64x128xf32, #tpu.memory_space<vmem>>
        %get3A_509 = arith.index_cast %add3A_496 : i32 to index
        %get3A_510 = arith.constant 0 : index
        %get3A_511 = tpu.vector_load %get3A_508[%get3A_509, %get3A_510] {strides = array<i32>} : memref<64x128xf32, #tpu.memory_space<vmem>>, vector<1x16xf32>,
        %get3A_512 = vector.shape_cast %get3A_511 : vector<1x16xf32> to vector<16xf32>
        %add3A_513 = arith.addf %get3A_504, %get3A_512 : vector<16xf32>
        %get3A_514 = arith.constant 0 : i32
        %get3A_515 = arith.constant 0 : i32
        %get3A_516 = tpu.memref_slice %arg11[%scan3A_267, %get3A_514, %get3A_515] : memref<4x64x128xf32, #tpu.memory_space<vmem>> -> memref<1x64x128xf32, #tpu.memory_space<vmem>>
        %get3A_517 = tpu.memref_squeeze %get3A_516 : memref<1x64x128xf32, #tpu.memory_space<vmem>> -> memref<64x128xf32, #tpu.memory_space<vmem>>
        %get3A_518 = arith.index_cast %add3A_496 : i32 to index
        %get3A_519 = arith.constant 16 : index
        %get3A_520 = tpu.vector_load %get3A_517[%get3A_518, %get3A_519] {strides = array<i32>} : memref<64x128xf32, #tpu.memory_space<vmem>>, vector<1x16xf32>,
        %get3A_521 = vector.shape_cast %get3A_520 : vector<1x16xf32> to vector<16xf32>
        %get3A_522 = arith.constant 0 : i32
        %get3A_523 = arith.constant 0 : i32
        %get3A_524 = tpu.memref_slice %arg12[%scan3A_268, %get3A_522, %get3A_523] : memref<4x64x128xf32, #tpu.memory_space<vmem>> -> memref<1x64x128xf32, #tpu.memory_space<vmem>>
        %get3A_525 = tpu.memref_squeeze %get3A_524 : memref<1x64x128xf32, #tpu.memory_space<vmem>> -> memref<64x128xf32, #tpu.memory_space<vmem>>
        %get3A_526 = arith.index_cast %add3A_496 : i32 to index
        %get3A_527 = arith.constant 16 : index
        %get3A_528 = tpu.vector_load %get3A_525[%get3A_526, %get3A_527] {strides = array<i32>} : memref<64x128xf32, #tpu.memory_space<vmem>>, vector<1x16xf32>,
        %get3A_529 = vector.shape_cast %get3A_528 : vector<1x16xf32> to vector<16xf32>
        %add3A_530 = arith.addf %get3A_521, %get3A_529 : vector<16xf32>
        %get3A_531 = arith.constant 0 : i32
        %get3A_532 = arith.constant 0 : i32
        %get3A_533 = tpu.memref_slice %arg11[%scan3A_267, %get3A_531, %get3A_532] : memref<4x64x128xf32, #tpu.memory_space<vmem>> -> memref<1x64x128xf32, #tpu.memory_space<vmem>>
        %get3A_534 = tpu.memref_squeeze %get3A_533 : memref<1x64x128xf32, #tpu.memory_space<vmem>> -> memref<64x128xf32, #tpu.memory_space<vmem>>
        %get3A_535 = arith.index_cast %add3A_496 : i32 to index
        %get3A_536 = arith.constant 32 : index
        %get3A_537 = tpu.vector_load %get3A_534[%get3A_535, %get3A_536] {strides = array<i32>} : memref<64x128xf32, #tpu.memory_space<vmem>>, vector<1x16xf32>,
        %get3A_538 = vector.shape_cast %get3A_537 : vector<1x16xf32> to vector<16xf32>
        %get3A_539 = arith.constant 0 : i32
        %get3A_540 = arith.constant 0 : i32
        %get3A_541 = tpu.memref_slice %arg12[%scan3A_268, %get3A_539, %get3A_540] : memref<4x64x128xf32, #tpu.memory_space<vmem>> -> memref<1x64x128xf32, #tpu.memory_space<vmem>>
        %get3A_542 = tpu.memref_squeeze %get3A_541 : memref<1x64x128xf32, #tpu.memory_space<vmem>> -> memref<64x128xf32, #tpu.memory_space<vmem>>
        %get3A_543 = arith.index_cast %add3A_496 : i32 to index
        %get3A_544 = arith.constant 32 : index
        %get3A_545 = tpu.vector_load %get3A_542[%get3A_543, %get3A_544] {strides = array<i32>} : memref<64x128xf32, #tpu.memory_space<vmem>>, vector<1x16xf32>,
        %get3A_546 = vector.shape_cast %get3A_545 : vector<1x16xf32> to vector<16xf32>
        %add3A_547 = arith.addf %get3A_538, %get3A_546 : vector<16xf32>
        %get3A_548 = arith.constant 0 : i32
        %get3A_549 = arith.constant 0 : i32
        %get3A_550 = tpu.memref_slice %arg11[%scan3A_267, %get3A_548, %get3A_549] : memref<4x64x128xf32, #tpu.memory_space<vmem>> -> memref<1x64x128xf32, #tpu.memory_space<vmem>>
        %get3A_551 = tpu.memref_squeeze %get3A_550 : memref<1x64x128xf32, #tpu.memory_space<vmem>> -> memref<64x128xf32, #tpu.memory_space<vmem>>
        %get3A_552 = arith.index_cast %add3A_496 : i32 to index
        %get3A_553 = arith.constant 48 : index
        %get3A_554 = tpu.vector_load %get3A_551[%get3A_552, %get3A_553] {strides = array<i32>} : memref<64x128xf32, #tpu.memory_space<vmem>>, vector<1x16xf32>,
        %get3A_555 = vector.shape_cast %get3A_554 : vector<1x16xf32> to vector<16xf32>
        %get3A_556 = arith.constant 0 : i32
        %get3A_557 = arith.constant 0 : i32
        %get3A_558 = tpu.memref_slice %arg12[%scan3A_268, %get3A_556, %get3A_557] : memref<4x64x128xf32, #tpu.memory_space<vmem>> -> memref<1x64x128xf32, #tpu.memory_space<vmem>>
        %get3A_559 = tpu.memref_squeeze %get3A_558 : memref<1x64x128xf32, #tpu.memory_space<vmem>> -> memref<64x128xf32, #tpu.memory_space<vmem>>
        %get3A_560 = arith.index_cast %add3A_496 : i32 to index
        %get3A_561 = arith.constant 48 : index
        %get3A_562 = tpu.vector_load %get3A_559[%get3A_560, %get3A_561] {strides = array<i32>} : memref<64x128xf32, #tpu.memory_space<vmem>>, vector<1x16xf32>,
        %get3A_563 = vector.shape_cast %get3A_562 : vector<1x16xf32> to vector<16xf32>
        %add3A_564 = arith.addf %get3A_555, %get3A_563 : vector<16xf32>
        %get3A_565 = arith.constant 0 : i32
        %get3A_566 = arith.constant 0 : i32
        %get3A_567 = tpu.memref_slice %arg11[%scan3A_267, %get3A_565, %get3A_566] : memref<4x64x128xf32, #tpu.memory_space<vmem>> -> memref<1x64x128xf32, #tpu.memory_space<vmem>>
        %get3A_568 = tpu.memref_squeeze %get3A_567 : memref<1x64x128xf32, #tpu.memory_space<vmem>> -> memref<64x128xf32, #tpu.memory_space<vmem>>
        %get3A_569 = arith.index_cast %add3A_496 : i32 to index
        %get3A_570 = arith.constant 64 : index
        %get3A_571 = tpu.vector_load %get3A_568[%get3A_569, %get3A_570] {strides = array<i32>} : memref<64x128xf32, #tpu.memory_space<vmem>>, vector<1x16xf32>,
        %get3A_572 = vector.shape_cast %get3A_571 : vector<1x16xf32> to vector<16xf32>
        %get3A_573 = arith.constant 0 : i32
        %get3A_574 = arith.constant 0 : i32
        %get3A_575 = tpu.memref_slice %arg12[%scan3A_268, %get3A_573, %get3A_574] : memref<4x64x128xf32, #tpu.memory_space<vmem>> -> memref<1x64x128xf32, #tpu.memory_space<vmem>>
        %get3A_576 = tpu.memref_squeeze %get3A_575 : memref<1x64x128xf32, #tpu.memory_space<vmem>> -> memref<64x128xf32, #tpu.memory_space<vmem>>
        %get3A_577 = arith.index_cast %add3A_496 : i32 to index
        %get3A_578 = arith.constant 64 : index
        %get3A_579 = tpu.vector_load %get3A_576[%get3A_577, %get3A_578] {strides = array<i32>} : memref<64x128xf32, #tpu.memory_space<vmem>>, vector<1x16xf32>,
        %get3A_580 = vector.shape_cast %get3A_579 : vector<1x16xf32> to vector<16xf32>
        %add3A_581 = arith.addf %get3A_572, %get3A_580 : vector<16xf32>
        %get3A_582 = arith.constant 0 : i32
        %get3A_583 = arith.constant 0 : i32
        %get3A_584 = tpu.memref_slice %arg11[%scan3A_267, %get3A_582, %get3A_583] : memref<4x64x128xf32, #tpu.memory_space<vmem>> -> memref<1x64x128xf32, #tpu.memory_space<vmem>>
        %get3A_585 = tpu.memref_squeeze %get3A_584 : memref<1x64x128xf32, #tpu.memory_space<vmem>> -> memref<64x128xf32, #tpu.memory_space<vmem>>
        %get3A_586 = arith.index_cast %add3A_496 : i32 to index
        %get3A_587 = arith.constant 80 : index
        %get3A_588 = tpu.vector_load %get3A_585[%get3A_586, %get3A_587] {strides = array<i32>} : memref<64x128xf32, #tpu.memory_space<vmem>>, vector<1x16xf32>,
        %get3A_589 = vector.shape_cast %get3A_588 : vector<1x16xf32> to vector<16xf32>
        %get3A_590 = arith.constant 0 : i32
        %get3A_591 = arith.constant 0 : i32
        %get3A_592 = tpu.memref_slice %arg12[%scan3A_268, %get3A_590, %get3A_591] : memref<4x64x128xf32, #tpu.memory_space<vmem>> -> memref<1x64x128xf32, #tpu.memory_space<vmem>>
        %get3A_593 = tpu.memref_squeeze %get3A_592 : memref<1x64x128xf32, #tpu.memory_space<vmem>> -> memref<64x128xf32, #tpu.memory_space<vmem>>
        %get3A_594 = arith.index_cast %add3A_496 : i32 to index
        %get3A_595 = arith.constant 80 : index
        %get3A_596 = tpu.vector_load %get3A_593[%get3A_594, %get3A_595] {strides = array<i32>} : memref<64x128xf32, #tpu.memory_space<vmem>>, vector<1x16xf32>,
        %get3A_597 = vector.shape_cast %get3A_596 : vector<1x16xf32> to vector<16xf32>
        %add3A_598 = arith.addf %get3A_589, %get3A_597 : vector<16xf32>
        %get3A_599 = arith.constant 0 : i32
        %get3A_600 = arith.constant 0 : i32
        %get3A_601 = tpu.memref_slice %arg11[%scan3A_267, %get3A_599, %get3A_600] : memref<4x64x128xf32, #tpu.memory_space<vmem>> -> memref<1x64x128xf32, #tpu.memory_space<vmem>>
        %get3A_602 = tpu.memref_squeeze %get3A_601 : memref<1x64x128xf32, #tpu.memory_space<vmem>> -> memref<64x128xf32, #tpu.memory_space<vmem>>
        %get3A_603 = arith.index_cast %add3A_496 : i32 to index
        %get3A_604 = arith.constant 96 : index
        %get3A_605 = tpu.vector_load %get3A_602[%get3A_603, %get3A_604] {strides = array<i32>} : memref<64x128xf32, #tpu.memory_space<vmem>>, vector<1x16xf32>,
        %get3A_606 = vector.shape_cast %get3A_605 : vector<1x16xf32> to vector<16xf32>
        %get3A_607 = arith.constant 0 : i32
        %get3A_608 = arith.constant 0 : i32
        %get3A_609 = tpu.memref_slice %arg12[%scan3A_268, %get3A_607, %get3A_608] : memref<4x64x128xf32, #tpu.memory_space<vmem>> -> memref<1x64x128xf32, #tpu.memory_space<vmem>>
        %get3A_610 = tpu.memref_squeeze %get3A_609 : memref<1x64x128xf32, #tpu.memory_space<vmem>> -> memref<64x128xf32, #tpu.memory_space<vmem>>
        %get3A_611 = arith.index_cast %add3A_496 : i32 to index
        %get3A_612 = arith.constant 96 : index
        %get3A_613 = tpu.vector_load %get3A_610[%get3A_611, %get3A_612] {strides = array<i32>} : memref<64x128xf32, #tpu.memory_space<vmem>>, vector<1x16xf32>,
        %get3A_614 = vector.shape_cast %get3A_613 : vector<1x16xf32> to vector<16xf32>
        %add3A_615 = arith.addf %get3A_606, %get3A_614 : vector<16xf32>
        %get3A_616 = arith.constant 0 : i32
        %get3A_617 = arith.constant 0 : i32
        %get3A_618 = tpu.memref_slice %arg11[%scan3A_267, %get3A_616, %get3A_617] : memref<4x64x128xf32, #tpu.memory_space<vmem>> -> memref<1x64x128xf32, #tpu.memory_space<vmem>>
        %get3A_619 = tpu.memref_squeeze %get3A_618 : memref<1x64x128xf32, #tpu.memory_space<vmem>> -> memref<64x128xf32, #tpu.memory_space<vmem>>
        %get3A_620 = arith.index_cast %add3A_496 : i32 to index
        %get3A_621 = arith.constant 112 : index
        %get3A_622 = tpu.vector_load %get3A_619[%get3A_620, %get3A_621] {strides = array<i32>} : memref<64x128xf32, #tpu.memory_space<vmem>>, vector<1x16xf32>,
        %get3A_623 = vector.shape_cast %get3A_622 : vector<1x16xf32> to vector<16xf32>
        %get3A_624 = arith.constant 0 : i32
        %get3A_625 = arith.constant 0 : i32
        %get3A_626 = tpu.memref_slice %arg12[%scan3A_268, %get3A_624, %get3A_625] : memref<4x64x128xf32, #tpu.memory_space<vmem>> -> memref<1x64x128xf32, #tpu.memory_space<vmem>>
        %get3A_627 = tpu.memref_squeeze %get3A_626 : memref<1x64x128xf32, #tpu.memory_space<vmem>> -> memref<64x128xf32, #tpu.memory_space<vmem>>
        %get3A_628 = arith.index_cast %add3A_496 : i32 to index
        %get3A_629 = arith.constant 112 : index
        %get3A_630 = tpu.vector_load %get3A_627[%get3A_628, %get3A_629] {strides = array<i32>} : memref<64x128xf32, #tpu.memory_space<vmem>>, vector<1x16xf32>,
        %get3A_631 = vector.shape_cast %get3A_630 : vector<1x16xf32> to vector<16xf32>
        %add3A_632 = arith.addf %get3A_623, %get3A_631 : vector<16xf32>
        %mul3A_633 = arith.mulf %add3A_513, %add3A_513 : vector<16xf32>
        %add3A_634 = arith.addf %add3A_513, %add3A_530 : vector<16xf32>
        %mul3A_635 = arith.mulf %add3A_530, %add3A_530 : vector<16xf32>
        %add3A_636 = arith.addf %mul3A_633, %mul3A_635 : vector<16xf32>
        %add3A_637 = arith.addf %add3A_634, %add3A_547 : vector<16xf32>
        %mul3A_638 = arith.mulf %add3A_547, %add3A_547 : vector<16xf32>
        %add3A_639 = arith.addf %add3A_636, %mul3A_638 : vector<16xf32>
        %add3A_640 = arith.addf %add3A_637, %add3A_564 : vector<16xf32>
        %mul3A_641 = arith.mulf %add3A_564, %add3A_564 : vector<16xf32>
        %add3A_642 = arith.addf %add3A_639, %mul3A_641 : vector<16xf32>
        %add3A_643 = arith.addf %add3A_640, %add3A_581 : vector<16xf32>
        %mul3A_644 = arith.mulf %add3A_581, %add3A_581 : vector<16xf32>
        %add3A_645 = arith.addf %add3A_642, %mul3A_644 : vector<16xf32>
        %add3A_646 = arith.addf %add3A_643, %add3A_598 : vector<16xf32>
        %mul3A_647 = arith.mulf %add3A_598, %add3A_598 : vector<16xf32>
        %add3A_648 = arith.addf %add3A_645, %mul3A_647 : vector<16xf32>
        %add3A_649 = arith.addf %add3A_646, %add3A_615 : vector<16xf32>
        %mul3A_650 = arith.mulf %add3A_615, %add3A_615 : vector<16xf32>
        %add3A_651 = arith.addf %add3A_648, %mul3A_650 : vector<16xf32>
        %add3A_652 = arith.addf %add3A_649, %add3A_632 : vector<16xf32>
        %mul3A_653 = arith.mulf %add3A_632, %add3A_632 : vector<16xf32>
        %add3A_654 = arith.addf %add3A_651, %mul3A_653 : vector<16xf32>
        %lt3A_655 = arith.constant 0 : i32
        %lt3A_656 = vector.broadcast %lt3A_655 : i32 to vector<16xi32>
        %lt3A_657 = arith.cmpi slt, %xor3A_4, %lt3A_656 : vector<16xi32>
        %add3A_658 = arith.constant 16 : i32
        %add3A_659 = vector.broadcast %add3A_658 : i32 to vector<16xi32>
        %add3A_660 = arith.addi %xor3A_4, %add3A_659 : vector<16xi32>
        %select_n3A = arith.select %lt3A_657, %add3A_660, %xor3A_4 : vector<16xi1>, vector<16xi32>
        %broadcast_in_dim3A = vector.shape_cast %select_n3A : vector<16xi32> to vector<16x1xi32>
        %gather3A = vector.shape_cast %broadcast_in_dim3A : vector<16x1xi32> to vector<16xi32>
        %gather3A_661 = tpu.dynamic_gather %add3A_652[%gather3A] in [0] : vector<16xf32>, vector<16xi32> -> vector<16xf32>
        %add3A_662 = arith.addf %add3A_652, %gather3A_661 : vector<16xf32>
        %lt3A_663 = arith.constant 0 : i32
        %lt3A_664 = vector.broadcast %lt3A_663 : i32 to vector<16xi32>
        %lt3A_665 = arith.cmpi slt, %xor3A_7, %lt3A_664 : vector<16xi32>
        %add3A_666 = arith.constant 16 : i32
        %add3A_667 = vector.broadcast %add3A_666 : i32 to vector<16xi32>
        %add3A_668 = arith.addi %xor3A_7, %add3A_667 : vector<16xi32>
        %select_n3A_669 = arith.select %lt3A_665, %add3A_668, %xor3A_7 : vector<16xi1>, vector<16xi32>
        %broadcast_in_dim3A_670 = vector.shape_cast %select_n3A_669 : vector<16xi32> to vector<16x1xi32>
        %gather3A_671 = vector.shape_cast %broadcast_in_dim3A_670 : vector<16x1xi32> to vector<16xi32>
        %gather3A_672 = tpu.dynamic_gather %add3A_662[%gather3A_671] in [0] : vector<16xf32>, vector<16xi32> -> vector<16xf32>
        %add3A_673 = arith.addf %add3A_662, %gather3A_672 : vector<16xf32>
        %lt3A_674 = arith.constant 0 : i32
        %lt3A_675 = vector.broadcast %lt3A_674 : i32 to vector<16xi32>
        %lt3A_676 = arith.cmpi slt, %xor3A_10, %lt3A_675 : vector<16xi32>
        %add3A_677 = arith.constant 16 : i32
        %add3A_678 = vector.broadcast %add3A_677 : i32 to vector<16xi32>
        %add3A_679 = arith.addi %xor3A_10, %add3A_678 : vector<16xi32>
        %select_n3A_680 = arith.select %lt3A_676, %add3A_679, %xor3A_10 : vector<16xi1>, vector<16xi32>
        %broadcast_in_dim3A_681 = vector.shape_cast %select_n3A_680 : vector<16xi32> to vector<16x1xi32>
        %gather3A_682 = vector.shape_cast %broadcast_in_dim3A_681 : vector<16x1xi32> to vector<16xi32>
        %gather3A_683 = tpu.dynamic_gather %add3A_673[%gather3A_682] in [0] : vector<16xf32>, vector<16xi32> -> vector<16xf32>
        %add3A_684 = arith.addf %add3A_673, %gather3A_683 : vector<16xf32>
        %lt3A_685 = arith.constant 0 : i32
        %lt3A_686 = vector.broadcast %lt3A_685 : i32 to vector<16xi32>
        %lt3A_687 = arith.cmpi slt, %xor3A_13, %lt3A_686 : vector<16xi32>
        %add3A_688 = arith.constant 16 : i32
        %add3A_689 = vector.broadcast %add3A_688 : i32 to vector<16xi32>
        %add3A_690 = arith.addi %xor3A_13, %add3A_689 : vector<16xi32>
        %select_n3A_691 = arith.select %lt3A_687, %add3A_690, %xor3A_13 : vector<16xi1>, vector<16xi32>
        %broadcast_in_dim3A_692 = vector.shape_cast %select_n3A_691 : vector<16xi32> to vector<16x1xi32>
        %gather3A_693 = vector.shape_cast %broadcast_in_dim3A_692 : vector<16x1xi32> to vector<16xi32>
        %gather3A_694 = tpu.dynamic_gather %add3A_684[%gather3A_693] in [0] : vector<16xf32>, vector<16xi32> -> vector<16xf32>
        %add3A_695 = arith.addf %add3A_684, %gather3A_694 : vector<16xf32>
        %mul3A_696 = arith.constant 7.812500e-03 : f32
        %mul3A_697 = vector.broadcast %mul3A_696 : f32 to vector<16xf32>
        %mul3A_698 = arith.mulf %add3A_695, %mul3A_697 : vector<16xf32>
        %lt3A_699 = arith.constant 0 : i32
        %lt3A_700 = vector.broadcast %lt3A_699 : i32 to vector<16xi32>
        %lt3A_701 = arith.cmpi slt, %xor3A_4, %lt3A_700 : vector<16xi32>
        %add3A_702 = arith.constant 16 : i32
        %add3A_703 = vector.broadcast %add3A_702 : i32 to vector<16xi32>
        %add3A_704 = arith.addi %xor3A_4, %add3A_703 : vector<16xi32>
        %select_n3A_705 = arith.select %lt3A_701, %add3A_704, %xor3A_4 : vector<16xi1>, vector<16xi32>
        %broadcast_in_dim3A_706 = vector.shape_cast %select_n3A_705 : vector<16xi32> to vector<16x1xi32>
        %gather3A_707 = vector.shape_cast %broadcast_in_dim3A_706 : vector<16x1xi32> to vector<16xi32>
        %gather3A_708 = tpu.dynamic_gather %add3A_654[%gather3A_707] in [0] : vector<16xf32>, vector<16xi32> -> vector<16xf32>
        %add3A_709 = arith.addf %add3A_654, %gather3A_708 : vector<16xf32>
        %lt3A_710 = arith.constant 0 : i32
        %lt3A_711 = vector.broadcast %lt3A_710 : i32 to vector<16xi32>
        %lt3A_712 = arith.cmpi slt, %xor3A_7, %lt3A_711 : vector<16xi32>
        %add3A_713 = arith.constant 16 : i32
        %add3A_714 = vector.broadcast %add3A_713 : i32 to vector<16xi32>
        %add3A_715 = arith.addi %xor3A_7, %add3A_714 : vector<16xi32>
        %select_n3A_716 = arith.select %lt3A_712, %add3A_715, %xor3A_7 : vector<16xi1>, vector<16xi32>
        %broadcast_in_dim3A_717 = vector.shape_cast %select_n3A_716 : vector<16xi32> to vector<16x1xi32>
        %gather3A_718 = vector.shape_cast %broadcast_in_dim3A_717 : vector<16x1xi32> to vector<16xi32>
        %gather3A_719 = tpu.dynamic_gather %add3A_709[%gather3A_718] in [0] : vector<16xf32>, vector<16xi32> -> vector<16xf32>
        %add3A_720 = arith.addf %add3A_709, %gather3A_719 : vector<16xf32>
        %lt3A_721 = arith.constant 0 : i32
        %lt3A_722 = vector.broadcast %lt3A_721 : i32 to vector<16xi32>
        %lt3A_723 = arith.cmpi slt, %xor3A_10, %lt3A_722 : vector<16xi32>
        %add3A_724 = arith.constant 16 : i32
        %add3A_725 = vector.broadcast %add3A_724 : i32 to vector<16xi32>
        %add3A_726 = arith.addi %xor3A_10, %add3A_725 : vector<16xi32>
        %select_n3A_727 = arith.select %lt3A_723, %add3A_726, %xor3A_10 : vector<16xi1>, vector<16xi32>
        %broadcast_in_dim3A_728 = vector.shape_cast %select_n3A_727 : vector<16xi32> to vector<16x1xi32>
        %gather3A_729 = vector.shape_cast %broadcast_in_dim3A_728 : vector<16x1xi32> to vector<16xi32>
        %gather3A_730 = tpu.dynamic_gather %add3A_720[%gather3A_729] in [0] : vector<16xf32>, vector<16xi32> -> vector<16xf32>
        %add3A_731 = arith.addf %add3A_720, %gather3A_730 : vector<16xf32>
        %lt3A_732 = arith.constant 0 : i32
        %lt3A_733 = vector.broadcast %lt3A_732 : i32 to vector<16xi32>
        %lt3A_734 = arith.cmpi slt, %xor3A_13, %lt3A_733 : vector<16xi32>
        %add3A_735 = arith.constant 16 : i32
        %add3A_736 = vector.broadcast %add3A_735 : i32 to vector<16xi32>
        %add3A_737 = arith.addi %xor3A_13, %add3A_736 : vector<16xi32>
        %select_n3A_738 = arith.select %lt3A_734, %add3A_737, %xor3A_13 : vector<16xi1>, vector<16xi32>
        %broadcast_in_dim3A_739 = vector.shape_cast %select_n3A_738 : vector<16xi32> to vector<16x1xi32>
        %gather3A_740 = vector.shape_cast %broadcast_in_dim3A_739 : vector<16x1xi32> to vector<16xi32>
        %gather3A_741 = tpu.dynamic_gather %add3A_731[%gather3A_740] in [0] : vector<16xf32>, vector<16xi32> -> vector<16xf32>
        %add3A_742 = arith.addf %add3A_731, %gather3A_741 : vector<16xf32>
        %mul3A_743 = arith.constant 7.812500e-03 : f32
        %mul3A_744 = vector.broadcast %mul3A_743 : f32 to vector<16xf32>
        %mul3A_745 = arith.mulf %add3A_742, %mul3A_744 : vector<16xf32>
        %mul3A_746 = arith.mulf %mul3A_698, %mul3A_698 : vector<16xf32>
        %sub3A = arith.subf %mul3A_745, %mul3A_746 : vector<16xf32>
        %add3A_747 = arith.constant 9.99999974E-6 : f32
        %add3A_748 = vector.broadcast %add3A_747 : f32 to vector<16xf32>
        %add3A_749 = arith.addf %sub3A, %add3A_748 : vector<16xf32>
        %bitcast_convert_type3A = tpu.bitcast %add3A_749 : vector<16xf32> -> vector<16xi32>
        %broadcast_in_dim3A_750 = arith.constant 1597463007 : i32
        %broadcast_in_dim3A_751 = vector.broadcast %broadcast_in_dim3A_750 : i32 to vector<16xi32>
        %shift_right_arithmetic3A = arith.constant 1 : i32
        %shift_right_arithmetic3A_752 = vector.broadcast %shift_right_arithmetic3A : i32 to vector<16xi32>
        %shift_right_arithmetic3A_753 = arith.shrsi %bitcast_convert_type3A, %shift_right_arithmetic3A_752 : vector<16xi32>
        %sub3A_754 = arith.subi %broadcast_in_dim3A_751, %shift_right_arithmetic3A_753 : vector<16xi32>
        %bitcast_convert_type3A_755 = tpu.bitcast %sub3A_754 : vector<16xi32> -> vector<16xf32>
        %mul3A_756 = arith.constant 5.000000e-01 : f32
        %mul3A_757 = vector.broadcast %mul3A_756 : f32 to vector<16xf32>
        %mul3A_758 = arith.mulf %add3A_749, %mul3A_757 : vector<16xf32>
        %mul3A_759 = arith.mulf %mul3A_758, %bitcast_convert_type3A_755 : vector<16xf32>
        %mul3A_760 = arith.mulf %mul3A_759, %bitcast_convert_type3A_755 : vector<16xf32>
        %sub3A_761 = arith.constant 1.500000e+00 : f32
        %sub3A_762 = vector.broadcast %sub3A_761 : f32 to vector<16xf32>
        %sub3A_763 = arith.subf %sub3A_762, %mul3A_760 : vector<16xf32>
        %mul3A_764 = arith.mulf %bitcast_convert_type3A_755, %sub3A_763 : vector<16xf32>
        %mul3A_765 = arith.mulf %mul3A_758, %mul3A_764 : vector<16xf32>
        %mul3A_766 = arith.mulf %mul3A_765, %mul3A_764 : vector<16xf32>
        %sub3A_767 = arith.constant 1.500000e+00 : f32
        %sub3A_768 = vector.broadcast %sub3A_767 : f32 to vector<16xf32>
        %sub3A_769 = arith.subf %sub3A_768, %mul3A_766 : vector<16xf32>
        %mul3A_770 = arith.mulf %mul3A_764, %sub3A_769 : vector<16xf32>
        %sub3A_771 = arith.subf %add3A_513, %mul3A_698 : vector<16xf32>
        %mul3A_772 = arith.mulf %sub3A_771, %mul3A_770 : vector<16xf32>
        %mul3A_773 = arith.mulf %mul3A_772, %get3A_15 : vector<16xf32>
        %add3A_774 = arith.addf %mul3A_773, %get3A_39 : vector<16xf32>
        %swap3A = arith.constant 0 : i32
        %swap3A_775 = arith.constant 0 : i32
        %swap3A_776 = tpu.memref_slice %arg13[%scan3A_269, %swap3A, %swap3A_775] : memref<4x64x128xf32, #tpu.memory_space<vmem>> -> memref<1x64x128xf32, #tpu.memory_space<vmem>>
        %swap3A_777 = tpu.memref_squeeze %swap3A_776 : memref<1x64x128xf32, #tpu.memory_space<vmem>> -> memref<64x128xf32, #tpu.memory_space<vmem>>
        %swap3A_778 = arith.index_cast %add3A_496 : i32 to index
        %swap3A_779 = arith.constant 0 : index
        %swap3A_780 = tpu.vector_load %swap3A_777[%swap3A_778, %swap3A_779] {strides = array<i32>} : memref<64x128xf32, #tpu.memory_space<vmem>>, vector<1x16xf32>,
        %swap3A_781 = vector.shape_cast %swap3A_780 : vector<1x16xf32> to vector<16xf32>
        %swap3A_782 = vector.shape_cast %add3A_774 : vector<16xf32> to vector<1x16xf32>
        tpu.vector_store %swap3A_777[%swap3A_778, %swap3A_779], %swap3A_782 {strides = array<i32>} : memref<64x128xf32, #tpu.memory_space<vmem>>, vector<1x16xf32>,
        %sub3A_783 = arith.subf %add3A_530, %mul3A_698 : vector<16xf32>
        %mul3A_784 = arith.mulf %sub3A_783, %mul3A_770 : vector<16xf32>
        %mul3A_785 = arith.mulf %mul3A_784, %get3A_18 : vector<16xf32>
        %add3A_786 = arith.addf %mul3A_785, %get3A_42 : vector<16xf32>
        %swap3A_787 = arith.constant 0 : i32
        %swap3A_788 = arith.constant 0 : i32
        %swap3A_789 = tpu.memref_slice %arg13[%scan3A_269, %swap3A_787, %swap3A_788] : memref<4x64x128xf32, #tpu.memory_space<vmem>> -> memref<1x64x128xf32, #tpu.memory_space<vmem>>
        %swap3A_790 = tpu.memref_squeeze %swap3A_789 : memref<1x64x128xf32, #tpu.memory_space<vmem>> -> memref<64x128xf32, #tpu.memory_space<vmem>>
        %swap3A_791 = arith.index_cast %add3A_496 : i32 to index
        %swap3A_792 = arith.constant 16 : index
        %swap3A_793 = tpu.vector_load %swap3A_790[%swap3A_791, %swap3A_792] {strides = array<i32>} : memref<64x128xf32, #tpu.memory_space<vmem>>, vector<1x16xf32>,
        %swap3A_794 = vector.shape_cast %swap3A_793 : vector<1x16xf32> to vector<16xf32>
        %swap3A_795 = vector.shape_cast %add3A_786 : vector<16xf32> to vector<1x16xf32>
        tpu.vector_store %swap3A_790[%swap3A_791, %swap3A_792], %swap3A_795 {strides = array<i32>} : memref<64x128xf32, #tpu.memory_space<vmem>>, vector<1x16xf32>,
        %sub3A_796 = arith.subf %add3A_547, %mul3A_698 : vector<16xf32>
        %mul3A_797 = arith.mulf %sub3A_796, %mul3A_770 : vector<16xf32>
        %mul3A_798 = arith.mulf %mul3A_797, %get3A_21 : vector<16xf32>
        %add3A_799 = arith.addf %mul3A_798, %get3A_45 : vector<16xf32>
        %swap3A_800 = arith.constant 0 : i32
        %swap3A_801 = arith.constant 0 : i32
        %swap3A_802 = tpu.memref_slice %arg13[%scan3A_269, %swap3A_800, %swap3A_801] : memref<4x64x128xf32, #tpu.memory_space<vmem>> -> memref<1x64x128xf32, #tpu.memory_space<vmem>>
        %swap3A_803 = tpu.memref_squeeze %swap3A_802 : memref<1x64x128xf32, #tpu.memory_space<vmem>> -> memref<64x128xf32, #tpu.memory_space<vmem>>
        %swap3A_804 = arith.index_cast %add3A_496 : i32 to index
        %swap3A_805 = arith.constant 32 : index
        %swap3A_806 = tpu.vector_load %swap3A_803[%swap3A_804, %swap3A_805] {strides = array<i32>} : memref<64x128xf32, #tpu.memory_space<vmem>>, vector<1x16xf32>,
        %swap3A_807 = vector.shape_cast %swap3A_806 : vector<1x16xf32> to vector<16xf32>
        %swap3A_808 = vector.shape_cast %add3A_799 : vector<16xf32> to vector<1x16xf32>
        tpu.vector_store %swap3A_803[%swap3A_804, %swap3A_805], %swap3A_808 {strides = array<i32>} : memref<64x128xf32, #tpu.memory_space<vmem>>, vector<1x16xf32>,
        %sub3A_809 = arith.subf %add3A_564, %mul3A_698 : vector<16xf32>
        %mul3A_810 = arith.mulf %sub3A_809, %mul3A_770 : vector<16xf32>
        %mul3A_811 = arith.mulf %mul3A_810, %get3A_24 : vector<16xf32>
        %add3A_812 = arith.addf %mul3A_811, %get3A_48 : vector<16xf32>
        %swap3A_813 = arith.constant 0 : i32
        %swap3A_814 = arith.constant 0 : i32
        %swap3A_815 = tpu.memref_slice %arg13[%scan3A_269, %swap3A_813, %swap3A_814] : memref<4x64x128xf32, #tpu.memory_space<vmem>> -> memref<1x64x128xf32, #tpu.memory_space<vmem>>
        %swap3A_816 = tpu.memref_squeeze %swap3A_815 : memref<1x64x128xf32, #tpu.memory_space<vmem>> -> memref<64x128xf32, #tpu.memory_space<vmem>>
        %swap3A_817 = arith.index_cast %add3A_496 : i32 to index
        %swap3A_818 = arith.constant 48 : index
        %swap3A_819 = tpu.vector_load %swap3A_816[%swap3A_817, %swap3A_818] {strides = array<i32>} : memref<64x128xf32, #tpu.memory_space<vmem>>, vector<1x16xf32>,
        %swap3A_820 = vector.shape_cast %swap3A_819 : vector<1x16xf32> to vector<16xf32>
        %swap3A_821 = vector.shape_cast %add3A_812 : vector<16xf32> to vector<1x16xf32>
        tpu.vector_store %swap3A_816[%swap3A_817, %swap3A_818], %swap3A_821 {strides = array<i32>} : memref<64x128xf32, #tpu.memory_space<vmem>>, vector<1x16xf32>,
        %sub3A_822 = arith.subf %add3A_581, %mul3A_698 : vector<16xf32>
        %mul3A_823 = arith.mulf %sub3A_822, %mul3A_770 : vector<16xf32>
        %mul3A_824 = arith.mulf %mul3A_823, %get3A_27 : vector<16xf32>
        %add3A_825 = arith.addf %mul3A_824, %get3A_51 : vector<16xf32>
        %swap3A_826 = arith.constant 0 : i32
        %swap3A_827 = arith.constant 0 : i32
        %swap3A_828 = tpu.memref_slice %arg13[%scan3A_269, %swap3A_826, %swap3A_827] : memref<4x64x128xf32, #tpu.memory_space<vmem>> -> memref<1x64x128xf32, #tpu.memory_space<vmem>>
        %swap3A_829 = tpu.memref_squeeze %swap3A_828 : memref<1x64x128xf32, #tpu.memory_space<vmem>> -> memref<64x128xf32, #tpu.memory_space<vmem>>
        %swap3A_830 = arith.index_cast %add3A_496 : i32 to index
        %swap3A_831 = arith.constant 64 : index
        %swap3A_832 = tpu.vector_load %swap3A_829[%swap3A_830, %swap3A_831] {strides = array<i32>} : memref<64x128xf32, #tpu.memory_space<vmem>>, vector<1x16xf32>,
        %swap3A_833 = vector.shape_cast %swap3A_832 : vector<1x16xf32> to vector<16xf32>
        %swap3A_834 = vector.shape_cast %add3A_825 : vector<16xf32> to vector<1x16xf32>
        tpu.vector_store %swap3A_829[%swap3A_830, %swap3A_831], %swap3A_834 {strides = array<i32>} : memref<64x128xf32, #tpu.memory_space<vmem>>, vector<1x16xf32>,
        %sub3A_835 = arith.subf %add3A_598, %mul3A_698 : vector<16xf32>
        %mul3A_836 = arith.mulf %sub3A_835, %mul3A_770 : vector<16xf32>
        %mul3A_837 = arith.mulf %mul3A_836, %get3A_30 : vector<16xf32>
        %add3A_838 = arith.addf %mul3A_837, %get3A_54 : vector<16xf32>
        %swap3A_839 = arith.constant 0 : i32
        %swap3A_840 = arith.constant 0 : i32
        %swap3A_841 = tpu.memref_slice %arg13[%scan3A_269, %swap3A_839, %swap3A_840] : memref<4x64x128xf32, #tpu.memory_space<vmem>> -> memref<1x64x128xf32, #tpu.memory_space<vmem>>
        %swap3A_842 = tpu.memref_squeeze %swap3A_841 : memref<1x64x128xf32, #tpu.memory_space<vmem>> -> memref<64x128xf32, #tpu.memory_space<vmem>>
        %swap3A_843 = arith.index_cast %add3A_496 : i32 to index
        %swap3A_844 = arith.constant 80 : index
        %swap3A_845 = tpu.vector_load %swap3A_842[%swap3A_843, %swap3A_844] {strides = array<i32>} : memref<64x128xf32, #tpu.memory_space<vmem>>, vector<1x16xf32>,
        %swap3A_846 = vector.shape_cast %swap3A_845 : vector<1x16xf32> to vector<16xf32>
        %swap3A_847 = vector.shape_cast %add3A_838 : vector<16xf32> to vector<1x16xf32>
        tpu.vector_store %swap3A_842[%swap3A_843, %swap3A_844], %swap3A_847 {strides = array<i32>} : memref<64x128xf32, #tpu.memory_space<vmem>>, vector<1x16xf32>,
        %sub3A_848 = arith.subf %add3A_615, %mul3A_698 : vector<16xf32>
        %mul3A_849 = arith.mulf %sub3A_848, %mul3A_770 : vector<16xf32>
        %mul3A_850 = arith.mulf %mul3A_849, %get3A_33 : vector<16xf32>
        %add3A_851 = arith.addf %mul3A_850, %get3A_57 : vector<16xf32>
        %swap3A_852 = arith.constant 0 : i32
        %swap3A_853 = arith.constant 0 : i32
        %swap3A_854 = tpu.memref_slice %arg13[%scan3A_269, %swap3A_852, %swap3A_853] : memref<4x64x128xf32, #tpu.memory_space<vmem>> -> memref<1x64x128xf32, #tpu.memory_space<vmem>>
        %swap3A_855 = tpu.memref_squeeze %swap3A_854 : memref<1x64x128xf32, #tpu.memory_space<vmem>> -> memref<64x128xf32, #tpu.memory_space<vmem>>
        %swap3A_856 = arith.index_cast %add3A_496 : i32 to index
        %swap3A_857 = arith.constant 96 : index
        %swap3A_858 = tpu.vector_load %swap3A_855[%swap3A_856, %swap3A_857] {strides = array<i32>} : memref<64x128xf32, #tpu.memory_space<vmem>>, vector<1x16xf32>,
        %swap3A_859 = vector.shape_cast %swap3A_858 : vector<1x16xf32> to vector<16xf32>
        %swap3A_860 = vector.shape_cast %add3A_851 : vector<16xf32> to vector<1x16xf32>
        tpu.vector_store %swap3A_855[%swap3A_856, %swap3A_857], %swap3A_860 {strides = array<i32>} : memref<64x128xf32, #tpu.memory_space<vmem>>, vector<1x16xf32>,
        %sub3A_861 = arith.subf %add3A_632, %mul3A_698 : vector<16xf32>
        %mul3A_862 = arith.mulf %sub3A_861, %mul3A_770 : vector<16xf32>
        %mul3A_863 = arith.mulf %mul3A_862, %get3A_36 : vector<16xf32>
        %add3A_864 = arith.addf %mul3A_863, %get3A_60 : vector<16xf32>
        %swap3A_865 = arith.constant 0 : i32
        %swap3A_866 = arith.constant 0 : i32
        %swap3A_867 = tpu.memref_slice %arg13[%scan3A_269, %swap3A_865, %swap3A_866] : memref<4x64x128xf32, #tpu.memory_space<vmem>> -> memref<1x64x128xf32, #tpu.memory_space<vmem>>
        %swap3A_868 = tpu.memref_squeeze %swap3A_867 : memref<1x64x128xf32, #tpu.memory_space<vmem>> -> memref<64x128xf32, #tpu.memory_space<vmem>>
        %swap3A_869 = arith.index_cast %add3A_496 : i32 to index
        %swap3A_870 = arith.constant 112 : index
        %swap3A_871 = tpu.vector_load %swap3A_868[%swap3A_869, %swap3A_870] {strides = array<i32>} : memref<64x128xf32, #tpu.memory_space<vmem>>, vector<1x16xf32>,
        %swap3A_872 = vector.shape_cast %swap3A_871 : vector<1x16xf32> to vector<16xf32>
        %swap3A_873 = vector.shape_cast %add3A_864 : vector<16xf32> to vector<1x16xf32>
        tpu.vector_store %swap3A_868[%swap3A_869, %swap3A_870], %swap3A_873 {strides = array<i32>} : memref<64x128xf32, #tpu.memory_space<vmem>>, vector<1x16xf32>,
      }
      %scan3A_274 = arith.constant 64 : i32
      %mul3A_275 = arith.constant 64 : i32
      %mul3A_276 = arith.muli %add3A_237, %mul3A_275 : i32
      %add3A_277 = arith.addi %mul3A_2, %mul3A_276 : i32
      %dma_start3A_278 = arith.constant 0 : i32
      %dma_start3A_279 = arith.constant 0 : i32
      %dma_start3A_280 = arith.constant 0 : i32
      %dma_start3A_281 = tpu.memref_slice %arg13[%dma_start3A_278, %dma_start3A_279, %dma_start3A_280] : memref<4x64x128xf32, #tpu.memory_space<vmem>> -> memref<1x64x128xf32, #tpu.memory_space<vmem>>
      %dma_start3A_282 = tpu.memref_squeeze %dma_start3A_281 : memref<1x64x128xf32, #tpu.memory_space<vmem>> -> memref<64x128xf32, #tpu.memory_space<vmem>>
      %dma_start3A_283 = arith.constant 0 : i32
      %dma_start3A_284 = tpu.memref_slice %arg7[%add3A_277, %dma_start3A_283] : memref<204800x128xf32, #tpu.memory_space<hbm>> -> memref<64x128xf32, #tpu.memory_space<hbm>>
      %dma_start3A_285 = arith.constant 0 : i32
      %dma_start3A_286 = tpu.memref_slice %arg7[%add3A_277, %dma_start3A_285] : memref<204800x128xf32, #tpu.memory_space<hbm>> -> memref<64x128xf32, #tpu.memory_space<hbm>>
      %dma_start3A_287 = arith.constant 0 : i32
      %dma_start3A_288 = arith.constant 0 : i32
      %dma_start3A_289 = tpu.memref_slice %arg13[%dma_start3A_278, %dma_start3A_287, %dma_start3A_288] : memref<4x64x128xf32, #tpu.memory_space<vmem>> -> memref<1x64x128xf32, #tpu.memory_space<vmem>>
      %dma_start3A_290 = tpu.memref_squeeze %dma_start3A_289 : memref<1x64x128xf32, #tpu.memory_space<vmem>> -> memref<64x128xf32, #tpu.memory_space<vmem>>
      tpu.enqueue_dma source(%dma_start3A_290 : memref<64x128xf32, #tpu.memory_space<vmem>>) target(%dma_start3A_286 : memref<64x128xf32, #tpu.memory_space<hbm>>) target_semaphore(%arg18 : memref<!tpu.dma_semaphore, #tpu.memory_space<semaphore_mem>>)
      %add3A_291 = arith.constant 4 : i32
      %add3A_292 = arith.addi %add3A_237, %add3A_291 : i32
      %lt3A = arith.constant 100 : i32
      %lt3A_293 = arith.cmpi slt, %add3A_292, %lt3A : i32
      %convert_element_type3A_294 = arith.extui %lt3A_293 : i1 to i32
      %cond3A_295 = arith.constant 0 : i32
      %cond3A_296 = arith.cmpi ne, %convert_element_type3A_294, %cond3A_295 : i32
      scf.if %cond3A_296 {
        %add3A_492 = arith.constant 4 : i32
        %add3A_493 = arith.addi %add3A_237, %add3A_492 : i32
        %mul3A_494 = arith.constant 64 : i32
        %mul3A_495 = arith.muli %add3A_493, %mul3A_494 : i32
        %add3A_496 = arith.addi %mul3A_2, %mul3A_495 : i32
        %dma_start3A_497 = arith.constant 0 : i32
        %dma_start3A_498 = arith.constant 0 : i32
        %dma_start3A_499 = arith.constant 0 : i32
        %dma_start3A_500 = tpu.memref_slice %arg11[%dma_start3A_497, %dma_start3A_498, %dma_start3A_499] : memref<4x64x128xf32, #tpu.memory_space<vmem>> -> memref<1x64x128xf32, #tpu.memory_space<vmem>>
        %dma_start3A_501 = tpu.memref_squeeze %dma_start3A_500 : memref<1x64x128xf32, #tpu.memory_space<vmem>> -> memref<64x128xf32, #tpu.memory_space<vmem>>
        %dma_start3A_502 = arith.constant 0 : i32
        %dma_start3A_503 = tpu.memref_slice %arg2[%add3A_496, %dma_start3A_502] : memref<204800x128xf32, #tpu.memory_space<hbm>> -> memref<64x128xf32, #tpu.memory_space<hbm>>
        %dma_start3A_504 = arith.constant 0 : i32
        %dma_start3A_505 = arith.constant 0 : i32
        %dma_start3A_506 = tpu.memref_slice %arg11[%dma_start3A_497, %dma_start3A_504, %dma_start3A_505] : memref<4x64x128xf32, #tpu.memory_space<vmem>> -> memref<1x64x128xf32, #tpu.memory_space<vmem>>
        %dma_start3A_507 = tpu.memref_squeeze %dma_start3A_506 : memref<1x64x128xf32, #tpu.memory_space<vmem>> -> memref<64x128xf32, #tpu.memory_space<vmem>>
        %dma_start3A_508 = arith.constant 0 : i32
        %dma_start3A_509 = tpu.memref_slice %arg2[%add3A_496, %dma_start3A_508] : memref<204800x128xf32, #tpu.memory_space<hbm>> -> memref<64x128xf32, #tpu.memory_space<hbm>>
        tpu.enqueue_dma source(%dma_start3A_509 : memref<64x128xf32, #tpu.memory_space<hbm>>) target(%dma_start3A_507 : memref<64x128xf32, #tpu.memory_space<vmem>>) target_semaphore(%arg14 : memref<!tpu.dma_semaphore, #tpu.memory_space<semaphore_mem>>)
        %dma_start3A_510 = arith.constant 0 : i32
        %dma_start3A_511 = arith.constant 0 : i32
        %dma_start3A_512 = arith.constant 0 : i32
        %dma_start3A_513 = tpu.memref_slice %arg12[%dma_start3A_510, %dma_start3A_511, %dma_start3A_512] : memref<4x64x128xf32, #tpu.memory_space<vmem>> -> memref<1x64x128xf32, #tpu.memory_space<vmem>>
        %dma_start3A_514 = tpu.memref_squeeze %dma_start3A_513 : memref<1x64x128xf32, #tpu.memory_space<vmem>> -> memref<64x128xf32, #tpu.memory_space<vmem>>
        %dma_start3A_515 = arith.constant 0 : i32
        %dma_start3A_516 = tpu.memref_slice %arg8[%add3A_493, %dma_start3A_515] : memref<100x64xi32, #tpu.memory_space<vmem>> -> memref<1x64xi32, #tpu.memory_space<vmem>>
        %dma_start3A_517 = tpu.memref_squeeze %dma_start3A_516 : memref<1x64xi32, #tpu.memory_space<vmem>> -> memref<64xi32, #tpu.memory_space<vmem>>
        %dma_start3A_518 = arith.constant 0 : i32
        %dma_start3A_519 = arith.constant 0 : i32
        %dma_start3A_520 = tpu.memref_slice %arg4[%dma_start3A_518, %dma_start3A_519] : memref<1000x128xf32, #tpu.memory_space<hbm>> -> memref<1000x128xf32, #tpu.memory_space<hbm>>
        tpu.enqueue_indirect_dma source(%dma_start3A_520 : memref<1000x128xf32, #tpu.memory_space<hbm>>) target(%dma_start3A_514 : memref<64x128xf32, #tpu.memory_space<vmem>>) offsets(%dma_start3A_517 : memref<64xi32, #tpu.memory_space<vmem>>) semaphore(%arg14 : memref<!tpu.dma_semaphore, #tpu.memory_space<semaphore_mem>>)
      } else {
      }
      %add3A_297 = arith.constant 1 : i32
      %add3A_298 = arith.addi %add3A_235, %add3A_297 : i32
      %mul3A_299 = arith.constant 64 : i32
      %mul3A_300 = arith.muli %add3A_298, %mul3A_299 : i32
      %add3A_301 = arith.addi %mul3A_2, %mul3A_300 : i32
      %dma_wait3A_302 = arith.constant 1 : i32
      %dma_wait3A_303 = arith.constant 0 : i32
      %dma_wait3A_304 = arith.constant 0 : i32
      %dma_wait3A_305 = tpu.memref_slice %arg11[%dma_wait3A_302, %dma_wait3A_303, %dma_wait3A_304] : memref<4x64x128xf32, #tpu.memory_space<vmem>> -> memref<1x64x128xf32, #tpu.memory_space<vmem>>
      %dma_wait3A_306 = tpu.memref_squeeze %dma_wait3A_305 : memref<1x64x128xf32, #tpu.memory_space<vmem>> -> memref<64x128xf32, #tpu.memory_space<vmem>>
      %dma_wait3A_307 = arith.constant 0 : i32
      %dma_wait3A_308 = tpu.memref_slice %arg2[%add3A_301, %dma_wait3A_307] : memref<204800x128xf32, #tpu.memory_space<hbm>> -> memref<64x128xf32, #tpu.memory_space<hbm>>
      %dma_wait3A_309 = arith.constant 0 : i32
      %dma_wait3A_310 = arith.constant 0 : i32
      %dma_wait3A_311 = tpu.memref_slice %arg11[%dma_wait3A_302, %dma_wait3A_309, %dma_wait3A_310] : memref<4x64x128xf32, #tpu.memory_space<vmem>> -> memref<1x64x128xf32, #tpu.memory_space<vmem>>
      %dma_wait3A_312 = tpu.memref_squeeze %dma_wait3A_311 : memref<1x64x128xf32, #tpu.memory_space<vmem>> -> memref<64x128xf32, #tpu.memory_space<vmem>>
      %dma_wait3A_313 = arith.constant 0 : i32
      %dma_wait3A_314 = tpu.memref_slice %arg2[%add3A_301, %dma_wait3A_313] : memref<204800x128xf32, #tpu.memory_space<hbm>> -> memref<64x128xf32, #tpu.memory_space<hbm>>
      tpu.wait_dma2 semaphore(%arg15 : memref<!tpu.dma_semaphore, #tpu.memory_space<semaphore_mem>>) src(%dma_wait3A_314 : memref<64x128xf32, #tpu.memory_space<hbm>>) dst(%dma_wait3A_312 : memref<64x128xf32, #tpu.memory_space<vmem>>)
      %dma_wait3A_315 = arith.constant 1 : i32
      %dma_wait3A_316 = arith.constant 0 : i32
      %dma_wait3A_317 = arith.constant 0 : i32
      %dma_wait3A_318 = tpu.memref_slice %arg12[%dma_wait3A_315, %dma_wait3A_316, %dma_wait3A_317] : memref<4x64x128xf32, #tpu.memory_space<vmem>> -> memref<1x64x128xf32, #tpu.memory_space<vmem>>
      %dma_wait3A_319 = tpu.memref_squeeze %dma_wait3A_318 : memref<1x64x128xf32, #tpu.memory_space<vmem>> -> memref<64x128xf32, #tpu.memory_space<vmem>>
      %dma_wait3A_320 = arith.constant 0 : i32
      %dma_wait3A_321 = tpu.memref_slice %arg8[%add3A_298, %dma_wait3A_320] : memref<100x64xi32, #tpu.memory_space<vmem>> -> memref<1x64xi32, #tpu.memory_space<vmem>>
      %dma_wait3A_322 = tpu.memref_squeeze %dma_wait3A_321 : memref<1x64xi32, #tpu.memory_space<vmem>> -> memref<64xi32, #tpu.memory_space<vmem>>
      %dma_wait3A_323 = arith.constant 0 : i32
      %dma_wait3A_324 = arith.constant 0 : i32
      %dma_wait3A_325 = tpu.memref_slice %arg4[%dma_wait3A_323, %dma_wait3A_324] : memref<1000x128xf32, #tpu.memory_space<hbm>> -> memref<1000x128xf32, #tpu.memory_space<hbm>>
      tpu.wait_indirect_dma semaphore(%arg15 : memref<!tpu.dma_semaphore, #tpu.memory_space<semaphore_mem>>) src(%dma_wait3A_325 : memref<1000x128xf32, #tpu.memory_space<hbm>>) dst(%dma_wait3A_319 : memref<64x128xf32, #tpu.memory_space<vmem>>)
      %ge3A_326 = arith.constant 4 : i32
      %ge3A_327 = arith.cmpi sge, %add3A_298, %ge3A_326 : i32
      %convert_element_type3A_328 = arith.extui %ge3A_327 : i1 to i32
      %cond3A_329 = arith.constant 0 : i32
      %cond3A_330 = arith.cmpi ne, %convert_element_type3A_328, %cond3A_329 : i32
      scf.if %cond3A_330 {
        %sub3A = arith.constant 4 : i32
        %sub3A_492 = arith.subi %add3A_298, %sub3A : i32
        %mul3A_493 = arith.constant 64 : i32
        %mul3A_494 = arith.muli %sub3A_492, %mul3A_493 : i32
        %add3A_495 = arith.addi %mul3A_2, %mul3A_494 : i32
        %dma_wait3A_496 = arith.constant 1 : i32
        %dma_wait3A_497 = arith.constant 0 : i32
        %dma_wait3A_498 = arith.constant 0 : i32
        %dma_wait3A_499 = tpu.memref_slice %arg13[%dma_wait3A_496, %dma_wait3A_497, %dma_wait3A_498] : memref<4x64x128xf32, #tpu.memory_space<vmem>> -> memref<1x64x128xf32, #tpu.memory_space<vmem>>
        %dma_wait3A_500 = tpu.memref_squeeze %dma_wait3A_499 : memref<1x64x128xf32, #tpu.memory_space<vmem>> -> memref<64x128xf32, #tpu.memory_space<vmem>>
        %dma_wait3A_501 = arith.constant 0 : i32
        %dma_wait3A_502 = tpu.memref_slice %arg7[%add3A_495, %dma_wait3A_501] : memref<204800x128xf32, #tpu.memory_space<hbm>> -> memref<64x128xf32, #tpu.memory_space<hbm>>
        %dma_wait3A_503 = arith.constant 0 : i32
        %dma_wait3A_504 = tpu.memref_slice %arg7[%add3A_495, %dma_wait3A_503] : memref<204800x128xf32, #tpu.memory_space<hbm>> -> memref<64x128xf32, #tpu.memory_space<hbm>>
        %dma_wait3A_505 = arith.constant 0 : i32
        %dma_wait3A_506 = arith.constant 0 : i32
        %dma_wait3A_507 = tpu.memref_slice %arg13[%dma_wait3A_496, %dma_wait3A_505, %dma_wait3A_506] : memref<4x64x128xf32, #tpu.memory_space<vmem>> -> memref<1x64x128xf32, #tpu.memory_space<vmem>>
        %dma_wait3A_508 = tpu.memref_squeeze %dma_wait3A_507 : memref<1x64x128xf32, #tpu.memory_space<vmem>> -> memref<64x128xf32, #tpu.memory_space<vmem>>
        tpu.wait_dma2 semaphore(%arg19 : memref<!tpu.dma_semaphore, #tpu.memory_space<semaphore_mem>>) src(%dma_wait3A_508 : memref<64x128xf32, #tpu.memory_space<vmem>>) dst(%dma_wait3A_504 : memref<64x128xf32, #tpu.memory_space<hbm>>)
      } else {
      }
      %scan3A_331 = arith.constant 1 : i32
      %scan3A_332 = arith.constant 1 : i32
      %scan3A_333 = arith.constant 1 : i32
      %scan3A_334 = arith.constant 0 : i32
      %scan3A_335 = arith.constant 64 : i32
      %scan3A_336 = arith.addi %scan3A_334, %scan3A_335 : i32
      %scan3A_337 = arith.constant 1 : i32
      scf.for %scan3A_492 = %scan3A_334 to %scan3A_336 step %scan3A_337  : i32 {
        %mul3A_493 = arith.constant 1 : i32
        %mul3A_494 = arith.muli %scan3A_492, %mul3A_493 : i32
        %add3A_495 = arith.constant 0 : i32
        %add3A_496 = arith.addi %add3A_495, %mul3A_494 : i32
        %get3A_497 = arith.constant 0 : i32
        %get3A_498 = arith.constant 0 : i32
        %get3A_499 = tpu.memref_slice %arg11[%scan3A_331, %get3A_497, %get3A_498] : memref<4x64x128xf32, #tpu.memory_space<vmem>> -> memref<1x64x128xf32, #tpu.memory_space<vmem>>
        %get3A_500 = tpu.memref_squeeze %get3A_499 : memref<1x64x128xf32, #tpu.memory_space<vmem>> -> memref<64x128xf32, #tpu.memory_space<vmem>>
        %get3A_501 = arith.index_cast %add3A_496 : i32 to index
        %get3A_502 = arith.constant 0 : index
        %get3A_503 = tpu.vector_load %get3A_500[%get3A_501, %get3A_502] {strides = array<i32>} : memref<64x128xf32, #tpu.memory_space<vmem>>, vector<1x16xf32>,
        %get3A_504 = vector.shape_cast %get3A_503 : vector<1x16xf32> to vector<16xf32>
        %get3A_505 = arith.constant 0 : i32
        %get3A_506 = arith.constant 0 : i32
        %get3A_507 = tpu.memref_slice %arg12[%scan3A_332, %get3A_505, %get3A_506] : memref<4x64x128xf32, #tpu.memory_space<vmem>> -> memref<1x64x128xf32, #tpu.memory_space<vmem>>
        %get3A_508 = tpu.memref_squeeze %get3A_507 : memref<1x64x128xf32, #tpu.memory_space<vmem>> -> memref<64x128xf32, #tpu.memory_space<vmem>>
        %get3A_509 = arith.index_cast %add3A_496 : i32 to index
        %get3A_510 = arith.constant 0 : index
        %get3A_511 = tpu.vector_load %get3A_508[%get3A_509, %get3A_510] {strides = array<i32>} : memref<64x128xf32, #tpu.memory_space<vmem>>, vector<1x16xf32>,
        %get3A_512 = vector.shape_cast %get3A_511 : vector<1x16xf32> to vector<16xf32>
        %add3A_513 = arith.addf %get3A_504, %get3A_512 : vector<16xf32>
        %get3A_514 = arith.constant 0 : i32
        %get3A_515 = arith.constant 0 : i32
        %get3A_516 = tpu.memref_slice %arg11[%scan3A_331, %get3A_514, %get3A_515] : memref<4x64x128xf32, #tpu.memory_space<vmem>> -> memref<1x64x128xf32, #tpu.memory_space<vmem>>
        %get3A_517 = tpu.memref_squeeze %get3A_516 : memref<1x64x128xf32, #tpu.memory_space<vmem>> -> memref<64x128xf32, #tpu.memory_space<vmem>>
        %get3A_518 = arith.index_cast %add3A_496 : i32 to index
        %get3A_519 = arith.constant 16 : index
        %get3A_520 = tpu.vector_load %get3A_517[%get3A_518, %get3A_519] {strides = array<i32>} : memref<64x128xf32, #tpu.memory_space<vmem>>, vector<1x16xf32>,
        %get3A_521 = vector.shape_cast %get3A_520 : vector<1x16xf32> to vector<16xf32>
        %get3A_522 = arith.constant 0 : i32
        %get3A_523 = arith.constant 0 : i32
        %get3A_524 = tpu.memref_slice %arg12[%scan3A_332, %get3A_522, %get3A_523] : memref<4x64x128xf32, #tpu.memory_space<vmem>> -> memref<1x64x128xf32, #tpu.memory_space<vmem>>
        %get3A_525 = tpu.memref_squeeze %get3A_524 : memref<1x64x128xf32, #tpu.memory_space<vmem>> -> memref<64x128xf32, #tpu.memory_space<vmem>>
        %get3A_526 = arith.index_cast %add3A_496 : i32 to index
        %get3A_527 = arith.constant 16 : index
        %get3A_528 = tpu.vector_load %get3A_525[%get3A_526, %get3A_527] {strides = array<i32>} : memref<64x128xf32, #tpu.memory_space<vmem>>, vector<1x16xf32>,
        %get3A_529 = vector.shape_cast %get3A_528 : vector<1x16xf32> to vector<16xf32>
        %add3A_530 = arith.addf %get3A_521, %get3A_529 : vector<16xf32>
        %get3A_531 = arith.constant 0 : i32
        %get3A_532 = arith.constant 0 : i32
        %get3A_533 = tpu.memref_slice %arg11[%scan3A_331, %get3A_531, %get3A_532] : memref<4x64x128xf32, #tpu.memory_space<vmem>> -> memref<1x64x128xf32, #tpu.memory_space<vmem>>
        %get3A_534 = tpu.memref_squeeze %get3A_533 : memref<1x64x128xf32, #tpu.memory_space<vmem>> -> memref<64x128xf32, #tpu.memory_space<vmem>>
        %get3A_535 = arith.index_cast %add3A_496 : i32 to index
        %get3A_536 = arith.constant 32 : index
        %get3A_537 = tpu.vector_load %get3A_534[%get3A_535, %get3A_536] {strides = array<i32>} : memref<64x128xf32, #tpu.memory_space<vmem>>, vector<1x16xf32>,
        %get3A_538 = vector.shape_cast %get3A_537 : vector<1x16xf32> to vector<16xf32>
        %get3A_539 = arith.constant 0 : i32
        %get3A_540 = arith.constant 0 : i32
        %get3A_541 = tpu.memref_slice %arg12[%scan3A_332, %get3A_539, %get3A_540] : memref<4x64x128xf32, #tpu.memory_space<vmem>> -> memref<1x64x128xf32, #tpu.memory_space<vmem>>
        %get3A_542 = tpu.memref_squeeze %get3A_541 : memref<1x64x128xf32, #tpu.memory_space<vmem>> -> memref<64x128xf32, #tpu.memory_space<vmem>>
        %get3A_543 = arith.index_cast %add3A_496 : i32 to index
        %get3A_544 = arith.constant 32 : index
        %get3A_545 = tpu.vector_load %get3A_542[%get3A_543, %get3A_544] {strides = array<i32>} : memref<64x128xf32, #tpu.memory_space<vmem>>, vector<1x16xf32>,
        %get3A_546 = vector.shape_cast %get3A_545 : vector<1x16xf32> to vector<16xf32>
        %add3A_547 = arith.addf %get3A_538, %get3A_546 : vector<16xf32>
        %get3A_548 = arith.constant 0 : i32
        %get3A_549 = arith.constant 0 : i32
        %get3A_550 = tpu.memref_slice %arg11[%scan3A_331, %get3A_548, %get3A_549] : memref<4x64x128xf32, #tpu.memory_space<vmem>> -> memref<1x64x128xf32, #tpu.memory_space<vmem>>
        %get3A_551 = tpu.memref_squeeze %get3A_550 : memref<1x64x128xf32, #tpu.memory_space<vmem>> -> memref<64x128xf32, #tpu.memory_space<vmem>>
        %get3A_552 = arith.index_cast %add3A_496 : i32 to index
        %get3A_553 = arith.constant 48 : index
        %get3A_554 = tpu.vector_load %get3A_551[%get3A_552, %get3A_553] {strides = array<i32>} : memref<64x128xf32, #tpu.memory_space<vmem>>, vector<1x16xf32>,
        %get3A_555 = vector.shape_cast %get3A_554 : vector<1x16xf32> to vector<16xf32>
        %get3A_556 = arith.constant 0 : i32
        %get3A_557 = arith.constant 0 : i32
        %get3A_558 = tpu.memref_slice %arg12[%scan3A_332, %get3A_556, %get3A_557] : memref<4x64x128xf32, #tpu.memory_space<vmem>> -> memref<1x64x128xf32, #tpu.memory_space<vmem>>
        %get3A_559 = tpu.memref_squeeze %get3A_558 : memref<1x64x128xf32, #tpu.memory_space<vmem>> -> memref<64x128xf32, #tpu.memory_space<vmem>>
        %get3A_560 = arith.index_cast %add3A_496 : i32 to index
        %get3A_561 = arith.constant 48 : index
        %get3A_562 = tpu.vector_load %get3A_559[%get3A_560, %get3A_561] {strides = array<i32>} : memref<64x128xf32, #tpu.memory_space<vmem>>, vector<1x16xf32>,
        %get3A_563 = vector.shape_cast %get3A_562 : vector<1x16xf32> to vector<16xf32>
        %add3A_564 = arith.addf %get3A_555, %get3A_563 : vector<16xf32>
        %get3A_565 = arith.constant 0 : i32
        %get3A_566 = arith.constant 0 : i32
        %get3A_567 = tpu.memref_slice %arg11[%scan3A_331, %get3A_565, %get3A_566] : memref<4x64x128xf32, #tpu.memory_space<vmem>> -> memref<1x64x128xf32, #tpu.memory_space<vmem>>
        %get3A_568 = tpu.memref_squeeze %get3A_567 : memref<1x64x128xf32, #tpu.memory_space<vmem>> -> memref<64x128xf32, #tpu.memory_space<vmem>>
        %get3A_569 = arith.index_cast %add3A_496 : i32 to index
        %get3A_570 = arith.constant 64 : index
        %get3A_571 = tpu.vector_load %get3A_568[%get3A_569, %get3A_570] {strides = array<i32>} : memref<64x128xf32, #tpu.memory_space<vmem>>, vector<1x16xf32>,
        %get3A_572 = vector.shape_cast %get3A_571 : vector<1x16xf32> to vector<16xf32>
        %get3A_573 = arith.constant 0 : i32
        %get3A_574 = arith.constant 0 : i32
        %get3A_575 = tpu.memref_slice %arg12[%scan3A_332, %get3A_573, %get3A_574] : memref<4x64x128xf32, #tpu.memory_space<vmem>> -> memref<1x64x128xf32, #tpu.memory_space<vmem>>
        %get3A_576 = tpu.memref_squeeze %get3A_575 : memref<1x64x128xf32, #tpu.memory_space<vmem>> -> memref<64x128xf32, #tpu.memory_space<vmem>>
        %get3A_577 = arith.index_cast %add3A_496 : i32 to index
        %get3A_578 = arith.constant 64 : index
        %get3A_579 = tpu.vector_load %get3A_576[%get3A_577, %get3A_578] {strides = array<i32>} : memref<64x128xf32, #tpu.memory_space<vmem>>, vector<1x16xf32>,
        %get3A_580 = vector.shape_cast %get3A_579 : vector<1x16xf32> to vector<16xf32>
        %add3A_581 = arith.addf %get3A_572, %get3A_580 : vector<16xf32>
        %get3A_582 = arith.constant 0 : i32
        %get3A_583 = arith.constant 0 : i32
        %get3A_584 = tpu.memref_slice %arg11[%scan3A_331, %get3A_582, %get3A_583] : memref<4x64x128xf32, #tpu.memory_space<vmem>> -> memref<1x64x128xf32, #tpu.memory_space<vmem>>
        %get3A_585 = tpu.memref_squeeze %get3A_584 : memref<1x64x128xf32, #tpu.memory_space<vmem>> -> memref<64x128xf32, #tpu.memory_space<vmem>>
        %get3A_586 = arith.index_cast %add3A_496 : i32 to index
        %get3A_587 = arith.constant 80 : index
        %get3A_588 = tpu.vector_load %get3A_585[%get3A_586, %get3A_587] {strides = array<i32>} : memref<64x128xf32, #tpu.memory_space<vmem>>, vector<1x16xf32>,
        %get3A_589 = vector.shape_cast %get3A_588 : vector<1x16xf32> to vector<16xf32>
        %get3A_590 = arith.constant 0 : i32
        %get3A_591 = arith.constant 0 : i32
        %get3A_592 = tpu.memref_slice %arg12[%scan3A_332, %get3A_590, %get3A_591] : memref<4x64x128xf32, #tpu.memory_space<vmem>> -> memref<1x64x128xf32, #tpu.memory_space<vmem>>
        %get3A_593 = tpu.memref_squeeze %get3A_592 : memref<1x64x128xf32, #tpu.memory_space<vmem>> -> memref<64x128xf32, #tpu.memory_space<vmem>>
        %get3A_594 = arith.index_cast %add3A_496 : i32 to index
        %get3A_595 = arith.constant 80 : index
        %get3A_596 = tpu.vector_load %get3A_593[%get3A_594, %get3A_595] {strides = array<i32>} : memref<64x128xf32, #tpu.memory_space<vmem>>, vector<1x16xf32>,
        %get3A_597 = vector.shape_cast %get3A_596 : vector<1x16xf32> to vector<16xf32>
        %add3A_598 = arith.addf %get3A_589, %get3A_597 : vector<16xf32>
        %get3A_599 = arith.constant 0 : i32
        %get3A_600 = arith.constant 0 : i32
        %get3A_601 = tpu.memref_slice %arg11[%scan3A_331, %get3A_599, %get3A_600] : memref<4x64x128xf32, #tpu.memory_space<vmem>> -> memref<1x64x128xf32, #tpu.memory_space<vmem>>
        %get3A_602 = tpu.memref_squeeze %get3A_601 : memref<1x64x128xf32, #tpu.memory_space<vmem>> -> memref<64x128xf32, #tpu.memory_space<vmem>>
        %get3A_603 = arith.index_cast %add3A_496 : i32 to index
        %get3A_604 = arith.constant 96 : index
        %get3A_605 = tpu.vector_load %get3A_602[%get3A_603, %get3A_604] {strides = array<i32>} : memref<64x128xf32, #tpu.memory_space<vmem>>, vector<1x16xf32>,
        %get3A_606 = vector.shape_cast %get3A_605 : vector<1x16xf32> to vector<16xf32>
        %get3A_607 = arith.constant 0 : i32
        %get3A_608 = arith.constant 0 : i32
        %get3A_609 = tpu.memref_slice %arg12[%scan3A_332, %get3A_607, %get3A_608] : memref<4x64x128xf32, #tpu.memory_space<vmem>> -> memref<1x64x128xf32, #tpu.memory_space<vmem>>
        %get3A_610 = tpu.memref_squeeze %get3A_609 : memref<1x64x128xf32, #tpu.memory_space<vmem>> -> memref<64x128xf32, #tpu.memory_space<vmem>>
        %get3A_611 = arith.index_cast %add3A_496 : i32 to index
        %get3A_612 = arith.constant 96 : index
        %get3A_613 = tpu.vector_load %get3A_610[%get3A_611, %get3A_612] {strides = array<i32>} : memref<64x128xf32, #tpu.memory_space<vmem>>, vector<1x16xf32>,
        %get3A_614 = vector.shape_cast %get3A_613 : vector<1x16xf32> to vector<16xf32>
        %add3A_615 = arith.addf %get3A_606, %get3A_614 : vector<16xf32>
        %get3A_616 = arith.constant 0 : i32
        %get3A_617 = arith.constant 0 : i32
        %get3A_618 = tpu.memref_slice %arg11[%scan3A_331, %get3A_616, %get3A_617] : memref<4x64x128xf32, #tpu.memory_space<vmem>> -> memref<1x64x128xf32, #tpu.memory_space<vmem>>
        %get3A_619 = tpu.memref_squeeze %get3A_618 : memref<1x64x128xf32, #tpu.memory_space<vmem>> -> memref<64x128xf32, #tpu.memory_space<vmem>>
        %get3A_620 = arith.index_cast %add3A_496 : i32 to index
        %get3A_621 = arith.constant 112 : index
        %get3A_622 = tpu.vector_load %get3A_619[%get3A_620, %get3A_621] {strides = array<i32>} : memref<64x128xf32, #tpu.memory_space<vmem>>, vector<1x16xf32>,
        %get3A_623 = vector.shape_cast %get3A_622 : vector<1x16xf32> to vector<16xf32>
        %get3A_624 = arith.constant 0 : i32
        %get3A_625 = arith.constant 0 : i32
        %get3A_626 = tpu.memref_slice %arg12[%scan3A_332, %get3A_624, %get3A_625] : memref<4x64x128xf32, #tpu.memory_space<vmem>> -> memref<1x64x128xf32, #tpu.memory_space<vmem>>
        %get3A_627 = tpu.memref_squeeze %get3A_626 : memref<1x64x128xf32, #tpu.memory_space<vmem>> -> memref<64x128xf32, #tpu.memory_space<vmem>>
        %get3A_628 = arith.index_cast %add3A_496 : i32 to index
        %get3A_629 = arith.constant 112 : index
        %get3A_630 = tpu.vector_load %get3A_627[%get3A_628, %get3A_629] {strides = array<i32>} : memref<64x128xf32, #tpu.memory_space<vmem>>, vector<1x16xf32>,
        %get3A_631 = vector.shape_cast %get3A_630 : vector<1x16xf32> to vector<16xf32>
        %add3A_632 = arith.addf %get3A_623, %get3A_631 : vector<16xf32>
        %mul3A_633 = arith.mulf %add3A_513, %add3A_513 : vector<16xf32>
        %add3A_634 = arith.addf %add3A_513, %add3A_530 : vector<16xf32>
        %mul3A_635 = arith.mulf %add3A_530, %add3A_530 : vector<16xf32>
        %add3A_636 = arith.addf %mul3A_633, %mul3A_635 : vector<16xf32>
        %add3A_637 = arith.addf %add3A_634, %add3A_547 : vector<16xf32>
        %mul3A_638 = arith.mulf %add3A_547, %add3A_547 : vector<16xf32>
        %add3A_639 = arith.addf %add3A_636, %mul3A_638 : vector<16xf32>
        %add3A_640 = arith.addf %add3A_637, %add3A_564 : vector<16xf32>
        %mul3A_641 = arith.mulf %add3A_564, %add3A_564 : vector<16xf32>
        %add3A_642 = arith.addf %add3A_639, %mul3A_641 : vector<16xf32>
        %add3A_643 = arith.addf %add3A_640, %add3A_581 : vector<16xf32>
        %mul3A_644 = arith.mulf %add3A_581, %add3A_581 : vector<16xf32>
        %add3A_645 = arith.addf %add3A_642, %mul3A_644 : vector<16xf32>
        %add3A_646 = arith.addf %add3A_643, %add3A_598 : vector<16xf32>
        %mul3A_647 = arith.mulf %add3A_598, %add3A_598 : vector<16xf32>
        %add3A_648 = arith.addf %add3A_645, %mul3A_647 : vector<16xf32>
        %add3A_649 = arith.addf %add3A_646, %add3A_615 : vector<16xf32>
        %mul3A_650 = arith.mulf %add3A_615, %add3A_615 : vector<16xf32>
        %add3A_651 = arith.addf %add3A_648, %mul3A_650 : vector<16xf32>
        %add3A_652 = arith.addf %add3A_649, %add3A_632 : vector<16xf32>
        %mul3A_653 = arith.mulf %add3A_632, %add3A_632 : vector<16xf32>
        %add3A_654 = arith.addf %add3A_651, %mul3A_653 : vector<16xf32>
        %lt3A_655 = arith.constant 0 : i32
        %lt3A_656 = vector.broadcast %lt3A_655 : i32 to vector<16xi32>
        %lt3A_657 = arith.cmpi slt, %xor3A_4, %lt3A_656 : vector<16xi32>
        %add3A_658 = arith.constant 16 : i32
        %add3A_659 = vector.broadcast %add3A_658 : i32 to vector<16xi32>
        %add3A_660 = arith.addi %xor3A_4, %add3A_659 : vector<16xi32>
        %select_n3A = arith.select %lt3A_657, %add3A_660, %xor3A_4 : vector<16xi1>, vector<16xi32>
        %broadcast_in_dim3A = vector.shape_cast %select_n3A : vector<16xi32> to vector<16x1xi32>
        %gather3A = vector.shape_cast %broadcast_in_dim3A : vector<16x1xi32> to vector<16xi32>
        %gather3A_661 = tpu.dynamic_gather %add3A_652[%gather3A] in [0] : vector<16xf32>, vector<16xi32> -> vector<16xf32>
        %add3A_662 = arith.addf %add3A_652, %gather3A_661 : vector<16xf32>
        %lt3A_663 = arith.constant 0 : i32
        %lt3A_664 = vector.broadcast %lt3A_663 : i32 to vector<16xi32>
        %lt3A_665 = arith.cmpi slt, %xor3A_7, %lt3A_664 : vector<16xi32>
        %add3A_666 = arith.constant 16 : i32
        %add3A_667 = vector.broadcast %add3A_666 : i32 to vector<16xi32>
        %add3A_668 = arith.addi %xor3A_7, %add3A_667 : vector<16xi32>
        %select_n3A_669 = arith.select %lt3A_665, %add3A_668, %xor3A_7 : vector<16xi1>, vector<16xi32>
        %broadcast_in_dim3A_670 = vector.shape_cast %select_n3A_669 : vector<16xi32> to vector<16x1xi32>
        %gather3A_671 = vector.shape_cast %broadcast_in_dim3A_670 : vector<16x1xi32> to vector<16xi32>
        %gather3A_672 = tpu.dynamic_gather %add3A_662[%gather3A_671] in [0] : vector<16xf32>, vector<16xi32> -> vector<16xf32>
        %add3A_673 = arith.addf %add3A_662, %gather3A_672 : vector<16xf32>
        %lt3A_674 = arith.constant 0 : i32
        %lt3A_675 = vector.broadcast %lt3A_674 : i32 to vector<16xi32>
        %lt3A_676 = arith.cmpi slt, %xor3A_10, %lt3A_675 : vector<16xi32>
        %add3A_677 = arith.constant 16 : i32
        %add3A_678 = vector.broadcast %add3A_677 : i32 to vector<16xi32>
        %add3A_679 = arith.addi %xor3A_10, %add3A_678 : vector<16xi32>
        %select_n3A_680 = arith.select %lt3A_676, %add3A_679, %xor3A_10 : vector<16xi1>, vector<16xi32>
        %broadcast_in_dim3A_681 = vector.shape_cast %select_n3A_680 : vector<16xi32> to vector<16x1xi32>
        %gather3A_682 = vector.shape_cast %broadcast_in_dim3A_681 : vector<16x1xi32> to vector<16xi32>
        %gather3A_683 = tpu.dynamic_gather %add3A_673[%gather3A_682] in [0] : vector<16xf32>, vector<16xi32> -> vector<16xf32>
        %add3A_684 = arith.addf %add3A_673, %gather3A_683 : vector<16xf32>
        %lt3A_685 = arith.constant 0 : i32
        %lt3A_686 = vector.broadcast %lt3A_685 : i32 to vector<16xi32>
        %lt3A_687 = arith.cmpi slt, %xor3A_13, %lt3A_686 : vector<16xi32>
        %add3A_688 = arith.constant 16 : i32
        %add3A_689 = vector.broadcast %add3A_688 : i32 to vector<16xi32>
        %add3A_690 = arith.addi %xor3A_13, %add3A_689 : vector<16xi32>
        %select_n3A_691 = arith.select %lt3A_687, %add3A_690, %xor3A_13 : vector<16xi1>, vector<16xi32>
        %broadcast_in_dim3A_692 = vector.shape_cast %select_n3A_691 : vector<16xi32> to vector<16x1xi32>
        %gather3A_693 = vector.shape_cast %broadcast_in_dim3A_692 : vector<16x1xi32> to vector<16xi32>
        %gather3A_694 = tpu.dynamic_gather %add3A_684[%gather3A_693] in [0] : vector<16xf32>, vector<16xi32> -> vector<16xf32>
        %add3A_695 = arith.addf %add3A_684, %gather3A_694 : vector<16xf32>
        %mul3A_696 = arith.constant 7.812500e-03 : f32
        %mul3A_697 = vector.broadcast %mul3A_696 : f32 to vector<16xf32>
        %mul3A_698 = arith.mulf %add3A_695, %mul3A_697 : vector<16xf32>
        %lt3A_699 = arith.constant 0 : i32
        %lt3A_700 = vector.broadcast %lt3A_699 : i32 to vector<16xi32>
        %lt3A_701 = arith.cmpi slt, %xor3A_4, %lt3A_700 : vector<16xi32>
        %add3A_702 = arith.constant 16 : i32
        %add3A_703 = vector.broadcast %add3A_702 : i32 to vector<16xi32>
        %add3A_704 = arith.addi %xor3A_4, %add3A_703 : vector<16xi32>
        %select_n3A_705 = arith.select %lt3A_701, %add3A_704, %xor3A_4 : vector<16xi1>, vector<16xi32>
        %broadcast_in_dim3A_706 = vector.shape_cast %select_n3A_705 : vector<16xi32> to vector<16x1xi32>
        %gather3A_707 = vector.shape_cast %broadcast_in_dim3A_706 : vector<16x1xi32> to vector<16xi32>
        %gather3A_708 = tpu.dynamic_gather %add3A_654[%gather3A_707] in [0] : vector<16xf32>, vector<16xi32> -> vector<16xf32>
        %add3A_709 = arith.addf %add3A_654, %gather3A_708 : vector<16xf32>
        %lt3A_710 = arith.constant 0 : i32
        %lt3A_711 = vector.broadcast %lt3A_710 : i32 to vector<16xi32>
        %lt3A_712 = arith.cmpi slt, %xor3A_7, %lt3A_711 : vector<16xi32>
        %add3A_713 = arith.constant 16 : i32
        %add3A_714 = vector.broadcast %add3A_713 : i32 to vector<16xi32>
        %add3A_715 = arith.addi %xor3A_7, %add3A_714 : vector<16xi32>
        %select_n3A_716 = arith.select %lt3A_712, %add3A_715, %xor3A_7 : vector<16xi1>, vector<16xi32>
        %broadcast_in_dim3A_717 = vector.shape_cast %select_n3A_716 : vector<16xi32> to vector<16x1xi32>
        %gather3A_718 = vector.shape_cast %broadcast_in_dim3A_717 : vector<16x1xi32> to vector<16xi32>
        %gather3A_719 = tpu.dynamic_gather %add3A_709[%gather3A_718] in [0] : vector<16xf32>, vector<16xi32> -> vector<16xf32>
        %add3A_720 = arith.addf %add3A_709, %gather3A_719 : vector<16xf32>
        %lt3A_721 = arith.constant 0 : i32
        %lt3A_722 = vector.broadcast %lt3A_721 : i32 to vector<16xi32>
        %lt3A_723 = arith.cmpi slt, %xor3A_10, %lt3A_722 : vector<16xi32>
        %add3A_724 = arith.constant 16 : i32
        %add3A_725 = vector.broadcast %add3A_724 : i32 to vector<16xi32>
        %add3A_726 = arith.addi %xor3A_10, %add3A_725 : vector<16xi32>
        %select_n3A_727 = arith.select %lt3A_723, %add3A_726, %xor3A_10 : vector<16xi1>, vector<16xi32>
        %broadcast_in_dim3A_728 = vector.shape_cast %select_n3A_727 : vector<16xi32> to vector<16x1xi32>
        %gather3A_729 = vector.shape_cast %broadcast_in_dim3A_728 : vector<16x1xi32> to vector<16xi32>
        %gather3A_730 = tpu.dynamic_gather %add3A_720[%gather3A_729] in [0] : vector<16xf32>, vector<16xi32> -> vector<16xf32>
        %add3A_731 = arith.addf %add3A_720, %gather3A_730 : vector<16xf32>
        %lt3A_732 = arith.constant 0 : i32
        %lt3A_733 = vector.broadcast %lt3A_732 : i32 to vector<16xi32>
        %lt3A_734 = arith.cmpi slt, %xor3A_13, %lt3A_733 : vector<16xi32>
        %add3A_735 = arith.constant 16 : i32
        %add3A_736 = vector.broadcast %add3A_735 : i32 to vector<16xi32>
        %add3A_737 = arith.addi %xor3A_13, %add3A_736 : vector<16xi32>
        %select_n3A_738 = arith.select %lt3A_734, %add3A_737, %xor3A_13 : vector<16xi1>, vector<16xi32>
        %broadcast_in_dim3A_739 = vector.shape_cast %select_n3A_738 : vector<16xi32> to vector<16x1xi32>
        %gather3A_740 = vector.shape_cast %broadcast_in_dim3A_739 : vector<16x1xi32> to vector<16xi32>
        %gather3A_741 = tpu.dynamic_gather %add3A_731[%gather3A_740] in [0] : vector<16xf32>, vector<16xi32> -> vector<16xf32>
        %add3A_742 = arith.addf %add3A_731, %gather3A_741 : vector<16xf32>
        %mul3A_743 = arith.constant 7.812500e-03 : f32
        %mul3A_744 = vector.broadcast %mul3A_743 : f32 to vector<16xf32>
        %mul3A_745 = arith.mulf %add3A_742, %mul3A_744 : vector<16xf32>
        %mul3A_746 = arith.mulf %mul3A_698, %mul3A_698 : vector<16xf32>
        %sub3A = arith.subf %mul3A_745, %mul3A_746 : vector<16xf32>
        %add3A_747 = arith.constant 9.99999974E-6 : f32
        %add3A_748 = vector.broadcast %add3A_747 : f32 to vector<16xf32>
        %add3A_749 = arith.addf %sub3A, %add3A_748 : vector<16xf32>
        %bitcast_convert_type3A = tpu.bitcast %add3A_749 : vector<16xf32> -> vector<16xi32>
        %broadcast_in_dim3A_750 = arith.constant 1597463007 : i32
        %broadcast_in_dim3A_751 = vector.broadcast %broadcast_in_dim3A_750 : i32 to vector<16xi32>
        %shift_right_arithmetic3A = arith.constant 1 : i32
        %shift_right_arithmetic3A_752 = vector.broadcast %shift_right_arithmetic3A : i32 to vector<16xi32>
        %shift_right_arithmetic3A_753 = arith.shrsi %bitcast_convert_type3A, %shift_right_arithmetic3A_752 : vector<16xi32>
        %sub3A_754 = arith.subi %broadcast_in_dim3A_751, %shift_right_arithmetic3A_753 : vector<16xi32>
        %bitcast_convert_type3A_755 = tpu.bitcast %sub3A_754 : vector<16xi32> -> vector<16xf32>
        %mul3A_756 = arith.constant 5.000000e-01 : f32
        %mul3A_757 = vector.broadcast %mul3A_756 : f32 to vector<16xf32>
        %mul3A_758 = arith.mulf %add3A_749, %mul3A_757 : vector<16xf32>
        %mul3A_759 = arith.mulf %mul3A_758, %bitcast_convert_type3A_755 : vector<16xf32>
        %mul3A_760 = arith.mulf %mul3A_759, %bitcast_convert_type3A_755 : vector<16xf32>
        %sub3A_761 = arith.constant 1.500000e+00 : f32
        %sub3A_762 = vector.broadcast %sub3A_761 : f32 to vector<16xf32>
        %sub3A_763 = arith.subf %sub3A_762, %mul3A_760 : vector<16xf32>
        %mul3A_764 = arith.mulf %bitcast_convert_type3A_755, %sub3A_763 : vector<16xf32>
        %mul3A_765 = arith.mulf %mul3A_758, %mul3A_764 : vector<16xf32>
        %mul3A_766 = arith.mulf %mul3A_765, %mul3A_764 : vector<16xf32>
        %sub3A_767 = arith.constant 1.500000e+00 : f32
        %sub3A_768 = vector.broadcast %sub3A_767 : f32 to vector<16xf32>
        %sub3A_769 = arith.subf %sub3A_768, %mul3A_766 : vector<16xf32>
        %mul3A_770 = arith.mulf %mul3A_764, %sub3A_769 : vector<16xf32>
        %sub3A_771 = arith.subf %add3A_513, %mul3A_698 : vector<16xf32>
        %mul3A_772 = arith.mulf %sub3A_771, %mul3A_770 : vector<16xf32>
        %mul3A_773 = arith.mulf %mul3A_772, %get3A_15 : vector<16xf32>
        %add3A_774 = arith.addf %mul3A_773, %get3A_39 : vector<16xf32>
        %swap3A = arith.constant 0 : i32
        %swap3A_775 = arith.constant 0 : i32
        %swap3A_776 = tpu.memref_slice %arg13[%scan3A_333, %swap3A, %swap3A_775] : memref<4x64x128xf32, #tpu.memory_space<vmem>> -> memref<1x64x128xf32, #tpu.memory_space<vmem>>
        %swap3A_777 = tpu.memref_squeeze %swap3A_776 : memref<1x64x128xf32, #tpu.memory_space<vmem>> -> memref<64x128xf32, #tpu.memory_space<vmem>>
        %swap3A_778 = arith.index_cast %add3A_496 : i32 to index
        %swap3A_779 = arith.constant 0 : index
        %swap3A_780 = tpu.vector_load %swap3A_777[%swap3A_778, %swap3A_779] {strides = array<i32>} : memref<64x128xf32, #tpu.memory_space<vmem>>, vector<1x16xf32>,
        %swap3A_781 = vector.shape_cast %swap3A_780 : vector<1x16xf32> to vector<16xf32>
        %swap3A_782 = vector.shape_cast %add3A_774 : vector<16xf32> to vector<1x16xf32>
        tpu.vector_store %swap3A_777[%swap3A_778, %swap3A_779], %swap3A_782 {strides = array<i32>} : memref<64x128xf32, #tpu.memory_space<vmem>>, vector<1x16xf32>,
        %sub3A_783 = arith.subf %add3A_530, %mul3A_698 : vector<16xf32>
        %mul3A_784 = arith.mulf %sub3A_783, %mul3A_770 : vector<16xf32>
        %mul3A_785 = arith.mulf %mul3A_784, %get3A_18 : vector<16xf32>
        %add3A_786 = arith.addf %mul3A_785, %get3A_42 : vector<16xf32>
        %swap3A_787 = arith.constant 0 : i32
        %swap3A_788 = arith.constant 0 : i32
        %swap3A_789 = tpu.memref_slice %arg13[%scan3A_333, %swap3A_787, %swap3A_788] : memref<4x64x128xf32, #tpu.memory_space<vmem>> -> memref<1x64x128xf32, #tpu.memory_space<vmem>>
        %swap3A_790 = tpu.memref_squeeze %swap3A_789 : memref<1x64x128xf32, #tpu.memory_space<vmem>> -> memref<64x128xf32, #tpu.memory_space<vmem>>
        %swap3A_791 = arith.index_cast %add3A_496 : i32 to index
        %swap3A_792 = arith.constant 16 : index
        %swap3A_793 = tpu.vector_load %swap3A_790[%swap3A_791, %swap3A_792] {strides = array<i32>} : memref<64x128xf32, #tpu.memory_space<vmem>>, vector<1x16xf32>,
        %swap3A_794 = vector.shape_cast %swap3A_793 : vector<1x16xf32> to vector<16xf32>
        %swap3A_795 = vector.shape_cast %add3A_786 : vector<16xf32> to vector<1x16xf32>
        tpu.vector_store %swap3A_790[%swap3A_791, %swap3A_792], %swap3A_795 {strides = array<i32>} : memref<64x128xf32, #tpu.memory_space<vmem>>, vector<1x16xf32>,
        %sub3A_796 = arith.subf %add3A_547, %mul3A_698 : vector<16xf32>
        %mul3A_797 = arith.mulf %sub3A_796, %mul3A_770 : vector<16xf32>
        %mul3A_798 = arith.mulf %mul3A_797, %get3A_21 : vector<16xf32>
        %add3A_799 = arith.addf %mul3A_798, %get3A_45 : vector<16xf32>
        %swap3A_800 = arith.constant 0 : i32
        %swap3A_801 = arith.constant 0 : i32
        %swap3A_802 = tpu.memref_slice %arg13[%scan3A_333, %swap3A_800, %swap3A_801] : memref<4x64x128xf32, #tpu.memory_space<vmem>> -> memref<1x64x128xf32, #tpu.memory_space<vmem>>
        %swap3A_803 = tpu.memref_squeeze %swap3A_802 : memref<1x64x128xf32, #tpu.memory_space<vmem>> -> memref<64x128xf32, #tpu.memory_space<vmem>>
        %swap3A_804 = arith.index_cast %add3A_496 : i32 to index
        %swap3A_805 = arith.constant 32 : index
        %swap3A_806 = tpu.vector_load %swap3A_803[%swap3A_804, %swap3A_805] {strides = array<i32>} : memref<64x128xf32, #tpu.memory_space<vmem>>, vector<1x16xf32>,
        %swap3A_807 = vector.shape_cast %swap3A_806 : vector<1x16xf32> to vector<16xf32>
        %swap3A_808 = vector.shape_cast %add3A_799 : vector<16xf32> to vector<1x16xf32>
        tpu.vector_store %swap3A_803[%swap3A_804, %swap3A_805], %swap3A_808 {strides = array<i32>} : memref<64x128xf32, #tpu.memory_space<vmem>>, vector<1x16xf32>,
        %sub3A_809 = arith.subf %add3A_564, %mul3A_698 : vector<16xf32>
        %mul3A_810 = arith.mulf %sub3A_809, %mul3A_770 : vector<16xf32>
        %mul3A_811 = arith.mulf %mul3A_810, %get3A_24 : vector<16xf32>
        %add3A_812 = arith.addf %mul3A_811, %get3A_48 : vector<16xf32>
        %swap3A_813 = arith.constant 0 : i32
        %swap3A_814 = arith.constant 0 : i32
        %swap3A_815 = tpu.memref_slice %arg13[%scan3A_333, %swap3A_813, %swap3A_814] : memref<4x64x128xf32, #tpu.memory_space<vmem>> -> memref<1x64x128xf32, #tpu.memory_space<vmem>>
        %swap3A_816 = tpu.memref_squeeze %swap3A_815 : memref<1x64x128xf32, #tpu.memory_space<vmem>> -> memref<64x128xf32, #tpu.memory_space<vmem>>
        %swap3A_817 = arith.index_cast %add3A_496 : i32 to index
        %swap3A_818 = arith.constant 48 : index
        %swap3A_819 = tpu.vector_load %swap3A_816[%swap3A_817, %swap3A_818] {strides = array<i32>} : memref<64x128xf32, #tpu.memory_space<vmem>>, vector<1x16xf32>,
        %swap3A_820 = vector.shape_cast %swap3A_819 : vector<1x16xf32> to vector<16xf32>
        %swap3A_821 = vector.shape_cast %add3A_812 : vector<16xf32> to vector<1x16xf32>
        tpu.vector_store %swap3A_816[%swap3A_817, %swap3A_818], %swap3A_821 {strides = array<i32>} : memref<64x128xf32, #tpu.memory_space<vmem>>, vector<1x16xf32>,
        %sub3A_822 = arith.subf %add3A_581, %mul3A_698 : vector<16xf32>
        %mul3A_823 = arith.mulf %sub3A_822, %mul3A_770 : vector<16xf32>
        %mul3A_824 = arith.mulf %mul3A_823, %get3A_27 : vector<16xf32>
        %add3A_825 = arith.addf %mul3A_824, %get3A_51 : vector<16xf32>
        %swap3A_826 = arith.constant 0 : i32
        %swap3A_827 = arith.constant 0 : i32
        %swap3A_828 = tpu.memref_slice %arg13[%scan3A_333, %swap3A_826, %swap3A_827] : memref<4x64x128xf32, #tpu.memory_space<vmem>> -> memref<1x64x128xf32, #tpu.memory_space<vmem>>
        %swap3A_829 = tpu.memref_squeeze %swap3A_828 : memref<1x64x128xf32, #tpu.memory_space<vmem>> -> memref<64x128xf32, #tpu.memory_space<vmem>>
        %swap3A_830 = arith.index_cast %add3A_496 : i32 to index
        %swap3A_831 = arith.constant 64 : index
        %swap3A_832 = tpu.vector_load %swap3A_829[%swap3A_830, %swap3A_831] {strides = array<i32>} : memref<64x128xf32, #tpu.memory_space<vmem>>, vector<1x16xf32>,
        %swap3A_833 = vector.shape_cast %swap3A_832 : vector<1x16xf32> to vector<16xf32>
        %swap3A_834 = vector.shape_cast %add3A_825 : vector<16xf32> to vector<1x16xf32>
        tpu.vector_store %swap3A_829[%swap3A_830, %swap3A_831], %swap3A_834 {strides = array<i32>} : memref<64x128xf32, #tpu.memory_space<vmem>>, vector<1x16xf32>,
        %sub3A_835 = arith.subf %add3A_598, %mul3A_698 : vector<16xf32>
        %mul3A_836 = arith.mulf %sub3A_835, %mul3A_770 : vector<16xf32>
        %mul3A_837 = arith.mulf %mul3A_836, %get3A_30 : vector<16xf32>
        %add3A_838 = arith.addf %mul3A_837, %get3A_54 : vector<16xf32>
        %swap3A_839 = arith.constant 0 : i32
        %swap3A_840 = arith.constant 0 : i32
        %swap3A_841 = tpu.memref_slice %arg13[%scan3A_333, %swap3A_839, %swap3A_840] : memref<4x64x128xf32, #tpu.memory_space<vmem>> -> memref<1x64x128xf32, #tpu.memory_space<vmem>>
        %swap3A_842 = tpu.memref_squeeze %swap3A_841 : memref<1x64x128xf32, #tpu.memory_space<vmem>> -> memref<64x128xf32, #tpu.memory_space<vmem>>
        %swap3A_843 = arith.index_cast %add3A_496 : i32 to index
        %swap3A_844 = arith.constant 80 : index
        %swap3A_845 = tpu.vector_load %swap3A_842[%swap3A_843, %swap3A_844] {strides = array<i32>} : memref<64x128xf32, #tpu.memory_space<vmem>>, vector<1x16xf32>,
        %swap3A_846 = vector.shape_cast %swap3A_845 : vector<1x16xf32> to vector<16xf32>
        %swap3A_847 = vector.shape_cast %add3A_838 : vector<16xf32> to vector<1x16xf32>
        tpu.vector_store %swap3A_842[%swap3A_843, %swap3A_844], %swap3A_847 {strides = array<i32>} : memref<64x128xf32, #tpu.memory_space<vmem>>, vector<1x16xf32>,
        %sub3A_848 = arith.subf %add3A_615, %mul3A_698 : vector<16xf32>
        %mul3A_849 = arith.mulf %sub3A_848, %mul3A_770 : vector<16xf32>
        %mul3A_850 = arith.mulf %mul3A_849, %get3A_33 : vector<16xf32>
        %add3A_851 = arith.addf %mul3A_850, %get3A_57 : vector<16xf32>
        %swap3A_852 = arith.constant 0 : i32
        %swap3A_853 = arith.constant 0 : i32
        %swap3A_854 = tpu.memref_slice %arg13[%scan3A_333, %swap3A_852, %swap3A_853] : memref<4x64x128xf32, #tpu.memory_space<vmem>> -> memref<1x64x128xf32, #tpu.memory_space<vmem>>
        %swap3A_855 = tpu.memref_squeeze %swap3A_854 : memref<1x64x128xf32, #tpu.memory_space<vmem>> -> memref<64x128xf32, #tpu.memory_space<vmem>>
        %swap3A_856 = arith.index_cast %add3A_496 : i32 to index
        %swap3A_857 = arith.constant 96 : index
        %swap3A_858 = tpu.vector_load %swap3A_855[%swap3A_856, %swap3A_857] {strides = array<i32>} : memref<64x128xf32, #tpu.memory_space<vmem>>, vector<1x16xf32>,
        %swap3A_859 = vector.shape_cast %swap3A_858 : vector<1x16xf32> to vector<16xf32>
        %swap3A_860 = vector.shape_cast %add3A_851 : vector<16xf32> to vector<1x16xf32>
        tpu.vector_store %swap3A_855[%swap3A_856, %swap3A_857], %swap3A_860 {strides = array<i32>} : memref<64x128xf32, #tpu.memory_space<vmem>>, vector<1x16xf32>,
        %sub3A_861 = arith.subf %add3A_632, %mul3A_698 : vector<16xf32>
        %mul3A_862 = arith.mulf %sub3A_861, %mul3A_770 : vector<16xf32>
        %mul3A_863 = arith.mulf %mul3A_862, %get3A_36 : vector<16xf32>
        %add3A_864 = arith.addf %mul3A_863, %get3A_60 : vector<16xf32>
        %swap3A_865 = arith.constant 0 : i32
        %swap3A_866 = arith.constant 0 : i32
        %swap3A_867 = tpu.memref_slice %arg13[%scan3A_333, %swap3A_865, %swap3A_866] : memref<4x64x128xf32, #tpu.memory_space<vmem>> -> memref<1x64x128xf32, #tpu.memory_space<vmem>>
        %swap3A_868 = tpu.memref_squeeze %swap3A_867 : memref<1x64x128xf32, #tpu.memory_space<vmem>> -> memref<64x128xf32, #tpu.memory_space<vmem>>
        %swap3A_869 = arith.index_cast %add3A_496 : i32 to index
        %swap3A_870 = arith.constant 112 : index
        %swap3A_871 = tpu.vector_load %swap3A_868[%swap3A_869, %swap3A_870] {strides = array<i32>} : memref<64x128xf32, #tpu.memory_space<vmem>>, vector<1x16xf32>,
        %swap3A_872 = vector.shape_cast %swap3A_871 : vector<1x16xf32> to vector<16xf32>
        %swap3A_873 = vector.shape_cast %add3A_864 : vector<16xf32> to vector<1x16xf32>
        tpu.vector_store %swap3A_868[%swap3A_869, %swap3A_870], %swap3A_873 {strides = array<i32>} : memref<64x128xf32, #tpu.memory_space<vmem>>, vector<1x16xf32>,
      }
      %scan3A_338 = arith.constant 64 : i32
      %mul3A_339 = arith.constant 64 : i32
      %mul3A_340 = arith.muli %add3A_298, %mul3A_339 : i32
      %add3A_341 = arith.addi %mul3A_2, %mul3A_340 : i32
      %dma_start3A_342 = arith.constant 1 : i32
      %dma_start3A_343 = arith.constant 0 : i32
      %dma_start3A_344 = arith.constant 0 : i32
      %dma_start3A_345 = tpu.memref_slice %arg13[%dma_start3A_342, %dma_start3A_343, %dma_start3A_344] : memref<4x64x128xf32, #tpu.memory_space<vmem>> -> memref<1x64x128xf32, #tpu.memory_space<vmem>>
      %dma_start3A_346 = tpu.memref_squeeze %dma_start3A_345 : memref<1x64x128xf32, #tpu.memory_space<vmem>> -> memref<64x128xf32, #tpu.memory_space<vmem>>
      %dma_start3A_347 = arith.constant 0 : i32
      %dma_start3A_348 = tpu.memref_slice %arg7[%add3A_341, %dma_start3A_347] : memref<204800x128xf32, #tpu.memory_space<hbm>> -> memref<64x128xf32, #tpu.memory_space<hbm>>
      %dma_start3A_349 = arith.constant 0 : i32
      %dma_start3A_350 = tpu.memref_slice %arg7[%add3A_341, %dma_start3A_349] : memref<204800x128xf32, #tpu.memory_space<hbm>> -> memref<64x128xf32, #tpu.memory_space<hbm>>
      %dma_start3A_351 = arith.constant 0 : i32
      %dma_start3A_352 = arith.constant 0 : i32
      %dma_start3A_353 = tpu.memref_slice %arg13[%dma_start3A_342, %dma_start3A_351, %dma_start3A_352] : memref<4x64x128xf32, #tpu.memory_space<vmem>> -> memref<1x64x128xf32, #tpu.memory_space<vmem>>
      %dma_start3A_354 = tpu.memref_squeeze %dma_start3A_353 : memref<1x64x128xf32, #tpu.memory_space<vmem>> -> memref<64x128xf32, #tpu.memory_space<vmem>>
      tpu.enqueue_dma source(%dma_start3A_354 : memref<64x128xf32, #tpu.memory_space<vmem>>) target(%dma_start3A_350 : memref<64x128xf32, #tpu.memory_space<hbm>>) target_semaphore(%arg19 : memref<!tpu.dma_semaphore, #tpu.memory_space<semaphore_mem>>)
      %add3A_355 = arith.constant 4 : i32
      %add3A_356 = arith.addi %add3A_298, %add3A_355 : i32
      %lt3A_357 = arith.constant 100 : i32
      %lt3A_358 = arith.cmpi slt, %add3A_356, %lt3A_357 : i32
      %convert_element_type3A_359 = arith.extui %lt3A_358 : i1 to i32
      %cond3A_360 = arith.constant 0 : i32
      %cond3A_361 = arith.cmpi ne, %convert_element_type3A_359, %cond3A_360 : i32
      scf.if %cond3A_361 {
        %add3A_492 = arith.constant 4 : i32
        %add3A_493 = arith.addi %add3A_298, %add3A_492 : i32
        %mul3A_494 = arith.constant 64 : i32
        %mul3A_495 = arith.muli %add3A_493, %mul3A_494 : i32
        %add3A_496 = arith.addi %mul3A_2, %mul3A_495 : i32
        %dma_start3A_497 = arith.constant 1 : i32
        %dma_start3A_498 = arith.constant 0 : i32
        %dma_start3A_499 = arith.constant 0 : i32
        %dma_start3A_500 = tpu.memref_slice %arg11[%dma_start3A_497, %dma_start3A_498, %dma_start3A_499] : memref<4x64x128xf32, #tpu.memory_space<vmem>> -> memref<1x64x128xf32, #tpu.memory_space<vmem>>
        %dma_start3A_501 = tpu.memref_squeeze %dma_start3A_500 : memref<1x64x128xf32, #tpu.memory_space<vmem>> -> memref<64x128xf32, #tpu.memory_space<vmem>>
        %dma_start3A_502 = arith.constant 0 : i32
        %dma_start3A_503 = tpu.memref_slice %arg2[%add3A_496, %dma_start3A_502] : memref<204800x128xf32, #tpu.memory_space<hbm>> -> memref<64x128xf32, #tpu.memory_space<hbm>>
        %dma_start3A_504 = arith.constant 0 : i32
        %dma_start3A_505 = arith.constant 0 : i32
        %dma_start3A_506 = tpu.memref_slice %arg11[%dma_start3A_497, %dma_start3A_504, %dma_start3A_505] : memref<4x64x128xf32, #tpu.memory_space<vmem>> -> memref<1x64x128xf32, #tpu.memory_space<vmem>>
        %dma_start3A_507 = tpu.memref_squeeze %dma_start3A_506 : memref<1x64x128xf32, #tpu.memory_space<vmem>> -> memref<64x128xf32, #tpu.memory_space<vmem>>
        %dma_start3A_508 = arith.constant 0 : i32
        %dma_start3A_509 = tpu.memref_slice %arg2[%add3A_496, %dma_start3A_508] : memref<204800x128xf32, #tpu.memory_space<hbm>> -> memref<64x128xf32, #tpu.memory_space<hbm>>
        tpu.enqueue_dma source(%dma_start3A_509 : memref<64x128xf32, #tpu.memory_space<hbm>>) target(%dma_start3A_507 : memref<64x128xf32, #tpu.memory_space<vmem>>) target_semaphore(%arg15 : memref<!tpu.dma_semaphore, #tpu.memory_space<semaphore_mem>>)
        %dma_start3A_510 = arith.constant 1 : i32
        %dma_start3A_511 = arith.constant 0 : i32
        %dma_start3A_512 = arith.constant 0 : i32
        %dma_start3A_513 = tpu.memref_slice %arg12[%dma_start3A_510, %dma_start3A_511, %dma_start3A_512] : memref<4x64x128xf32, #tpu.memory_space<vmem>> -> memref<1x64x128xf32, #tpu.memory_space<vmem>>
        %dma_start3A_514 = tpu.memref_squeeze %dma_start3A_513 : memref<1x64x128xf32, #tpu.memory_space<vmem>> -> memref<64x128xf32, #tpu.memory_space<vmem>>
        %dma_start3A_515 = arith.constant 0 : i32
        %dma_start3A_516 = tpu.memref_slice %arg8[%add3A_493, %dma_start3A_515] : memref<100x64xi32, #tpu.memory_space<vmem>> -> memref<1x64xi32, #tpu.memory_space<vmem>>
        %dma_start3A_517 = tpu.memref_squeeze %dma_start3A_516 : memref<1x64xi32, #tpu.memory_space<vmem>> -> memref<64xi32, #tpu.memory_space<vmem>>
        %dma_start3A_518 = arith.constant 0 : i32
        %dma_start3A_519 = arith.constant 0 : i32
        %dma_start3A_520 = tpu.memref_slice %arg4[%dma_start3A_518, %dma_start3A_519] : memref<1000x128xf32, #tpu.memory_space<hbm>> -> memref<1000x128xf32, #tpu.memory_space<hbm>>
        tpu.enqueue_indirect_dma source(%dma_start3A_520 : memref<1000x128xf32, #tpu.memory_space<hbm>>) target(%dma_start3A_514 : memref<64x128xf32, #tpu.memory_space<vmem>>) offsets(%dma_start3A_517 : memref<64xi32, #tpu.memory_space<vmem>>) semaphore(%arg15 : memref<!tpu.dma_semaphore, #tpu.memory_space<semaphore_mem>>)
      } else {
      }
      %add3A_362 = arith.constant 2 : i32
      %add3A_363 = arith.addi %add3A_235, %add3A_362 : i32
      %mul3A_364 = arith.constant 64 : i32
      %mul3A_365 = arith.muli %add3A_363, %mul3A_364 : i32
      %add3A_366 = arith.addi %mul3A_2, %mul3A_365 : i32
      %dma_wait3A_367 = arith.constant 2 : i32
      %dma_wait3A_368 = arith.constant 0 : i32
      %dma_wait3A_369 = arith.constant 0 : i32
      %dma_wait3A_370 = tpu.memref_slice %arg11[%dma_wait3A_367, %dma_wait3A_368, %dma_wait3A_369] : memref<4x64x128xf32, #tpu.memory_space<vmem>> -> memref<1x64x128xf32, #tpu.memory_space<vmem>>
      %dma_wait3A_371 = tpu.memref_squeeze %dma_wait3A_370 : memref<1x64x128xf32, #tpu.memory_space<vmem>> -> memref<64x128xf32, #tpu.memory_space<vmem>>
      %dma_wait3A_372 = arith.constant 0 : i32
      %dma_wait3A_373 = tpu.memref_slice %arg2[%add3A_366, %dma_wait3A_372] : memref<204800x128xf32, #tpu.memory_space<hbm>> -> memref<64x128xf32, #tpu.memory_space<hbm>>
      %dma_wait3A_374 = arith.constant 0 : i32
      %dma_wait3A_375 = arith.constant 0 : i32
      %dma_wait3A_376 = tpu.memref_slice %arg11[%dma_wait3A_367, %dma_wait3A_374, %dma_wait3A_375] : memref<4x64x128xf32, #tpu.memory_space<vmem>> -> memref<1x64x128xf32, #tpu.memory_space<vmem>>
      %dma_wait3A_377 = tpu.memref_squeeze %dma_wait3A_376 : memref<1x64x128xf32, #tpu.memory_space<vmem>> -> memref<64x128xf32, #tpu.memory_space<vmem>>
      %dma_wait3A_378 = arith.constant 0 : i32
      %dma_wait3A_379 = tpu.memref_slice %arg2[%add3A_366, %dma_wait3A_378] : memref<204800x128xf32, #tpu.memory_space<hbm>> -> memref<64x128xf32, #tpu.memory_space<hbm>>
      tpu.wait_dma2 semaphore(%arg16 : memref<!tpu.dma_semaphore, #tpu.memory_space<semaphore_mem>>) src(%dma_wait3A_379 : memref<64x128xf32, #tpu.memory_space<hbm>>) dst(%dma_wait3A_377 : memref<64x128xf32, #tpu.memory_space<vmem>>)
      %dma_wait3A_380 = arith.constant 2 : i32
      %dma_wait3A_381 = arith.constant 0 : i32
      %dma_wait3A_382 = arith.constant 0 : i32
      %dma_wait3A_383 = tpu.memref_slice %arg12[%dma_wait3A_380, %dma_wait3A_381, %dma_wait3A_382] : memref<4x64x128xf32, #tpu.memory_space<vmem>> -> memref<1x64x128xf32, #tpu.memory_space<vmem>>
      %dma_wait3A_384 = tpu.memref_squeeze %dma_wait3A_383 : memref<1x64x128xf32, #tpu.memory_space<vmem>> -> memref<64x128xf32, #tpu.memory_space<vmem>>
      %dma_wait3A_385 = arith.constant 0 : i32
      %dma_wait3A_386 = tpu.memref_slice %arg8[%add3A_363, %dma_wait3A_385] : memref<100x64xi32, #tpu.memory_space<vmem>> -> memref<1x64xi32, #tpu.memory_space<vmem>>
      %dma_wait3A_387 = tpu.memref_squeeze %dma_wait3A_386 : memref<1x64xi32, #tpu.memory_space<vmem>> -> memref<64xi32, #tpu.memory_space<vmem>>
      %dma_wait3A_388 = arith.constant 0 : i32
      %dma_wait3A_389 = arith.constant 0 : i32
      %dma_wait3A_390 = tpu.memref_slice %arg4[%dma_wait3A_388, %dma_wait3A_389] : memref<1000x128xf32, #tpu.memory_space<hbm>> -> memref<1000x128xf32, #tpu.memory_space<hbm>>
      tpu.wait_indirect_dma semaphore(%arg16 : memref<!tpu.dma_semaphore, #tpu.memory_space<semaphore_mem>>) src(%dma_wait3A_390 : memref<1000x128xf32, #tpu.memory_space<hbm>>) dst(%dma_wait3A_384 : memref<64x128xf32, #tpu.memory_space<vmem>>)
      %ge3A_391 = arith.constant 4 : i32
      %ge3A_392 = arith.cmpi sge, %add3A_363, %ge3A_391 : i32
      %convert_element_type3A_393 = arith.extui %ge3A_392 : i1 to i32
      %cond3A_394 = arith.constant 0 : i32
      %cond3A_395 = arith.cmpi ne, %convert_element_type3A_393, %cond3A_394 : i32
      scf.if %cond3A_395 {
        %sub3A = arith.constant 4 : i32
        %sub3A_492 = arith.subi %add3A_363, %sub3A : i32
        %mul3A_493 = arith.constant 64 : i32
        %mul3A_494 = arith.muli %sub3A_492, %mul3A_493 : i32
        %add3A_495 = arith.addi %mul3A_2, %mul3A_494 : i32
        %dma_wait3A_496 = arith.constant 2 : i32
        %dma_wait3A_497 = arith.constant 0 : i32
        %dma_wait3A_498 = arith.constant 0 : i32
        %dma_wait3A_499 = tpu.memref_slice %arg13[%dma_wait3A_496, %dma_wait3A_497, %dma_wait3A_498] : memref<4x64x128xf32, #tpu.memory_space<vmem>> -> memref<1x64x128xf32, #tpu.memory_space<vmem>>
        %dma_wait3A_500 = tpu.memref_squeeze %dma_wait3A_499 : memref<1x64x128xf32, #tpu.memory_space<vmem>> -> memref<64x128xf32, #tpu.memory_space<vmem>>
        %dma_wait3A_501 = arith.constant 0 : i32
        %dma_wait3A_502 = tpu.memref_slice %arg7[%add3A_495, %dma_wait3A_501] : memref<204800x128xf32, #tpu.memory_space<hbm>> -> memref<64x128xf32, #tpu.memory_space<hbm>>
        %dma_wait3A_503 = arith.constant 0 : i32
        %dma_wait3A_504 = tpu.memref_slice %arg7[%add3A_495, %dma_wait3A_503] : memref<204800x128xf32, #tpu.memory_space<hbm>> -> memref<64x128xf32, #tpu.memory_space<hbm>>
        %dma_wait3A_505 = arith.constant 0 : i32
        %dma_wait3A_506 = arith.constant 0 : i32
        %dma_wait3A_507 = tpu.memref_slice %arg13[%dma_wait3A_496, %dma_wait3A_505, %dma_wait3A_506] : memref<4x64x128xf32, #tpu.memory_space<vmem>> -> memref<1x64x128xf32, #tpu.memory_space<vmem>>
        %dma_wait3A_508 = tpu.memref_squeeze %dma_wait3A_507 : memref<1x64x128xf32, #tpu.memory_space<vmem>> -> memref<64x128xf32, #tpu.memory_space<vmem>>
        tpu.wait_dma2 semaphore(%arg20 : memref<!tpu.dma_semaphore, #tpu.memory_space<semaphore_mem>>) src(%dma_wait3A_508 : memref<64x128xf32, #tpu.memory_space<vmem>>) dst(%dma_wait3A_504 : memref<64x128xf32, #tpu.memory_space<hbm>>)
      } else {
      }
      %scan3A_396 = arith.constant 2 : i32
      %scan3A_397 = arith.constant 2 : i32
      %scan3A_398 = arith.constant 2 : i32
      %scan3A_399 = arith.constant 0 : i32
      %scan3A_400 = arith.constant 64 : i32
      %scan3A_401 = arith.addi %scan3A_399, %scan3A_400 : i32
      %scan3A_402 = arith.constant 1 : i32
      scf.for %scan3A_492 = %scan3A_399 to %scan3A_401 step %scan3A_402  : i32 {
        %mul3A_493 = arith.constant 1 : i32
        %mul3A_494 = arith.muli %scan3A_492, %mul3A_493 : i32
        %add3A_495 = arith.constant 0 : i32
        %add3A_496 = arith.addi %add3A_495, %mul3A_494 : i32
        %get3A_497 = arith.constant 0 : i32
        %get3A_498 = arith.constant 0 : i32
        %get3A_499 = tpu.memref_slice %arg11[%scan3A_396, %get3A_497, %get3A_498] : memref<4x64x128xf32, #tpu.memory_space<vmem>> -> memref<1x64x128xf32, #tpu.memory_space<vmem>>
        %get3A_500 = tpu.memref_squeeze %get3A_499 : memref<1x64x128xf32, #tpu.memory_space<vmem>> -> memref<64x128xf32, #tpu.memory_space<vmem>>
        %get3A_501 = arith.index_cast %add3A_496 : i32 to index
        %get3A_502 = arith.constant 0 : index
        %get3A_503 = tpu.vector_load %get3A_500[%get3A_501, %get3A_502] {strides = array<i32>} : memref<64x128xf32, #tpu.memory_space<vmem>>, vector<1x16xf32>,
        %get3A_504 = vector.shape_cast %get3A_503 : vector<1x16xf32> to vector<16xf32>
        %get3A_505 = arith.constant 0 : i32
        %get3A_506 = arith.constant 0 : i32
        %get3A_507 = tpu.memref_slice %arg12[%scan3A_397, %get3A_505, %get3A_506] : memref<4x64x128xf32, #tpu.memory_space<vmem>> -> memref<1x64x128xf32, #tpu.memory_space<vmem>>
        %get3A_508 = tpu.memref_squeeze %get3A_507 : memref<1x64x128xf32, #tpu.memory_space<vmem>> -> memref<64x128xf32, #tpu.memory_space<vmem>>
        %get3A_509 = arith.index_cast %add3A_496 : i32 to index
        %get3A_510 = arith.constant 0 : index
        %get3A_511 = tpu.vector_load %get3A_508[%get3A_509, %get3A_510] {strides = array<i32>} : memref<64x128xf32, #tpu.memory_space<vmem>>, vector<1x16xf32>,
        %get3A_512 = vector.shape_cast %get3A_511 : vector<1x16xf32> to vector<16xf32>
        %add3A_513 = arith.addf %get3A_504, %get3A_512 : vector<16xf32>
        %get3A_514 = arith.constant 0 : i32
        %get3A_515 = arith.constant 0 : i32
        %get3A_516 = tpu.memref_slice %arg11[%scan3A_396, %get3A_514, %get3A_515] : memref<4x64x128xf32, #tpu.memory_space<vmem>> -> memref<1x64x128xf32, #tpu.memory_space<vmem>>
        %get3A_517 = tpu.memref_squeeze %get3A_516 : memref<1x64x128xf32, #tpu.memory_space<vmem>> -> memref<64x128xf32, #tpu.memory_space<vmem>>
        %get3A_518 = arith.index_cast %add3A_496 : i32 to index
        %get3A_519 = arith.constant 16 : index
        %get3A_520 = tpu.vector_load %get3A_517[%get3A_518, %get3A_519] {strides = array<i32>} : memref<64x128xf32, #tpu.memory_space<vmem>>, vector<1x16xf32>,
        %get3A_521 = vector.shape_cast %get3A_520 : vector<1x16xf32> to vector<16xf32>
        %get3A_522 = arith.constant 0 : i32
        %get3A_523 = arith.constant 0 : i32
        %get3A_524 = tpu.memref_slice %arg12[%scan3A_397, %get3A_522, %get3A_523] : memref<4x64x128xf32, #tpu.memory_space<vmem>> -> memref<1x64x128xf32, #tpu.memory_space<vmem>>
        %get3A_525 = tpu.memref_squeeze %get3A_524 : memref<1x64x128xf32, #tpu.memory_space<vmem>> -> memref<64x128xf32, #tpu.memory_space<vmem>>
        %get3A_526 = arith.index_cast %add3A_496 : i32 to index
        %get3A_527 = arith.constant 16 : index
        %get3A_528 = tpu.vector_load %get3A_525[%get3A_526, %get3A_527] {strides = array<i32>} : memref<64x128xf32, #tpu.memory_space<vmem>>, vector<1x16xf32>,
        %get3A_529 = vector.shape_cast %get3A_528 : vector<1x16xf32> to vector<16xf32>
        %add3A_530 = arith.addf %get3A_521, %get3A_529 : vector<16xf32>
        %get3A_531 = arith.constant 0 : i32
        %get3A_532 = arith.constant 0 : i32
        %get3A_533 = tpu.memref_slice %arg11[%scan3A_396, %get3A_531, %get3A_532] : memref<4x64x128xf32, #tpu.memory_space<vmem>> -> memref<1x64x128xf32, #tpu.memory_space<vmem>>
        %get3A_534 = tpu.memref_squeeze %get3A_533 : memref<1x64x128xf32, #tpu.memory_space<vmem>> -> memref<64x128xf32, #tpu.memory_space<vmem>>
        %get3A_535 = arith.index_cast %add3A_496 : i32 to index
        %get3A_536 = arith.constant 32 : index
        %get3A_537 = tpu.vector_load %get3A_534[%get3A_535, %get3A_536] {strides = array<i32>} : memref<64x128xf32, #tpu.memory_space<vmem>>, vector<1x16xf32>,
        %get3A_538 = vector.shape_cast %get3A_537 : vector<1x16xf32> to vector<16xf32>
        %get3A_539 = arith.constant 0 : i32
        %get3A_540 = arith.constant 0 : i32
        %get3A_541 = tpu.memref_slice %arg12[%scan3A_397, %get3A_539, %get3A_540] : memref<4x64x128xf32, #tpu.memory_space<vmem>> -> memref<1x64x128xf32, #tpu.memory_space<vmem>>
        %get3A_542 = tpu.memref_squeeze %get3A_541 : memref<1x64x128xf32, #tpu.memory_space<vmem>> -> memref<64x128xf32, #tpu.memory_space<vmem>>
        %get3A_543 = arith.index_cast %add3A_496 : i32 to index
        %get3A_544 = arith.constant 32 : index
        %get3A_545 = tpu.vector_load %get3A_542[%get3A_543, %get3A_544] {strides = array<i32>} : memref<64x128xf32, #tpu.memory_space<vmem>>, vector<1x16xf32>,
        %get3A_546 = vector.shape_cast %get3A_545 : vector<1x16xf32> to vector<16xf32>
        %add3A_547 = arith.addf %get3A_538, %get3A_546 : vector<16xf32>
        %get3A_548 = arith.constant 0 : i32
        %get3A_549 = arith.constant 0 : i32
        %get3A_550 = tpu.memref_slice %arg11[%scan3A_396, %get3A_548, %get3A_549] : memref<4x64x128xf32, #tpu.memory_space<vmem>> -> memref<1x64x128xf32, #tpu.memory_space<vmem>>
        %get3A_551 = tpu.memref_squeeze %get3A_550 : memref<1x64x128xf32, #tpu.memory_space<vmem>> -> memref<64x128xf32, #tpu.memory_space<vmem>>
        %get3A_552 = arith.index_cast %add3A_496 : i32 to index
        %get3A_553 = arith.constant 48 : index
        %get3A_554 = tpu.vector_load %get3A_551[%get3A_552, %get3A_553] {strides = array<i32>} : memref<64x128xf32, #tpu.memory_space<vmem>>, vector<1x16xf32>,
        %get3A_555 = vector.shape_cast %get3A_554 : vector<1x16xf32> to vector<16xf32>
        %get3A_556 = arith.constant 0 : i32
        %get3A_557 = arith.constant 0 : i32
        %get3A_558 = tpu.memref_slice %arg12[%scan3A_397, %get3A_556, %get3A_557] : memref<4x64x128xf32, #tpu.memory_space<vmem>> -> memref<1x64x128xf32, #tpu.memory_space<vmem>>
        %get3A_559 = tpu.memref_squeeze %get3A_558 : memref<1x64x128xf32, #tpu.memory_space<vmem>> -> memref<64x128xf32, #tpu.memory_space<vmem>>
        %get3A_560 = arith.index_cast %add3A_496 : i32 to index
        %get3A_561 = arith.constant 48 : index
        %get3A_562 = tpu.vector_load %get3A_559[%get3A_560, %get3A_561] {strides = array<i32>} : memref<64x128xf32, #tpu.memory_space<vmem>>, vector<1x16xf32>,
        %get3A_563 = vector.shape_cast %get3A_562 : vector<1x16xf32> to vector<16xf32>
        %add3A_564 = arith.addf %get3A_555, %get3A_563 : vector<16xf32>
        %get3A_565 = arith.constant 0 : i32
        %get3A_566 = arith.constant 0 : i32
        %get3A_567 = tpu.memref_slice %arg11[%scan3A_396, %get3A_565, %get3A_566] : memref<4x64x128xf32, #tpu.memory_space<vmem>> -> memref<1x64x128xf32, #tpu.memory_space<vmem>>
        %get3A_568 = tpu.memref_squeeze %get3A_567 : memref<1x64x128xf32, #tpu.memory_space<vmem>> -> memref<64x128xf32, #tpu.memory_space<vmem>>
        %get3A_569 = arith.index_cast %add3A_496 : i32 to index
        %get3A_570 = arith.constant 64 : index
        %get3A_571 = tpu.vector_load %get3A_568[%get3A_569, %get3A_570] {strides = array<i32>} : memref<64x128xf32, #tpu.memory_space<vmem>>, vector<1x16xf32>,
        %get3A_572 = vector.shape_cast %get3A_571 : vector<1x16xf32> to vector<16xf32>
        %get3A_573 = arith.constant 0 : i32
        %get3A_574 = arith.constant 0 : i32
        %get3A_575 = tpu.memref_slice %arg12[%scan3A_397, %get3A_573, %get3A_574] : memref<4x64x128xf32, #tpu.memory_space<vmem>> -> memref<1x64x128xf32, #tpu.memory_space<vmem>>
        %get3A_576 = tpu.memref_squeeze %get3A_575 : memref<1x64x128xf32, #tpu.memory_space<vmem>> -> memref<64x128xf32, #tpu.memory_space<vmem>>
        %get3A_577 = arith.index_cast %add3A_496 : i32 to index
        %get3A_578 = arith.constant 64 : index
        %get3A_579 = tpu.vector_load %get3A_576[%get3A_577, %get3A_578] {strides = array<i32>} : memref<64x128xf32, #tpu.memory_space<vmem>>, vector<1x16xf32>,
        %get3A_580 = vector.shape_cast %get3A_579 : vector<1x16xf32> to vector<16xf32>
        %add3A_581 = arith.addf %get3A_572, %get3A_580 : vector<16xf32>
        %get3A_582 = arith.constant 0 : i32
        %get3A_583 = arith.constant 0 : i32
        %get3A_584 = tpu.memref_slice %arg11[%scan3A_396, %get3A_582, %get3A_583] : memref<4x64x128xf32, #tpu.memory_space<vmem>> -> memref<1x64x128xf32, #tpu.memory_space<vmem>>
        %get3A_585 = tpu.memref_squeeze %get3A_584 : memref<1x64x128xf32, #tpu.memory_space<vmem>> -> memref<64x128xf32, #tpu.memory_space<vmem>>
        %get3A_586 = arith.index_cast %add3A_496 : i32 to index
        %get3A_587 = arith.constant 80 : index
        %get3A_588 = tpu.vector_load %get3A_585[%get3A_586, %get3A_587] {strides = array<i32>} : memref<64x128xf32, #tpu.memory_space<vmem>>, vector<1x16xf32>,
        %get3A_589 = vector.shape_cast %get3A_588 : vector<1x16xf32> to vector<16xf32>
        %get3A_590 = arith.constant 0 : i32
        %get3A_591 = arith.constant 0 : i32
        %get3A_592 = tpu.memref_slice %arg12[%scan3A_397, %get3A_590, %get3A_591] : memref<4x64x128xf32, #tpu.memory_space<vmem>> -> memref<1x64x128xf32, #tpu.memory_space<vmem>>
        %get3A_593 = tpu.memref_squeeze %get3A_592 : memref<1x64x128xf32, #tpu.memory_space<vmem>> -> memref<64x128xf32, #tpu.memory_space<vmem>>
        %get3A_594 = arith.index_cast %add3A_496 : i32 to index
        %get3A_595 = arith.constant 80 : index
        %get3A_596 = tpu.vector_load %get3A_593[%get3A_594, %get3A_595] {strides = array<i32>} : memref<64x128xf32, #tpu.memory_space<vmem>>, vector<1x16xf32>,
        %get3A_597 = vector.shape_cast %get3A_596 : vector<1x16xf32> to vector<16xf32>
        %add3A_598 = arith.addf %get3A_589, %get3A_597 : vector<16xf32>
        %get3A_599 = arith.constant 0 : i32
        %get3A_600 = arith.constant 0 : i32
        %get3A_601 = tpu.memref_slice %arg11[%scan3A_396, %get3A_599, %get3A_600] : memref<4x64x128xf32, #tpu.memory_space<vmem>> -> memref<1x64x128xf32, #tpu.memory_space<vmem>>
        %get3A_602 = tpu.memref_squeeze %get3A_601 : memref<1x64x128xf32, #tpu.memory_space<vmem>> -> memref<64x128xf32, #tpu.memory_space<vmem>>
        %get3A_603 = arith.index_cast %add3A_496 : i32 to index
        %get3A_604 = arith.constant 96 : index
        %get3A_605 = tpu.vector_load %get3A_602[%get3A_603, %get3A_604] {strides = array<i32>} : memref<64x128xf32, #tpu.memory_space<vmem>>, vector<1x16xf32>,
        %get3A_606 = vector.shape_cast %get3A_605 : vector<1x16xf32> to vector<16xf32>
        %get3A_607 = arith.constant 0 : i32
        %get3A_608 = arith.constant 0 : i32
        %get3A_609 = tpu.memref_slice %arg12[%scan3A_397, %get3A_607, %get3A_608] : memref<4x64x128xf32, #tpu.memory_space<vmem>> -> memref<1x64x128xf32, #tpu.memory_space<vmem>>
        %get3A_610 = tpu.memref_squeeze %get3A_609 : memref<1x64x128xf32, #tpu.memory_space<vmem>> -> memref<64x128xf32, #tpu.memory_space<vmem>>
        %get3A_611 = arith.index_cast %add3A_496 : i32 to index
        %get3A_612 = arith.constant 96 : index
        %get3A_613 = tpu.vector_load %get3A_610[%get3A_611, %get3A_612] {strides = array<i32>} : memref<64x128xf32, #tpu.memory_space<vmem>>, vector<1x16xf32>,
        %get3A_614 = vector.shape_cast %get3A_613 : vector<1x16xf32> to vector<16xf32>
        %add3A_615 = arith.addf %get3A_606, %get3A_614 : vector<16xf32>
        %get3A_616 = arith.constant 0 : i32
        %get3A_617 = arith.constant 0 : i32
        %get3A_618 = tpu.memref_slice %arg11[%scan3A_396, %get3A_616, %get3A_617] : memref<4x64x128xf32, #tpu.memory_space<vmem>> -> memref<1x64x128xf32, #tpu.memory_space<vmem>>
        %get3A_619 = tpu.memref_squeeze %get3A_618 : memref<1x64x128xf32, #tpu.memory_space<vmem>> -> memref<64x128xf32, #tpu.memory_space<vmem>>
        %get3A_620 = arith.index_cast %add3A_496 : i32 to index
        %get3A_621 = arith.constant 112 : index
        %get3A_622 = tpu.vector_load %get3A_619[%get3A_620, %get3A_621] {strides = array<i32>} : memref<64x128xf32, #tpu.memory_space<vmem>>, vector<1x16xf32>,
        %get3A_623 = vector.shape_cast %get3A_622 : vector<1x16xf32> to vector<16xf32>
        %get3A_624 = arith.constant 0 : i32
        %get3A_625 = arith.constant 0 : i32
        %get3A_626 = tpu.memref_slice %arg12[%scan3A_397, %get3A_624, %get3A_625] : memref<4x64x128xf32, #tpu.memory_space<vmem>> -> memref<1x64x128xf32, #tpu.memory_space<vmem>>
        %get3A_627 = tpu.memref_squeeze %get3A_626 : memref<1x64x128xf32, #tpu.memory_space<vmem>> -> memref<64x128xf32, #tpu.memory_space<vmem>>
        %get3A_628 = arith.index_cast %add3A_496 : i32 to index
        %get3A_629 = arith.constant 112 : index
        %get3A_630 = tpu.vector_load %get3A_627[%get3A_628, %get3A_629] {strides = array<i32>} : memref<64x128xf32, #tpu.memory_space<vmem>>, vector<1x16xf32>,
        %get3A_631 = vector.shape_cast %get3A_630 : vector<1x16xf32> to vector<16xf32>
        %add3A_632 = arith.addf %get3A_623, %get3A_631 : vector<16xf32>
        %mul3A_633 = arith.mulf %add3A_513, %add3A_513 : vector<16xf32>
        %add3A_634 = arith.addf %add3A_513, %add3A_530 : vector<16xf32>
        %mul3A_635 = arith.mulf %add3A_530, %add3A_530 : vector<16xf32>
        %add3A_636 = arith.addf %mul3A_633, %mul3A_635 : vector<16xf32>
        %add3A_637 = arith.addf %add3A_634, %add3A_547 : vector<16xf32>
        %mul3A_638 = arith.mulf %add3A_547, %add3A_547 : vector<16xf32>
        %add3A_639 = arith.addf %add3A_636, %mul3A_638 : vector<16xf32>
        %add3A_640 = arith.addf %add3A_637, %add3A_564 : vector<16xf32>
        %mul3A_641 = arith.mulf %add3A_564, %add3A_564 : vector<16xf32>
        %add3A_642 = arith.addf %add3A_639, %mul3A_641 : vector<16xf32>
        %add3A_643 = arith.addf %add3A_640, %add3A_581 : vector<16xf32>
        %mul3A_644 = arith.mulf %add3A_581, %add3A_581 : vector<16xf32>
        %add3A_645 = arith.addf %add3A_642, %mul3A_644 : vector<16xf32>
        %add3A_646 = arith.addf %add3A_643, %add3A_598 : vector<16xf32>
        %mul3A_647 = arith.mulf %add3A_598, %add3A_598 : vector<16xf32>
        %add3A_648 = arith.addf %add3A_645, %mul3A_647 : vector<16xf32>
        %add3A_649 = arith.addf %add3A_646, %add3A_615 : vector<16xf32>
        %mul3A_650 = arith.mulf %add3A_615, %add3A_615 : vector<16xf32>
        %add3A_651 = arith.addf %add3A_648, %mul3A_650 : vector<16xf32>
        %add3A_652 = arith.addf %add3A_649, %add3A_632 : vector<16xf32>
        %mul3A_653 = arith.mulf %add3A_632, %add3A_632 : vector<16xf32>
        %add3A_654 = arith.addf %add3A_651, %mul3A_653 : vector<16xf32>
        %lt3A_655 = arith.constant 0 : i32
        %lt3A_656 = vector.broadcast %lt3A_655 : i32 to vector<16xi32>
        %lt3A_657 = arith.cmpi slt, %xor3A_4, %lt3A_656 : vector<16xi32>
        %add3A_658 = arith.constant 16 : i32
        %add3A_659 = vector.broadcast %add3A_658 : i32 to vector<16xi32>
        %add3A_660 = arith.addi %xor3A_4, %add3A_659 : vector<16xi32>
        %select_n3A = arith.select %lt3A_657, %add3A_660, %xor3A_4 : vector<16xi1>, vector<16xi32>
        %broadcast_in_dim3A = vector.shape_cast %select_n3A : vector<16xi32> to vector<16x1xi32>
        %gather3A = vector.shape_cast %broadcast_in_dim3A : vector<16x1xi32> to vector<16xi32>
        %gather3A_661 = tpu.dynamic_gather %add3A_652[%gather3A] in [0] : vector<16xf32>, vector<16xi32> -> vector<16xf32>
        %add3A_662 = arith.addf %add3A_652, %gather3A_661 : vector<16xf32>
        %lt3A_663 = arith.constant 0 : i32
        %lt3A_664 = vector.broadcast %lt3A_663 : i32 to vector<16xi32>
        %lt3A_665 = arith.cmpi slt, %xor3A_7, %lt3A_664 : vector<16xi32>
        %add3A_666 = arith.constant 16 : i32
        %add3A_667 = vector.broadcast %add3A_666 : i32 to vector<16xi32>
        %add3A_668 = arith.addi %xor3A_7, %add3A_667 : vector<16xi32>
        %select_n3A_669 = arith.select %lt3A_665, %add3A_668, %xor3A_7 : vector<16xi1>, vector<16xi32>
        %broadcast_in_dim3A_670 = vector.shape_cast %select_n3A_669 : vector<16xi32> to vector<16x1xi32>
        %gather3A_671 = vector.shape_cast %broadcast_in_dim3A_670 : vector<16x1xi32> to vector<16xi32>
        %gather3A_672 = tpu.dynamic_gather %add3A_662[%gather3A_671] in [0] : vector<16xf32>, vector<16xi32> -> vector<16xf32>
        %add3A_673 = arith.addf %add3A_662, %gather3A_672 : vector<16xf32>
        %lt3A_674 = arith.constant 0 : i32
        %lt3A_675 = vector.broadcast %lt3A_674 : i32 to vector<16xi32>
        %lt3A_676 = arith.cmpi slt, %xor3A_10, %lt3A_675 : vector<16xi32>
        %add3A_677 = arith.constant 16 : i32
        %add3A_678 = vector.broadcast %add3A_677 : i32 to vector<16xi32>
        %add3A_679 = arith.addi %xor3A_10, %add3A_678 : vector<16xi32>
        %select_n3A_680 = arith.select %lt3A_676, %add3A_679, %xor3A_10 : vector<16xi1>, vector<16xi32>
        %broadcast_in_dim3A_681 = vector.shape_cast %select_n3A_680 : vector<16xi32> to vector<16x1xi32>
        %gather3A_682 = vector.shape_cast %broadcast_in_dim3A_681 : vector<16x1xi32> to vector<16xi32>
        %gather3A_683 = tpu.dynamic_gather %add3A_673[%gather3A_682] in [0] : vector<16xf32>, vector<16xi32> -> vector<16xf32>
        %add3A_684 = arith.addf %add3A_673, %gather3A_683 : vector<16xf32>
        %lt3A_685 = arith.constant 0 : i32
        %lt3A_686 = vector.broadcast %lt3A_685 : i32 to vector<16xi32>
        %lt3A_687 = arith.cmpi slt, %xor3A_13, %lt3A_686 : vector<16xi32>
        %add3A_688 = arith.constant 16 : i32
        %add3A_689 = vector.broadcast %add3A_688 : i32 to vector<16xi32>
        %add3A_690 = arith.addi %xor3A_13, %add3A_689 : vector<16xi32>
        %select_n3A_691 = arith.select %lt3A_687, %add3A_690, %xor3A_13 : vector<16xi1>, vector<16xi32>
        %broadcast_in_dim3A_692 = vector.shape_cast %select_n3A_691 : vector<16xi32> to vector<16x1xi32>
        %gather3A_693 = vector.shape_cast %broadcast_in_dim3A_692 : vector<16x1xi32> to vector<16xi32>
        %gather3A_694 = tpu.dynamic_gather %add3A_684[%gather3A_693] in [0] : vector<16xf32>, vector<16xi32> -> vector<16xf32>
        %add3A_695 = arith.addf %add3A_684, %gather3A_694 : vector<16xf32>
        %mul3A_696 = arith.constant 7.812500e-03 : f32
        %mul3A_697 = vector.broadcast %mul3A_696 : f32 to vector<16xf32>
        %mul3A_698 = arith.mulf %add3A_695, %mul3A_697 : vector<16xf32>
        %lt3A_699 = arith.constant 0 : i32
        %lt3A_700 = vector.broadcast %lt3A_699 : i32 to vector<16xi32>
        %lt3A_701 = arith.cmpi slt, %xor3A_4, %lt3A_700 : vector<16xi32>
        %add3A_702 = arith.constant 16 : i32
        %add3A_703 = vector.broadcast %add3A_702 : i32 to vector<16xi32>
        %add3A_704 = arith.addi %xor3A_4, %add3A_703 : vector<16xi32>
        %select_n3A_705 = arith.select %lt3A_701, %add3A_704, %xor3A_4 : vector<16xi1>, vector<16xi32>
        %broadcast_in_dim3A_706 = vector.shape_cast %select_n3A_705 : vector<16xi32> to vector<16x1xi32>
        %gather3A_707 = vector.shape_cast %broadcast_in_dim3A_706 : vector<16x1xi32> to vector<16xi32>
        %gather3A_708 = tpu.dynamic_gather %add3A_654[%gather3A_707] in [0] : vector<16xf32>, vector<16xi32> -> vector<16xf32>
        %add3A_709 = arith.addf %add3A_654, %gather3A_708 : vector<16xf32>
        %lt3A_710 = arith.constant 0 : i32
        %lt3A_711 = vector.broadcast %lt3A_710 : i32 to vector<16xi32>
        %lt3A_712 = arith.cmpi slt, %xor3A_7, %lt3A_711 : vector<16xi32>
        %add3A_713 = arith.constant 16 : i32
        %add3A_714 = vector.broadcast %add3A_713 : i32 to vector<16xi32>
        %add3A_715 = arith.addi %xor3A_7, %add3A_714 : vector<16xi32>
        %select_n3A_716 = arith.select %lt3A_712, %add3A_715, %xor3A_7 : vector<16xi1>, vector<16xi32>
        %broadcast_in_dim3A_717 = vector.shape_cast %select_n3A_716 : vector<16xi32> to vector<16x1xi32>
        %gather3A_718 = vector.shape_cast %broadcast_in_dim3A_717 : vector<16x1xi32> to vector<16xi32>
        %gather3A_719 = tpu.dynamic_gather %add3A_709[%gather3A_718] in [0] : vector<16xf32>, vector<16xi32> -> vector<16xf32>
        %add3A_720 = arith.addf %add3A_709, %gather3A_719 : vector<16xf32>
        %lt3A_721 = arith.constant 0 : i32
        %lt3A_722 = vector.broadcast %lt3A_721 : i32 to vector<16xi32>
        %lt3A_723 = arith.cmpi slt, %xor3A_10, %lt3A_722 : vector<16xi32>
        %add3A_724 = arith.constant 16 : i32
        %add3A_725 = vector.broadcast %add3A_724 : i32 to vector<16xi32>
        %add3A_726 = arith.addi %xor3A_10, %add3A_725 : vector<16xi32>
        %select_n3A_727 = arith.select %lt3A_723, %add3A_726, %xor3A_10 : vector<16xi1>, vector<16xi32>
        %broadcast_in_dim3A_728 = vector.shape_cast %select_n3A_727 : vector<16xi32> to vector<16x1xi32>
        %gather3A_729 = vector.shape_cast %broadcast_in_dim3A_728 : vector<16x1xi32> to vector<16xi32>
        %gather3A_730 = tpu.dynamic_gather %add3A_720[%gather3A_729] in [0] : vector<16xf32>, vector<16xi32> -> vector<16xf32>
        %add3A_731 = arith.addf %add3A_720, %gather3A_730 : vector<16xf32>
        %lt3A_732 = arith.constant 0 : i32
        %lt3A_733 = vector.broadcast %lt3A_732 : i32 to vector<16xi32>
        %lt3A_734 = arith.cmpi slt, %xor3A_13, %lt3A_733 : vector<16xi32>
        %add3A_735 = arith.constant 16 : i32
        %add3A_736 = vector.broadcast %add3A_735 : i32 to vector<16xi32>
        %add3A_737 = arith.addi %xor3A_13, %add3A_736 : vector<16xi32>
        %select_n3A_738 = arith.select %lt3A_734, %add3A_737, %xor3A_13 : vector<16xi1>, vector<16xi32>
        %broadcast_in_dim3A_739 = vector.shape_cast %select_n3A_738 : vector<16xi32> to vector<16x1xi32>
        %gather3A_740 = vector.shape_cast %broadcast_in_dim3A_739 : vector<16x1xi32> to vector<16xi32>
        %gather3A_741 = tpu.dynamic_gather %add3A_731[%gather3A_740] in [0] : vector<16xf32>, vector<16xi32> -> vector<16xf32>
        %add3A_742 = arith.addf %add3A_731, %gather3A_741 : vector<16xf32>
        %mul3A_743 = arith.constant 7.812500e-03 : f32
        %mul3A_744 = vector.broadcast %mul3A_743 : f32 to vector<16xf32>
        %mul3A_745 = arith.mulf %add3A_742, %mul3A_744 : vector<16xf32>
        %mul3A_746 = arith.mulf %mul3A_698, %mul3A_698 : vector<16xf32>
        %sub3A = arith.subf %mul3A_745, %mul3A_746 : vector<16xf32>
        %add3A_747 = arith.constant 9.99999974E-6 : f32
        %add3A_748 = vector.broadcast %add3A_747 : f32 to vector<16xf32>
        %add3A_749 = arith.addf %sub3A, %add3A_748 : vector<16xf32>
        %bitcast_convert_type3A = tpu.bitcast %add3A_749 : vector<16xf32> -> vector<16xi32>
        %broadcast_in_dim3A_750 = arith.constant 1597463007 : i32
        %broadcast_in_dim3A_751 = vector.broadcast %broadcast_in_dim3A_750 : i32 to vector<16xi32>
        %shift_right_arithmetic3A = arith.constant 1 : i32
        %shift_right_arithmetic3A_752 = vector.broadcast %shift_right_arithmetic3A : i32 to vector<16xi32>
        %shift_right_arithmetic3A_753 = arith.shrsi %bitcast_convert_type3A, %shift_right_arithmetic3A_752 : vector<16xi32>
        %sub3A_754 = arith.subi %broadcast_in_dim3A_751, %shift_right_arithmetic3A_753 : vector<16xi32>
        %bitcast_convert_type3A_755 = tpu.bitcast %sub3A_754 : vector<16xi32> -> vector<16xf32>
        %mul3A_756 = arith.constant 5.000000e-01 : f32
        %mul3A_757 = vector.broadcast %mul3A_756 : f32 to vector<16xf32>
        %mul3A_758 = arith.mulf %add3A_749, %mul3A_757 : vector<16xf32>
        %mul3A_759 = arith.mulf %mul3A_758, %bitcast_convert_type3A_755 : vector<16xf32>
        %mul3A_760 = arith.mulf %mul3A_759, %bitcast_convert_type3A_755 : vector<16xf32>
        %sub3A_761 = arith.constant 1.500000e+00 : f32
        %sub3A_762 = vector.broadcast %sub3A_761 : f32 to vector<16xf32>
        %sub3A_763 = arith.subf %sub3A_762, %mul3A_760 : vector<16xf32>
        %mul3A_764 = arith.mulf %bitcast_convert_type3A_755, %sub3A_763 : vector<16xf32>
        %mul3A_765 = arith.mulf %mul3A_758, %mul3A_764 : vector<16xf32>
        %mul3A_766 = arith.mulf %mul3A_765, %mul3A_764 : vector<16xf32>
        %sub3A_767 = arith.constant 1.500000e+00 : f32
        %sub3A_768 = vector.broadcast %sub3A_767 : f32 to vector<16xf32>
        %sub3A_769 = arith.subf %sub3A_768, %mul3A_766 : vector<16xf32>
        %mul3A_770 = arith.mulf %mul3A_764, %sub3A_769 : vector<16xf32>
        %sub3A_771 = arith.subf %add3A_513, %mul3A_698 : vector<16xf32>
        %mul3A_772 = arith.mulf %sub3A_771, %mul3A_770 : vector<16xf32>
        %mul3A_773 = arith.mulf %mul3A_772, %get3A_15 : vector<16xf32>
        %add3A_774 = arith.addf %mul3A_773, %get3A_39 : vector<16xf32>
        %swap3A = arith.constant 0 : i32
        %swap3A_775 = arith.constant 0 : i32
        %swap3A_776 = tpu.memref_slice %arg13[%scan3A_398, %swap3A, %swap3A_775] : memref<4x64x128xf32, #tpu.memory_space<vmem>> -> memref<1x64x128xf32, #tpu.memory_space<vmem>>
        %swap3A_777 = tpu.memref_squeeze %swap3A_776 : memref<1x64x128xf32, #tpu.memory_space<vmem>> -> memref<64x128xf32, #tpu.memory_space<vmem>>
        %swap3A_778 = arith.index_cast %add3A_496 : i32 to index
        %swap3A_779 = arith.constant 0 : index
        %swap3A_780 = tpu.vector_load %swap3A_777[%swap3A_778, %swap3A_779] {strides = array<i32>} : memref<64x128xf32, #tpu.memory_space<vmem>>, vector<1x16xf32>,
        %swap3A_781 = vector.shape_cast %swap3A_780 : vector<1x16xf32> to vector<16xf32>
        %swap3A_782 = vector.shape_cast %add3A_774 : vector<16xf32> to vector<1x16xf32>
        tpu.vector_store %swap3A_777[%swap3A_778, %swap3A_779], %swap3A_782 {strides = array<i32>} : memref<64x128xf32, #tpu.memory_space<vmem>>, vector<1x16xf32>,
        %sub3A_783 = arith.subf %add3A_530, %mul3A_698 : vector<16xf32>
        %mul3A_784 = arith.mulf %sub3A_783, %mul3A_770 : vector<16xf32>
        %mul3A_785 = arith.mulf %mul3A_784, %get3A_18 : vector<16xf32>
        %add3A_786 = arith.addf %mul3A_785, %get3A_42 : vector<16xf32>
        %swap3A_787 = arith.constant 0 : i32
        %swap3A_788 = arith.constant 0 : i32
        %swap3A_789 = tpu.memref_slice %arg13[%scan3A_398, %swap3A_787, %swap3A_788] : memref<4x64x128xf32, #tpu.memory_space<vmem>> -> memref<1x64x128xf32, #tpu.memory_space<vmem>>
        %swap3A_790 = tpu.memref_squeeze %swap3A_789 : memref<1x64x128xf32, #tpu.memory_space<vmem>> -> memref<64x128xf32, #tpu.memory_space<vmem>>
        %swap3A_791 = arith.index_cast %add3A_496 : i32 to index
        %swap3A_792 = arith.constant 16 : index
        %swap3A_793 = tpu.vector_load %swap3A_790[%swap3A_791, %swap3A_792] {strides = array<i32>} : memref<64x128xf32, #tpu.memory_space<vmem>>, vector<1x16xf32>,
        %swap3A_794 = vector.shape_cast %swap3A_793 : vector<1x16xf32> to vector<16xf32>
        %swap3A_795 = vector.shape_cast %add3A_786 : vector<16xf32> to vector<1x16xf32>
        tpu.vector_store %swap3A_790[%swap3A_791, %swap3A_792], %swap3A_795 {strides = array<i32>} : memref<64x128xf32, #tpu.memory_space<vmem>>, vector<1x16xf32>,
        %sub3A_796 = arith.subf %add3A_547, %mul3A_698 : vector<16xf32>
        %mul3A_797 = arith.mulf %sub3A_796, %mul3A_770 : vector<16xf32>
        %mul3A_798 = arith.mulf %mul3A_797, %get3A_21 : vector<16xf32>
        %add3A_799 = arith.addf %mul3A_798, %get3A_45 : vector<16xf32>
        %swap3A_800 = arith.constant 0 : i32
        %swap3A_801 = arith.constant 0 : i32
        %swap3A_802 = tpu.memref_slice %arg13[%scan3A_398, %swap3A_800, %swap3A_801] : memref<4x64x128xf32, #tpu.memory_space<vmem>> -> memref<1x64x128xf32, #tpu.memory_space<vmem>>
        %swap3A_803 = tpu.memref_squeeze %swap3A_802 : memref<1x64x128xf32, #tpu.memory_space<vmem>> -> memref<64x128xf32, #tpu.memory_space<vmem>>
        %swap3A_804 = arith.index_cast %add3A_496 : i32 to index
        %swap3A_805 = arith.constant 32 : index
        %swap3A_806 = tpu.vector_load %swap3A_803[%swap3A_804, %swap3A_805] {strides = array<i32>} : memref<64x128xf32, #tpu.memory_space<vmem>>, vector<1x16xf32>,
        %swap3A_807 = vector.shape_cast %swap3A_806 : vector<1x16xf32> to vector<16xf32>
        %swap3A_808 = vector.shape_cast %add3A_799 : vector<16xf32> to vector<1x16xf32>
        tpu.vector_store %swap3A_803[%swap3A_804, %swap3A_805], %swap3A_808 {strides = array<i32>} : memref<64x128xf32, #tpu.memory_space<vmem>>, vector<1x16xf32>,
        %sub3A_809 = arith.subf %add3A_564, %mul3A_698 : vector<16xf32>
        %mul3A_810 = arith.mulf %sub3A_809, %mul3A_770 : vector<16xf32>
        %mul3A_811 = arith.mulf %mul3A_810, %get3A_24 : vector<16xf32>
        %add3A_812 = arith.addf %mul3A_811, %get3A_48 : vector<16xf32>
        %swap3A_813 = arith.constant 0 : i32
        %swap3A_814 = arith.constant 0 : i32
        %swap3A_815 = tpu.memref_slice %arg13[%scan3A_398, %swap3A_813, %swap3A_814] : memref<4x64x128xf32, #tpu.memory_space<vmem>> -> memref<1x64x128xf32, #tpu.memory_space<vmem>>
        %swap3A_816 = tpu.memref_squeeze %swap3A_815 : memref<1x64x128xf32, #tpu.memory_space<vmem>> -> memref<64x128xf32, #tpu.memory_space<vmem>>
        %swap3A_817 = arith.index_cast %add3A_496 : i32 to index
        %swap3A_818 = arith.constant 48 : index
        %swap3A_819 = tpu.vector_load %swap3A_816[%swap3A_817, %swap3A_818] {strides = array<i32>} : memref<64x128xf32, #tpu.memory_space<vmem>>, vector<1x16xf32>,
        %swap3A_820 = vector.shape_cast %swap3A_819 : vector<1x16xf32> to vector<16xf32>
        %swap3A_821 = vector.shape_cast %add3A_812 : vector<16xf32> to vector<1x16xf32>
        tpu.vector_store %swap3A_816[%swap3A_817, %swap3A_818], %swap3A_821 {strides = array<i32>} : memref<64x128xf32, #tpu.memory_space<vmem>>, vector<1x16xf32>,
        %sub3A_822 = arith.subf %add3A_581, %mul3A_698 : vector<16xf32>
        %mul3A_823 = arith.mulf %sub3A_822, %mul3A_770 : vector<16xf32>
        %mul3A_824 = arith.mulf %mul3A_823, %get3A_27 : vector<16xf32>
        %add3A_825 = arith.addf %mul3A_824, %get3A_51 : vector<16xf32>
        %swap3A_826 = arith.constant 0 : i32
        %swap3A_827 = arith.constant 0 : i32
        %swap3A_828 = tpu.memref_slice %arg13[%scan3A_398, %swap3A_826, %swap3A_827] : memref<4x64x128xf32, #tpu.memory_space<vmem>> -> memref<1x64x128xf32, #tpu.memory_space<vmem>>
        %swap3A_829 = tpu.memref_squeeze %swap3A_828 : memref<1x64x128xf32, #tpu.memory_space<vmem>> -> memref<64x128xf32, #tpu.memory_space<vmem>>
        %swap3A_830 = arith.index_cast %add3A_496 : i32 to index
        %swap3A_831 = arith.constant 64 : index
        %swap3A_832 = tpu.vector_load %swap3A_829[%swap3A_830, %swap3A_831] {strides = array<i32>} : memref<64x128xf32, #tpu.memory_space<vmem>>, vector<1x16xf32>,
        %swap3A_833 = vector.shape_cast %swap3A_832 : vector<1x16xf32> to vector<16xf32>
        %swap3A_834 = vector.shape_cast %add3A_825 : vector<16xf32> to vector<1x16xf32>
        tpu.vector_store %swap3A_829[%swap3A_830, %swap3A_831], %swap3A_834 {strides = array<i32>} : memref<64x128xf32, #tpu.memory_space<vmem>>, vector<1x16xf32>,
        %sub3A_835 = arith.subf %add3A_598, %mul3A_698 : vector<16xf32>
        %mul3A_836 = arith.mulf %sub3A_835, %mul3A_770 : vector<16xf32>
        %mul3A_837 = arith.mulf %mul3A_836, %get3A_30 : vector<16xf32>
        %add3A_838 = arith.addf %mul3A_837, %get3A_54 : vector<16xf32>
        %swap3A_839 = arith.constant 0 : i32
        %swap3A_840 = arith.constant 0 : i32
        %swap3A_841 = tpu.memref_slice %arg13[%scan3A_398, %swap3A_839, %swap3A_840] : memref<4x64x128xf32, #tpu.memory_space<vmem>> -> memref<1x64x128xf32, #tpu.memory_space<vmem>>
        %swap3A_842 = tpu.memref_squeeze %swap3A_841 : memref<1x64x128xf32, #tpu.memory_space<vmem>> -> memref<64x128xf32, #tpu.memory_space<vmem>>
        %swap3A_843 = arith.index_cast %add3A_496 : i32 to index
        %swap3A_844 = arith.constant 80 : index
        %swap3A_845 = tpu.vector_load %swap3A_842[%swap3A_843, %swap3A_844] {strides = array<i32>} : memref<64x128xf32, #tpu.memory_space<vmem>>, vector<1x16xf32>,
        %swap3A_846 = vector.shape_cast %swap3A_845 : vector<1x16xf32> to vector<16xf32>
        %swap3A_847 = vector.shape_cast %add3A_838 : vector<16xf32> to vector<1x16xf32>
        tpu.vector_store %swap3A_842[%swap3A_843, %swap3A_844], %swap3A_847 {strides = array<i32>} : memref<64x128xf32, #tpu.memory_space<vmem>>, vector<1x16xf32>,
        %sub3A_848 = arith.subf %add3A_615, %mul3A_698 : vector<16xf32>
        %mul3A_849 = arith.mulf %sub3A_848, %mul3A_770 : vector<16xf32>
        %mul3A_850 = arith.mulf %mul3A_849, %get3A_33 : vector<16xf32>
        %add3A_851 = arith.addf %mul3A_850, %get3A_57 : vector<16xf32>
        %swap3A_852 = arith.constant 0 : i32
        %swap3A_853 = arith.constant 0 : i32
        %swap3A_854 = tpu.memref_slice %arg13[%scan3A_398, %swap3A_852, %swap3A_853] : memref<4x64x128xf32, #tpu.memory_space<vmem>> -> memref<1x64x128xf32, #tpu.memory_space<vmem>>
        %swap3A_855 = tpu.memref_squeeze %swap3A_854 : memref<1x64x128xf32, #tpu.memory_space<vmem>> -> memref<64x128xf32, #tpu.memory_space<vmem>>
        %swap3A_856 = arith.index_cast %add3A_496 : i32 to index
        %swap3A_857 = arith.constant 96 : index
        %swap3A_858 = tpu.vector_load %swap3A_855[%swap3A_856, %swap3A_857] {strides = array<i32>} : memref<64x128xf32, #tpu.memory_space<vmem>>, vector<1x16xf32>,
        %swap3A_859 = vector.shape_cast %swap3A_858 : vector<1x16xf32> to vector<16xf32>
        %swap3A_860 = vector.shape_cast %add3A_851 : vector<16xf32> to vector<1x16xf32>
        tpu.vector_store %swap3A_855[%swap3A_856, %swap3A_857], %swap3A_860 {strides = array<i32>} : memref<64x128xf32, #tpu.memory_space<vmem>>, vector<1x16xf32>,
        %sub3A_861 = arith.subf %add3A_632, %mul3A_698 : vector<16xf32>
        %mul3A_862 = arith.mulf %sub3A_861, %mul3A_770 : vector<16xf32>
        %mul3A_863 = arith.mulf %mul3A_862, %get3A_36 : vector<16xf32>
        %add3A_864 = arith.addf %mul3A_863, %get3A_60 : vector<16xf32>
        %swap3A_865 = arith.constant 0 : i32
        %swap3A_866 = arith.constant 0 : i32
        %swap3A_867 = tpu.memref_slice %arg13[%scan3A_398, %swap3A_865, %swap3A_866] : memref<4x64x128xf32, #tpu.memory_space<vmem>> -> memref<1x64x128xf32, #tpu.memory_space<vmem>>
        %swap3A_868 = tpu.memref_squeeze %swap3A_867 : memref<1x64x128xf32, #tpu.memory_space<vmem>> -> memref<64x128xf32, #tpu.memory_space<vmem>>
        %swap3A_869 = arith.index_cast %add3A_496 : i32 to index
        %swap3A_870 = arith.constant 112 : index
        %swap3A_871 = tpu.vector_load %swap3A_868[%swap3A_869, %swap3A_870] {strides = array<i32>} : memref<64x128xf32, #tpu.memory_space<vmem>>, vector<1x16xf32>,
        %swap3A_872 = vector.shape_cast %swap3A_871 : vector<1x16xf32> to vector<16xf32>
        %swap3A_873 = vector.shape_cast %add3A_864 : vector<16xf32> to vector<1x16xf32>
        tpu.vector_store %swap3A_868[%swap3A_869, %swap3A_870], %swap3A_873 {strides = array<i32>} : memref<64x128xf32, #tpu.memory_space<vmem>>, vector<1x16xf32>,
      }
      %scan3A_403 = arith.constant 64 : i32
      %mul3A_404 = arith.constant 64 : i32
      %mul3A_405 = arith.muli %add3A_363, %mul3A_404 : i32
      %add3A_406 = arith.addi %mul3A_2, %mul3A_405 : i32
      %dma_start3A_407 = arith.constant 2 : i32
      %dma_start3A_408 = arith.constant 0 : i32
      %dma_start3A_409 = arith.constant 0 : i32
      %dma_start3A_410 = tpu.memref_slice %arg13[%dma_start3A_407, %dma_start3A_408, %dma_start3A_409] : memref<4x64x128xf32, #tpu.memory_space<vmem>> -> memref<1x64x128xf32, #tpu.memory_space<vmem>>
      %dma_start3A_411 = tpu.memref_squeeze %dma_start3A_410 : memref<1x64x128xf32, #tpu.memory_space<vmem>> -> memref<64x128xf32, #tpu.memory_space<vmem>>
      %dma_start3A_412 = arith.constant 0 : i32
      %dma_start3A_413 = tpu.memref_slice %arg7[%add3A_406, %dma_start3A_412] : memref<204800x128xf32, #tpu.memory_space<hbm>> -> memref<64x128xf32, #tpu.memory_space<hbm>>
      %dma_start3A_414 = arith.constant 0 : i32
      %dma_start3A_415 = tpu.memref_slice %arg7[%add3A_406, %dma_start3A_414] : memref<204800x128xf32, #tpu.memory_space<hbm>> -> memref<64x128xf32, #tpu.memory_space<hbm>>
      %dma_start3A_416 = arith.constant 0 : i32
      %dma_start3A_417 = arith.constant 0 : i32
      %dma_start3A_418 = tpu.memref_slice %arg13[%dma_start3A_407, %dma_start3A_416, %dma_start3A_417] : memref<4x64x128xf32, #tpu.memory_space<vmem>> -> memref<1x64x128xf32, #tpu.memory_space<vmem>>
      %dma_start3A_419 = tpu.memref_squeeze %dma_start3A_418 : memref<1x64x128xf32, #tpu.memory_space<vmem>> -> memref<64x128xf32, #tpu.memory_space<vmem>>
      tpu.enqueue_dma source(%dma_start3A_419 : memref<64x128xf32, #tpu.memory_space<vmem>>) target(%dma_start3A_415 : memref<64x128xf32, #tpu.memory_space<hbm>>) target_semaphore(%arg20 : memref<!tpu.dma_semaphore, #tpu.memory_space<semaphore_mem>>)
      %add3A_420 = arith.constant 4 : i32
      %add3A_421 = arith.addi %add3A_363, %add3A_420 : i32
      %lt3A_422 = arith.constant 100 : i32
      %lt3A_423 = arith.cmpi slt, %add3A_421, %lt3A_422 : i32
      %convert_element_type3A_424 = arith.extui %lt3A_423 : i1 to i32
      %cond3A_425 = arith.constant 0 : i32
      %cond3A_426 = arith.cmpi ne, %convert_element_type3A_424, %cond3A_425 : i32
      scf.if %cond3A_426 {
        %add3A_492 = arith.constant 4 : i32
        %add3A_493 = arith.addi %add3A_363, %add3A_492 : i32
        %mul3A_494 = arith.constant 64 : i32
        %mul3A_495 = arith.muli %add3A_493, %mul3A_494 : i32
        %add3A_496 = arith.addi %mul3A_2, %mul3A_495 : i32
        %dma_start3A_497 = arith.constant 2 : i32
        %dma_start3A_498 = arith.constant 0 : i32
        %dma_start3A_499 = arith.constant 0 : i32
        %dma_start3A_500 = tpu.memref_slice %arg11[%dma_start3A_497, %dma_start3A_498, %dma_start3A_499] : memref<4x64x128xf32, #tpu.memory_space<vmem>> -> memref<1x64x128xf32, #tpu.memory_space<vmem>>
        %dma_start3A_501 = tpu.memref_squeeze %dma_start3A_500 : memref<1x64x128xf32, #tpu.memory_space<vmem>> -> memref<64x128xf32, #tpu.memory_space<vmem>>
        %dma_start3A_502 = arith.constant 0 : i32
        %dma_start3A_503 = tpu.memref_slice %arg2[%add3A_496, %dma_start3A_502] : memref<204800x128xf32, #tpu.memory_space<hbm>> -> memref<64x128xf32, #tpu.memory_space<hbm>>
        %dma_start3A_504 = arith.constant 0 : i32
        %dma_start3A_505 = arith.constant 0 : i32
        %dma_start3A_506 = tpu.memref_slice %arg11[%dma_start3A_497, %dma_start3A_504, %dma_start3A_505] : memref<4x64x128xf32, #tpu.memory_space<vmem>> -> memref<1x64x128xf32, #tpu.memory_space<vmem>>
        %dma_start3A_507 = tpu.memref_squeeze %dma_start3A_506 : memref<1x64x128xf32, #tpu.memory_space<vmem>> -> memref<64x128xf32, #tpu.memory_space<vmem>>
        %dma_start3A_508 = arith.constant 0 : i32
        %dma_start3A_509 = tpu.memref_slice %arg2[%add3A_496, %dma_start3A_508] : memref<204800x128xf32, #tpu.memory_space<hbm>> -> memref<64x128xf32, #tpu.memory_space<hbm>>
        tpu.enqueue_dma source(%dma_start3A_509 : memref<64x128xf32, #tpu.memory_space<hbm>>) target(%dma_start3A_507 : memref<64x128xf32, #tpu.memory_space<vmem>>) target_semaphore(%arg16 : memref<!tpu.dma_semaphore, #tpu.memory_space<semaphore_mem>>)
        %dma_start3A_510 = arith.constant 2 : i32
        %dma_start3A_511 = arith.constant 0 : i32
        %dma_start3A_512 = arith.constant 0 : i32
        %dma_start3A_513 = tpu.memref_slice %arg12[%dma_start3A_510, %dma_start3A_511, %dma_start3A_512] : memref<4x64x128xf32, #tpu.memory_space<vmem>> -> memref<1x64x128xf32, #tpu.memory_space<vmem>>
        %dma_start3A_514 = tpu.memref_squeeze %dma_start3A_513 : memref<1x64x128xf32, #tpu.memory_space<vmem>> -> memref<64x128xf32, #tpu.memory_space<vmem>>
        %dma_start3A_515 = arith.constant 0 : i32
        %dma_start3A_516 = tpu.memref_slice %arg8[%add3A_493, %dma_start3A_515] : memref<100x64xi32, #tpu.memory_space<vmem>> -> memref<1x64xi32, #tpu.memory_space<vmem>>
        %dma_start3A_517 = tpu.memref_squeeze %dma_start3A_516 : memref<1x64xi32, #tpu.memory_space<vmem>> -> memref<64xi32, #tpu.memory_space<vmem>>
        %dma_start3A_518 = arith.constant 0 : i32
        %dma_start3A_519 = arith.constant 0 : i32
        %dma_start3A_520 = tpu.memref_slice %arg4[%dma_start3A_518, %dma_start3A_519] : memref<1000x128xf32, #tpu.memory_space<hbm>> -> memref<1000x128xf32, #tpu.memory_space<hbm>>
        tpu.enqueue_indirect_dma source(%dma_start3A_520 : memref<1000x128xf32, #tpu.memory_space<hbm>>) target(%dma_start3A_514 : memref<64x128xf32, #tpu.memory_space<vmem>>) offsets(%dma_start3A_517 : memref<64xi32, #tpu.memory_space<vmem>>) semaphore(%arg16 : memref<!tpu.dma_semaphore, #tpu.memory_space<semaphore_mem>>)
      } else {
      }
      %add3A_427 = arith.constant 3 : i32
      %add3A_428 = arith.addi %add3A_235, %add3A_427 : i32
      %mul3A_429 = arith.constant 64 : i32
      %mul3A_430 = arith.muli %add3A_428, %mul3A_429 : i32
      %add3A_431 = arith.addi %mul3A_2, %mul3A_430 : i32
      %dma_wait3A_432 = arith.constant 3 : i32
      %dma_wait3A_433 = arith.constant 0 : i32
      %dma_wait3A_434 = arith.constant 0 : i32
      %dma_wait3A_435 = tpu.memref_slice %arg11[%dma_wait3A_432, %dma_wait3A_433, %dma_wait3A_434] : memref<4x64x128xf32, #tpu.memory_space<vmem>> -> memref<1x64x128xf32, #tpu.memory_space<vmem>>
      %dma_wait3A_436 = tpu.memref_squeeze %dma_wait3A_435 : memref<1x64x128xf32, #tpu.memory_space<vmem>> -> memref<64x128xf32, #tpu.memory_space<vmem>>
      %dma_wait3A_437 = arith.constant 0 : i32
      %dma_wait3A_438 = tpu.memref_slice %arg2[%add3A_431, %dma_wait3A_437] : memref<204800x128xf32, #tpu.memory_space<hbm>> -> memref<64x128xf32, #tpu.memory_space<hbm>>
      %dma_wait3A_439 = arith.constant 0 : i32
      %dma_wait3A_440 = arith.constant 0 : i32
      %dma_wait3A_441 = tpu.memref_slice %arg11[%dma_wait3A_432, %dma_wait3A_439, %dma_wait3A_440] : memref<4x64x128xf32, #tpu.memory_space<vmem>> -> memref<1x64x128xf32, #tpu.memory_space<vmem>>
      %dma_wait3A_442 = tpu.memref_squeeze %dma_wait3A_441 : memref<1x64x128xf32, #tpu.memory_space<vmem>> -> memref<64x128xf32, #tpu.memory_space<vmem>>
      %dma_wait3A_443 = arith.constant 0 : i32
      %dma_wait3A_444 = tpu.memref_slice %arg2[%add3A_431, %dma_wait3A_443] : memref<204800x128xf32, #tpu.memory_space<hbm>> -> memref<64x128xf32, #tpu.memory_space<hbm>>
      tpu.wait_dma2 semaphore(%arg17 : memref<!tpu.dma_semaphore, #tpu.memory_space<semaphore_mem>>) src(%dma_wait3A_444 : memref<64x128xf32, #tpu.memory_space<hbm>>) dst(%dma_wait3A_442 : memref<64x128xf32, #tpu.memory_space<vmem>>)
      %dma_wait3A_445 = arith.constant 3 : i32
      %dma_wait3A_446 = arith.constant 0 : i32
      %dma_wait3A_447 = arith.constant 0 : i32
      %dma_wait3A_448 = tpu.memref_slice %arg12[%dma_wait3A_445, %dma_wait3A_446, %dma_wait3A_447] : memref<4x64x128xf32, #tpu.memory_space<vmem>> -> memref<1x64x128xf32, #tpu.memory_space<vmem>>
      %dma_wait3A_449 = tpu.memref_squeeze %dma_wait3A_448 : memref<1x64x128xf32, #tpu.memory_space<vmem>> -> memref<64x128xf32, #tpu.memory_space<vmem>>
      %dma_wait3A_450 = arith.constant 0 : i32
      %dma_wait3A_451 = tpu.memref_slice %arg8[%add3A_428, %dma_wait3A_450] : memref<100x64xi32, #tpu.memory_space<vmem>> -> memref<1x64xi32, #tpu.memory_space<vmem>>
      %dma_wait3A_452 = tpu.memref_squeeze %dma_wait3A_451 : memref<1x64xi32, #tpu.memory_space<vmem>> -> memref<64xi32, #tpu.memory_space<vmem>>
      %dma_wait3A_453 = arith.constant 0 : i32
      %dma_wait3A_454 = arith.constant 0 : i32
      %dma_wait3A_455 = tpu.memref_slice %arg4[%dma_wait3A_453, %dma_wait3A_454] : memref<1000x128xf32, #tpu.memory_space<hbm>> -> memref<1000x128xf32, #tpu.memory_space<hbm>>
      tpu.wait_indirect_dma semaphore(%arg17 : memref<!tpu.dma_semaphore, #tpu.memory_space<semaphore_mem>>) src(%dma_wait3A_455 : memref<1000x128xf32, #tpu.memory_space<hbm>>) dst(%dma_wait3A_449 : memref<64x128xf32, #tpu.memory_space<vmem>>)
      %ge3A_456 = arith.constant 4 : i32
      %ge3A_457 = arith.cmpi sge, %add3A_428, %ge3A_456 : i32
      %convert_element_type3A_458 = arith.extui %ge3A_457 : i1 to i32
      %cond3A_459 = arith.constant 0 : i32
      %cond3A_460 = arith.cmpi ne, %convert_element_type3A_458, %cond3A_459 : i32
      scf.if %cond3A_460 {
        %sub3A = arith.constant 4 : i32
        %sub3A_492 = arith.subi %add3A_428, %sub3A : i32
        %mul3A_493 = arith.constant 64 : i32
        %mul3A_494 = arith.muli %sub3A_492, %mul3A_493 : i32
        %add3A_495 = arith.addi %mul3A_2, %mul3A_494 : i32
        %dma_wait3A_496 = arith.constant 3 : i32
        %dma_wait3A_497 = arith.constant 0 : i32
        %dma_wait3A_498 = arith.constant 0 : i32
        %dma_wait3A_499 = tpu.memref_slice %arg13[%dma_wait3A_496, %dma_wait3A_497, %dma_wait3A_498] : memref<4x64x128xf32, #tpu.memory_space<vmem>> -> memref<1x64x128xf32, #tpu.memory_space<vmem>>
        %dma_wait3A_500 = tpu.memref_squeeze %dma_wait3A_499 : memref<1x64x128xf32, #tpu.memory_space<vmem>> -> memref<64x128xf32, #tpu.memory_space<vmem>>
        %dma_wait3A_501 = arith.constant 0 : i32
        %dma_wait3A_502 = tpu.memref_slice %arg7[%add3A_495, %dma_wait3A_501] : memref<204800x128xf32, #tpu.memory_space<hbm>> -> memref<64x128xf32, #tpu.memory_space<hbm>>
        %dma_wait3A_503 = arith.constant 0 : i32
        %dma_wait3A_504 = tpu.memref_slice %arg7[%add3A_495, %dma_wait3A_503] : memref<204800x128xf32, #tpu.memory_space<hbm>> -> memref<64x128xf32, #tpu.memory_space<hbm>>
        %dma_wait3A_505 = arith.constant 0 : i32
        %dma_wait3A_506 = arith.constant 0 : i32
        %dma_wait3A_507 = tpu.memref_slice %arg13[%dma_wait3A_496, %dma_wait3A_505, %dma_wait3A_506] : memref<4x64x128xf32, #tpu.memory_space<vmem>> -> memref<1x64x128xf32, #tpu.memory_space<vmem>>
        %dma_wait3A_508 = tpu.memref_squeeze %dma_wait3A_507 : memref<1x64x128xf32, #tpu.memory_space<vmem>> -> memref<64x128xf32, #tpu.memory_space<vmem>>
        tpu.wait_dma2 semaphore(%arg21 : memref<!tpu.dma_semaphore, #tpu.memory_space<semaphore_mem>>) src(%dma_wait3A_508 : memref<64x128xf32, #tpu.memory_space<vmem>>) dst(%dma_wait3A_504 : memref<64x128xf32, #tpu.memory_space<hbm>>)
      } else {
      }
      %scan3A_461 = arith.constant 3 : i32
      %scan3A_462 = arith.constant 3 : i32
      %scan3A_463 = arith.constant 3 : i32
      %scan3A_464 = arith.constant 0 : i32
      %scan3A_465 = arith.constant 64 : i32
      %scan3A_466 = arith.addi %scan3A_464, %scan3A_465 : i32
      %scan3A_467 = arith.constant 1 : i32
      scf.for %scan3A_492 = %scan3A_464 to %scan3A_466 step %scan3A_467  : i32 {
        %mul3A_493 = arith.constant 1 : i32
        %mul3A_494 = arith.muli %scan3A_492, %mul3A_493 : i32
        %add3A_495 = arith.constant 0 : i32
        %add3A_496 = arith.addi %add3A_495, %mul3A_494 : i32
        %get3A_497 = arith.constant 0 : i32
        %get3A_498 = arith.constant 0 : i32
        %get3A_499 = tpu.memref_slice %arg11[%scan3A_461, %get3A_497, %get3A_498] : memref<4x64x128xf32, #tpu.memory_space<vmem>> -> memref<1x64x128xf32, #tpu.memory_space<vmem>>
        %get3A_500 = tpu.memref_squeeze %get3A_499 : memref<1x64x128xf32, #tpu.memory_space<vmem>> -> memref<64x128xf32, #tpu.memory_space<vmem>>
        %get3A_501 = arith.index_cast %add3A_496 : i32 to index
        %get3A_502 = arith.constant 0 : index
        %get3A_503 = tpu.vector_load %get3A_500[%get3A_501, %get3A_502] {strides = array<i32>} : memref<64x128xf32, #tpu.memory_space<vmem>>, vector<1x16xf32>,
        %get3A_504 = vector.shape_cast %get3A_503 : vector<1x16xf32> to vector<16xf32>
        %get3A_505 = arith.constant 0 : i32
        %get3A_506 = arith.constant 0 : i32
        %get3A_507 = tpu.memref_slice %arg12[%scan3A_462, %get3A_505, %get3A_506] : memref<4x64x128xf32, #tpu.memory_space<vmem>> -> memref<1x64x128xf32, #tpu.memory_space<vmem>>
        %get3A_508 = tpu.memref_squeeze %get3A_507 : memref<1x64x128xf32, #tpu.memory_space<vmem>> -> memref<64x128xf32, #tpu.memory_space<vmem>>
        %get3A_509 = arith.index_cast %add3A_496 : i32 to index
        %get3A_510 = arith.constant 0 : index
        %get3A_511 = tpu.vector_load %get3A_508[%get3A_509, %get3A_510] {strides = array<i32>} : memref<64x128xf32, #tpu.memory_space<vmem>>, vector<1x16xf32>,
        %get3A_512 = vector.shape_cast %get3A_511 : vector<1x16xf32> to vector<16xf32>
        %add3A_513 = arith.addf %get3A_504, %get3A_512 : vector<16xf32>
        %get3A_514 = arith.constant 0 : i32
        %get3A_515 = arith.constant 0 : i32
        %get3A_516 = tpu.memref_slice %arg11[%scan3A_461, %get3A_514, %get3A_515] : memref<4x64x128xf32, #tpu.memory_space<vmem>> -> memref<1x64x128xf32, #tpu.memory_space<vmem>>
        %get3A_517 = tpu.memref_squeeze %get3A_516 : memref<1x64x128xf32, #tpu.memory_space<vmem>> -> memref<64x128xf32, #tpu.memory_space<vmem>>
        %get3A_518 = arith.index_cast %add3A_496 : i32 to index
        %get3A_519 = arith.constant 16 : index
        %get3A_520 = tpu.vector_load %get3A_517[%get3A_518, %get3A_519] {strides = array<i32>} : memref<64x128xf32, #tpu.memory_space<vmem>>, vector<1x16xf32>,
        %get3A_521 = vector.shape_cast %get3A_520 : vector<1x16xf32> to vector<16xf32>
        %get3A_522 = arith.constant 0 : i32
        %get3A_523 = arith.constant 0 : i32
        %get3A_524 = tpu.memref_slice %arg12[%scan3A_462, %get3A_522, %get3A_523] : memref<4x64x128xf32, #tpu.memory_space<vmem>> -> memref<1x64x128xf32, #tpu.memory_space<vmem>>
        %get3A_525 = tpu.memref_squeeze %get3A_524 : memref<1x64x128xf32, #tpu.memory_space<vmem>> -> memref<64x128xf32, #tpu.memory_space<vmem>>
        %get3A_526 = arith.index_cast %add3A_496 : i32 to index
        %get3A_527 = arith.constant 16 : index
        %get3A_528 = tpu.vector_load %get3A_525[%get3A_526, %get3A_527] {strides = array<i32>} : memref<64x128xf32, #tpu.memory_space<vmem>>, vector<1x16xf32>,
        %get3A_529 = vector.shape_cast %get3A_528 : vector<1x16xf32> to vector<16xf32>
        %add3A_530 = arith.addf %get3A_521, %get3A_529 : vector<16xf32>
        %get3A_531 = arith.constant 0 : i32
        %get3A_532 = arith.constant 0 : i32
        %get3A_533 = tpu.memref_slice %arg11[%scan3A_461, %get3A_531, %get3A_532] : memref<4x64x128xf32, #tpu.memory_space<vmem>> -> memref<1x64x128xf32, #tpu.memory_space<vmem>>
        %get3A_534 = tpu.memref_squeeze %get3A_533 : memref<1x64x128xf32, #tpu.memory_space<vmem>> -> memref<64x128xf32, #tpu.memory_space<vmem>>
        %get3A_535 = arith.index_cast %add3A_496 : i32 to index
        %get3A_536 = arith.constant 32 : index
        %get3A_537 = tpu.vector_load %get3A_534[%get3A_535, %get3A_536] {strides = array<i32>} : memref<64x128xf32, #tpu.memory_space<vmem>>, vector<1x16xf32>,
        %get3A_538 = vector.shape_cast %get3A_537 : vector<1x16xf32> to vector<16xf32>
        %get3A_539 = arith.constant 0 : i32
        %get3A_540 = arith.constant 0 : i32
        %get3A_541 = tpu.memref_slice %arg12[%scan3A_462, %get3A_539, %get3A_540] : memref<4x64x128xf32, #tpu.memory_space<vmem>> -> memref<1x64x128xf32, #tpu.memory_space<vmem>>
        %get3A_542 = tpu.memref_squeeze %get3A_541 : memref<1x64x128xf32, #tpu.memory_space<vmem>> -> memref<64x128xf32, #tpu.memory_space<vmem>>
        %get3A_543 = arith.index_cast %add3A_496 : i32 to index
        %get3A_544 = arith.constant 32 : index
        %get3A_545 = tpu.vector_load %get3A_542[%get3A_543, %get3A_544] {strides = array<i32>} : memref<64x128xf32, #tpu.memory_space<vmem>>, vector<1x16xf32>,
        %get3A_546 = vector.shape_cast %get3A_545 : vector<1x16xf32> to vector<16xf32>
        %add3A_547 = arith.addf %get3A_538, %get3A_546 : vector<16xf32>
        %get3A_548 = arith.constant 0 : i32
        %get3A_549 = arith.constant 0 : i32
        %get3A_550 = tpu.memref_slice %arg11[%scan3A_461, %get3A_548, %get3A_549] : memref<4x64x128xf32, #tpu.memory_space<vmem>> -> memref<1x64x128xf32, #tpu.memory_space<vmem>>
        %get3A_551 = tpu.memref_squeeze %get3A_550 : memref<1x64x128xf32, #tpu.memory_space<vmem>> -> memref<64x128xf32, #tpu.memory_space<vmem>>
        %get3A_552 = arith.index_cast %add3A_496 : i32 to index
        %get3A_553 = arith.constant 48 : index
        %get3A_554 = tpu.vector_load %get3A_551[%get3A_552, %get3A_553] {strides = array<i32>} : memref<64x128xf32, #tpu.memory_space<vmem>>, vector<1x16xf32>,
        %get3A_555 = vector.shape_cast %get3A_554 : vector<1x16xf32> to vector<16xf32>
        %get3A_556 = arith.constant 0 : i32
        %get3A_557 = arith.constant 0 : i32
        %get3A_558 = tpu.memref_slice %arg12[%scan3A_462, %get3A_556, %get3A_557] : memref<4x64x128xf32, #tpu.memory_space<vmem>> -> memref<1x64x128xf32, #tpu.memory_space<vmem>>
        %get3A_559 = tpu.memref_squeeze %get3A_558 : memref<1x64x128xf32, #tpu.memory_space<vmem>> -> memref<64x128xf32, #tpu.memory_space<vmem>>
        %get3A_560 = arith.index_cast %add3A_496 : i32 to index
        %get3A_561 = arith.constant 48 : index
        %get3A_562 = tpu.vector_load %get3A_559[%get3A_560, %get3A_561] {strides = array<i32>} : memref<64x128xf32, #tpu.memory_space<vmem>>, vector<1x16xf32>,
        %get3A_563 = vector.shape_cast %get3A_562 : vector<1x16xf32> to vector<16xf32>
        %add3A_564 = arith.addf %get3A_555, %get3A_563 : vector<16xf32>
        %get3A_565 = arith.constant 0 : i32
        %get3A_566 = arith.constant 0 : i32
        %get3A_567 = tpu.memref_slice %arg11[%scan3A_461, %get3A_565, %get3A_566] : memref<4x64x128xf32, #tpu.memory_space<vmem>> -> memref<1x64x128xf32, #tpu.memory_space<vmem>>
        %get3A_568 = tpu.memref_squeeze %get3A_567 : memref<1x64x128xf32, #tpu.memory_space<vmem>> -> memref<64x128xf32, #tpu.memory_space<vmem>>
        %get3A_569 = arith.index_cast %add3A_496 : i32 to index
        %get3A_570 = arith.constant 64 : index
        %get3A_571 = tpu.vector_load %get3A_568[%get3A_569, %get3A_570] {strides = array<i32>} : memref<64x128xf32, #tpu.memory_space<vmem>>, vector<1x16xf32>,
        %get3A_572 = vector.shape_cast %get3A_571 : vector<1x16xf32> to vector<16xf32>
        %get3A_573 = arith.constant 0 : i32
        %get3A_574 = arith.constant 0 : i32
        %get3A_575 = tpu.memref_slice %arg12[%scan3A_462, %get3A_573, %get3A_574] : memref<4x64x128xf32, #tpu.memory_space<vmem>> -> memref<1x64x128xf32, #tpu.memory_space<vmem>>
        %get3A_576 = tpu.memref_squeeze %get3A_575 : memref<1x64x128xf32, #tpu.memory_space<vmem>> -> memref<64x128xf32, #tpu.memory_space<vmem>>
        %get3A_577 = arith.index_cast %add3A_496 : i32 to index
        %get3A_578 = arith.constant 64 : index
        %get3A_579 = tpu.vector_load %get3A_576[%get3A_577, %get3A_578] {strides = array<i32>} : memref<64x128xf32, #tpu.memory_space<vmem>>, vector<1x16xf32>,
        %get3A_580 = vector.shape_cast %get3A_579 : vector<1x16xf32> to vector<16xf32>
        %add3A_581 = arith.addf %get3A_572, %get3A_580 : vector<16xf32>
        %get3A_582 = arith.constant 0 : i32
        %get3A_583 = arith.constant 0 : i32
        %get3A_584 = tpu.memref_slice %arg11[%scan3A_461, %get3A_582, %get3A_583] : memref<4x64x128xf32, #tpu.memory_space<vmem>> -> memref<1x64x128xf32, #tpu.memory_space<vmem>>
        %get3A_585 = tpu.memref_squeeze %get3A_584 : memref<1x64x128xf32, #tpu.memory_space<vmem>> -> memref<64x128xf32, #tpu.memory_space<vmem>>
        %get3A_586 = arith.index_cast %add3A_496 : i32 to index
        %get3A_587 = arith.constant 80 : index
        %get3A_588 = tpu.vector_load %get3A_585[%get3A_586, %get3A_587] {strides = array<i32>} : memref<64x128xf32, #tpu.memory_space<vmem>>, vector<1x16xf32>,
        %get3A_589 = vector.shape_cast %get3A_588 : vector<1x16xf32> to vector<16xf32>
        %get3A_590 = arith.constant 0 : i32
        %get3A_591 = arith.constant 0 : i32
        %get3A_592 = tpu.memref_slice %arg12[%scan3A_462, %get3A_590, %get3A_591] : memref<4x64x128xf32, #tpu.memory_space<vmem>> -> memref<1x64x128xf32, #tpu.memory_space<vmem>>
        %get3A_593 = tpu.memref_squeeze %get3A_592 : memref<1x64x128xf32, #tpu.memory_space<vmem>> -> memref<64x128xf32, #tpu.memory_space<vmem>>
        %get3A_594 = arith.index_cast %add3A_496 : i32 to index
        %get3A_595 = arith.constant 80 : index
        %get3A_596 = tpu.vector_load %get3A_593[%get3A_594, %get3A_595] {strides = array<i32>} : memref<64x128xf32, #tpu.memory_space<vmem>>, vector<1x16xf32>,
        %get3A_597 = vector.shape_cast %get3A_596 : vector<1x16xf32> to vector<16xf32>
        %add3A_598 = arith.addf %get3A_589, %get3A_597 : vector<16xf32>
        %get3A_599 = arith.constant 0 : i32
        %get3A_600 = arith.constant 0 : i32
        %get3A_601 = tpu.memref_slice %arg11[%scan3A_461, %get3A_599, %get3A_600] : memref<4x64x128xf32, #tpu.memory_space<vmem>> -> memref<1x64x128xf32, #tpu.memory_space<vmem>>
        %get3A_602 = tpu.memref_squeeze %get3A_601 : memref<1x64x128xf32, #tpu.memory_space<vmem>> -> memref<64x128xf32, #tpu.memory_space<vmem>>
        %get3A_603 = arith.index_cast %add3A_496 : i32 to index
        %get3A_604 = arith.constant 96 : index
        %get3A_605 = tpu.vector_load %get3A_602[%get3A_603, %get3A_604] {strides = array<i32>} : memref<64x128xf32, #tpu.memory_space<vmem>>, vector<1x16xf32>,
        %get3A_606 = vector.shape_cast %get3A_605 : vector<1x16xf32> to vector<16xf32>
        %get3A_607 = arith.constant 0 : i32
        %get3A_608 = arith.constant 0 : i32
        %get3A_609 = tpu.memref_slice %arg12[%scan3A_462, %get3A_607, %get3A_608] : memref<4x64x128xf32, #tpu.memory_space<vmem>> -> memref<1x64x128xf32, #tpu.memory_space<vmem>>
        %get3A_610 = tpu.memref_squeeze %get3A_609 : memref<1x64x128xf32, #tpu.memory_space<vmem>> -> memref<64x128xf32, #tpu.memory_space<vmem>>
        %get3A_611 = arith.index_cast %add3A_496 : i32 to index
        %get3A_612 = arith.constant 96 : index
        %get3A_613 = tpu.vector_load %get3A_610[%get3A_611, %get3A_612] {strides = array<i32>} : memref<64x128xf32, #tpu.memory_space<vmem>>, vector<1x16xf32>,
        %get3A_614 = vector.shape_cast %get3A_613 : vector<1x16xf32> to vector<16xf32>
        %add3A_615 = arith.addf %get3A_606, %get3A_614 : vector<16xf32>
        %get3A_616 = arith.constant 0 : i32
        %get3A_617 = arith.constant 0 : i32
        %get3A_618 = tpu.memref_slice %arg11[%scan3A_461, %get3A_616, %get3A_617] : memref<4x64x128xf32, #tpu.memory_space<vmem>> -> memref<1x64x128xf32, #tpu.memory_space<vmem>>
        %get3A_619 = tpu.memref_squeeze %get3A_618 : memref<1x64x128xf32, #tpu.memory_space<vmem>> -> memref<64x128xf32, #tpu.memory_space<vmem>>
        %get3A_620 = arith.index_cast %add3A_496 : i32 to index
        %get3A_621 = arith.constant 112 : index
        %get3A_622 = tpu.vector_load %get3A_619[%get3A_620, %get3A_621] {strides = array<i32>} : memref<64x128xf32, #tpu.memory_space<vmem>>, vector<1x16xf32>,
        %get3A_623 = vector.shape_cast %get3A_622 : vector<1x16xf32> to vector<16xf32>
        %get3A_624 = arith.constant 0 : i32
        %get3A_625 = arith.constant 0 : i32
        %get3A_626 = tpu.memref_slice %arg12[%scan3A_462, %get3A_624, %get3A_625] : memref<4x64x128xf32, #tpu.memory_space<vmem>> -> memref<1x64x128xf32, #tpu.memory_space<vmem>>
        %get3A_627 = tpu.memref_squeeze %get3A_626 : memref<1x64x128xf32, #tpu.memory_space<vmem>> -> memref<64x128xf32, #tpu.memory_space<vmem>>
        %get3A_628 = arith.index_cast %add3A_496 : i32 to index
        %get3A_629 = arith.constant 112 : index
        %get3A_630 = tpu.vector_load %get3A_627[%get3A_628, %get3A_629] {strides = array<i32>} : memref<64x128xf32, #tpu.memory_space<vmem>>, vector<1x16xf32>,
        %get3A_631 = vector.shape_cast %get3A_630 : vector<1x16xf32> to vector<16xf32>
        %add3A_632 = arith.addf %get3A_623, %get3A_631 : vector<16xf32>
        %mul3A_633 = arith.mulf %add3A_513, %add3A_513 : vector<16xf32>
        %add3A_634 = arith.addf %add3A_513, %add3A_530 : vector<16xf32>
        %mul3A_635 = arith.mulf %add3A_530, %add3A_530 : vector<16xf32>
        %add3A_636 = arith.addf %mul3A_633, %mul3A_635 : vector<16xf32>
        %add3A_637 = arith.addf %add3A_634, %add3A_547 : vector<16xf32>
        %mul3A_638 = arith.mulf %add3A_547, %add3A_547 : vector<16xf32>
        %add3A_639 = arith.addf %add3A_636, %mul3A_638 : vector<16xf32>
        %add3A_640 = arith.addf %add3A_637, %add3A_564 : vector<16xf32>
        %mul3A_641 = arith.mulf %add3A_564, %add3A_564 : vector<16xf32>
        %add3A_642 = arith.addf %add3A_639, %mul3A_641 : vector<16xf32>
        %add3A_643 = arith.addf %add3A_640, %add3A_581 : vector<16xf32>
        %mul3A_644 = arith.mulf %add3A_581, %add3A_581 : vector<16xf32>
        %add3A_645 = arith.addf %add3A_642, %mul3A_644 : vector<16xf32>
        %add3A_646 = arith.addf %add3A_643, %add3A_598 : vector<16xf32>
        %mul3A_647 = arith.mulf %add3A_598, %add3A_598 : vector<16xf32>
        %add3A_648 = arith.addf %add3A_645, %mul3A_647 : vector<16xf32>
        %add3A_649 = arith.addf %add3A_646, %add3A_615 : vector<16xf32>
        %mul3A_650 = arith.mulf %add3A_615, %add3A_615 : vector<16xf32>
        %add3A_651 = arith.addf %add3A_648, %mul3A_650 : vector<16xf32>
        %add3A_652 = arith.addf %add3A_649, %add3A_632 : vector<16xf32>
        %mul3A_653 = arith.mulf %add3A_632, %add3A_632 : vector<16xf32>
        %add3A_654 = arith.addf %add3A_651, %mul3A_653 : vector<16xf32>
        %lt3A_655 = arith.constant 0 : i32
        %lt3A_656 = vector.broadcast %lt3A_655 : i32 to vector<16xi32>
        %lt3A_657 = arith.cmpi slt, %xor3A_4, %lt3A_656 : vector<16xi32>
        %add3A_658 = arith.constant 16 : i32
        %add3A_659 = vector.broadcast %add3A_658 : i32 to vector<16xi32>
        %add3A_660 = arith.addi %xor3A_4, %add3A_659 : vector<16xi32>
        %select_n3A = arith.select %lt3A_657, %add3A_660, %xor3A_4 : vector<16xi1>, vector<16xi32>
        %broadcast_in_dim3A = vector.shape_cast %select_n3A : vector<16xi32> to vector<16x1xi32>
        %gather3A = vector.shape_cast %broadcast_in_dim3A : vector<16x1xi32> to vector<16xi32>
        %gather3A_661 = tpu.dynamic_gather %add3A_652[%gather3A] in [0] : vector<16xf32>, vector<16xi32> -> vector<16xf32>
        %add3A_662 = arith.addf %add3A_652, %gather3A_661 : vector<16xf32>
        %lt3A_663 = arith.constant 0 : i32
        %lt3A_664 = vector.broadcast %lt3A_663 : i32 to vector<16xi32>
        %lt3A_665 = arith.cmpi slt, %xor3A_7, %lt3A_664 : vector<16xi32>
        %add3A_666 = arith.constant 16 : i32
        %add3A_667 = vector.broadcast %add3A_666 : i32 to vector<16xi32>
        %add3A_668 = arith.addi %xor3A_7, %add3A_667 : vector<16xi32>
        %select_n3A_669 = arith.select %lt3A_665, %add3A_668, %xor3A_7 : vector<16xi1>, vector<16xi32>
        %broadcast_in_dim3A_670 = vector.shape_cast %select_n3A_669 : vector<16xi32> to vector<16x1xi32>
        %gather3A_671 = vector.shape_cast %broadcast_in_dim3A_670 : vector<16x1xi32> to vector<16xi32>
        %gather3A_672 = tpu.dynamic_gather %add3A_662[%gather3A_671] in [0] : vector<16xf32>, vector<16xi32> -> vector<16xf32>
        %add3A_673 = arith.addf %add3A_662, %gather3A_672 : vector<16xf32>
        %lt3A_674 = arith.constant 0 : i32
        %lt3A_675 = vector.broadcast %lt3A_674 : i32 to vector<16xi32>
        %lt3A_676 = arith.cmpi slt, %xor3A_10, %lt3A_675 : vector<16xi32>
        %add3A_677 = arith.constant 16 : i32
        %add3A_678 = vector.broadcast %add3A_677 : i32 to vector<16xi32>
        %add3A_679 = arith.addi %xor3A_10, %add3A_678 : vector<16xi32>
        %select_n3A_680 = arith.select %lt3A_676, %add3A_679, %xor3A_10 : vector<16xi1>, vector<16xi32>
        %broadcast_in_dim3A_681 = vector.shape_cast %select_n3A_680 : vector<16xi32> to vector<16x1xi32>
        %gather3A_682 = vector.shape_cast %broadcast_in_dim3A_681 : vector<16x1xi32> to vector<16xi32>
        %gather3A_683 = tpu.dynamic_gather %add3A_673[%gather3A_682] in [0] : vector<16xf32>, vector<16xi32> -> vector<16xf32>
        %add3A_684 = arith.addf %add3A_673, %gather3A_683 : vector<16xf32>
        %lt3A_685 = arith.constant 0 : i32
        %lt3A_686 = vector.broadcast %lt3A_685 : i32 to vector<16xi32>
        %lt3A_687 = arith.cmpi slt, %xor3A_13, %lt3A_686 : vector<16xi32>
        %add3A_688 = arith.constant 16 : i32
        %add3A_689 = vector.broadcast %add3A_688 : i32 to vector<16xi32>
        %add3A_690 = arith.addi %xor3A_13, %add3A_689 : vector<16xi32>
        %select_n3A_691 = arith.select %lt3A_687, %add3A_690, %xor3A_13 : vector<16xi1>, vector<16xi32>
        %broadcast_in_dim3A_692 = vector.shape_cast %select_n3A_691 : vector<16xi32> to vector<16x1xi32>
        %gather3A_693 = vector.shape_cast %broadcast_in_dim3A_692 : vector<16x1xi32> to vector<16xi32>
        %gather3A_694 = tpu.dynamic_gather %add3A_684[%gather3A_693] in [0] : vector<16xf32>, vector<16xi32> -> vector<16xf32>
        %add3A_695 = arith.addf %add3A_684, %gather3A_694 : vector<16xf32>
        %mul3A_696 = arith.constant 7.812500e-03 : f32
        %mul3A_697 = vector.broadcast %mul3A_696 : f32 to vector<16xf32>
        %mul3A_698 = arith.mulf %add3A_695, %mul3A_697 : vector<16xf32>
        %lt3A_699 = arith.constant 0 : i32
        %lt3A_700 = vector.broadcast %lt3A_699 : i32 to vector<16xi32>
        %lt3A_701 = arith.cmpi slt, %xor3A_4, %lt3A_700 : vector<16xi32>
        %add3A_702 = arith.constant 16 : i32
        %add3A_703 = vector.broadcast %add3A_702 : i32 to vector<16xi32>
        %add3A_704 = arith.addi %xor3A_4, %add3A_703 : vector<16xi32>
        %select_n3A_705 = arith.select %lt3A_701, %add3A_704, %xor3A_4 : vector<16xi1>, vector<16xi32>
        %broadcast_in_dim3A_706 = vector.shape_cast %select_n3A_705 : vector<16xi32> to vector<16x1xi32>
        %gather3A_707 = vector.shape_cast %broadcast_in_dim3A_706 : vector<16x1xi32> to vector<16xi32>
        %gather3A_708 = tpu.dynamic_gather %add3A_654[%gather3A_707] in [0] : vector<16xf32>, vector<16xi32> -> vector<16xf32>
        %add3A_709 = arith.addf %add3A_654, %gather3A_708 : vector<16xf32>
        %lt3A_710 = arith.constant 0 : i32
        %lt3A_711 = vector.broadcast %lt3A_710 : i32 to vector<16xi32>
        %lt3A_712 = arith.cmpi slt, %xor3A_7, %lt3A_711 : vector<16xi32>
        %add3A_713 = arith.constant 16 : i32
        %add3A_714 = vector.broadcast %add3A_713 : i32 to vector<16xi32>
        %add3A_715 = arith.addi %xor3A_7, %add3A_714 : vector<16xi32>
        %select_n3A_716 = arith.select %lt3A_712, %add3A_715, %xor3A_7 : vector<16xi1>, vector<16xi32>
        %broadcast_in_dim3A_717 = vector.shape_cast %select_n3A_716 : vector<16xi32> to vector<16x1xi32>
        %gather3A_718 = vector.shape_cast %broadcast_in_dim3A_717 : vector<16x1xi32> to vector<16xi32>
        %gather3A_719 = tpu.dynamic_gather %add3A_709[%gather3A_718] in [0] : vector<16xf32>, vector<16xi32> -> vector<16xf32>
        %add3A_720 = arith.addf %add3A_709, %gather3A_719 : vector<16xf32>
        %lt3A_721 = arith.constant 0 : i32
        %lt3A_722 = vector.broadcast %lt3A_721 : i32 to vector<16xi32>
        %lt3A_723 = arith.cmpi slt, %xor3A_10, %lt3A_722 : vector<16xi32>
        %add3A_724 = arith.constant 16 : i32
        %add3A_725 = vector.broadcast %add3A_724 : i32 to vector<16xi32>
        %add3A_726 = arith.addi %xor3A_10, %add3A_725 : vector<16xi32>
        %select_n3A_727 = arith.select %lt3A_723, %add3A_726, %xor3A_10 : vector<16xi1>, vector<16xi32>
        %broadcast_in_dim3A_728 = vector.shape_cast %select_n3A_727 : vector<16xi32> to vector<16x1xi32>
        %gather3A_729 = vector.shape_cast %broadcast_in_dim3A_728 : vector<16x1xi32> to vector<16xi32>
        %gather3A_730 = tpu.dynamic_gather %add3A_720[%gather3A_729] in [0] : vector<16xf32>, vector<16xi32> -> vector<16xf32>
        %add3A_731 = arith.addf %add3A_720, %gather3A_730 : vector<16xf32>
        %lt3A_732 = arith.constant 0 : i32
        %lt3A_733 = vector.broadcast %lt3A_732 : i32 to vector<16xi32>
        %lt3A_734 = arith.cmpi slt, %xor3A_13, %lt3A_733 : vector<16xi32>
        %add3A_735 = arith.constant 16 : i32
        %add3A_736 = vector.broadcast %add3A_735 : i32 to vector<16xi32>
        %add3A_737 = arith.addi %xor3A_13, %add3A_736 : vector<16xi32>
        %select_n3A_738 = arith.select %lt3A_734, %add3A_737, %xor3A_13 : vector<16xi1>, vector<16xi32>
        %broadcast_in_dim3A_739 = vector.shape_cast %select_n3A_738 : vector<16xi32> to vector<16x1xi32>
        %gather3A_740 = vector.shape_cast %broadcast_in_dim3A_739 : vector<16x1xi32> to vector<16xi32>
        %gather3A_741 = tpu.dynamic_gather %add3A_731[%gather3A_740] in [0] : vector<16xf32>, vector<16xi32> -> vector<16xf32>
        %add3A_742 = arith.addf %add3A_731, %gather3A_741 : vector<16xf32>
        %mul3A_743 = arith.constant 7.812500e-03 : f32
        %mul3A_744 = vector.broadcast %mul3A_743 : f32 to vector<16xf32>
        %mul3A_745 = arith.mulf %add3A_742, %mul3A_744 : vector<16xf32>
        %mul3A_746 = arith.mulf %mul3A_698, %mul3A_698 : vector<16xf32>
        %sub3A = arith.subf %mul3A_745, %mul3A_746 : vector<16xf32>
        %add3A_747 = arith.constant 9.99999974E-6 : f32
        %add3A_748 = vector.broadcast %add3A_747 : f32 to vector<16xf32>
        %add3A_749 = arith.addf %sub3A, %add3A_748 : vector<16xf32>
        %bitcast_convert_type3A = tpu.bitcast %add3A_749 : vector<16xf32> -> vector<16xi32>
        %broadcast_in_dim3A_750 = arith.constant 1597463007 : i32
        %broadcast_in_dim3A_751 = vector.broadcast %broadcast_in_dim3A_750 : i32 to vector<16xi32>
        %shift_right_arithmetic3A = arith.constant 1 : i32
        %shift_right_arithmetic3A_752 = vector.broadcast %shift_right_arithmetic3A : i32 to vector<16xi32>
        %shift_right_arithmetic3A_753 = arith.shrsi %bitcast_convert_type3A, %shift_right_arithmetic3A_752 : vector<16xi32>
        %sub3A_754 = arith.subi %broadcast_in_dim3A_751, %shift_right_arithmetic3A_753 : vector<16xi32>
        %bitcast_convert_type3A_755 = tpu.bitcast %sub3A_754 : vector<16xi32> -> vector<16xf32>
        %mul3A_756 = arith.constant 5.000000e-01 : f32
        %mul3A_757 = vector.broadcast %mul3A_756 : f32 to vector<16xf32>
        %mul3A_758 = arith.mulf %add3A_749, %mul3A_757 : vector<16xf32>
        %mul3A_759 = arith.mulf %mul3A_758, %bitcast_convert_type3A_755 : vector<16xf32>
        %mul3A_760 = arith.mulf %mul3A_759, %bitcast_convert_type3A_755 : vector<16xf32>
        %sub3A_761 = arith.constant 1.500000e+00 : f32
        %sub3A_762 = vector.broadcast %sub3A_761 : f32 to vector<16xf32>
        %sub3A_763 = arith.subf %sub3A_762, %mul3A_760 : vector<16xf32>
        %mul3A_764 = arith.mulf %bitcast_convert_type3A_755, %sub3A_763 : vector<16xf32>
        %mul3A_765 = arith.mulf %mul3A_758, %mul3A_764 : vector<16xf32>
        %mul3A_766 = arith.mulf %mul3A_765, %mul3A_764 : vector<16xf32>
        %sub3A_767 = arith.constant 1.500000e+00 : f32
        %sub3A_768 = vector.broadcast %sub3A_767 : f32 to vector<16xf32>
        %sub3A_769 = arith.subf %sub3A_768, %mul3A_766 : vector<16xf32>
        %mul3A_770 = arith.mulf %mul3A_764, %sub3A_769 : vector<16xf32>
        %sub3A_771 = arith.subf %add3A_513, %mul3A_698 : vector<16xf32>
        %mul3A_772 = arith.mulf %sub3A_771, %mul3A_770 : vector<16xf32>
        %mul3A_773 = arith.mulf %mul3A_772, %get3A_15 : vector<16xf32>
        %add3A_774 = arith.addf %mul3A_773, %get3A_39 : vector<16xf32>
        %swap3A = arith.constant 0 : i32
        %swap3A_775 = arith.constant 0 : i32
        %swap3A_776 = tpu.memref_slice %arg13[%scan3A_463, %swap3A, %swap3A_775] : memref<4x64x128xf32, #tpu.memory_space<vmem>> -> memref<1x64x128xf32, #tpu.memory_space<vmem>>
        %swap3A_777 = tpu.memref_squeeze %swap3A_776 : memref<1x64x128xf32, #tpu.memory_space<vmem>> -> memref<64x128xf32, #tpu.memory_space<vmem>>
        %swap3A_778 = arith.index_cast %add3A_496 : i32 to index
        %swap3A_779 = arith.constant 0 : index
        %swap3A_780 = tpu.vector_load %swap3A_777[%swap3A_778, %swap3A_779] {strides = array<i32>} : memref<64x128xf32, #tpu.memory_space<vmem>>, vector<1x16xf32>,
        %swap3A_781 = vector.shape_cast %swap3A_780 : vector<1x16xf32> to vector<16xf32>
        %swap3A_782 = vector.shape_cast %add3A_774 : vector<16xf32> to vector<1x16xf32>
        tpu.vector_store %swap3A_777[%swap3A_778, %swap3A_779], %swap3A_782 {strides = array<i32>} : memref<64x128xf32, #tpu.memory_space<vmem>>, vector<1x16xf32>,
        %sub3A_783 = arith.subf %add3A_530, %mul3A_698 : vector<16xf32>
        %mul3A_784 = arith.mulf %sub3A_783, %mul3A_770 : vector<16xf32>
        %mul3A_785 = arith.mulf %mul3A_784, %get3A_18 : vector<16xf32>
        %add3A_786 = arith.addf %mul3A_785, %get3A_42 : vector<16xf32>
        %swap3A_787 = arith.constant 0 : i32
        %swap3A_788 = arith.constant 0 : i32
        %swap3A_789 = tpu.memref_slice %arg13[%scan3A_463, %swap3A_787, %swap3A_788] : memref<4x64x128xf32, #tpu.memory_space<vmem>> -> memref<1x64x128xf32, #tpu.memory_space<vmem>>
        %swap3A_790 = tpu.memref_squeeze %swap3A_789 : memref<1x64x128xf32, #tpu.memory_space<vmem>> -> memref<64x128xf32, #tpu.memory_space<vmem>>
        %swap3A_791 = arith.index_cast %add3A_496 : i32 to index
        %swap3A_792 = arith.constant 16 : index
        %swap3A_793 = tpu.vector_load %swap3A_790[%swap3A_791, %swap3A_792] {strides = array<i32>} : memref<64x128xf32, #tpu.memory_space<vmem>>, vector<1x16xf32>,
        %swap3A_794 = vector.shape_cast %swap3A_793 : vector<1x16xf32> to vector<16xf32>
        %swap3A_795 = vector.shape_cast %add3A_786 : vector<16xf32> to vector<1x16xf32>
        tpu.vector_store %swap3A_790[%swap3A_791, %swap3A_792], %swap3A_795 {strides = array<i32>} : memref<64x128xf32, #tpu.memory_space<vmem>>, vector<1x16xf32>,
        %sub3A_796 = arith.subf %add3A_547, %mul3A_698 : vector<16xf32>
        %mul3A_797 = arith.mulf %sub3A_796, %mul3A_770 : vector<16xf32>
        %mul3A_798 = arith.mulf %mul3A_797, %get3A_21 : vector<16xf32>
        %add3A_799 = arith.addf %mul3A_798, %get3A_45 : vector<16xf32>
        %swap3A_800 = arith.constant 0 : i32
        %swap3A_801 = arith.constant 0 : i32
        %swap3A_802 = tpu.memref_slice %arg13[%scan3A_463, %swap3A_800, %swap3A_801] : memref<4x64x128xf32, #tpu.memory_space<vmem>> -> memref<1x64x128xf32, #tpu.memory_space<vmem>>
        %swap3A_803 = tpu.memref_squeeze %swap3A_802 : memref<1x64x128xf32, #tpu.memory_space<vmem>> -> memref<64x128xf32, #tpu.memory_space<vmem>>
        %swap3A_804 = arith.index_cast %add3A_496 : i32 to index
        %swap3A_805 = arith.constant 32 : index
        %swap3A_806 = tpu.vector_load %swap3A_803[%swap3A_804, %swap3A_805] {strides = array<i32>} : memref<64x128xf32, #tpu.memory_space<vmem>>, vector<1x16xf32>,
        %swap3A_807 = vector.shape_cast %swap3A_806 : vector<1x16xf32> to vector<16xf32>
        %swap3A_808 = vector.shape_cast %add3A_799 : vector<16xf32> to vector<1x16xf32>
        tpu.vector_store %swap3A_803[%swap3A_804, %swap3A_805], %swap3A_808 {strides = array<i32>} : memref<64x128xf32, #tpu.memory_space<vmem>>, vector<1x16xf32>,
        %sub3A_809 = arith.subf %add3A_564, %mul3A_698 : vector<16xf32>
        %mul3A_810 = arith.mulf %sub3A_809, %mul3A_770 : vector<16xf32>
        %mul3A_811 = arith.mulf %mul3A_810, %get3A_24 : vector<16xf32>
        %add3A_812 = arith.addf %mul3A_811, %get3A_48 : vector<16xf32>
        %swap3A_813 = arith.constant 0 : i32
        %swap3A_814 = arith.constant 0 : i32
        %swap3A_815 = tpu.memref_slice %arg13[%scan3A_463, %swap3A_813, %swap3A_814] : memref<4x64x128xf32, #tpu.memory_space<vmem>> -> memref<1x64x128xf32, #tpu.memory_space<vmem>>
        %swap3A_816 = tpu.memref_squeeze %swap3A_815 : memref<1x64x128xf32, #tpu.memory_space<vmem>> -> memref<64x128xf32, #tpu.memory_space<vmem>>
        %swap3A_817 = arith.index_cast %add3A_496 : i32 to index
        %swap3A_818 = arith.constant 48 : index
        %swap3A_819 = tpu.vector_load %swap3A_816[%swap3A_817, %swap3A_818] {strides = array<i32>} : memref<64x128xf32, #tpu.memory_space<vmem>>, vector<1x16xf32>,
        %swap3A_820 = vector.shape_cast %swap3A_819 : vector<1x16xf32> to vector<16xf32>
        %swap3A_821 = vector.shape_cast %add3A_812 : vector<16xf32> to vector<1x16xf32>
        tpu.vector_store %swap3A_816[%swap3A_817, %swap3A_818], %swap3A_821 {strides = array<i32>} : memref<64x128xf32, #tpu.memory_space<vmem>>, vector<1x16xf32>,
        %sub3A_822 = arith.subf %add3A_581, %mul3A_698 : vector<16xf32>
        %mul3A_823 = arith.mulf %sub3A_822, %mul3A_770 : vector<16xf32>
        %mul3A_824 = arith.mulf %mul3A_823, %get3A_27 : vector<16xf32>
        %add3A_825 = arith.addf %mul3A_824, %get3A_51 : vector<16xf32>
        %swap3A_826 = arith.constant 0 : i32
        %swap3A_827 = arith.constant 0 : i32
        %swap3A_828 = tpu.memref_slice %arg13[%scan3A_463, %swap3A_826, %swap3A_827] : memref<4x64x128xf32, #tpu.memory_space<vmem>> -> memref<1x64x128xf32, #tpu.memory_space<vmem>>
        %swap3A_829 = tpu.memref_squeeze %swap3A_828 : memref<1x64x128xf32, #tpu.memory_space<vmem>> -> memref<64x128xf32, #tpu.memory_space<vmem>>
        %swap3A_830 = arith.index_cast %add3A_496 : i32 to index
        %swap3A_831 = arith.constant 64 : index
        %swap3A_832 = tpu.vector_load %swap3A_829[%swap3A_830, %swap3A_831] {strides = array<i32>} : memref<64x128xf32, #tpu.memory_space<vmem>>, vector<1x16xf32>,
        %swap3A_833 = vector.shape_cast %swap3A_832 : vector<1x16xf32> to vector<16xf32>
        %swap3A_834 = vector.shape_cast %add3A_825 : vector<16xf32> to vector<1x16xf32>
        tpu.vector_store %swap3A_829[%swap3A_830, %swap3A_831], %swap3A_834 {strides = array<i32>} : memref<64x128xf32, #tpu.memory_space<vmem>>, vector<1x16xf32>,
        %sub3A_835 = arith.subf %add3A_598, %mul3A_698 : vector<16xf32>
        %mul3A_836 = arith.mulf %sub3A_835, %mul3A_770 : vector<16xf32>
        %mul3A_837 = arith.mulf %mul3A_836, %get3A_30 : vector<16xf32>
        %add3A_838 = arith.addf %mul3A_837, %get3A_54 : vector<16xf32>
        %swap3A_839 = arith.constant 0 : i32
        %swap3A_840 = arith.constant 0 : i32
        %swap3A_841 = tpu.memref_slice %arg13[%scan3A_463, %swap3A_839, %swap3A_840] : memref<4x64x128xf32, #tpu.memory_space<vmem>> -> memref<1x64x128xf32, #tpu.memory_space<vmem>>
        %swap3A_842 = tpu.memref_squeeze %swap3A_841 : memref<1x64x128xf32, #tpu.memory_space<vmem>> -> memref<64x128xf32, #tpu.memory_space<vmem>>
        %swap3A_843 = arith.index_cast %add3A_496 : i32 to index
        %swap3A_844 = arith.constant 80 : index
        %swap3A_845 = tpu.vector_load %swap3A_842[%swap3A_843, %swap3A_844] {strides = array<i32>} : memref<64x128xf32, #tpu.memory_space<vmem>>, vector<1x16xf32>,
        %swap3A_846 = vector.shape_cast %swap3A_845 : vector<1x16xf32> to vector<16xf32>
        %swap3A_847 = vector.shape_cast %add3A_838 : vector<16xf32> to vector<1x16xf32>
        tpu.vector_store %swap3A_842[%swap3A_843, %swap3A_844], %swap3A_847 {strides = array<i32>} : memref<64x128xf32, #tpu.memory_space<vmem>>, vector<1x16xf32>,
        %sub3A_848 = arith.subf %add3A_615, %mul3A_698 : vector<16xf32>
        %mul3A_849 = arith.mulf %sub3A_848, %mul3A_770 : vector<16xf32>
        %mul3A_850 = arith.mulf %mul3A_849, %get3A_33 : vector<16xf32>
        %add3A_851 = arith.addf %mul3A_850, %get3A_57 : vector<16xf32>
        %swap3A_852 = arith.constant 0 : i32
        %swap3A_853 = arith.constant 0 : i32
        %swap3A_854 = tpu.memref_slice %arg13[%scan3A_463, %swap3A_852, %swap3A_853] : memref<4x64x128xf32, #tpu.memory_space<vmem>> -> memref<1x64x128xf32, #tpu.memory_space<vmem>>
        %swap3A_855 = tpu.memref_squeeze %swap3A_854 : memref<1x64x128xf32, #tpu.memory_space<vmem>> -> memref<64x128xf32, #tpu.memory_space<vmem>>
        %swap3A_856 = arith.index_cast %add3A_496 : i32 to index
        %swap3A_857 = arith.constant 96 : index
        %swap3A_858 = tpu.vector_load %swap3A_855[%swap3A_856, %swap3A_857] {strides = array<i32>} : memref<64x128xf32, #tpu.memory_space<vmem>>, vector<1x16xf32>,
        %swap3A_859 = vector.shape_cast %swap3A_858 : vector<1x16xf32> to vector<16xf32>
        %swap3A_860 = vector.shape_cast %add3A_851 : vector<16xf32> to vector<1x16xf32>
        tpu.vector_store %swap3A_855[%swap3A_856, %swap3A_857], %swap3A_860 {strides = array<i32>} : memref<64x128xf32, #tpu.memory_space<vmem>>, vector<1x16xf32>,
        %sub3A_861 = arith.subf %add3A_632, %mul3A_698 : vector<16xf32>
        %mul3A_862 = arith.mulf %sub3A_861, %mul3A_770 : vector<16xf32>
        %mul3A_863 = arith.mulf %mul3A_862, %get3A_36 : vector<16xf32>
        %add3A_864 = arith.addf %mul3A_863, %get3A_60 : vector<16xf32>
        %swap3A_865 = arith.constant 0 : i32
        %swap3A_866 = arith.constant 0 : i32
        %swap3A_867 = tpu.memref_slice %arg13[%scan3A_463, %swap3A_865, %swap3A_866] : memref<4x64x128xf32, #tpu.memory_space<vmem>> -> memref<1x64x128xf32, #tpu.memory_space<vmem>>
        %swap3A_868 = tpu.memref_squeeze %swap3A_867 : memref<1x64x128xf32, #tpu.memory_space<vmem>> -> memref<64x128xf32, #tpu.memory_space<vmem>>
        %swap3A_869 = arith.index_cast %add3A_496 : i32 to index
        %swap3A_870 = arith.constant 112 : index
        %swap3A_871 = tpu.vector_load %swap3A_868[%swap3A_869, %swap3A_870] {strides = array<i32>} : memref<64x128xf32, #tpu.memory_space<vmem>>, vector<1x16xf32>,
        %swap3A_872 = vector.shape_cast %swap3A_871 : vector<1x16xf32> to vector<16xf32>
        %swap3A_873 = vector.shape_cast %add3A_864 : vector<16xf32> to vector<1x16xf32>
        tpu.vector_store %swap3A_868[%swap3A_869, %swap3A_870], %swap3A_873 {strides = array<i32>} : memref<64x128xf32, #tpu.memory_space<vmem>>, vector<1x16xf32>,
      }
      %scan3A_468 = arith.constant 64 : i32
      %mul3A_469 = arith.constant 64 : i32
      %mul3A_470 = arith.muli %add3A_428, %mul3A_469 : i32
      %add3A_471 = arith.addi %mul3A_2, %mul3A_470 : i32
      %dma_start3A_472 = arith.constant 3 : i32
      %dma_start3A_473 = arith.constant 0 : i32
      %dma_start3A_474 = arith.constant 0 : i32
      %dma_start3A_475 = tpu.memref_slice %arg13[%dma_start3A_472, %dma_start3A_473, %dma_start3A_474] : memref<4x64x128xf32, #tpu.memory_space<vmem>> -> memref<1x64x128xf32, #tpu.memory_space<vmem>>
      %dma_start3A_476 = tpu.memref_squeeze %dma_start3A_475 : memref<1x64x128xf32, #tpu.memory_space<vmem>> -> memref<64x128xf32, #tpu.memory_space<vmem>>
      %dma_start3A_477 = arith.constant 0 : i32
      %dma_start3A_478 = tpu.memref_slice %arg7[%add3A_471, %dma_start3A_477] : memref<204800x128xf32, #tpu.memory_space<hbm>> -> memref<64x128xf32, #tpu.memory_space<hbm>>
      %dma_start3A_479 = arith.constant 0 : i32
      %dma_start3A_480 = tpu.memref_slice %arg7[%add3A_471, %dma_start3A_479] : memref<204800x128xf32, #tpu.memory_space<hbm>> -> memref<64x128xf32, #tpu.memory_space<hbm>>
      %dma_start3A_481 = arith.constant 0 : i32
      %dma_start3A_482 = arith.constant 0 : i32
      %dma_start3A_483 = tpu.memref_slice %arg13[%dma_start3A_472, %dma_start3A_481, %dma_start3A_482] : memref<4x64x128xf32, #tpu.memory_space<vmem>> -> memref<1x64x128xf32, #tpu.memory_space<vmem>>
      %dma_start3A_484 = tpu.memref_squeeze %dma_start3A_483 : memref<1x64x128xf32, #tpu.memory_space<vmem>> -> memref<64x128xf32, #tpu.memory_space<vmem>>
      tpu.enqueue_dma source(%dma_start3A_484 : memref<64x128xf32, #tpu.memory_space<vmem>>) target(%dma_start3A_480 : memref<64x128xf32, #tpu.memory_space<hbm>>) target_semaphore(%arg21 : memref<!tpu.dma_semaphore, #tpu.memory_space<semaphore_mem>>)
      %add3A_485 = arith.constant 4 : i32
      %add3A_486 = arith.addi %add3A_428, %add3A_485 : i32
      %lt3A_487 = arith.constant 100 : i32
      %lt3A_488 = arith.cmpi slt, %add3A_486, %lt3A_487 : i32
      %convert_element_type3A_489 = arith.extui %lt3A_488 : i1 to i32
      %cond3A_490 = arith.constant 0 : i32
      %cond3A_491 = arith.cmpi ne, %convert_element_type3A_489, %cond3A_490 : i32
      scf.if %cond3A_491 {
        %add3A_492 = arith.constant 4 : i32
        %add3A_493 = arith.addi %add3A_428, %add3A_492 : i32
        %mul3A_494 = arith.constant 64 : i32
        %mul3A_495 = arith.muli %add3A_493, %mul3A_494 : i32
        %add3A_496 = arith.addi %mul3A_2, %mul3A_495 : i32
        %dma_start3A_497 = arith.constant 3 : i32
        %dma_start3A_498 = arith.constant 0 : i32
        %dma_start3A_499 = arith.constant 0 : i32
        %dma_start3A_500 = tpu.memref_slice %arg11[%dma_start3A_497, %dma_start3A_498, %dma_start3A_499] : memref<4x64x128xf32, #tpu.memory_space<vmem>> -> memref<1x64x128xf32, #tpu.memory_space<vmem>>
        %dma_start3A_501 = tpu.memref_squeeze %dma_start3A_500 : memref<1x64x128xf32, #tpu.memory_space<vmem>> -> memref<64x128xf32, #tpu.memory_space<vmem>>
        %dma_start3A_502 = arith.constant 0 : i32
        %dma_start3A_503 = tpu.memref_slice %arg2[%add3A_496, %dma_start3A_502] : memref<204800x128xf32, #tpu.memory_space<hbm>> -> memref<64x128xf32, #tpu.memory_space<hbm>>
        %dma_start3A_504 = arith.constant 0 : i32
        %dma_start3A_505 = arith.constant 0 : i32
        %dma_start3A_506 = tpu.memref_slice %arg11[%dma_start3A_497, %dma_start3A_504, %dma_start3A_505] : memref<4x64x128xf32, #tpu.memory_space<vmem>> -> memref<1x64x128xf32, #tpu.memory_space<vmem>>
        %dma_start3A_507 = tpu.memref_squeeze %dma_start3A_506 : memref<1x64x128xf32, #tpu.memory_space<vmem>> -> memref<64x128xf32, #tpu.memory_space<vmem>>
        %dma_start3A_508 = arith.constant 0 : i32
        %dma_start3A_509 = tpu.memref_slice %arg2[%add3A_496, %dma_start3A_508] : memref<204800x128xf32, #tpu.memory_space<hbm>> -> memref<64x128xf32, #tpu.memory_space<hbm>>
        tpu.enqueue_dma source(%dma_start3A_509 : memref<64x128xf32, #tpu.memory_space<hbm>>) target(%dma_start3A_507 : memref<64x128xf32, #tpu.memory_space<vmem>>) target_semaphore(%arg17 : memref<!tpu.dma_semaphore, #tpu.memory_space<semaphore_mem>>)
        %dma_start3A_510 = arith.constant 3 : i32
        %dma_start3A_511 = arith.constant 0 : i32
        %dma_start3A_512 = arith.constant 0 : i32
        %dma_start3A_513 = tpu.memref_slice %arg12[%dma_start3A_510, %dma_start3A_511, %dma_start3A_512] : memref<4x64x128xf32, #tpu.memory_space<vmem>> -> memref<1x64x128xf32, #tpu.memory_space<vmem>>
        %dma_start3A_514 = tpu.memref_squeeze %dma_start3A_513 : memref<1x64x128xf32, #tpu.memory_space<vmem>> -> memref<64x128xf32, #tpu.memory_space<vmem>>
        %dma_start3A_515 = arith.constant 0 : i32
        %dma_start3A_516 = tpu.memref_slice %arg8[%add3A_493, %dma_start3A_515] : memref<100x64xi32, #tpu.memory_space<vmem>> -> memref<1x64xi32, #tpu.memory_space<vmem>>
        %dma_start3A_517 = tpu.memref_squeeze %dma_start3A_516 : memref<1x64xi32, #tpu.memory_space<vmem>> -> memref<64xi32, #tpu.memory_space<vmem>>
        %dma_start3A_518 = arith.constant 0 : i32
        %dma_start3A_519 = arith.constant 0 : i32
        %dma_start3A_520 = tpu.memref_slice %arg4[%dma_start3A_518, %dma_start3A_519] : memref<1000x128xf32, #tpu.memory_space<hbm>> -> memref<1000x128xf32, #tpu.memory_space<hbm>>
        tpu.enqueue_indirect_dma source(%dma_start3A_520 : memref<1000x128xf32, #tpu.memory_space<hbm>>) target(%dma_start3A_514 : memref<64x128xf32, #tpu.memory_space<vmem>>) offsets(%dma_start3A_517 : memref<64xi32, #tpu.memory_space<vmem>>) semaphore(%arg17 : memref<!tpu.dma_semaphore, #tpu.memory_space<semaphore_mem>>)
      } else {
      }
    }
    %scan3A_171 = arith.constant 25 : i32
    %add3A_172 = arith.constant 6144 : i32
    %add3A_173 = arith.addi %mul3A_2, %add3A_172 : i32
    %dma_wait3A = arith.constant 0 : i32
    %dma_wait3A_174 = arith.constant 0 : i32
    %dma_wait3A_175 = arith.constant 0 : i32
    %dma_wait3A_176 = tpu.memref_slice %arg13[%dma_wait3A, %dma_wait3A_174, %dma_wait3A_175] : memref<4x64x128xf32, #tpu.memory_space<vmem>> -> memref<1x64x128xf32, #tpu.memory_space<vmem>>
    %dma_wait3A_177 = tpu.memref_squeeze %dma_wait3A_176 : memref<1x64x128xf32, #tpu.memory_space<vmem>> -> memref<64x128xf32, #tpu.memory_space<vmem>>
    %dma_wait3A_178 = arith.constant 0 : i32
    %dma_wait3A_179 = tpu.memref_slice %arg7[%add3A_173, %dma_wait3A_178] : memref<204800x128xf32, #tpu.memory_space<hbm>> -> memref<64x128xf32, #tpu.memory_space<hbm>>
    %dma_wait3A_180 = arith.constant 0 : i32
    %dma_wait3A_181 = tpu.memref_slice %arg7[%add3A_173, %dma_wait3A_180] : memref<204800x128xf32, #tpu.memory_space<hbm>> -> memref<64x128xf32, #tpu.memory_space<hbm>>
    %dma_wait3A_182 = arith.constant 0 : i32
    %dma_wait3A_183 = arith.constant 0 : i32
    %dma_wait3A_184 = tpu.memref_slice %arg13[%dma_wait3A, %dma_wait3A_182, %dma_wait3A_183] : memref<4x64x128xf32, #tpu.memory_space<vmem>> -> memref<1x64x128xf32, #tpu.memory_space<vmem>>
    %dma_wait3A_185 = tpu.memref_squeeze %dma_wait3A_184 : memref<1x64x128xf32, #tpu.memory_space<vmem>> -> memref<64x128xf32, #tpu.memory_space<vmem>>
    tpu.wait_dma2 semaphore(%arg18 : memref<!tpu.dma_semaphore, #tpu.memory_space<semaphore_mem>>) src(%dma_wait3A_185 : memref<64x128xf32, #tpu.memory_space<vmem>>) dst(%dma_wait3A_181 : memref<64x128xf32, #tpu.memory_space<hbm>>)
    %add3A_186 = arith.constant 6208 : i32
    %add3A_187 = arith.addi %mul3A_2, %add3A_186 : i32
    %dma_wait3A_188 = arith.constant 1 : i32
    %dma_wait3A_189 = arith.constant 0 : i32
    %dma_wait3A_190 = arith.constant 0 : i32
    %dma_wait3A_191 = tpu.memref_slice %arg13[%dma_wait3A_188, %dma_wait3A_189, %dma_wait3A_190] : memref<4x64x128xf32, #tpu.memory_space<vmem>> -> memref<1x64x128xf32, #tpu.memory_space<vmem>>
    %dma_wait3A_192 = tpu.memref_squeeze %dma_wait3A_191 : memref<1x64x128xf32, #tpu.memory_space<vmem>> -> memref<64x128xf32, #tpu.memory_space<vmem>>
    %dma_wait3A_193 = arith.constant 0 : i32
    %dma_wait3A_194 = tpu.memref_slice %arg7[%add3A_187, %dma_wait3A_193] : memref<204800x128xf32, #tpu.memory_space<hbm>> -> memref<64x128xf32, #tpu.memory_space<hbm>>
    %dma_wait3A_195 = arith.constant 0 : i32
    %dma_wait3A_196 = tpu.memref_slice %arg7[%add3A_187, %dma_wait3A_195] : memref<204800x128xf32, #tpu.memory_space<hbm>> -> memref<64x128xf32, #tpu.memory_space<hbm>>
    %dma_wait3A_197 = arith.constant 0 : i32
    %dma_wait3A_198 = arith.constant 0 : i32
    %dma_wait3A_199 = tpu.memref_slice %arg13[%dma_wait3A_188, %dma_wait3A_197, %dma_wait3A_198] : memref<4x64x128xf32, #tpu.memory_space<vmem>> -> memref<1x64x128xf32, #tpu.memory_space<vmem>>
    %dma_wait3A_200 = tpu.memref_squeeze %dma_wait3A_199 : memref<1x64x128xf32, #tpu.memory_space<vmem>> -> memref<64x128xf32, #tpu.memory_space<vmem>>
    tpu.wait_dma2 semaphore(%arg19 : memref<!tpu.dma_semaphore, #tpu.memory_space<semaphore_mem>>) src(%dma_wait3A_200 : memref<64x128xf32, #tpu.memory_space<vmem>>) dst(%dma_wait3A_196 : memref<64x128xf32, #tpu.memory_space<hbm>>)
    %add3A_201 = arith.constant 6272 : i32
    %add3A_202 = arith.addi %mul3A_2, %add3A_201 : i32
    %dma_wait3A_203 = arith.constant 2 : i32
    %dma_wait3A_204 = arith.constant 0 : i32
    %dma_wait3A_205 = arith.constant 0 : i32
    %dma_wait3A_206 = tpu.memref_slice %arg13[%dma_wait3A_203, %dma_wait3A_204, %dma_wait3A_205] : memref<4x64x128xf32, #tpu.memory_space<vmem>> -> memref<1x64x128xf32, #tpu.memory_space<vmem>>
    %dma_wait3A_207 = tpu.memref_squeeze %dma_wait3A_206 : memref<1x64x128xf32, #tpu.memory_space<vmem>> -> memref<64x128xf32, #tpu.memory_space<vmem>>
    %dma_wait3A_208 = arith.constant 0 : i32
    %dma_wait3A_209 = tpu.memref_slice %arg7[%add3A_202, %dma_wait3A_208] : memref<204800x128xf32, #tpu.memory_space<hbm>> -> memref<64x128xf32, #tpu.memory_space<hbm>>
    %dma_wait3A_210 = arith.constant 0 : i32
    %dma_wait3A_211 = tpu.memref_slice %arg7[%add3A_202, %dma_wait3A_210] : memref<204800x128xf32, #tpu.memory_space<hbm>> -> memref<64x128xf32, #tpu.memory_space<hbm>>
    %dma_wait3A_212 = arith.constant 0 : i32
    %dma_wait3A_213 = arith.constant 0 : i32
    %dma_wait3A_214 = tpu.memref_slice %arg13[%dma_wait3A_203, %dma_wait3A_212, %dma_wait3A_213] : memref<4x64x128xf32, #tpu.memory_space<vmem>> -> memref<1x64x128xf32, #tpu.memory_space<vmem>>
    %dma_wait3A_215 = tpu.memref_squeeze %dma_wait3A_214 : memref<1x64x128xf32, #tpu.memory_space<vmem>> -> memref<64x128xf32, #tpu.memory_space<vmem>>
    tpu.wait_dma2 semaphore(%arg20 : memref<!tpu.dma_semaphore, #tpu.memory_space<semaphore_mem>>) src(%dma_wait3A_215 : memref<64x128xf32, #tpu.memory_space<vmem>>) dst(%dma_wait3A_211 : memref<64x128xf32, #tpu.memory_space<hbm>>)
    %add3A_216 = arith.constant 6336 : i32
    %add3A_217 = arith.addi %mul3A_2, %add3A_216 : i32
    %dma_wait3A_218 = arith.constant 3 : i32
    %dma_wait3A_219 = arith.constant 0 : i32
    %dma_wait3A_220 = arith.constant 0 : i32
    %dma_wait3A_221 = tpu.memref_slice %arg13[%dma_wait3A_218, %dma_wait3A_219, %dma_wait3A_220] : memref<4x64x128xf32, #tpu.memory_space<vmem>> -> memref<1x64x128xf32, #tpu.memory_space<vmem>>
    %dma_wait3A_222 = tpu.memref_squeeze %dma_wait3A_221 : memref<1x64x128xf32, #tpu.memory_space<vmem>> -> memref<64x128xf32, #tpu.memory_space<vmem>>
    %dma_wait3A_223 = arith.constant 0 : i32
    %dma_wait3A_224 = tpu.memref_slice %arg7[%add3A_217, %dma_wait3A_223] : memref<204800x128xf32, #tpu.memory_space<hbm>> -> memref<64x128xf32, #tpu.memory_space<hbm>>
    %dma_wait3A_225 = arith.constant 0 : i32
    %dma_wait3A_226 = tpu.memref_slice %arg7[%add3A_217, %dma_wait3A_225] : memref<204800x128xf32, #tpu.memory_space<hbm>> -> memref<64x128xf32, #tpu.memory_space<hbm>>
    %dma_wait3A_227 = arith.constant 0 : i32
    %dma_wait3A_228 = arith.constant 0 : i32
    %dma_wait3A_229 = tpu.memref_slice %arg13[%dma_wait3A_218, %dma_wait3A_227, %dma_wait3A_228] : memref<4x64x128xf32, #tpu.memory_space<vmem>> -> memref<1x64x128xf32, #tpu.memory_space<vmem>>
    %dma_wait3A_230 = tpu.memref_squeeze %dma_wait3A_229 : memref<1x64x128xf32, #tpu.memory_space<vmem>> -> memref<64x128xf32, #tpu.memory_space<vmem>>
    tpu.wait_dma2 semaphore(%arg21 : memref<!tpu.dma_semaphore, #tpu.memory_space<semaphore_mem>>) src(%dma_wait3A_230 : memref<64x128xf32, #tpu.memory_space<vmem>>) dst(%dma_wait3A_226 : memref<64x128xf32, #tpu.memory_space<hbm>>)
    return
  }
}

</mosaic_0001>

<sc_bundles>
// kernel: kernel.3.cloned.1.call-start
scs
__scs_entry_jumppad:
0x0: {  	(pc) =	sbr.rel $0x88, $3  }
0x1: {  	(tag) =	ssettag $0x0;
	lr =	simm.s32 $0x1  }
0x2: {  	[smem:$0x3F9C] =	sst lr;
	_ =	strace $0xD0000000  }
0x3: {  	_ = 	snop  }
0x4: {  	_ = 	snop  }
0x5: {  	_ = 	snop  }
0x6: {  	_ = 	snop  }
0x7: {  	_ = 	snop  }
__scs_overlays_trampoline_lowered:
0x8: {  	[smem:$0x3FAB] =	sst s0  }
0x9: {  	[smem:$0x3FAC] =	sst s1  }
0xa: {  	[smem:$0x3FAD] =	sst s2  }
0xb: {  	[smem:$0x3FAE] =	sst s3  }
0xc: {  	[smem:$0x3FAF] =	sst s4  }
0xd: {  	[smem:$0x3FB0] =	sst s5  }
0xe: {  	[smem:$0x3FB1] =	sst s6  }
0xf: {  	[smem:$0x3FB2] =	sst s7  }
0x10: {  	[smem:$0x3FB3] =	sst s8  }
0x11: {  	[smem:$0x3FB4] =	sst s9;
	s0 =	simm.s32 @!p0 $0x0  }
0x12: {  	s1 =	sld [smem:$0x3F9A];
	s0 =	simm.s32 @p0 $0x1  }
0x13: {  	[smem:$0x3FB5] =	sst s0;
	s0 =	simm.s32 @!p1 $0x0  }
0x14: {  	s2 =	sld [smem:$0x3F99];
	s0 =	simm.s32 @p1 $0x1  }
0x15: {  	[smem:$0x3FB6] =	sst s0;
	s0 =	simm.s32 @!p2 $0x0  }
0x16: {  	s3 =	sld [smem:$0x3FDB];
	s0 =	simm.s32 @p2 $0x1  }
0x17: {  	s4 =	simm.s32 $0x1BF5;
	[smem:$0x3FB8] =	sst s0  }
0x18: {  	s0 =	sld [smem:$0x3F9B];
	_ =	swait.ge [sflag:s4], $0x0  }
0x19: {  	s7 =	sld [smem:$0x3F9C]  }
0x1a: {  	s8 =	sadd.s32 $0xFFFFE003, lr  }
0x1b: {  	s9 =	sadd.s32 $0xFFFFFEF7, lr;
	s5 =	simm.s32 $0xFFFFFFFF;
	p2 =	slt.u32 s8, $0xFFFFF086  }
0x1c: {  	p1 =	slt.u32 s9, $0xF7A;
	s5 =	simm.s32 @!p2 $0x0  }
0x1d: {  	s5 =	simm.s32 @p1 $0x1;
	p0 =	seq.s32 s7, s2  }
0x1e: {  	s7 =	smul.u32 @!p0 $0xF7A, s2;
	p2 =	seq.s32 @!p0 s5, $0x0  }
0x1f: {  	s9 =	smul.u32 $0xF7A, s1;
	s8 =	simm.s32 @!p0 $0x1BF5;
	p2 =	por !p2, p0  }
0x20: {  	[sflag:s8] =	ssyncset.s32 @!p0 $0xFFFFF086;
	s6 =	sadd.s32 @!p0 s3, s7;
	s7 =	simm.s32 @!p0 $0x108  }
0x21: {  	s3 =	sadd.s32 s3, s9;
	s6 =	sadd.s32 @!p0 $0x88, s6;
	s7 =	simm.s32 @p2 $0x1082  }
0x22: {  	[simem:s7], [sflag:s8] =	dma.local @!p0 [hbm:s6], $0xF7A  }
0x23: {  	s9 =	sor.u32 $0xD0000000, s2;
	s6 =	simm.s32 $0x108;
	_ =	swait.ge @!p0 [sflag:s8], $0x0  }
0x24: {  	s3 =	sadd.s32 $0x88, s3;
	s6 =	simm.s32 @!p1 $0x1082;
	[sflag:s4] =	ssyncset.s32 $0xFFFFF086  }
0x25: {  	[simem:s6], [sflag:s4] =	dma.local [hbm:s3], $0xF7A  }
0x26: {  	[smem:$0x3F9C] =	sst s1;
	(tag) =	ssettag s2;
	_ =	strace s9  }
0x27: {  	s1 =	sld [smem:$0x3FAC]  }
0x28: {  	s2 =	sld [smem:$0x3FAD]  }
0x29: {  	s4 =	sld [smem:$0x3FAF]  }
0x2a: {  	p0 =	seq.s32 s5, $0x0;
	s5 =	sld [smem:$0x3FB0]  }
0x2b: {  	s6 =	sld [smem:$0x3FB1]  }
0x2c: {  	s7 =	sld [smem:$0x3FB2]  }
0x2d: {  	s3 =	simm.s32 $0x108;
	s8 =	sld [smem:$0x3FB3]  }
0x2e: {  	s3 =	simm.s32 @!p0 $0x1082;
	s9 =	sld [smem:$0x3FB4]  }
0x2f: {  	lr =	sadd.s32 s0, s3;
	s0 =	sld [smem:$0x3FAB]  }
0x30: {  	s3 =	sld [smem:$0x3FAE]  }
0x31: {  	[smem:$0x3FB7] =	sst s10  }
0x32: {  	s10 =	sld [smem:$0x3FB5];
	_ =	sdelay $0x3  }
0x33: {  	p0 =	seq.s32 s10, $0x1;
	s10 =	sld [smem:$0x3FB7];
	_ =	sdelay $0x3  }
0x34: {  	[smem:$0x3FB7] =	sst s10  }
0x35: {  	s10 =	sld [smem:$0x3FB6];
	_ =	sdelay $0x3  }
0x36: {  	p1 =	seq.s32 s10, $0x1;
	s10 =	sld [smem:$0x3FB7];
	_ =	sdelay $0x3  }
0x37: {  	[smem:$0x3FB7] =	sst s10  }
0x38: {  	s10 =	sld [smem:$0x3FB8]  }
0x39: {  	_ = 	snop;
	(pc) =	sbr.ind lr, $3  }
0x3a: {  	_ = 	snop  }
0x3b: {  	_ = 	snop  }
0x3c: {  	p2 =	seq.s32 s10, $0x1;
	s10 =	sld [smem:$0x3FB7]  }
0x3d: {  	_ =	shalt  }
0x3e: {  	_ =	shalt  }
0x3f: {  	_ =	shalt  }
0x40: {  	_ =	shalt  }
0x41: {  	_ =	shalt  }
0x42: {  	_ =	shalt  }
0x43: {  	_ =	shalt  }
0x44: {  	_ =	shalt  }
0x45: {  	_ =	shalt  }
0x46: {  	_ =	shalt  }
0x47: {  	_ =	shalt  }
0x48: {  	_ =	shalt  }
0x49: {  	_ =	shalt  }
0x4a: {  	_ =	shalt  }
0x4b: {  	_ =	shalt  }
0x4c: {  	_ =	shalt  }
0x4d: {  	_ =	shalt  }
0x4e: {  	_ =	shalt  }
0x4f: {  	_ =	shalt  }
0x50: {  	_ =	shalt  }
0x51: {  	_ =	shalt  }
0x52: {  	_ =	shalt  }
0x53: {  	_ =	shalt  }
0x54: {  	_ =	shalt  }
0x55: {  	_ =	shalt  }
0x56: {  	_ =	shalt  }
0x57: {  	_ =	shalt  }
0x58: {  	_ =	shalt  }
0x59: {  	_ =	shalt  }
0x5a: {  	_ =	shalt  }
0x5b: {  	_ =	shalt  }
0x5c: {  	_ =	shalt  }
0x5d: {  	_ =	shalt  }
0x5e: {  	_ =	shalt  }
0x5f: {  	_ =	shalt  }
0x60: {  	_ =	shalt  }
0x61: {  	_ =	shalt  }
0x62: {  	_ =	shalt  }
0x63: {  	_ =	shalt  }
0x64: {  	_ =	shalt  }
0x65: {  	_ =	shalt  }
0x66: {  	_ =	shalt  }
0x67: {  	_ =	shalt  }
0x68: {  	_ =	shalt  }
0x69: {  	_ =	shalt  }
0x6a: {  	_ =	shalt  }
0x6b: {  	_ =	shalt  }
0x6c: {  	_ =	shalt  }
0x6d: {  	_ =	shalt  }
0x6e: {  	_ =	shalt  }
0x6f: {  	_ =	shalt  }
0x70: {  	_ =	shalt  }
0x71: {  	_ =	shalt  }
0x72: {  	_ =	shalt  }
0x73: {  	_ =	shalt  }
0x74: {  	_ =	shalt  }
0x75: {  	_ =	shalt  }
0x76: {  	_ =	shalt  }
0x77: {  	_ =	shalt  }
0x78: {  	_ =	shalt  }
0x79: {  	_ =	shalt  }
0x7a: {  	_ =	shalt  }
0x7b: {  	_ =	shalt  }
0x7c: {  	_ =	shalt  }
0x7d: {  	_ =	shalt  }
0x7e: {  	_ =	shalt  }
0x7f: {  	_ =	shalt  }
0x80: {  	_ =	shalt  }
0x81: {  	_ =	shalt  }
0x82: {  	_ =	shalt  }
0x83: {  	_ =	shalt  }
0x84: {  	_ =	shalt  }
0x85: {  	_ =	shalt  }
0x86: {  	_ =	shalt  }
0x87: {  	_ =	shalt  }
.Lfunc_end0:
.L_simem_size_0:
called_computation_lowered:
.L_overlay_start_0:
0x88: {  	s2 =	sld [smem:$0x3FD9]  }
0x89: {  	s3 =	sld [smem:$0x3FFE];
	_ =	sdelay $0x1  }
0x8a: {  	s1 =	srdreg.scid  }
0x8b: {  	s0 =	sand.u32 $0x1, s1  }
0x8c: {  	s17 =	sshll.u32 s0, $0xA;
	s2 =	sadd.s32 s3, s2  }
0x8d: {  	s2 =	sadd.s32 s2, s17  }
0x8e: {  	[smem:$0x3FC3] =	sst s2  }
0x8f: {  	_ = 	snop  }
0x90: {  	s2 =	sld [smem:$0x3FC9]  }
0x91: {  	s18 =	sld [smem:$0x3FC7]  }
0x92: {  	s4 =	sld [smem:$0x3FC6]  }
0x93: {  	s5 =	sld [smem:$0x3FC5]  }
0x94: {  	s6 =	sld [smem:$0x3FD0];
	(tm) =	ssettm $0x1  }
0x95: {  	s7 =	sld [smem:$0x3FFB];
	_ =	sdelay $0x3  }
0x96: {  	_ =	strace s7  }
0x97: {  	s7 =	sld [smem:$0x3FFC];
	_ =	sdelay $0x3  }
0x98: {  	_ =	strace s7  }
0x99: {  	s7 =	sld [smem:$0x3FFD];
	_ =	sdelay $0x3  }
0x9a: {  	_ =	strace s7  }
0x9b: {  	_ =	strace $0x8FFFFFFF  }
0x9c: {  	s19 =	sld [smem:$0x3FDB];
	_ =	sdelay $0x1  }
0x9d: {  	s8 =	simm.s32 $_scs_section_size  }
0x9e: {  	s9 =	simm.s32 $_size__tile_overlayer_lowered;
	s10 =	simm.s32 $_tile_overlayer_lowered  }
0x9f: {  	s22 =	simm.s32 $0x1BFF;
	s21 =	sshll.u32 s10, $0x1;
	s7 =	sadd.s32 s8, s19  }
0xa0: {  	s11 =	simm.s32 $0x0;
	s20 =	sshll.u32 s9, $0x1;
	s9 =	sadd.s32 s21, s7  }
0xa1: {  	[timem:s11], [sflag:s22] =	dma.local [hbm:s9], s20  }
0xa2: {  	_ =	swait.ge [sflag:s22], s20  }
0xa3: {  	s8 =	ssub.s32 $0x0, s20;
	[sflag:s22] =	ssyncset.done $0x0  }
0xa4: {  	[sflag:s22] =	ssyncadd.s32 s8;
	_ =	sdelay $0x1  }
0xa5: {  	s23 =	simm.s32 $0x1B8B  }
0xa6: {  	_ =	swait.ge [sflag:s23], $0x1  }
0xa7: {  	[sflag:s23] =	ssyncset.done $0x0  }
0xa8: {  	s25 =	simm.s32 $0x1B8E;
	s24 =	sld [smem:$0x3FFE];
	[sflag:s23] =	ssyncadd.s32 $0xFFFFFFFF  }
0xa9: {  	s26 =	simm.s32 $execute0_lowered;
	[smem:$0x3FD2] =	sst s25  }
0xaa: {  	s9 =	sshll.u32 s26, $0x1;
	_ =	strace $0x80000046;
	[dreg:$0x1] =	wrdreg $0xFFFFFFFF  }
0xab: {  	s28 =	simm.s32 $_size_execute0_lowered;
	s7 =	sadd.s32 s7, s9;
	[dreg:$0x0] =	wrdreg $0x0  }
0xac: {  	s9 =	sshll.u32 s28, $0x1;
	[dreg:$0x2] =	wrdreg s7  }
0xad: {  	[dreg:$0x3] =	wrdreg s9  }
0xae: {  	[dreg:$0x4] =	wrdreg $0xC0  }
0xaf: {  	_ =	task [dreg:s11], $0x5FFFF  }
0xb0: {  	[dreg:$0x1] =	wrdreg $0xFFFFFFFF  }
0xb1: {  	[dreg:$0x0] =	wrdreg $0x60  }
0xb2: {  	[dreg:$0x2] =	wrdreg s2  }
0xb3: {  	[dreg:$0x3] =	wrdreg s24  }
0xb4: {  	[dreg:$0x4] =	wrdreg s18  }
0xb5: {  	[dreg:$0x5] =	wrdreg s4  }
0xb6: {  	[dreg:$0x6] =	wrdreg s5  }
0xb7: {  	[dreg:$0x7] =	wrdreg s6  }
0xb8: {  	[dreg:$0x8] =	wrdreg $0x9  }
0xb9: {  	_ =	task.clear_ibuf [dreg:s11], $0x9FFFF;
	_ =	strace $0x90000046  }
0xba: {  	s29 =	simm.s32 $0x9;
	_ =	strace $0x80000048  }
0xbb: {  	_ =	swait.ge [sflag:s29], $0x1  }
0xbc: {  	[sflag:s29] =	ssyncadd.s32 $0xFFFFFFFF  }
0xbd: {  	_ =	strace $0x90000048  }
0xbe: {  	_ =	sfence  }
0xbf: {  	s30 =	sld [smem:$0x0];
	_ =	sdelay $0x2  }
0xc0: {  	s31 =	sshll.u32 s1, $0xD;
	s1 =	sshrl.u32 s1, $0x2  }
0xc1: {  	s3 =	sand.u32 $0x4000, s31;
	s1 =	sadd.s32 s1, s30  }
0xc2: {  	s0 =	sor.u32 s3, s0;
	s1 =	sshll.u32 s1, $0x11  }
0xc3: {  	s0 =	sor.u32 s1, s0  }
0xc4: {  	s0 =	sadd.s32 $0x8F2B, s0  }
0xc5: {  	[sflag:s0] =	ssyncadd.remote.s32 $0x1  }
0xc6: {  	_ =	sfence.sel $0xFFFF  }
0xc7: {  	[dreg:$0x0] =	wrdreg $0xFFFFFFFF;
	(pc) =	sbr.abs _section_cstart, $3  }
0xc8: {  	[dreg:$0x1] =	wrdreg $0xFFFFFFFF  }
0xc9: {  	_ =	task.clear_ibuf [dreg:s11], $0x2FFFF;
	_ =	strace $0x9FFFFFFF  }
0xca: {  	(tm) =	ssettm $0x7FFFFFFF  }
0xcb: {  	_ =	shalt  }
tec
execute0_lowered:
.L_overlay_start_1:
0x0: {  	(tag) =	ssettag $0x1  }
0x1: {  	s0 =	rddreg [dreg:$0x0]  }
0x2: {  	s1 =	rddreg [dreg:$0x1]  }
0x3: {  	s2 =	rddreg [dreg:$0x2];
	s3 =	srdreg.scid  }
0x4: {  	s4 =	stileid.u32;
	s6 =	rddreg [dreg:$0x5];
	s7 =	simm.s32 $0x0  }
0x5: {  	s18 =	simm.s32 $0x9;
	s3 =	sand.u32 $0x1, s3;
	s4 =	sshll.u32 s4, $0x1  }
0x6: {  	v0 =	vimm.s32 $0xEFCDAB89;
	s22 =	simm.s32 $0x40;
	s31 =	simm.s32 $0x9500;
	s4 =	sor.u32 s3, s4  }
0x7: {  	v1 =	vimm.s32 $0x67452301;
	v2 =	vimm.s32 $0xDCFE98BA;
	s19 =	simm.s32 $0x2;
	s20 =	simm.s32 $0x15500;
	s5 =	smul.u32 $0x680, s4  }
0x8: {  	v3 =	vimm.s32 $0x54761032;
	v4 =	vimm.s32 $0xBA98FEDC;
	s21 =	simm.s32 $0x3;
	s23 =	simm.s32 $0x17500;
	s8 =	smul.u32 $0x19000, s4  }
0x9: {  	v5 =	vimm.s32 $0x32107654;
	v6 =	vimm.s32 $0xFEDCBA98;
	[smem:$0x7FF] =	sst s7;
	s3 =	ssub.s32 $0x2, s3;
	s10 =	smul.u32 $0x1900, s4  }
0xa: {  	v7 =	vimm.s32 $0x76543210;
	v0 =	vunpack.c.l.s4.s8 v0;
	v1 =	vunpack.c.l.s4.s8 v1;
	_ =	strace $0x80000047;
	s24 =	sshrl.u32 s3, $0x1;
	s9 =	smul.u32 $0xC8000, s4  }
0xb: {  	v2 =	vunpack.c.l.s4.s8 v2;
	v3 =	vunpack.c.l.s4.s8 v3;
	v4 =	vunpack.c.l.s4.s8 v4;
	s4 =	simm.s32 $0x0;
	s3 =	ssub.s32 s3, s24;
	s24 =	simm.s32 $0x4  }
0xc: {  	v5 =	vunpack.c.l.s4.s8 v5;
	v6 =	vunpack.c.l.s4.s8 v6;
	v7 =	vunpack.c.l.s4.s8 v7;
	s1 =	sadd.s32 s5, s1;
	s25 =	sadd.s32 s0, s8;
	s14 =	sor.u32 $0x40, s10  }
0xd: {  	v0 =	vunpack.c.0.s8.s32 v0;
	v1 =	vunpack.c.0.s8.s32 v1;
	v2 =	vunpack.c.0.s8.s32 v2;
	s15 =	sor.u32 $0x4000, s9;
	s30 =	smax.u32 s3, $0x1;
	[dreg:$0x7] =	wrdreg s25  }
.Ltmp0:
0xe: {  	v3 =	vunpack.c.0.s8.s32 v3;
	v4 =	vunpack.c.0.s8.s32 v4;
	v5 =	vunpack.c.0.s8.s32 v5;
	s1 =	sadd.s32 $0x400, s1;
	[dreg:$0xc] =	wrdreg s30;
	(pc) =	sbr.rel .LBB2_1-.Ltmp0, $4  }
0xf: {  	s16 =	sor.u32 $0xC0, s10;
	v0 =	vcombine.low v1, v0;
	v1 =	vunpack.c.0.s8.s32 v6;
	s26 =	sadd.s32 $0x400, s25;
	[dreg:$0x8] =	wrdreg s1  }
0x10: {  	s3 =	simm.s32 $0x1;
	v2 =	vcombine.low v3, v2;
	v3 =	vcombine.low v5, v4;
	v4 =	vunpack.c.0.s8.s32 v7;
	s28 =	sadd.s32 $0x800, s25;
	[dreg:$0x9] =	wrdreg s26  }
0x11: {  	s5 =	simm.s32 $0x13500;
	s29 =	sadd.s32 $0xC00, s25;
	[dreg:$0xa] =	wrdreg s28;
	v0 =	vand.u32 $0xF, v0;
	v5 =	vand.u32 $0xF, v1  }
0x12: {  	s25 =	simm.s32 $0x19500;
	[dreg:$0xb] =	wrdreg s29;
	s1 =	simm.s32 $0x11500;
	v1 =	vand.u32 $0xF, v2;
	v2 =	vand.u32 $0xF, v3;
	v3 =	vcombine.low v5, v4  }
.LBB2_12:
0x13: {  	s8 =	simm.s32 $0x5  }
0x14: {  	_ =	swait.ge [sflag:s8], $0x2000  }
0x15: {  	[sflag:s8] =	ssyncset.done $0x0  }
0x16: {  	s28 =	simm.s32 $0x6;
	[sflag:s8] =	ssyncadd.s32 $0xFFFFE000  }
0x17: {  	_ =	swait.ge [sflag:s28], $0x2000  }
0x18: {  	[sflag:s28] =	ssyncset.done $0x0  }
0x19: {  	s29 =	simm.s32 $0x7;
	[sflag:s28] =	ssyncadd.s32 $0xFFFFE000  }
0x1a: {  	_ =	swait.ge [sflag:s29], $0x2000  }
0x1b: {  	[sflag:s29] =	ssyncset.done $0x0  }
0x1c: {  	s10 =	simm.s32 $0x8;
	[sflag:s29] =	ssyncadd.s32 $0xFFFFE000  }
0x1d: {  	_ =	swait.ge [sflag:s10], $0x2000  }
0x1e: {  	s4 =	sadd.s32 $0x1, s4;
	s30 =	rddreg [dreg:$0xc]  }
0x1f: {  	p0 =	sne.s32 s4, s30  }
.Ltmp1:
0x20: {  	_ = 	snop;
	(pc) =	sbr.rel @!p0 .LBB2_13-.Ltmp1, $3  }
0x21: {  	_ =	sdelay $0x1  }
0x22: {  	[sflag:s10] =	ssyncset.done $0x0  }
0x23: {  	[sflag:s10] =	ssyncadd.s32 $0xFFFFE000  }
.LBB2_1:
0x24: {  	s8 =	rddreg [dreg:$0x8]  }
0x25: {  	[tilespmem:s7], [sflag:$0x9] =	stream.linear.gather [hbm4b:s8+s7], $0x3200, $0x38;
	[tilespmem:$0x1B500] =	vst v63  }
0x26: {  	_ =	swait.ge [sflag:s18], $0x3200  }
0x27: {  	[sflag:s18] =	ssyncset.done $0x0  }
0x28: {  	[sflag:s18] =	ssyncadd.s32 $0xFFFFCE00  }
0x29: {  	s10 =	simm.s32 $0x3400;
	s11 =	rddreg [dreg:$0x3]  }
0x2a: {  	[tilespmem:s10], [sflag:$0x9] =	stream.linear.gather [hbm4b:s11+s7], $0x80, $0x38;
	[tilespmem:$0x1B500] =	vst v63  }
0x2b: {  	_ =	swait.ge [sflag:s18], $0x80  }
0x2c: {  	[sflag:s18] =	ssyncset.done $0x0  }
0x2d: {  	[sflag:s18] =	ssyncadd.s32 $0xFFFFFF80  }
0x2e: {  	s13 =	simm.s32 $0x3480;
	s12 =	rddreg [dreg:$0x4]  }
0x2f: {  	[tilespmem:s13], [sflag:$0x9] =	stream.linear.gather [hbm4b:s12+s7], $0x80, $0x38;
	[tilespmem:$0x1B500] =	vst v63  }
0x30: {  	_ =	swait.ge [sflag:s18], $0x80  }
0x31: {  	[sflag:s18] =	ssyncset.done $0x0  }
0x32: {  	[sflag:s18] =	ssyncadd.s32 $0xFFFFFF80  }
0x33: {  	v4 =	vld [tilespmem:$0x3400]  }
0x34: {  	v5 =	vld [tilespmem:$0x3410]  }
0x35: {  	v6 =	vld [tilespmem:$0x3420]  }
0x36: {  	v7 =	vld [tilespmem:$0x3430]  }
0x37: {  	v8 =	vld [tilespmem:$0x3440]  }
0x38: {  	v9 =	vld [tilespmem:$0x3450]  }
0x39: {  	v10 =	vld [tilespmem:$0x3460]  }
0x3a: {  	v11 =	vld [tilespmem:$0x3470]  }
0x3b: {  	v12 =	vld [tilespmem:$0x3480]  }
0x3c: {  	v13 =	vld [tilespmem:$0x3490]  }
0x3d: {  	v14 =	vld [tilespmem:$0x34A0]  }
0x3e: {  	v15 =	vld [tilespmem:$0x34B0]  }
0x3f: {  	v16 =	vld [tilespmem:$0x34C0]  }
0x40: {  	v17 =	vld [tilespmem:$0x34D0]  }
0x41: {  	s26 =	simm.s32 $0x3500;
	s17 =	rddreg [dreg:$0x7];
	v18 =	vld [tilespmem:$0x34E0]  }
0x42: {  	v19 =	vld [tilespmem:$0x34F0];
	[tilespmem:s26], [sflag:$0x1] =	stream.linear.gather [hbm4b:s17+s7], $0x2000, $0x38  }
0x43: {  	s28 =	simm.s32 $0xB500  }
0x44: {  	[tilespmem:s28], [sflag:$0x1] =	stream.indirect.gather [hbm4b:s2+s22], $0x80, s7, s22, $0xb8;
	[tilespmem:$0x1B500] =	vst v63  }
0x45: {  	s30 =	simm.s32 $0x5500;
	s29 =	rddreg [dreg:$0x9]  }
0x46: {  	[tilespmem:s30], [sflag:$0x2] =	stream.linear.gather [hbm4b:s29+s7], $0x2000, $0x38;
	[tilespmem:$0x1B500] =	vst v63  }
0x47: {  	s11 =	simm.s32 $0x80;
	s12 =	simm.s32 $0xD500  }
0x48: {  	[tilespmem:s12], [sflag:$0x2] =	stream.indirect.gather [hbm4b:s2+s22], $0x80, s11, s22, $0xb8;
	[tilespmem:$0x1B500] =	vst v63  }
0x49: {  	s13 =	rddreg [dreg:$0xa];
	s17 =	simm.s32 $0x7500  }
0x4a: {  	[tilespmem:s17], [sflag:$0x3] =	stream.linear.gather [hbm4b:s13+s7], $0x2000, $0x38;
	[tilespmem:$0x1B500] =	vst v63  }
0x4b: {  	s26 =	simm.s32 $0x100;
	s28 =	simm.s32 $0xF500  }
0x4c: {  	[tilespmem:s28], [sflag:$0x3] =	stream.indirect.gather [hbm4b:s2+s22], $0x80, s26, s22, $0xb8;
	[tilespmem:$0x1B500] =	vst v63  }
0x4d: {  	s29 =	rddreg [dreg:$0xb]  }
0x4e: {  	[tilespmem:s31], [sflag:$0x4] =	stream.linear.gather [hbm4b:s29+s7], $0x2000, $0x38;
	[tilespmem:$0x1B500] =	vst v63  }
0x4f: {  	s10 =	simm.s32 $0x0;
	s30 =	simm.s32 $0x180  }
0x50: {  	[tilespmem:s1], [sflag:$0x4] =	stream.indirect.gather [hbm4b:s2+s22], $0x80, s30, s22, $0xb8;
	[tilespmem:$0x1B500] =	vst v63  }
.LBB2_2:
0x51: {  	_ =	swait.ge [sflag:s3], $0x2000  }
0x52: {  	[sflag:s3] =	ssyncset.done $0x0  }
0x53: {  	[sflag:s3] =	ssyncadd.s32 $0xFFFFE000  }
0x54: {  	_ =	swait.ge [sflag:s3], $0x2000  }
0x55: {  	p0 =	seq.s32 s10, $0x0;
	[sflag:s3] =	ssyncset.done $0x0  }
0x56: {  	s8 =	simm.s32 @!p0 $0x5;
	[sflag:s3] =	ssyncadd.s32 $0xFFFFE000  }
0x57: {  	_ =	swait.ge @!p0 [sflag:s8], $0x2000  }
0x58: {  	[sflag:s8] =	ssyncset.done @!p0 $0x0  }
0x59: {  	s13 =	simm.s32 $0x0;
	[sflag:s8] =	ssyncadd.s32 @!p0 $0xFFFFE000  }
0x5a: {  	v20 =	vld [tilespmem:s13+$0x3520]  }
0x5b: {  	v21 =	vld [tilespmem:s13+$0x3500]  }
0x5c: {  	v22 =	vld [tilespmem:s13+$0xB500]  }
0x5d: {  	v23 =	vld [tilespmem:s13+$0x3510]  }
0x5e: {  	v24 =	vld [tilespmem:s13+$0xB510]  }
0x5f: {  	v25 =	vld [tilespmem:s13+$0xB520]  }
0x60: {  	v26 =	vld [tilespmem:s13+$0x3530]  }
0x61: {  	v27 =	vld [tilespmem:s13+$0xB530]  }
0x62: {  	v28 =	vld [tilespmem:s13+$0x3540]  }
0x63: {  	v21 =	vadd.f32 v22, v21;
	v22 =	vadd.f32 v24, v23;
	v23 =	vld [tilespmem:s13+$0xB540]  }
0x64: {  	v31 =	vld [tilespmem:s13+$0xB550];
	v20 =	vadd.f32 v25, v20  }
0x65: {  	v24 =	vld [tilespmem:s13+$0x3550];
	v25 =	vmul.f32 v21, v21;
	v29 =	vadd.f32 v22, v21;
	v30 =	vmul.f32 v22, v22  }
0x66: {  	v32 =	vld [tilespmem:s13+$0xB560];
	v26 =	vadd.f32 v27, v26  }
0x67: {  	v27 =	vld [tilespmem:s13+$0x3560];
	v29 =	vadd.f32 v20, v29;
	v25 =	vadd.f32 v30, v25;
	v30 =	vmul.f32 v20, v20  }
0x68: {  	v33 =	vld [tilespmem:s13+$0xB570];
	v23 =	vadd.f32 v23, v28  }
0x69: {  	v28 =	vld [tilespmem:s13+$0x3570];
	v29 =	vadd.f32 v26, v29;
	v25 =	vadd.f32 v30, v25;
	v30 =	vmul.f32 v26, v26  }
0x6a: {  	v24 =	vadd.f32 v31, v24  }
0x6b: {  	v31 =	vmul.f32 v23, v23;
	v29 =	vadd.f32 v23, v29;
	v25 =	vadd.f32 v30, v25  }
0x6c: {  	v27 =	vadd.f32 v32, v27  }
0x6d: {  	v30 =	vmul.f32 v24, v24;
	v29 =	vadd.f32 v24, v29;
	v25 =	vadd.f32 v31, v25  }
0x6e: {  	v28 =	vadd.f32 v33, v28  }
0x6f: {  	v29 =	vadd.f32 v27, v29;
	v25 =	vadd.f32 v30, v25;
	v30 =	vmul.f32 v27, v27;
	_ =	sdelay $0x1  }
0x70: {  	v29 =	vadd.f32 v28, v29;
	v25 =	vadd.f32 v30, v25;
	v30 =	vmul.f32 v28, v28;
	_ =	sdelay $0x1  }
0x71: {  	v31 =	vperm.xlane v29, v0;
	v25 =	vadd.f32 v30, v25;
	_ =	sdelay $0x1  }
0x72: {  	v29 =	vadd.f32 v29, v31;
	v30 =	vperm.xlane v25, v0;
	_ =	sdelay $0x1  }
0x73: {  	v31 =	vperm.xlane v29, v1;
	v25 =	vadd.f32 v30, v25;
	_ =	sdelay $0x1  }
0x74: {  	s12 =	simm.s32 $0x80;
	v29 =	vadd.f32 v29, v31;
	v30 =	vperm.xlane v25, v1  }
0x75: {  	v45 =	vld [tilespmem:s12+$0x3500]  }
0x76: {  	v34 =	vld [tilespmem:s12+$0xB500];
	v46 =	vperm.xlane v29, v2;
	v25 =	vadd.f32 v30, v25  }
0x77: {  	v35 =	vld [tilespmem:s12+$0xB510]  }
0x78: {  	v30 =	vld [tilespmem:s12+$0x3510];
	v29 =	vadd.f32 v29, v46;
	v47 =	vperm.xlane v25, v2  }
0x79: {  	v36 =	vld [tilespmem:s12+$0xB520]  }
0x7a: {  	v31 =	vld [tilespmem:s12+$0x3520];
	v37 =	vperm.xlane v29, v3;
	v25 =	vadd.f32 v47, v25  }
0x7b: {  	v48 =	vld [tilespmem:s12+$0x3530]  }
0x7c: {  	v38 =	vld [tilespmem:s12+$0xB530];
	v32 =	vadd.f32 v34, v45;
	v37 =	vadd.f32 v29, v37;
	v39 =	vperm.xlane v25, v3  }
0x7d: {  	v49 =	vld [tilespmem:s12+$0x3540];
	v30 =	vadd.f32 v35, v30  }
0x7e: {  	v50 =	vld [tilespmem:s12+$0xB540];
	v52 =	vmul.f32 v32, v32;
	v40 =	vmul.f32 $7.812500000e-03, v37;
	v25 =	vadd.f32 v39, v25  }
0x7f: {  	v51 =	vld [tilespmem:s12+$0x3550];
	v29 =	vadd.f32 v36, v31;
	v53 =	vadd.f32 v30, v32;
	v41 =	vmul.f32 v30, v30  }
0x80: {  	v42 =	vld [tilespmem:s12+$0xB550];
	v25 =	vmul.f32 $7.812500000e-03, v25;
	v43 =	vmul.f32 v40, v40  }
0x81: {  	v54 =	vld [tilespmem:s12+$0x3560];
	v31 =	vadd.f32 v38, v48;
	v55 =	vadd.f32 v29, v53  }
0x82: {  	v56 =	vld [tilespmem:s12+$0xB560];
	v57 =	vmul.f32 v29, v29;
	v37 =	vadd.f32 v41, v52;
	v25 =	vsub.f32 v25, v43  }
0x83: {  	v58 =	vld [tilespmem:s12+$0x3570];
	v35 =	vadd.f32 v50, v49;
	v38 =	vadd.f32 v31, v55  }
0x84: {  	v59 =	vld [tilespmem:s12+$0xB570];
	v44 =	vmul.f32 v31, v31;
	v41 =	vadd.f32 v57, v37;
	v25 =	vadd.f32 $9.999999740e-06, v25  }
0x85: {  	v61 =	vmul.f32 v35, v35;
	v37 =	vadd.f32 v42, v51;
	v60 =	vadd.f32 v35, v38  }
0x86: {  	v41 =	vadd.f32 v44, v41;
	v62 =	vshra.s32 v25, $0x1;
	v25 =	vmul.f32 $5.000000000e-01, v25  }
0x87: {  	v38 =	vadd.f32 v56, v54;
	v63 =	vadd.f32 v37, v60;
	v48 =	vsub.s32 $0x5F3759DF, v62  }
0x88: {  	v49 =	vmul.f32 v37, v37;
	v41 =	vadd.f32 v61, v41;
	v44 =	vmul.f32 v48, v25  }
0x89: {  	v36 =	vadd.f32 v59, v58;
	v33 =	vadd.f32 v38, v63  }
0x8a: {  	v51 =	vmul.f32 v38, v38;
	v50 =	vadd.f32 v49, v41;
	v52 =	vmul.f32 v48, v44  }
0x8b: {  	v33 =	vadd.f32 v36, v33  }
0x8c: {  	v53 =	vmul.f32 v36, v36;
	v34 =	vadd.f32 v51, v50;
	v42 =	vsub.f32 $1.500000000e+00, v52;
	_ =	sdelay $0x1  }
0x8d: {  	v54 =	vperm.xlane v33, v0;
	v34 =	vadd.f32 v53, v34;
	v39 =	vmul.f32 v48, v42;
	_ =	sdelay $0x1  }
0x8e: {  	v33 =	vadd.f32 v33, v54;
	v41 =	vperm.xlane v34, v0;
	v25 =	vmul.f32 v39, v25;
	_ =	sdelay $0x1  }
0x8f: {  	s8 =	simm.s32 $0x100;
	v55 =	vperm.xlane v33, v1;
	v34 =	vadd.f32 v41, v34;
	v25 =	vmul.f32 v25, v39  }
0x90: {  	v45 =	vld [tilespmem:s8+$0xB500];
	v21 =	vsub.f32 v21, v40;
	v22 =	vsub.f32 v22, v40  }
0x91: {  	v46 =	vld [tilespmem:s8+$0xB520];
	v33 =	vadd.f32 v33, v55;
	v57 =	vperm.xlane v34, v1;
	v25 =	vsub.f32 $1.500000000e+00, v25  }
0x92: {  	v58 =	vld [tilespmem:s8+$0x3500];
	v28 =	vsub.f32 v28, v40;
	v20 =	vsub.f32 v20, v40  }
0x93: {  	v56 =	vld [tilespmem:s8+$0x3520];
	v59 =	vperm.xlane v33, v2;
	v34 =	vadd.f32 v57, v34;
	v25 =	vmul.f32 v25, v39  }
0x94: {  	v26 =	vsub.f32 v26, v40;
	v23 =	vsub.f32 v23, v40;
	v60 =	vld [tilespmem:s8+$0x3510]  }
0x95: {  	v61 =	vld [tilespmem:s8+$0xB510];
	v33 =	vadd.f32 v33, v59;
	v62 =	vperm.xlane v34, v2;
	v28 =	vmul.f32 v25, v28  }
0x96: {  	v24 =	vsub.f32 v24, v40;
	v40 =	vsub.f32 v27, v40;
	v47 =	vmul.f32 v25, v21  }
0x97: {  	v27 =	vld [tilespmem:s8+$0xB530];
	v34 =	vadd.f32 v62, v34;
	v21 =	vperm.xlane v33, v3;
	v28 =	vmul.f32 v28, v11  }
0x98: {  	v63 =	vld [tilespmem:s8+$0x3530];
	v48 =	vmul.f32 v25, v22;
	v49 =	vmul.f32 v25, v20;
	v22 =	vadd.f32 v45, v58  }
0x99: {  	v51 =	vld [tilespmem:s8+$0x3540];
	v50 =	vperm.xlane v34, v3;
	v33 =	vadd.f32 v33, v21;
	v28 =	vadd.f32 v28, v19  }
0x9a: {  	v52 =	vmul.f32 v25, v26;
	v20 =	vadd.f32 v61, v60;
	v26 =	vld [tilespmem:s8+$0xB540];
	v21 =	vadd.f32 v46, v56  }
0x9b: {  	v56 =	vmul.f32 v22, v22;
	v55 =	vadd.f32 v50, v34;
	v43 =	vmul.f32 $7.812500000e-03, v33;
	[tilespmem:s13+$0x13570] =	vst v28  }
0x9c: {  	v57 =	vadd.f32 v20, v22;
	v42 =	vmul.f32 v20, v20;
	v50 =	vmul.f32 v25, v23;
	v34 =	vld [tilespmem:s8+$0x3550]  }
0x9d: {  	v23 =	vadd.f32 v27, v63;
	v33 =	vmul.f32 $7.812500000e-03, v55;
	v59 =	vmul.f32 v43, v43;
	v58 =	vld [tilespmem:s8+$0xB550]  }
0x9e: {  	v44 =	vmul.f32 v25, v24;
	v60 =	vadd.f32 v21, v57;
	v39 =	vadd.f32 v42, v56;
	v27 =	vld [tilespmem:s8+$0x3560]  }
0x9f: {  	v62 =	vmul.f32 v21, v21;
	v24 =	vadd.f32 v26, v51;
	v61 =	vld [tilespmem:s8+$0xB560];
	v33 =	vsub.f32 v33, v59  }
0xa0: {  	v28 =	vsub.f32 v32, v43;
	v32 =	vadd.f32 v23, v60;
	v63 =	vld [tilespmem:s8+$0x3570]  }
0xa1: {  	v55 =	vmul.f32 v23, v23;
	v39 =	vadd.f32 v62, v39;
	v54 =	vld [tilespmem:s8+$0xB570];
	v33 =	vadd.f32 $9.999999740e-06, v33  }
0xa2: {  	v56 =	vmul.f32 v24, v24;
	v32 =	vadd.f32 v24, v32;
	v26 =	vadd.f32 v58, v34  }
0xa3: {  	v39 =	vadd.f32 v55, v39;
	v57 =	vshra.s32 v33, $0x1;
	v45 =	vmul.f32 $5.000000000e-01, v33  }
0xa4: {  	v27 =	vadd.f32 v61, v27;
	v58 =	vsub.s32 $0x5F3759DF, v57;
	v32 =	vadd.f32 v26, v32  }
0xa5: {  	v59 =	vadd.f32 v56, v39;
	v60 =	vmul.f32 v26, v26;
	v61 =	vmul.f32 v58, v45  }
0xa6: {  	v40 =	vmul.f32 v25, v40;
	v25 =	vadd.f32 v54, v63;
	v32 =	vadd.f32 v27, v32  }
0xa7: {  	v62 =	vmul.f32 v27, v27;
	v33 =	vadd.f32 v60, v59;
	v39 =	vmul.f32 v58, v61  }
0xa8: {  	v63 =	vmul.f32 v47, v4;
	v46 =	vadd.f32 v25, v32;
	v32 =	vsub.f32 v30, v43  }
0xa9: {  	v55 =	vmul.f32 v25, v25;
	v30 =	vadd.f32 v62, v33;
	v39 =	vsub.f32 $1.500000000e+00, v39  }
0xaa: {  	v34 =	vsub.f32 v31, v43;
	v31 =	vsub.f32 v35, v43;
	v56 =	vperm.xlane v46, v0  }
0xab: {  	v57 =	vmul.f32 v48, v5;
	v47 =	vadd.f32 v55, v30;
	v53 =	vmul.f32 v58, v39  }
0xac: {  	v61 =	vmul.f32 v49, v6;
	v33 =	vsub.f32 v29, v43;
	v58 =	vadd.f32 v46, v56  }
0xad: {  	v29 =	vsub.f32 v37, v43;
	v59 =	vperm.xlane v47, v0;
	v60 =	vmul.f32 v53, v45  }
0xae: {  	v30 =	vadd.f32 v63, v12;
	v55 =	vadd.f32 v57, v13;
	v62 =	vperm.xlane v58, v1  }
0xaf: {  	v57 =	vmul.f32 v50, v8;
	v63 =	vadd.f32 v59, v47;
	v42 =	vmul.f32 v60, v53  }
0xb0: {  	s17 =	simm.s32 $0x180;
	[tilespmem:s13+$0x13500] =	vst v30;
	v30 =	vsub.f32 v38, v43;
	v56 =	vmul.f32 v52, v7;
	v58 =	vadd.f32 v58, v62  }
0xb1: {  	v45 =	vadd.f32 v61, v14;
	v37 =	vld [tilespmem:s17+$0x3520];
	v59 =	vperm.xlane v63, v1;
	v60 =	vsub.f32 $1.500000000e+00, v42  }
0xb2: {  	v61 =	vmul.f32 v44, v9;
	v39 =	vld [tilespmem:s17+$0x3500];
	v48 =	vadd.f32 v56, v15;
	v62 =	vperm.xlane v58, v2  }
0xb3: {  	v41 =	vld [tilespmem:s17+$0xB500];
	[tilespmem:s13+$0x13510] =	vst v55;
	v38 =	vadd.f32 v59, v63;
	v35 =	vmul.f32 v60, v53;
	v63 =	vsub.f32 v36, v43  }
0xb4: {  	v44 =	vmul.f32 v40, v10;
	v46 =	vadd.f32 v57, v16;
	v42 =	vld [tilespmem:s17+$0x3510];
	[tilespmem:s13+$0x13520] =	vst v45;
	v45 =	vadd.f32 v61, v17  }
0xb5: {  	s11 =	sshll.u32 s10, $0x2;
	s26 =	simm.s32 $0x800;
	v36 =	vld [tilespmem:s17+$0xB510];
	[tilespmem:s13+$0x13530] =	vst v48;
	v40 =	vadd.f32 v58, v62;
	v43 =	vperm.xlane v38, v2;
	v47 =	vmul.f32 v35, v63  }
.LBB2_3:
0xb6: {  	p1 =	sne.s32 s26, $0x7E00;
	v48 =	vld [tilespmem:s17+$0xB520];
	v49 =	vmul.f32 v35, v28;
	v50 =	vmul.f32 v35, v32;
	[tilespmem:s13+$0x13540] =	vst v46;
	v28 =	vadd.f32 v44, v18  }
0xb7: {  	v32 =	vperm.xlane v40, v3;
	v38 =	vadd.f32 v43, v38;
	v43 =	vmul.f32 v47, v11;
	[tilespmem:s13+$0x13550] =	vst v45  }
0xb8: {  	v46 =	vmul.f32 v35, v34;
	v45 =	vmul.f32 v35, v33;
	v44 =	vld [tilespmem:s17+$0x3530];
	[tilespmem:s13+$0x13560] =	vst v28;
	s13 =	smov.u32 s12;
	s12 =	smov.u32 s8;
	s8 =	smov.u32 s17  }
0xb9: {  	v33 =	vld [tilespmem:s8+$0xB530];
	v28 =	vadd.f32 v40, v32;
	v32 =	vperm.xlane v38, v3;
	v34 =	vadd.f32 v43, v19  }
0xba: {  	v39 =	vadd.f32 v41, v39;
	v41 =	vmul.f32 v35, v31;
	v36 =	vadd.f32 v36, v42;
	v40 =	vld [tilespmem:s8+$0x3540]  }
0xbb: {  	v31 =	vadd.f32 v48, v37;
	v37 =	vld [tilespmem:s8+$0xB540];
	v42 =	vmul.f32 $7.812500000e-03, v28;
	v28 =	vadd.f32 v32, v38;
	[tilespmem:s13+$0x13570] =	vst v34  }
0xbc: {  	v34 =	vmul.f32 v39, v39;
	v32 =	vld [tilespmem:s8+$0x3550];
	v38 =	vadd.f32 v36, v39;
	v43 =	vmul.f32 v36, v36  }
0xbd: {  	v47 =	vld [tilespmem:s8+$0xB550];
	v48 =	vmul.f32 $7.812500000e-03, v28;
	v51 =	vmul.f32 v42, v42;
	v28 =	vsub.f32 v22, v42;
	v22 =	vmovc v39  }
0xbe: {  	v39 =	vadd.f32 v33, v44;
	v33 =	vld [tilespmem:s8+$0x3560];
	v38 =	vadd.f32 v31, v38;
	v44 =	vmul.f32 v35, v29  }
0xbf: {  	v34 =	vadd.f32 v43, v34;
	v43 =	vmul.f32 v31, v31;
	v29 =	vld [tilespmem:s8+$0xB560];
	v48 =	vsub.f32 v48, v51  }
0xc0: {  	v35 =	vmul.f32 v35, v30;
	v37 =	vadd.f32 v37, v40;
	v40 =	vld [tilespmem:s8+$0x3570];
	v38 =	vadd.f32 v39, v38  }
0xc1: {  	v34 =	vadd.f32 v43, v34;
	v43 =	vmul.f32 v39, v39;
	v30 =	vld [tilespmem:s8+$0xB570];
	v48 =	vadd.f32 $9.999999740e-06, v48  }
0xc2: {  	v47 =	vadd.f32 v47, v32;
	v32 =	vadd.f32 v37, v38;
	v38 =	vmul.f32 v37, v37  }
0xc3: {  	v34 =	vadd.f32 v43, v34;
	v43 =	vshra.s32 v48, $0x1;
	v48 =	vmul.f32 $5.000000000e-01, v48  }
0xc4: {  	v51 =	vadd.f32 v29, v33;
	v29 =	vadd.f32 v47, v32;
	v43 =	vsub.s32 $0x5F3759DF, v43  }
0xc5: {  	v32 =	vadd.f32 v38, v34;
	v33 =	vmul.f32 v47, v47;
	v34 =	vmul.f32 v43, v48  }
0xc6: {  	v38 =	vmul.f32 v49, v4;
	v40 =	vadd.f32 v30, v40;
	v29 =	vadd.f32 v51, v29  }
0xc7: {  	v30 =	vadd.f32 v33, v32;
	v33 =	vmul.f32 v51, v51;
	v34 =	vmul.f32 v43, v34  }
0xc8: {  	v49 =	vmul.f32 v50, v5;
	v32 =	vsub.f32 v20, v42;
	v20 =	vmovc v36;
	v29 =	vadd.f32 v40, v29  }
0xc9: {  	v30 =	vadd.f32 v33, v30;
	v36 =	vmul.f32 v40, v40;
	v50 =	vsub.f32 $1.500000000e+00, v34  }
0xca: {  	v33 =	vsub.f32 v21, v42;
	v21 =	vmovc v31;
	v34 =	vsub.f32 v23, v42;
	v52 =	vperm.xlane v29, v0  }
0xcb: {  	v31 =	vsub.f32 v24, v42;
	v23 =	vmovc v39;
	v36 =	vadd.f32 v36, v30;
	v43 =	vmul.f32 v43, v50  }
0xcc: {  	v45 =	vmul.f32 v45, v6;
	v24 =	vmovc v37;
	v39 =	vadd.f32 v29, v52;
	v29 =	vsub.f32 v26, v42  }
0xcd: {  	v30 =	vsub.f32 v27, v42;
	v37 =	vperm.xlane v36, v0;
	v26 =	vmovc v47;
	v48 =	vmul.f32 v43, v48  }
0xce: {  	v46 =	vmul.f32 v46, v7;
	v38 =	vadd.f32 v38, v12;
	v27 =	vmovc v51;
	v47 =	vperm.xlane v39, v1  }
0xcf: {  	v50 =	vmul.f32 v41, v8;
	v36 =	vadd.f32 v37, v36;
	v48 =	vmul.f32 v48, v43  }
0xd0: {  	s17 =	sshra.s32 s26, $0x2;
	v51 =	vmul.f32 v44, v9;
	v44 =	vmul.f32 v35, v10;
	v47 =	vadd.f32 v39, v47;
	[tilespmem:s13+$0x13500] =	vst v38  }
.Ltmp2:
0xd1: {  	v49 =	vadd.f32 v49, v13;
	v35 =	vperm.xlane v36, v1;
	v37 =	vld [tilespmem:s17+$0x3520];
	v48 =	vsub.f32 $1.500000000e+00, v48;
	(pc) =	sbr.rel @p1 .LBB2_3-.Ltmp2, $4  }
0xd2: {  	v53 =	vadd.f32 v46, v15;
	v45 =	vadd.f32 v45, v14;
	v39 =	vld [tilespmem:s17+$0x3500];
	v52 =	vperm.xlane v47, v2  }
0xd3: {  	v38 =	vadd.f32 v35, v36;
	v41 =	vld [tilespmem:s17+$0xB500];
	v35 =	vmul.f32 v48, v43;
	v48 =	vsub.f32 v25, v42;
	[tilespmem:s13+$0x13510] =	vst v49  }
0xd4: {  	v46 =	vadd.f32 v50, v16;
	v25 =	vmov v40;
	v42 =	vld [tilespmem:s17+$0x3510];
	[tilespmem:s13+$0x13520] =	vst v45;
	v45 =	vadd.f32 v51, v17  }
0xd5: {  	s26 =	sadd.s32 $0x200, s26;
	v40 =	vadd.f32 v47, v52;
	v43 =	vperm.xlane v38, v2;
	v36 =	vld [tilespmem:s17+$0xB510];
	v47 =	vmul.f32 v35, v48;
	[tilespmem:s13+$0x13530] =	vst v53  }
0xd6: {  	v48 =	vld [tilespmem:s17+$0xB520];
	[tilespmem:s13+$0x13540] =	vst v46;
	v44 =	vadd.f32 v44, v18  }
0xd7: {  	[tilespmem:s13+$0x13550] =	vst v45;
	v55 =	vmul.f32 v47, v11  }
0xd8: {  	v45 =	vld [tilespmem:s17+$0x3530];
	[tilespmem:s13+$0x13560] =	vst v44  }
0xd9: {  	v44 =	vld [tilespmem:s17+$0xB530];
	v46 =	vadd.f32 v55, v19  }
0xda: {  	v39 =	vadd.f32 v41, v39;
	v56 =	vld [tilespmem:s17+$0x3540]  }
0xdb: {  	v49 =	vld [tilespmem:s17+$0xB540];
	v36 =	vadd.f32 v36, v42;
	[tilespmem:s12+$0x13570] =	vst v46  }
0xdc: {  	v58 =	vmul.f32 v39, v39;
	v57 =	vld [tilespmem:s17+$0x3550]  }
0xdd: {  	v37 =	vadd.f32 v48, v37;
	v59 =	vadd.f32 v36, v39;
	v60 =	vmul.f32 v36, v36;
	v50 =	vld [tilespmem:s17+$0xB550]  }
0xde: {  	v61 =	vld [tilespmem:s17+$0x3560];
	v44 =	vadd.f32 v44, v45  }
0xdf: {  	v51 =	vld [tilespmem:s17+$0xB560];
	v62 =	vmul.f32 v37, v37;
	v46 =	vadd.f32 v37, v59;
	v42 =	vadd.f32 v60, v58  }
0xe0: {  	v63 =	vld [tilespmem:s17+$0x3570];
	v47 =	vadd.f32 v49, v56  }
0xe1: {  	v52 =	vld [tilespmem:s17+$0xB570];
	v46 =	vadd.f32 v44, v46;
	v42 =	vadd.f32 v62, v42;
	v53 =	vmul.f32 v44, v44  }
0xe2: {  	v41 =	vadd.f32 v50, v57  }
0xe3: {  	v54 =	vmul.f32 v47, v47;
	v46 =	vadd.f32 v47, v46;
	v42 =	vadd.f32 v53, v42  }
0xe4: {  	v45 =	vadd.f32 v51, v61  }
0xe5: {  	v55 =	vmul.f32 v41, v41;
	v46 =	vadd.f32 v41, v46;
	v42 =	vadd.f32 v54, v42  }
0xe6: {  	v49 =	vadd.f32 v52, v63  }
0xe7: {  	v56 =	vmul.f32 v45, v45;
	v46 =	vadd.f32 v45, v46;
	v42 =	vadd.f32 v55, v42;
	_ =	sdelay $0x1  }
0xe8: {  	v57 =	vmul.f32 v49, v49;
	v46 =	vadd.f32 v49, v46;
	v42 =	vadd.f32 v56, v42  }
0xe9: {  	v38 =	vadd.f32 v43, v38;
	v58 =	vperm.xlane v40, v3  }
0xea: {  	v59 =	vperm.xlane v46, v0;
	v42 =	vadd.f32 v57, v42  }
0xeb: {  	v60 =	vperm.xlane v38, v3;
	v40 =	vadd.f32 v40, v58  }
0xec: {  	v43 =	vadd.f32 v46, v59;
	v61 =	vperm.xlane v42, v0  }
0xed: {  	v38 =	vadd.f32 v60, v38;
	v40 =	vmul.f32 $7.812500000e-03, v40  }
0xee: {  	v62 =	vperm.xlane v43, v1;
	v42 =	vadd.f32 v61, v42  }
0xef: {  	v38 =	vmul.f32 $7.812500000e-03, v38;
	v63 =	vmul.f32 v40, v40  }
0xf0: {  	v43 =	vadd.f32 v43, v62;
	v52 =	vperm.xlane v42, v1  }
0xf1: {  	v38 =	vsub.f32 v38, v63  }
0xf2: {  	v53 =	vperm.xlane v43, v2;
	v42 =	vadd.f32 v52, v42  }
0xf3: {  	v38 =	vadd.f32 $9.999999740e-06, v38  }
0xf4: {  	v43 =	vadd.f32 v43, v53;
	v54 =	vperm.xlane v42, v2  }
0xf5: {  	v28 =	vmul.f32 v35, v28;
	v32 =	vmul.f32 v35, v32;
	v55 =	vshra.s32 v38, $0x1  }
0xf6: {  	v38 =	vmul.f32 $5.000000000e-01, v38;
	v56 =	vperm.xlane v43, v3;
	v42 =	vadd.f32 v54, v42  }
0xf7: {  	v33 =	vmul.f32 v35, v33;
	v34 =	vmul.f32 v35, v34;
	v57 =	vsub.s32 $0x5F3759DF, v55  }
0xf8: {  	v48 =	vmul.f32 v57, v38;
	v43 =	vadd.f32 v43, v56;
	v58 =	vperm.xlane v42, v3  }
0xf9: {  	v31 =	vmul.f32 v35, v31;
	v29 =	vmul.f32 v35, v29  }
0xfa: {  	v48 =	vmul.f32 v57, v48;
	v43 =	vmul.f32 $7.812500000e-03, v43;
	v42 =	vadd.f32 v58, v42  }
0xfb: {  	v30 =	vmul.f32 v35, v30;
	v28 =	vmul.f32 v28, v4  }
0xfc: {  	v48 =	vsub.f32 $1.500000000e+00, v48;
	v42 =	vmul.f32 $7.812500000e-03, v42;
	v59 =	vmul.f32 v43, v43  }
0xfd: {  	v32 =	vmul.f32 v32, v5;
	v33 =	vmul.f32 v33, v6  }
0xfe: {  	v34 =	vmul.f32 v34, v7;
	v60 =	vmul.f32 v57, v48;
	v42 =	vsub.f32 v42, v59  }
0xff: {  	v31 =	vmul.f32 v31, v8;
	v29 =	vmul.f32 v29, v9  }
0x100: {  	v28 =	vadd.f32 v28, v12;
	v38 =	vmul.f32 v60, v38;
	v42 =	vadd.f32 $9.999999740e-06, v42  }
0x101: {  	v30 =	vmul.f32 v30, v10;
	v32 =	vadd.f32 v32, v13;
	v33 =	vadd.f32 v33, v14  }
0x102: {  	v38 =	vmul.f32 v38, v60;
	v61 =	vshra.s32 v42, $0x1;
	v42 =	vmul.f32 $5.000000000e-01, v42  }
0x103: {  	v34 =	vadd.f32 v34, v15;
	v31 =	vadd.f32 v31, v16;
	v46 =	vsub.s32 $0x5F3759DF, v61  }
0x104: {  	v29 =	vadd.f32 v29, v17;
	v38 =	vsub.f32 $1.500000000e+00, v38;
	v62 =	vmul.f32 v46, v42  }
0x105: {  	[tilespmem:s12+$0x13500] =	vst v28;
	v28 =	vadd.f32 v30, v18;
	v22 =	vsub.f32 v22, v40  }
0x106: {  	v25 =	vsub.f32 v25, v40;
	v35 =	vmul.f32 v38, v60;
	v63 =	vmul.f32 v46, v62  }
0x107: {  	v20 =	vsub.f32 v20, v40;
	v21 =	vsub.f32 v21, v40  }
0x108: {  	v23 =	vsub.f32 v23, v40;
	v25 =	vmul.f32 v35, v25;
	v38 =	vsub.f32 $1.500000000e+00, v63  }
0x109: {  	v24 =	vsub.f32 v24, v40;
	v22 =	vmul.f32 v35, v22;
	v20 =	vmul.f32 v35, v20  }
0x10a: {  	v26 =	vsub.f32 v26, v40;
	v21 =	vmul.f32 v35, v21;
	v38 =	vmul.f32 v46, v38  }
0x10b: {  	[tilespmem:s12+$0x13510] =	vst v32;
	v27 =	vsub.f32 v27, v40;
	v23 =	vmul.f32 v35, v23;
	v24 =	vmul.f32 v35, v24  }
0x10c: {  	[tilespmem:s12+$0x13520] =	vst v33;
	v40 =	vsub.f32 v39, v43;
	v26 =	vmul.f32 v35, v26;
	v30 =	vmul.f32 v38, v42  }
0x10d: {  	[tilespmem:s12+$0x13540] =	vst v31;
	v27 =	vmul.f32 v35, v27;
	v31 =	vsub.f32 v44, v43;
	v25 =	vmul.f32 v25, v11  }
0x10e: {  	[tilespmem:s12+$0x13530] =	vst v34;
	v48 =	vsub.f32 v47, v43;
	v22 =	vmul.f32 v22, v4;
	v30 =	vmul.f32 v30, v38  }
0x10f: {  	[tilespmem:s12+$0x13550] =	vst v29;
	v29 =	vsub.f32 v41, v43;
	v21 =	vmul.f32 v21, v6;
	v25 =	vadd.f32 v25, v19  }
0x110: {  	[tilespmem:s12+$0x13560] =	vst v28;
	v20 =	vmul.f32 v20, v5;
	v22 =	vadd.f32 v22, v12;
	v30 =	vsub.f32 $1.500000000e+00, v30  }
0x111: {  	v28 =	vsub.f32 v49, v43;
	v24 =	vmul.f32 v24, v8;
	v21 =	vadd.f32 v21, v14;
	[tilespmem:s8+$0x13570] =	vst v25  }
0x112: {  	v23 =	vmul.f32 v23, v7;
	v20 =	vadd.f32 v20, v13;
	[tilespmem:s8+$0x13500] =	vst v22;
	v25 =	vmul.f32 v30, v38  }
0x113: {  	v22 =	vmul.f32 v26, v9;
	v26 =	vmul.f32 v27, v10;
	[tilespmem:s8+$0x13520] =	vst v21;
	v21 =	vadd.f32 v24, v16  }
0x114: {  	v23 =	vadd.f32 v23, v15;
	[tilespmem:s8+$0x13510] =	vst v20;
	v42 =	vsub.f32 v36, v43;
	v20 =	vmul.f32 v25, v28  }
0x115: {  	v22 =	vadd.f32 v22, v17;
	[tilespmem:s8+$0x13540] =	vst v21;
	v21 =	vadd.f32 v26, v18;
	v24 =	vmul.f32 v25, v40  }
0x116: {  	[tilespmem:s8+$0x13530] =	vst v23;
	v46 =	vsub.f32 v37, v43;
	v23 =	vmul.f32 v25, v42;
	v20 =	vmul.f32 v20, v11  }
0x117: {  	[tilespmem:s8+$0x13550] =	vst v22;
	v30 =	vsub.f32 v45, v43;
	v22 =	vmul.f32 v25, v31;
	v24 =	vmul.f32 v24, v4  }
0x118: {  	[tilespmem:s8+$0x13560] =	vst v21;
	v21 =	vmul.f32 v25, v48;
	v23 =	vmul.f32 v23, v5;
	v20 =	vadd.f32 v20, v19  }
0x119: {  	v26 =	vmul.f32 v25, v46;
	v22 =	vmul.f32 v22, v7;
	v24 =	vadd.f32 v24, v12  }
0x11a: {  	v21 =	vmul.f32 v21, v8;
	v23 =	vadd.f32 v23, v13;
	[tilespmem:s17+$0x13570] =	vst v20;
	v20 =	vmul.f32 v25, v29  }
0x11b: {  	v26 =	vmul.f32 v26, v6;
	v22 =	vadd.f32 v22, v15;
	v25 =	vmul.f32 v25, v30;
	[tilespmem:s17+$0x13500] =	vst v24  }
0x11c: {  	v21 =	vadd.f32 v21, v16;
	[tilespmem:s17+$0x13510] =	vst v23;
	v20 =	vmul.f32 v20, v9  }
0x11d: {  	v24 =	vadd.f32 v26, v14;
	[tilespmem:s17+$0x13530] =	vst v22;
	v23 =	vmul.f32 v25, v10  }
0x11e: {  	s12 =	sshll.u32 s10, $0xF;
	[tilespmem:s17+$0x13540] =	vst v21;
	v20 =	vadd.f32 v20, v17  }
0x11f: {  	s26 =	sadd.s32 s9, s12;
	[tilespmem:s17+$0x13520] =	vst v24;
	v21 =	vadd.f32 v23, v18  }
0x120: {  	s8 =	sshrl.u32 s26, $0x3;
	[tilespmem:s17+$0x13550] =	vst v20  }
0x121: {  	p1 =	seq.s32 s10, $0x18;
	s8 =	sadd.s32 s6, s8;
	[tilespmem:s17+$0x13560] =	vst v21  }
0x122: {  	[hbm4b:s8+s7] =	stream.linear.scatter [tilespmem:s5], [sflag:$0x5], $0x2000, $0x38;
	[tilespmem:$0x1B500] =	vst v63  }
0x123: {  	s8 =	sadd.s32 @!p1 $0x4, s11  }
0x124: {  	s13 =	sshll.u32 @!p1 s8, $0xD  }
0x125: {  	s13 =	sadd.s32 @!p1 s9, s13  }
0x126: {  	s26 =	simm.s32 @!p1 $0x3500;
	s13 =	sshrl.u32 @!p1 s13, $0x3  }
0x127: {  	s17 =	simm.s32 @!p1 $0x0;
	s8 =	sshll.u32 @!p1 s8, $0x7;
	s13 =	sadd.s32 @!p1 s0, s13  }
0x128: {  	[tilespmem:s26], [sflag:$0x1] =	stream.linear.gather @!p1 [hbm4b:s13+s17], $0x2000, $0x38;
	[tilespmem:$0x1B500] =	vst v63  }
0x129: {  	s8 =	sand.u32 @!p1 $0x3FFFFF80, s8;
	s13 =	simm.s32 @!p1 $0x40;
	s17 =	simm.s32 @!p1 $0xB500  }
0x12a: {  	[tilespmem:s17], [sflag:$0x1] =	stream.indirect.gather @!p1 [hbm4b:s2+s13], $0x80, s8, s13, $0xb8;
	[tilespmem:$0x1B500] =	vst v63  }
0x12b: {  	_ =	swait.ge [sflag:s19], $0x2000  }
0x12c: {  	[sflag:s19] =	ssyncset.done $0x0  }
0x12d: {  	[sflag:s19] =	ssyncadd.s32 $0xFFFFE000  }
0x12e: {  	_ =	swait.ge [sflag:s19], $0x2000  }
0x12f: {  	[sflag:s19] =	ssyncset.done $0x0  }
0x130: {  	s8 =	simm.s32 @!p0 $0x6;
	[sflag:s19] =	ssyncadd.s32 $0xFFFFE000  }
0x131: {  	_ =	swait.ge @!p0 [sflag:s8], $0x2000  }
0x132: {  	[sflag:s8] =	ssyncset.done @!p0 $0x0  }
0x133: {  	s26 =	simm.s32 $0x0;
	[sflag:s8] =	ssyncadd.s32 @!p0 $0xFFFFE000  }
0x134: {  	v20 =	vld [tilespmem:s26+$0x5520]  }
0x135: {  	v21 =	vld [tilespmem:s26+$0x5500]  }
0x136: {  	v22 =	vld [tilespmem:s26+$0xD500]  }
0x137: {  	v23 =	vld [tilespmem:s26+$0x5510]  }
0x138: {  	v24 =	vld [tilespmem:s26+$0xD510]  }
0x139: {  	v25 =	vld [tilespmem:s26+$0xD520]  }
0x13a: {  	v26 =	vld [tilespmem:s26+$0x5530]  }
0x13b: {  	v27 =	vld [tilespmem:s26+$0xD530]  }
0x13c: {  	v28 =	vld [tilespmem:s26+$0x5540]  }
0x13d: {  	v21 =	vadd.f32 v22, v21;
	v22 =	vadd.f32 v24, v23;
	v23 =	vld [tilespmem:s26+$0xD540]  }
0x13e: {  	v31 =	vld [tilespmem:s26+$0xD550];
	v20 =	vadd.f32 v25, v20  }
0x13f: {  	v24 =	vld [tilespmem:s26+$0x5550];
	v25 =	vmul.f32 v21, v21;
	v29 =	vadd.f32 v22, v21;
	v30 =	vmul.f32 v22, v22  }
0x140: {  	v49 =	vld [tilespmem:s26+$0xD560];
	v26 =	vadd.f32 v27, v26  }
0x141: {  	v27 =	vld [tilespmem:s26+$0x5560];
	v29 =	vadd.f32 v20, v29;
	v25 =	vadd.f32 v30, v25;
	v30 =	vmul.f32 v20, v20  }
0x142: {  	v50 =	vld [tilespmem:s26+$0xD570];
	v23 =	vadd.f32 v23, v28  }
0x143: {  	v28 =	vld [tilespmem:s26+$0x5570];
	v29 =	vadd.f32 v26, v29;
	v25 =	vadd.f32 v30, v25;
	v30 =	vmul.f32 v26, v26  }
0x144: {  	v24 =	vadd.f32 v31, v24  }
0x145: {  	v31 =	vmul.f32 v23, v23;
	v29 =	vadd.f32 v23, v29;
	v25 =	vadd.f32 v30, v25  }
0x146: {  	v27 =	vadd.f32 v49, v27  }
0x147: {  	v30 =	vmul.f32 v24, v24;
	v29 =	vadd.f32 v24, v29;
	v25 =	vadd.f32 v31, v25  }
0x148: {  	v28 =	vadd.f32 v50, v28  }
0x149: {  	v29 =	vadd.f32 v27, v29;
	v25 =	vadd.f32 v30, v25;
	v30 =	vmul.f32 v27, v27;
	_ =	sdelay $0x1  }
0x14a: {  	v29 =	vadd.f32 v28, v29;
	v25 =	vadd.f32 v30, v25;
	v30 =	vmul.f32 v28, v28;
	_ =	sdelay $0x1  }
0x14b: {  	v31 =	vperm.xlane v29, v0;
	v25 =	vadd.f32 v30, v25;
	_ =	sdelay $0x1  }
0x14c: {  	v29 =	vadd.f32 v29, v31;
	v30 =	vperm.xlane v25, v0;
	_ =	sdelay $0x1  }
0x14d: {  	v31 =	vperm.xlane v29, v1;
	v25 =	vadd.f32 v30, v25;
	_ =	sdelay $0x1  }
0x14e: {  	s17 =	simm.s32 $0x80;
	v29 =	vadd.f32 v29, v31;
	v30 =	vperm.xlane v25, v1  }
0x14f: {  	v51 =	vld [tilespmem:s17+$0x5500]  }
0x150: {  	v53 =	vld [tilespmem:s17+$0xD500];
	v52 =	vperm.xlane v29, v2;
	v25 =	vadd.f32 v30, v25  }
0x151: {  	v54 =	vld [tilespmem:s17+$0xD510]  }
0x152: {  	v30 =	vld [tilespmem:s17+$0x5510];
	v29 =	vadd.f32 v29, v52;
	v55 =	vperm.xlane v25, v2  }
0x153: {  	v56 =	vld [tilespmem:s17+$0xD520]  }
0x154: {  	v31 =	vld [tilespmem:s17+$0x5520];
	v57 =	vperm.xlane v29, v3;
	v25 =	vadd.f32 v55, v25  }
0x155: {  	v58 =	vld [tilespmem:s17+$0x5530]  }
0x156: {  	v59 =	vld [tilespmem:s17+$0xD530];
	v32 =	vadd.f32 v53, v51;
	v37 =	vadd.f32 v29, v57;
	v60 =	vperm.xlane v25, v3  }
0x157: {  	v61 =	vld [tilespmem:s17+$0x5540];
	v30 =	vadd.f32 v54, v30  }
0x158: {  	v62 =	vld [tilespmem:s17+$0xD540];
	v46 =	vmul.f32 v32, v32;
	v40 =	vmul.f32 $7.812500000e-03, v37;
	v25 =	vadd.f32 v60, v25  }
0x159: {  	v63 =	vld [tilespmem:s17+$0x5550];
	v29 =	vadd.f32 v56, v31;
	v47 =	vadd.f32 v30, v32;
	v48 =	vmul.f32 v30, v30  }
0x15a: {  	v49 =	vld [tilespmem:s17+$0xD550];
	v25 =	vmul.f32 $7.812500000e-03, v25;
	v50 =	vmul.f32 v40, v40  }
0x15b: {  	v51 =	vld [tilespmem:s17+$0x5560];
	v31 =	vadd.f32 v59, v58;
	v52 =	vadd.f32 v29, v47  }
0x15c: {  	v53 =	vld [tilespmem:s17+$0xD560];
	v54 =	vmul.f32 v29, v29;
	v37 =	vadd.f32 v48, v46;
	v25 =	vsub.f32 v25, v50  }
0x15d: {  	v35 =	vadd.f32 v62, v61;
	v55 =	vld [tilespmem:s17+$0x5570];
	v38 =	vadd.f32 v31, v52  }
0x15e: {  	v56 =	vld [tilespmem:s17+$0xD570];
	v57 =	vmul.f32 v31, v31;
	v41 =	vadd.f32 v54, v37;
	v25 =	vadd.f32 $9.999999740e-06, v25  }
0x15f: {  	v59 =	vmul.f32 v35, v35;
	v37 =	vadd.f32 v49, v63;
	v58 =	vadd.f32 v35, v38  }
0x160: {  	v41 =	vadd.f32 v57, v41;
	v60 =	vshra.s32 v25, $0x1;
	v25 =	vmul.f32 $5.000000000e-01, v25  }
0x161: {  	v38 =	vadd.f32 v53, v51;
	v61 =	vadd.f32 v37, v58;
	v62 =	vsub.s32 $0x5F3759DF, v60  }
0x162: {  	v63 =	vmul.f32 v37, v37;
	v41 =	vadd.f32 v59, v41;
	v44 =	vmul.f32 v62, v25  }
0x163: {  	v36 =	vadd.f32 v56, v55;
	v33 =	vadd.f32 v38, v61  }
0x164: {  	v49 =	vmul.f32 v38, v38;
	v48 =	vadd.f32 v63, v41;
	v50 =	vmul.f32 v62, v44  }
0x165: {  	v33 =	vadd.f32 v36, v33  }
0x166: {  	v51 =	vmul.f32 v36, v36;
	v34 =	vadd.f32 v49, v48;
	v42 =	vsub.f32 $1.500000000e+00, v50  }
0x167: {  	v52 =	vperm.xlane v33, v0  }
0x168: {  	v34 =	vadd.f32 v51, v34;
	v39 =	vmul.f32 v62, v42  }
0x169: {  	v33 =	vadd.f32 v33, v52  }
0x16a: {  	v41 =	vperm.xlane v34, v0;
	v25 =	vmul.f32 v39, v25  }
0x16b: {  	v53 =	vperm.xlane v33, v1  }
0x16c: {  	v34 =	vadd.f32 v41, v34;
	v25 =	vmul.f32 v25, v39  }
0x16d: {  	s8 =	simm.s32 $0x100;
	v21 =	vsub.f32 v21, v40;
	v33 =	vadd.f32 v33, v53  }
0x16e: {  	v43 =	vld [tilespmem:s8+$0x5500];
	v22 =	vsub.f32 v22, v40;
	v54 =	vperm.xlane v34, v1;
	v25 =	vsub.f32 $1.500000000e+00, v25  }
0x16f: {  	v28 =	vsub.f32 v28, v40;
	v20 =	vsub.f32 v20, v40;
	v56 =	vld [tilespmem:s8+$0xD500];
	v55 =	vperm.xlane v33, v2  }
0x170: {  	v26 =	vsub.f32 v26, v40;
	v57 =	vld [tilespmem:s8+$0x5510];
	v34 =	vadd.f32 v54, v34;
	v25 =	vmul.f32 v25, v39  }
0x171: {  	v23 =	vsub.f32 v23, v40;
	v58 =	vld [tilespmem:s8+$0xD510];
	v33 =	vadd.f32 v33, v55  }
0x172: {  	v24 =	vsub.f32 v24, v40;
	v60 =	vld [tilespmem:s8+$0xD520];
	v59 =	vperm.xlane v34, v2;
	v28 =	vmul.f32 v25, v28  }
0x173: {  	v40 =	vsub.f32 v27, v40;
	v41 =	vld [tilespmem:s8+$0x5520];
	v47 =	vmul.f32 v25, v21;
	v21 =	vperm.xlane v33, v3  }
0x174: {  	v27 =	vld [tilespmem:s8+$0xD530];
	v34 =	vadd.f32 v59, v34;
	v48 =	vmul.f32 v25, v22;
	v28 =	vmul.f32 v28, v11  }
0x175: {  	v61 =	vld [tilespmem:s8+$0x5530];
	v49 =	vmul.f32 v25, v20;
	v52 =	vmul.f32 v25, v26  }
0x176: {  	v63 =	vld [tilespmem:s8+$0x5540];
	v62 =	vperm.xlane v34, v3;
	v33 =	vadd.f32 v33, v21;
	v28 =	vadd.f32 v28, v19  }
0x177: {  	v22 =	vadd.f32 v56, v43;
	v20 =	vadd.f32 v58, v57;
	v26 =	vld [tilespmem:s8+$0xD540];
	v50 =	vmul.f32 v25, v23  }
0x178: {  	v21 =	vadd.f32 v60, v41;
	v55 =	vadd.f32 v62, v34;
	v43 =	vmul.f32 $7.812500000e-03, v33;
	[tilespmem:s26+$0x15570] =	vst v28  }
0x179: {  	v56 =	vmul.f32 v22, v22;
	v57 =	vadd.f32 v20, v22;
	v42 =	vmul.f32 v20, v20;
	v34 =	vld [tilespmem:s8+$0x5550]  }
0x17a: {  	v23 =	vadd.f32 v27, v61;
	v33 =	vmul.f32 $7.812500000e-03, v55;
	v59 =	vmul.f32 v43, v43;
	v58 =	vld [tilespmem:s8+$0xD550]  }
0x17b: {  	v44 =	vmul.f32 v25, v24;
	v60 =	vadd.f32 v21, v57;
	v39 =	vadd.f32 v42, v56;
	v27 =	vld [tilespmem:s8+$0x5560]  }
0x17c: {  	v62 =	vmul.f32 v21, v21;
	v24 =	vadd.f32 v26, v63;
	v61 =	vld [tilespmem:s8+$0xD560];
	v33 =	vsub.f32 v33, v59  }
0x17d: {  	v28 =	vsub.f32 v32, v43;
	v32 =	vadd.f32 v23, v60;
	v63 =	vld [tilespmem:s8+$0x5570]  }
0x17e: {  	v55 =	vmul.f32 v23, v23;
	v39 =	vadd.f32 v62, v39;
	v54 =	vld [tilespmem:s8+$0xD570];
	v33 =	vadd.f32 $9.999999740e-06, v33  }
0x17f: {  	v56 =	vmul.f32 v24, v24;
	v32 =	vadd.f32 v24, v32;
	v26 =	vadd.f32 v58, v34  }
0x180: {  	v39 =	vadd.f32 v55, v39;
	v57 =	vshra.s32 v33, $0x1;
	v45 =	vmul.f32 $5.000000000e-01, v33  }
0x181: {  	v27 =	vadd.f32 v61, v27;
	v58 =	vsub.s32 $0x5F3759DF, v57;
	v32 =	vadd.f32 v26, v32  }
0x182: {  	v59 =	vadd.f32 v56, v39;
	v60 =	vmul.f32 v26, v26;
	v61 =	vmul.f32 v58, v45  }
0x183: {  	v40 =	vmul.f32 v25, v40;
	v25 =	vadd.f32 v54, v63;
	v32 =	vadd.f32 v27, v32  }
0x184: {  	v62 =	vmul.f32 v27, v27;
	v33 =	vadd.f32 v60, v59;
	v39 =	vmul.f32 v58, v61  }
0x185: {  	v63 =	vmul.f32 v47, v4;
	v46 =	vadd.f32 v25, v32;
	v32 =	vsub.f32 v30, v43  }
0x186: {  	v55 =	vmul.f32 v25, v25;
	v30 =	vadd.f32 v62, v33;
	v39 =	vsub.f32 $1.500000000e+00, v39  }
0x187: {  	v34 =	vsub.f32 v31, v43;
	v31 =	vsub.f32 v35, v43;
	v56 =	vperm.xlane v46, v0  }
0x188: {  	v57 =	vmul.f32 v48, v5;
	v47 =	vadd.f32 v55, v30;
	v53 =	vmul.f32 v58, v39  }
0x189: {  	v61 =	vmul.f32 v49, v6;
	v33 =	vsub.f32 v29, v43;
	v58 =	vadd.f32 v46, v56  }
0x18a: {  	v29 =	vsub.f32 v37, v43;
	v59 =	vperm.xlane v47, v0;
	v60 =	vmul.f32 v53, v45  }
0x18b: {  	v30 =	vadd.f32 v63, v12;
	v55 =	vadd.f32 v57, v13;
	v62 =	vperm.xlane v58, v1  }
0x18c: {  	v57 =	vmul.f32 v50, v8;
	v63 =	vadd.f32 v59, v47;
	v42 =	vmul.f32 v60, v53  }
0x18d: {  	s29 =	simm.s32 $0x180;
	[tilespmem:s26+$0x15500] =	vst v30;
	v30 =	vsub.f32 v38, v43;
	v56 =	vmul.f32 v52, v7;
	v58 =	vadd.f32 v58, v62  }
0x18e: {  	v45 =	vadd.f32 v61, v14;
	v37 =	vld [tilespmem:s29+$0x5520];
	v59 =	vperm.xlane v63, v1;
	v60 =	vsub.f32 $1.500000000e+00, v42  }
0x18f: {  	v61 =	vmul.f32 v44, v9;
	v39 =	vld [tilespmem:s29+$0x5500];
	v48 =	vadd.f32 v56, v15;
	v62 =	vperm.xlane v58, v2  }
0x190: {  	v41 =	vld [tilespmem:s29+$0xD500];
	[tilespmem:s26+$0x15510] =	vst v55;
	v38 =	vadd.f32 v59, v63;
	v35 =	vmul.f32 v60, v53;
	v63 =	vsub.f32 v36, v43  }
0x191: {  	s13 =	sshll.u32 s10, $0x8;
	v44 =	vmul.f32 v40, v10;
	v46 =	vadd.f32 v57, v16;
	v42 =	vld [tilespmem:s29+$0x5510];
	[tilespmem:s26+$0x15520] =	vst v45;
	v45 =	vadd.f32 v61, v17  }
0x192: {  	s30 =	simm.s32 $0x800;
	s28 =	sadd.s32 s13, s14;
	v36 =	vld [tilespmem:s29+$0xD510];
	[tilespmem:s26+$0x15530] =	vst v48;
	v40 =	vadd.f32 v58, v62;
	v43 =	vperm.xlane v38, v2;
	v47 =	vmul.f32 v35, v63  }
.LBB2_5:
0x193: {  	p2 =	sne.s32 s30, $0x7E00;
	v48 =	vld [tilespmem:s29+$0xD520];
	v49 =	vmul.f32 v35, v28;
	v50 =	vmul.f32 v35, v32;
	[tilespmem:s26+$0x15540] =	vst v46;
	v28 =	vadd.f32 v44, v18  }
0x194: {  	v32 =	vperm.xlane v40, v3;
	v38 =	vadd.f32 v43, v38;
	v43 =	vmul.f32 v47, v11;
	[tilespmem:s26+$0x15550] =	vst v45  }
0x195: {  	v46 =	vmul.f32 v35, v34;
	v45 =	vmul.f32 v35, v33;
	v44 =	vld [tilespmem:s29+$0x5530];
	[tilespmem:s26+$0x15560] =	vst v28;
	s26 =	smov.u32 s17;
	s17 =	smov.u32 s8;
	s8 =	smov.u32 s29  }
0x196: {  	v33 =	vld [tilespmem:s8+$0xD530];
	v28 =	vadd.f32 v40, v32;
	v32 =	vperm.xlane v38, v3;
	v34 =	vadd.f32 v43, v19  }
0x197: {  	v39 =	vadd.f32 v41, v39;
	v41 =	vmul.f32 v35, v31;
	v36 =	vadd.f32 v36, v42;
	v40 =	vld [tilespmem:s8+$0x5540]  }
0x198: {  	v31 =	vadd.f32 v48, v37;
	v37 =	vld [tilespmem:s8+$0xD540];
	v42 =	vmul.f32 $7.812500000e-03, v28;
	v28 =	vadd.f32 v32, v38;
	[tilespmem:s26+$0x15570] =	vst v34  }
0x199: {  	v34 =	vmul.f32 v39, v39;
	v32 =	vld [tilespmem:s8+$0x5550];
	v38 =	vadd.f32 v36, v39;
	v43 =	vmul.f32 v36, v36  }
0x19a: {  	v47 =	vld [tilespmem:s8+$0xD550];
	v48 =	vmul.f32 $7.812500000e-03, v28;
	v51 =	vmul.f32 v42, v42;
	v28 =	vsub.f32 v22, v42;
	v22 =	vmovc v39  }
0x19b: {  	v39 =	vadd.f32 v33, v44;
	v33 =	vld [tilespmem:s8+$0x5560];
	v38 =	vadd.f32 v31, v38;
	v44 =	vmul.f32 v35, v29  }
0x19c: {  	v34 =	vadd.f32 v43, v34;
	v43 =	vmul.f32 v31, v31;
	v29 =	vld [tilespmem:s8+$0xD560];
	v48 =	vsub.f32 v48, v51  }
0x19d: {  	v35 =	vmul.f32 v35, v30;
	v37 =	vadd.f32 v37, v40;
	v40 =	vld [tilespmem:s8+$0x5570];
	v38 =	vadd.f32 v39, v38  }
0x19e: {  	v34 =	vadd.f32 v43, v34;
	v43 =	vmul.f32 v39, v39;
	v30 =	vld [tilespmem:s8+$0xD570];
	v48 =	vadd.f32 $9.999999740e-06, v48  }
0x19f: {  	v47 =	vadd.f32 v47, v32;
	v32 =	vadd.f32 v37, v38;
	v38 =	vmul.f32 v37, v37  }
0x1a0: {  	v34 =	vadd.f32 v43, v34;
	v43 =	vshra.s32 v48, $0x1;
	v48 =	vmul.f32 $5.000000000e-01, v48  }
0x1a1: {  	v51 =	vadd.f32 v29, v33;
	v29 =	vadd.f32 v47, v32;
	v43 =	vsub.s32 $0x5F3759DF, v43  }
0x1a2: {  	v32 =	vadd.f32 v38, v34;
	v33 =	vmul.f32 v47, v47;
	v34 =	vmul.f32 v43, v48  }
0x1a3: {  	v38 =	vmul.f32 v49, v4;
	v40 =	vadd.f32 v30, v40;
	v29 =	vadd.f32 v51, v29  }
0x1a4: {  	v30 =	vadd.f32 v33, v32;
	v33 =	vmul.f32 v51, v51;
	v34 =	vmul.f32 v43, v34  }
0x1a5: {  	v49 =	vmul.f32 v50, v5;
	v32 =	vsub.f32 v20, v42;
	v20 =	vmovc v36;
	v29 =	vadd.f32 v40, v29  }
0x1a6: {  	v30 =	vadd.f32 v33, v30;
	v36 =	vmul.f32 v40, v40;
	v50 =	vsub.f32 $1.500000000e+00, v34  }
0x1a7: {  	v33 =	vsub.f32 v21, v42;
	v21 =	vmovc v31;
	v34 =	vsub.f32 v23, v42;
	v52 =	vperm.xlane v29, v0  }
0x1a8: {  	v31 =	vsub.f32 v24, v42;
	v23 =	vmovc v39;
	v36 =	vadd.f32 v36, v30;
	v43 =	vmul.f32 v43, v50  }
0x1a9: {  	v45 =	vmul.f32 v45, v6;
	v24 =	vmovc v37;
	v39 =	vadd.f32 v29, v52;
	v29 =	vsub.f32 v26, v42  }
0x1aa: {  	v30 =	vsub.f32 v27, v42;
	v37 =	vperm.xlane v36, v0;
	v26 =	vmovc v47;
	v48 =	vmul.f32 v43, v48  }
0x1ab: {  	v46 =	vmul.f32 v46, v7;
	v38 =	vadd.f32 v38, v12;
	v27 =	vmovc v51;
	v47 =	vperm.xlane v39, v1  }
0x1ac: {  	v50 =	vmul.f32 v41, v8;
	v36 =	vadd.f32 v37, v36;
	v48 =	vmul.f32 v48, v43  }
0x1ad: {  	s29 =	sshra.s32 s30, $0x2;
	v51 =	vmul.f32 v44, v9;
	v44 =	vmul.f32 v35, v10;
	v47 =	vadd.f32 v39, v47;
	[tilespmem:s26+$0x15500] =	vst v38  }
.Ltmp3:
0x1ae: {  	v49 =	vadd.f32 v49, v13;
	v35 =	vperm.xlane v36, v1;
	v37 =	vld [tilespmem:s29+$0x5520];
	v48 =	vsub.f32 $1.500000000e+00, v48;
	(pc) =	sbr.rel @p2 .LBB2_5-.Ltmp3, $4  }
0x1af: {  	v53 =	vadd.f32 v46, v15;
	v45 =	vadd.f32 v45, v14;
	v39 =	vld [tilespmem:s29+$0x5500];
	v52 =	vperm.xlane v47, v2  }
0x1b0: {  	v38 =	vadd.f32 v35, v36;
	v41 =	vld [tilespmem:s29+$0xD500];
	v35 =	vmul.f32 v48, v43;
	v48 =	vsub.f32 v25, v42;
	[tilespmem:s26+$0x15510] =	vst v49  }
0x1b1: {  	v46 =	vadd.f32 v50, v16;
	v25 =	vmov v40;
	v42 =	vld [tilespmem:s29+$0x5510];
	[tilespmem:s26+$0x15520] =	vst v45;
	v45 =	vadd.f32 v51, v17  }
0x1b2: {  	s30 =	sadd.s32 $0x200, s30;
	v40 =	vadd.f32 v47, v52;
	v43 =	vperm.xlane v38, v2;
	v36 =	vld [tilespmem:s29+$0xD510];
	v47 =	vmul.f32 v35, v48;
	[tilespmem:s26+$0x15530] =	vst v53  }
0x1b3: {  	v48 =	vld [tilespmem:s29+$0xD520];
	[tilespmem:s26+$0x15540] =	vst v46;
	v44 =	vadd.f32 v44, v18  }
0x1b4: {  	[tilespmem:s26+$0x15550] =	vst v45;
	v55 =	vmul.f32 v47, v11  }
0x1b5: {  	v45 =	vld [tilespmem:s29+$0x5530];
	[tilespmem:s26+$0x15560] =	vst v44  }
0x1b6: {  	v44 =	vld [tilespmem:s29+$0xD530];
	v46 =	vadd.f32 v55, v19  }
0x1b7: {  	v39 =	vadd.f32 v41, v39;
	v56 =	vld [tilespmem:s29+$0x5540]  }
0x1b8: {  	v49 =	vld [tilespmem:s29+$0xD540];
	v36 =	vadd.f32 v36, v42;
	[tilespmem:s17+$0x15570] =	vst v46  }
0x1b9: {  	v58 =	vmul.f32 v39, v39;
	v57 =	vld [tilespmem:s29+$0x5550]  }
0x1ba: {  	v37 =	vadd.f32 v48, v37;
	v59 =	vadd.f32 v36, v39;
	v60 =	vmul.f32 v36, v36;
	v50 =	vld [tilespmem:s29+$0xD550]  }
0x1bb: {  	v61 =	vld [tilespmem:s29+$0x5560];
	v44 =	vadd.f32 v44, v45  }
0x1bc: {  	v51 =	vld [tilespmem:s29+$0xD560];
	v62 =	vmul.f32 v37, v37;
	v46 =	vadd.f32 v37, v59;
	v42 =	vadd.f32 v60, v58  }
0x1bd: {  	v63 =	vld [tilespmem:s29+$0x5570];
	v47 =	vadd.f32 v49, v56  }
0x1be: {  	v52 =	vld [tilespmem:s29+$0xD570];
	v46 =	vadd.f32 v44, v46;
	v42 =	vadd.f32 v62, v42;
	v53 =	vmul.f32 v44, v44  }
0x1bf: {  	v41 =	vadd.f32 v50, v57  }
0x1c0: {  	v54 =	vmul.f32 v47, v47;
	v46 =	vadd.f32 v47, v46;
	v42 =	vadd.f32 v53, v42  }
0x1c1: {  	v45 =	vadd.f32 v51, v61  }
0x1c2: {  	v55 =	vmul.f32 v41, v41;
	v46 =	vadd.f32 v41, v46;
	v42 =	vadd.f32 v54, v42  }
0x1c3: {  	v49 =	vadd.f32 v52, v63  }
0x1c4: {  	v56 =	vmul.f32 v45, v45;
	v46 =	vadd.f32 v45, v46;
	v42 =	vadd.f32 v55, v42;
	_ =	sdelay $0x1  }
0x1c5: {  	v57 =	vmul.f32 v49, v49;
	v46 =	vadd.f32 v49, v46;
	v42 =	vadd.f32 v56, v42  }
0x1c6: {  	v38 =	vadd.f32 v43, v38;
	v58 =	vperm.xlane v40, v3  }
0x1c7: {  	v59 =	vperm.xlane v46, v0;
	v42 =	vadd.f32 v57, v42  }
0x1c8: {  	v60 =	vperm.xlane v38, v3;
	v40 =	vadd.f32 v40, v58  }
0x1c9: {  	v43 =	vadd.f32 v46, v59;
	v61 =	vperm.xlane v42, v0  }
0x1ca: {  	v38 =	vadd.f32 v60, v38;
	v40 =	vmul.f32 $7.812500000e-03, v40  }
0x1cb: {  	v62 =	vperm.xlane v43, v1;
	v42 =	vadd.f32 v61, v42  }
0x1cc: {  	v38 =	vmul.f32 $7.812500000e-03, v38;
	v63 =	vmul.f32 v40, v40  }
0x1cd: {  	v43 =	vadd.f32 v43, v62;
	v52 =	vperm.xlane v42, v1  }
0x1ce: {  	v38 =	vsub.f32 v38, v63  }
0x1cf: {  	v53 =	vperm.xlane v43, v2;
	v42 =	vadd.f32 v52, v42  }
0x1d0: {  	v38 =	vadd.f32 $9.999999740e-06, v38  }
0x1d1: {  	v43 =	vadd.f32 v43, v53;
	v54 =	vperm.xlane v42, v2  }
0x1d2: {  	v28 =	vmul.f32 v35, v28;
	v32 =	vmul.f32 v35, v32;
	v55 =	vshra.s32 v38, $0x1  }
0x1d3: {  	v38 =	vmul.f32 $5.000000000e-01, v38;
	v56 =	vperm.xlane v43, v3;
	v42 =	vadd.f32 v54, v42  }
0x1d4: {  	v33 =	vmul.f32 v35, v33;
	v34 =	vmul.f32 v35, v34;
	v57 =	vsub.s32 $0x5F3759DF, v55  }
0x1d5: {  	v48 =	vmul.f32 v57, v38;
	v43 =	vadd.f32 v43, v56;
	v58 =	vperm.xlane v42, v3  }
0x1d6: {  	v31 =	vmul.f32 v35, v31;
	v29 =	vmul.f32 v35, v29  }
0x1d7: {  	v48 =	vmul.f32 v57, v48;
	v43 =	vmul.f32 $7.812500000e-03, v43;
	v42 =	vadd.f32 v58, v42  }
0x1d8: {  	v30 =	vmul.f32 v35, v30;
	v28 =	vmul.f32 v28, v4  }
0x1d9: {  	v48 =	vsub.f32 $1.500000000e+00, v48;
	v42 =	vmul.f32 $7.812500000e-03, v42;
	v59 =	vmul.f32 v43, v43  }
0x1da: {  	v32 =	vmul.f32 v32, v5;
	v33 =	vmul.f32 v33, v6  }
0x1db: {  	v34 =	vmul.f32 v34, v7;
	v60 =	vmul.f32 v57, v48;
	v42 =	vsub.f32 v42, v59  }
0x1dc: {  	v31 =	vmul.f32 v31, v8;
	v29 =	vmul.f32 v29, v9  }
0x1dd: {  	v28 =	vadd.f32 v28, v12;
	v38 =	vmul.f32 v60, v38;
	v42 =	vadd.f32 $9.999999740e-06, v42  }
0x1de: {  	v30 =	vmul.f32 v30, v10;
	v32 =	vadd.f32 v32, v13;
	v33 =	vadd.f32 v33, v14  }
0x1df: {  	v38 =	vmul.f32 v38, v60;
	v61 =	vshra.s32 v42, $0x1;
	v42 =	vmul.f32 $5.000000000e-01, v42  }
0x1e0: {  	v34 =	vadd.f32 v34, v15;
	v31 =	vadd.f32 v31, v16;
	v46 =	vsub.s32 $0x5F3759DF, v61  }
0x1e1: {  	v29 =	vadd.f32 v29, v17;
	v38 =	vsub.f32 $1.500000000e+00, v38;
	v62 =	vmul.f32 v46, v42  }
0x1e2: {  	[tilespmem:s17+$0x15500] =	vst v28;
	v28 =	vadd.f32 v30, v18;
	v22 =	vsub.f32 v22, v40  }
0x1e3: {  	v25 =	vsub.f32 v25, v40;
	v35 =	vmul.f32 v38, v60;
	v63 =	vmul.f32 v46, v62  }
0x1e4: {  	v20 =	vsub.f32 v20, v40;
	v21 =	vsub.f32 v21, v40  }
0x1e5: {  	v23 =	vsub.f32 v23, v40;
	v25 =	vmul.f32 v35, v25;
	v38 =	vsub.f32 $1.500000000e+00, v63  }
0x1e6: {  	v24 =	vsub.f32 v24, v40;
	v22 =	vmul.f32 v35, v22;
	v20 =	vmul.f32 v35, v20  }
0x1e7: {  	v26 =	vsub.f32 v26, v40;
	v21 =	vmul.f32 v35, v21;
	v38 =	vmul.f32 v46, v38  }
0x1e8: {  	[tilespmem:s17+$0x15510] =	vst v32;
	v27 =	vsub.f32 v27, v40;
	v23 =	vmul.f32 v35, v23;
	v24 =	vmul.f32 v35, v24  }
0x1e9: {  	[tilespmem:s17+$0x15520] =	vst v33;
	v40 =	vsub.f32 v39, v43;
	v26 =	vmul.f32 v35, v26;
	v30 =	vmul.f32 v38, v42  }
0x1ea: {  	[tilespmem:s17+$0x15540] =	vst v31;
	v27 =	vmul.f32 v35, v27;
	v31 =	vsub.f32 v44, v43;
	v25 =	vmul.f32 v25, v11  }
0x1eb: {  	[tilespmem:s17+$0x15530] =	vst v34;
	v48 =	vsub.f32 v47, v43;
	v22 =	vmul.f32 v22, v4;
	v30 =	vmul.f32 v30, v38  }
0x1ec: {  	[tilespmem:s17+$0x15550] =	vst v29;
	v29 =	vsub.f32 v41, v43;
	v21 =	vmul.f32 v21, v6;
	v25 =	vadd.f32 v25, v19  }
0x1ed: {  	[tilespmem:s17+$0x15560] =	vst v28;
	v20 =	vmul.f32 v20, v5;
	v22 =	vadd.f32 v22, v12;
	v30 =	vsub.f32 $1.500000000e+00, v30  }
0x1ee: {  	v28 =	vsub.f32 v49, v43;
	v24 =	vmul.f32 v24, v8;
	v21 =	vadd.f32 v21, v14;
	[tilespmem:s8+$0x15570] =	vst v25  }
0x1ef: {  	v23 =	vmul.f32 v23, v7;
	v20 =	vadd.f32 v20, v13;
	[tilespmem:s8+$0x15500] =	vst v22;
	v25 =	vmul.f32 v30, v38  }
0x1f0: {  	v22 =	vmul.f32 v26, v9;
	v26 =	vmul.f32 v27, v10;
	[tilespmem:s8+$0x15520] =	vst v21;
	v21 =	vadd.f32 v24, v16  }
0x1f1: {  	v23 =	vadd.f32 v23, v15;
	[tilespmem:s8+$0x15510] =	vst v20;
	v42 =	vsub.f32 v36, v43;
	v20 =	vmul.f32 v25, v28  }
0x1f2: {  	v22 =	vadd.f32 v22, v17;
	[tilespmem:s8+$0x15540] =	vst v21;
	v21 =	vadd.f32 v26, v18;
	v24 =	vmul.f32 v25, v40  }
0x1f3: {  	[tilespmem:s8+$0x15530] =	vst v23;
	v46 =	vsub.f32 v37, v43;
	v23 =	vmul.f32 v25, v42;
	v20 =	vmul.f32 v20, v11  }
0x1f4: {  	[tilespmem:s8+$0x15550] =	vst v22;
	v30 =	vsub.f32 v45, v43;
	v22 =	vmul.f32 v25, v31;
	v24 =	vmul.f32 v24, v4  }
0x1f5: {  	[tilespmem:s8+$0x15560] =	vst v21;
	v21 =	vmul.f32 v25, v48;
	v23 =	vmul.f32 v23, v5;
	v20 =	vadd.f32 v20, v19  }
0x1f6: {  	v26 =	vmul.f32 v25, v46;
	v22 =	vmul.f32 v22, v7;
	v24 =	vadd.f32 v24, v12  }
0x1f7: {  	v21 =	vmul.f32 v21, v8;
	v23 =	vadd.f32 v23, v13;
	[tilespmem:s29+$0x15570] =	vst v20;
	v20 =	vmul.f32 v25, v29  }
0x1f8: {  	v26 =	vmul.f32 v26, v6;
	v22 =	vadd.f32 v22, v15;
	v25 =	vmul.f32 v25, v30;
	[tilespmem:s29+$0x15500] =	vst v24  }
0x1f9: {  	v21 =	vadd.f32 v21, v16;
	[tilespmem:s29+$0x15510] =	vst v23;
	v20 =	vmul.f32 v20, v9  }
0x1fa: {  	v24 =	vadd.f32 v26, v14;
	[tilespmem:s29+$0x15530] =	vst v22;
	v23 =	vmul.f32 v25, v10  }
0x1fb: {  	[tilespmem:s29+$0x15540] =	vst v21;
	v20 =	vadd.f32 v20, v17  }
0x1fc: {  	[tilespmem:s29+$0x15520] =	vst v24;
	v21 =	vadd.f32 v23, v18  }
0x1fd: {  	s30 =	sshll.u32 s28, $0x4;
	[tilespmem:s29+$0x15550] =	vst v20  }
0x1fe: {  	s8 =	sadd.s32 s6, s30;
	[tilespmem:s29+$0x15560] =	vst v21  }
0x1ff: {  	[hbm4b:s8+s7] =	stream.linear.scatter [tilespmem:s20], [sflag:$0x6], $0x2000, $0x38;
	[tilespmem:$0x1B500] =	vst v63  }
0x200: {  	s8 =	sadd.s32 @!p1 $0x5, s11  }
0x201: {  	s17 =	sshll.u32 @!p1 s8, $0xD  }
0x202: {  	s17 =	sadd.s32 @!p1 s9, s17  }
0x203: {  	s28 =	simm.s32 @!p1 $0x5500;
	s17 =	sshrl.u32 @!p1 s17, $0x3  }
0x204: {  	s26 =	simm.s32 @!p1 $0x0;
	s8 =	sshll.u32 @!p1 s8, $0x7;
	s17 =	sadd.s32 @!p1 s0, s17  }
0x205: {  	[tilespmem:s28], [sflag:$0x2] =	stream.linear.gather @!p1 [hbm4b:s17+s26], $0x2000, $0x38;
	[tilespmem:$0x1B500] =	vst v63  }
0x206: {  	s8 =	sand.u32 @!p1 $0x3FFFFF80, s8;
	s17 =	simm.s32 @!p1 $0x40;
	s26 =	simm.s32 @!p1 $0xD500  }
0x207: {  	[tilespmem:s26], [sflag:$0x2] =	stream.indirect.gather @!p1 [hbm4b:s2+s17], $0x80, s8, s17, $0xb8;
	[tilespmem:$0x1B500] =	vst v63  }
0x208: {  	_ =	swait.ge [sflag:s21], $0x2000  }
0x209: {  	[sflag:s21] =	ssyncset.done $0x0  }
0x20a: {  	[sflag:s21] =	ssyncadd.s32 $0xFFFFE000  }
0x20b: {  	_ =	swait.ge [sflag:s21], $0x2000  }
0x20c: {  	[sflag:s21] =	ssyncset.done $0x0  }
0x20d: {  	s8 =	simm.s32 @!p0 $0x7;
	[sflag:s21] =	ssyncadd.s32 $0xFFFFE000  }
0x20e: {  	_ =	swait.ge @!p0 [sflag:s8], $0x2000  }
0x20f: {  	[sflag:s8] =	ssyncset.done @!p0 $0x0  }
0x210: {  	s26 =	simm.s32 $0x0;
	[sflag:s8] =	ssyncadd.s32 @!p0 $0xFFFFE000  }
0x211: {  	v20 =	vld [tilespmem:s26+$0x7520]  }
0x212: {  	v21 =	vld [tilespmem:s26+$0x7500]  }
0x213: {  	v22 =	vld [tilespmem:s26+$0xF500]  }
0x214: {  	v23 =	vld [tilespmem:s26+$0x7510]  }
0x215: {  	v24 =	vld [tilespmem:s26+$0xF510]  }
0x216: {  	v25 =	vld [tilespmem:s26+$0xF520]  }
0x217: {  	v26 =	vld [tilespmem:s26+$0x7530]  }
0x218: {  	v27 =	vld [tilespmem:s26+$0xF530]  }
0x219: {  	v28 =	vld [tilespmem:s26+$0x7540]  }
0x21a: {  	v21 =	vadd.f32 v22, v21;
	v22 =	vadd.f32 v24, v23;
	v23 =	vld [tilespmem:s26+$0xF540]  }
0x21b: {  	v31 =	vld [tilespmem:s26+$0xF550];
	v20 =	vadd.f32 v25, v20  }
0x21c: {  	v24 =	vld [tilespmem:s26+$0x7550];
	v25 =	vmul.f32 v21, v21;
	v29 =	vadd.f32 v22, v21;
	v30 =	vmul.f32 v22, v22  }
0x21d: {  	v49 =	vld [tilespmem:s26+$0xF560];
	v26 =	vadd.f32 v27, v26  }
0x21e: {  	v27 =	vld [tilespmem:s26+$0x7560];
	v29 =	vadd.f32 v20, v29;
	v25 =	vadd.f32 v30, v25;
	v30 =	vmul.f32 v20, v20  }
0x21f: {  	v50 =	vld [tilespmem:s26+$0xF570];
	v23 =	vadd.f32 v23, v28  }
0x220: {  	v28 =	vld [tilespmem:s26+$0x7570];
	v29 =	vadd.f32 v26, v29;
	v25 =	vadd.f32 v30, v25;
	v30 =	vmul.f32 v26, v26  }
0x221: {  	v24 =	vadd.f32 v31, v24  }
0x222: {  	v31 =	vmul.f32 v23, v23;
	v29 =	vadd.f32 v23, v29;
	v25 =	vadd.f32 v30, v25  }
0x223: {  	v27 =	vadd.f32 v49, v27  }
0x224: {  	v30 =	vmul.f32 v24, v24;
	v29 =	vadd.f32 v24, v29;
	v25 =	vadd.f32 v31, v25  }
0x225: {  	v28 =	vadd.f32 v50, v28  }
0x226: {  	v29 =	vadd.f32 v27, v29;
	v25 =	vadd.f32 v30, v25;
	v30 =	vmul.f32 v27, v27;
	_ =	sdelay $0x1  }
0x227: {  	v29 =	vadd.f32 v28, v29;
	v25 =	vadd.f32 v30, v25;
	v30 =	vmul.f32 v28, v28;
	_ =	sdelay $0x1  }
0x228: {  	v31 =	vperm.xlane v29, v0;
	v25 =	vadd.f32 v30, v25;
	_ =	sdelay $0x1  }
0x229: {  	v29 =	vadd.f32 v29, v31;
	v30 =	vperm.xlane v25, v0;
	_ =	sdelay $0x1  }
0x22a: {  	v31 =	vperm.xlane v29, v1;
	v25 =	vadd.f32 v30, v25;
	_ =	sdelay $0x1  }
0x22b: {  	s17 =	simm.s32 $0x80;
	v29 =	vadd.f32 v29, v31;
	v30 =	vperm.xlane v25, v1  }
0x22c: {  	v51 =	vld [tilespmem:s17+$0x7500]  }
0x22d: {  	v53 =	vld [tilespmem:s17+$0xF500];
	v52 =	vperm.xlane v29, v2;
	v25 =	vadd.f32 v30, v25  }
0x22e: {  	v54 =	vld [tilespmem:s17+$0xF510]  }
0x22f: {  	v30 =	vld [tilespmem:s17+$0x7510];
	v29 =	vadd.f32 v29, v52;
	v55 =	vperm.xlane v25, v2  }
0x230: {  	v56 =	vld [tilespmem:s17+$0xF520]  }
0x231: {  	v31 =	vld [tilespmem:s17+$0x7520];
	v57 =	vperm.xlane v29, v3;
	v25 =	vadd.f32 v55, v25  }
0x232: {  	v58 =	vld [tilespmem:s17+$0x7530]  }
0x233: {  	v59 =	vld [tilespmem:s17+$0xF530];
	v32 =	vadd.f32 v53, v51;
	v37 =	vadd.f32 v29, v57;
	v60 =	vperm.xlane v25, v3  }
0x234: {  	v61 =	vld [tilespmem:s17+$0x7540];
	v30 =	vadd.f32 v54, v30  }
0x235: {  	v62 =	vld [tilespmem:s17+$0xF540];
	v46 =	vmul.f32 v32, v32;
	v40 =	vmul.f32 $7.812500000e-03, v37;
	v25 =	vadd.f32 v60, v25  }
0x236: {  	v63 =	vld [tilespmem:s17+$0x7550];
	v29 =	vadd.f32 v56, v31;
	v47 =	vadd.f32 v30, v32;
	v48 =	vmul.f32 v30, v30  }
0x237: {  	v49 =	vld [tilespmem:s17+$0xF550];
	v25 =	vmul.f32 $7.812500000e-03, v25;
	v50 =	vmul.f32 v40, v40  }
0x238: {  	v51 =	vld [tilespmem:s17+$0x7560];
	v31 =	vadd.f32 v59, v58;
	v52 =	vadd.f32 v29, v47  }
0x239: {  	v53 =	vld [tilespmem:s17+$0xF560];
	v54 =	vmul.f32 v29, v29;
	v37 =	vadd.f32 v48, v46;
	v25 =	vsub.f32 v25, v50  }
0x23a: {  	v35 =	vadd.f32 v62, v61;
	v55 =	vld [tilespmem:s17+$0x7570];
	v38 =	vadd.f32 v31, v52  }
0x23b: {  	v56 =	vld [tilespmem:s17+$0xF570];
	v57 =	vmul.f32 v31, v31;
	v41 =	vadd.f32 v54, v37;
	v25 =	vadd.f32 $9.999999740e-06, v25  }
0x23c: {  	v59 =	vmul.f32 v35, v35;
	v37 =	vadd.f32 v49, v63;
	v58 =	vadd.f32 v35, v38  }
0x23d: {  	v41 =	vadd.f32 v57, v41;
	v60 =	vshra.s32 v25, $0x1;
	v25 =	vmul.f32 $5.000000000e-01, v25  }
0x23e: {  	v38 =	vadd.f32 v53, v51;
	v61 =	vadd.f32 v37, v58;
	v62 =	vsub.s32 $0x5F3759DF, v60  }
0x23f: {  	v63 =	vmul.f32 v37, v37;
	v41 =	vadd.f32 v59, v41;
	v44 =	vmul.f32 v62, v25  }
0x240: {  	v36 =	vadd.f32 v56, v55;
	v33 =	vadd.f32 v38, v61  }
0x241: {  	v49 =	vmul.f32 v38, v38;
	v48 =	vadd.f32 v63, v41;
	v50 =	vmul.f32 v62, v44  }
0x242: {  	v33 =	vadd.f32 v36, v33  }
0x243: {  	v51 =	vmul.f32 v36, v36;
	v34 =	vadd.f32 v49, v48;
	v42 =	vsub.f32 $1.500000000e+00, v50  }
0x244: {  	v52 =	vperm.xlane v33, v0  }
0x245: {  	v34 =	vadd.f32 v51, v34;
	v39 =	vmul.f32 v62, v42  }
0x246: {  	v33 =	vadd.f32 v33, v52  }
0x247: {  	v41 =	vperm.xlane v34, v0;
	v25 =	vmul.f32 v39, v25  }
0x248: {  	v53 =	vperm.xlane v33, v1  }
0x249: {  	v34 =	vadd.f32 v41, v34;
	v25 =	vmul.f32 v25, v39  }
0x24a: {  	s8 =	simm.s32 $0x100;
	v21 =	vsub.f32 v21, v40;
	v33 =	vadd.f32 v33, v53  }
0x24b: {  	v43 =	vld [tilespmem:s8+$0x7500];
	v22 =	vsub.f32 v22, v40;
	v54 =	vperm.xlane v34, v1;
	v25 =	vsub.f32 $1.500000000e+00, v25  }
0x24c: {  	v28 =	vsub.f32 v28, v40;
	v20 =	vsub.f32 v20, v40;
	v56 =	vld [tilespmem:s8+$0xF500];
	v55 =	vperm.xlane v33, v2  }
0x24d: {  	v26 =	vsub.f32 v26, v40;
	v57 =	vld [tilespmem:s8+$0x7510];
	v34 =	vadd.f32 v54, v34;
	v25 =	vmul.f32 v25, v39  }
0x24e: {  	v23 =	vsub.f32 v23, v40;
	v58 =	vld [tilespmem:s8+$0xF510];
	v33 =	vadd.f32 v33, v55  }
0x24f: {  	v24 =	vsub.f32 v24, v40;
	v60 =	vld [tilespmem:s8+$0xF520];
	v59 =	vperm.xlane v34, v2;
	v28 =	vmul.f32 v25, v28  }
0x250: {  	v40 =	vsub.f32 v27, v40;
	v41 =	vld [tilespmem:s8+$0x7520];
	v47 =	vmul.f32 v25, v21;
	v21 =	vperm.xlane v33, v3  }
0x251: {  	v27 =	vld [tilespmem:s8+$0xF530];
	v34 =	vadd.f32 v59, v34;
	v48 =	vmul.f32 v25, v22;
	v28 =	vmul.f32 v28, v11  }
0x252: {  	v61 =	vld [tilespmem:s8+$0x7530];
	v49 =	vmul.f32 v25, v20;
	v52 =	vmul.f32 v25, v26  }
0x253: {  	v63 =	vld [tilespmem:s8+$0x7540];
	v62 =	vperm.xlane v34, v3;
	v33 =	vadd.f32 v33, v21;
	v28 =	vadd.f32 v28, v19  }
0x254: {  	v22 =	vadd.f32 v56, v43;
	v20 =	vadd.f32 v58, v57;
	v26 =	vld [tilespmem:s8+$0xF540];
	v50 =	vmul.f32 v25, v23  }
0x255: {  	v21 =	vadd.f32 v60, v41;
	v55 =	vadd.f32 v62, v34;
	v43 =	vmul.f32 $7.812500000e-03, v33;
	[tilespmem:s26+$0x17570] =	vst v28  }
0x256: {  	v56 =	vmul.f32 v22, v22;
	v57 =	vadd.f32 v20, v22;
	v42 =	vmul.f32 v20, v20;
	v34 =	vld [tilespmem:s8+$0x7550]  }
0x257: {  	v23 =	vadd.f32 v27, v61;
	v33 =	vmul.f32 $7.812500000e-03, v55;
	v59 =	vmul.f32 v43, v43;
	v58 =	vld [tilespmem:s8+$0xF550]  }
0x258: {  	v44 =	vmul.f32 v25, v24;
	v60 =	vadd.f32 v21, v57;
	v39 =	vadd.f32 v42, v56;
	v27 =	vld [tilespmem:s8+$0x7560]  }
0x259: {  	v62 =	vmul.f32 v21, v21;
	v24 =	vadd.f32 v26, v63;
	v61 =	vld [tilespmem:s8+$0xF560];
	v33 =	vsub.f32 v33, v59  }
0x25a: {  	v28 =	vsub.f32 v32, v43;
	v32 =	vadd.f32 v23, v60;
	v63 =	vld [tilespmem:s8+$0x7570]  }
0x25b: {  	v55 =	vmul.f32 v23, v23;
	v39 =	vadd.f32 v62, v39;
	v54 =	vld [tilespmem:s8+$0xF570];
	v33 =	vadd.f32 $9.999999740e-06, v33  }
0x25c: {  	v56 =	vmul.f32 v24, v24;
	v32 =	vadd.f32 v24, v32;
	v26 =	vadd.f32 v58, v34  }
0x25d: {  	v39 =	vadd.f32 v55, v39;
	v57 =	vshra.s32 v33, $0x1;
	v45 =	vmul.f32 $5.000000000e-01, v33  }
0x25e: {  	v27 =	vadd.f32 v61, v27;
	v58 =	vsub.s32 $0x5F3759DF, v57;
	v32 =	vadd.f32 v26, v32  }
0x25f: {  	v59 =	vadd.f32 v56, v39;
	v60 =	vmul.f32 v26, v26;
	v61 =	vmul.f32 v58, v45  }
0x260: {  	v40 =	vmul.f32 v25, v40;
	v25 =	vadd.f32 v54, v63;
	v32 =	vadd.f32 v27, v32  }
0x261: {  	v62 =	vmul.f32 v27, v27;
	v33 =	vadd.f32 v60, v59;
	v39 =	vmul.f32 v58, v61  }
0x262: {  	v63 =	vmul.f32 v47, v4;
	v46 =	vadd.f32 v25, v32;
	v32 =	vsub.f32 v30, v43  }
0x263: {  	v55 =	vmul.f32 v25, v25;
	v30 =	vadd.f32 v62, v33;
	v39 =	vsub.f32 $1.500000000e+00, v39  }
0x264: {  	v34 =	vsub.f32 v31, v43;
	v31 =	vsub.f32 v35, v43;
	v56 =	vperm.xlane v46, v0  }
0x265: {  	v57 =	vmul.f32 v48, v5;
	v47 =	vadd.f32 v55, v30;
	v53 =	vmul.f32 v58, v39  }
0x266: {  	v61 =	vmul.f32 v49, v6;
	v33 =	vsub.f32 v29, v43;
	v58 =	vadd.f32 v46, v56  }
0x267: {  	v29 =	vsub.f32 v37, v43;
	v59 =	vperm.xlane v47, v0;
	v60 =	vmul.f32 v53, v45  }
0x268: {  	v30 =	vadd.f32 v63, v12;
	v55 =	vadd.f32 v57, v13;
	v62 =	vperm.xlane v58, v1  }
0x269: {  	v57 =	vmul.f32 v50, v8;
	v63 =	vadd.f32 v59, v47;
	v42 =	vmul.f32 v60, v53  }
0x26a: {  	s28 =	simm.s32 $0x180;
	[tilespmem:s26+$0x17500] =	vst v30;
	v30 =	vsub.f32 v38, v43;
	v56 =	vmul.f32 v52, v7;
	v58 =	vadd.f32 v58, v62  }
0x26b: {  	v45 =	vadd.f32 v61, v14;
	v37 =	vld [tilespmem:s28+$0x7520];
	v59 =	vperm.xlane v63, v1;
	v60 =	vsub.f32 $1.500000000e+00, v42  }
0x26c: {  	v61 =	vmul.f32 v44, v9;
	v39 =	vld [tilespmem:s28+$0x7500];
	v48 =	vadd.f32 v56, v15;
	v62 =	vperm.xlane v58, v2  }
0x26d: {  	v41 =	vld [tilespmem:s28+$0xF500];
	[tilespmem:s26+$0x17510] =	vst v55;
	v38 =	vadd.f32 v59, v63;
	v35 =	vmul.f32 v60, v53;
	v63 =	vsub.f32 v36, v43  }
0x26e: {  	v44 =	vmul.f32 v40, v10;
	v46 =	vadd.f32 v57, v16;
	v42 =	vld [tilespmem:s28+$0x7510];
	[tilespmem:s26+$0x17520] =	vst v45;
	v45 =	vadd.f32 v61, v17  }
0x26f: {  	s29 =	simm.s32 $0x800;
	v36 =	vld [tilespmem:s28+$0xF510];
	[tilespmem:s26+$0x17530] =	vst v48;
	v40 =	vadd.f32 v58, v62;
	v43 =	vperm.xlane v38, v2;
	v47 =	vmul.f32 v35, v63  }
.LBB2_7:
0x270: {  	p2 =	sne.s32 s29, $0x7E00;
	v48 =	vld [tilespmem:s28+$0xF520];
	v49 =	vmul.f32 v35, v28;
	v50 =	vmul.f32 v35, v32;
	[tilespmem:s26+$0x17540] =	vst v46;
	v28 =	vadd.f32 v44, v18  }
0x271: {  	v32 =	vperm.xlane v40, v3;
	v38 =	vadd.f32 v43, v38;
	v43 =	vmul.f32 v47, v11;
	[tilespmem:s26+$0x17550] =	vst v45  }
0x272: {  	v46 =	vmul.f32 v35, v34;
	v45 =	vmul.f32 v35, v33;
	v44 =	vld [tilespmem:s28+$0x7530];
	[tilespmem:s26+$0x17560] =	vst v28;
	s26 =	smov.u32 s17;
	s17 =	smov.u32 s8;
	s8 =	smov.u32 s28  }
0x273: {  	v33 =	vld [tilespmem:s8+$0xF530];
	v28 =	vadd.f32 v40, v32;
	v32 =	vperm.xlane v38, v3;
	v34 =	vadd.f32 v43, v19  }
0x274: {  	v39 =	vadd.f32 v41, v39;
	v41 =	vmul.f32 v35, v31;
	v36 =	vadd.f32 v36, v42;
	v40 =	vld [tilespmem:s8+$0x7540]  }
0x275: {  	v31 =	vadd.f32 v48, v37;
	v37 =	vld [tilespmem:s8+$0xF540];
	v42 =	vmul.f32 $7.812500000e-03, v28;
	v28 =	vadd.f32 v32, v38;
	[tilespmem:s26+$0x17570] =	vst v34  }
0x276: {  	v34 =	vmul.f32 v39, v39;
	v32 =	vld [tilespmem:s8+$0x7550];
	v38 =	vadd.f32 v36, v39;
	v43 =	vmul.f32 v36, v36  }
0x277: {  	v47 =	vld [tilespmem:s8+$0xF550];
	v48 =	vmul.f32 $7.812500000e-03, v28;
	v51 =	vmul.f32 v42, v42;
	v28 =	vsub.f32 v22, v42;
	v22 =	vmovc v39  }
0x278: {  	v39 =	vadd.f32 v33, v44;
	v33 =	vld [tilespmem:s8+$0x7560];
	v38 =	vadd.f32 v31, v38;
	v44 =	vmul.f32 v35, v29  }
0x279: {  	v34 =	vadd.f32 v43, v34;
	v43 =	vmul.f32 v31, v31;
	v29 =	vld [tilespmem:s8+$0xF560];
	v48 =	vsub.f32 v48, v51  }
0x27a: {  	v35 =	vmul.f32 v35, v30;
	v37 =	vadd.f32 v37, v40;
	v40 =	vld [tilespmem:s8+$0x7570];
	v38 =	vadd.f32 v39, v38  }
0x27b: {  	v34 =	vadd.f32 v43, v34;
	v43 =	vmul.f32 v39, v39;
	v30 =	vld [tilespmem:s8+$0xF570];
	v48 =	vadd.f32 $9.999999740e-06, v48  }
0x27c: {  	v47 =	vadd.f32 v47, v32;
	v32 =	vadd.f32 v37, v38;
	v38 =	vmul.f32 v37, v37  }
0x27d: {  	v34 =	vadd.f32 v43, v34;
	v43 =	vshra.s32 v48, $0x1;
	v48 =	vmul.f32 $5.000000000e-01, v48  }
0x27e: {  	v51 =	vadd.f32 v29, v33;
	v29 =	vadd.f32 v47, v32;
	v43 =	vsub.s32 $0x5F3759DF, v43  }
0x27f: {  	v32 =	vadd.f32 v38, v34;
	v33 =	vmul.f32 v47, v47;
	v34 =	vmul.f32 v43, v48  }
0x280: {  	v38 =	vmul.f32 v49, v4;
	v40 =	vadd.f32 v30, v40;
	v29 =	vadd.f32 v51, v29  }
0x281: {  	v30 =	vadd.f32 v33, v32;
	v33 =	vmul.f32 v51, v51;
	v34 =	vmul.f32 v43, v34  }
0x282: {  	v49 =	vmul.f32 v50, v5;
	v32 =	vsub.f32 v20, v42;
	v20 =	vmovc v36;
	v29 =	vadd.f32 v40, v29  }
0x283: {  	v30 =	vadd.f32 v33, v30;
	v36 =	vmul.f32 v40, v40;
	v50 =	vsub.f32 $1.500000000e+00, v34  }
0x284: {  	v33 =	vsub.f32 v21, v42;
	v21 =	vmovc v31;
	v34 =	vsub.f32 v23, v42;
	v52 =	vperm.xlane v29, v0  }
0x285: {  	v31 =	vsub.f32 v24, v42;
	v23 =	vmovc v39;
	v36 =	vadd.f32 v36, v30;
	v43 =	vmul.f32 v43, v50  }
0x286: {  	v45 =	vmul.f32 v45, v6;
	v24 =	vmovc v37;
	v39 =	vadd.f32 v29, v52;
	v29 =	vsub.f32 v26, v42  }
0x287: {  	v30 =	vsub.f32 v27, v42;
	v37 =	vperm.xlane v36, v0;
	v26 =	vmovc v47;
	v48 =	vmul.f32 v43, v48  }
0x288: {  	v46 =	vmul.f32 v46, v7;
	v38 =	vadd.f32 v38, v12;
	v27 =	vmovc v51;
	v47 =	vperm.xlane v39, v1  }
0x289: {  	v50 =	vmul.f32 v41, v8;
	v36 =	vadd.f32 v37, v36;
	v48 =	vmul.f32 v48, v43  }
0x28a: {  	s28 =	sshra.s32 s29, $0x2;
	v51 =	vmul.f32 v44, v9;
	v44 =	vmul.f32 v35, v10;
	v47 =	vadd.f32 v39, v47;
	[tilespmem:s26+$0x17500] =	vst v38  }
.Ltmp4:
0x28b: {  	v49 =	vadd.f32 v49, v13;
	v35 =	vperm.xlane v36, v1;
	v37 =	vld [tilespmem:s28+$0x7520];
	v48 =	vsub.f32 $1.500000000e+00, v48;
	(pc) =	sbr.rel @p2 .LBB2_7-.Ltmp4, $4  }
0x28c: {  	v53 =	vadd.f32 v46, v15;
	v45 =	vadd.f32 v45, v14;
	v39 =	vld [tilespmem:s28+$0x7500];
	v52 =	vperm.xlane v47, v2  }
0x28d: {  	v38 =	vadd.f32 v35, v36;
	v41 =	vld [tilespmem:s28+$0xF500];
	v35 =	vmul.f32 v48, v43;
	v48 =	vsub.f32 v25, v42;
	[tilespmem:s26+$0x17510] =	vst v49  }
0x28e: {  	v46 =	vadd.f32 v50, v16;
	v25 =	vmov v40;
	v42 =	vld [tilespmem:s28+$0x7510];
	[tilespmem:s26+$0x17520] =	vst v45;
	v45 =	vadd.f32 v51, v17  }
0x28f: {  	s29 =	sadd.s32 $0x200, s29;
	v40 =	vadd.f32 v47, v52;
	v43 =	vperm.xlane v38, v2;
	v36 =	vld [tilespmem:s28+$0xF510];
	v47 =	vmul.f32 v35, v48;
	[tilespmem:s26+$0x17530] =	vst v53  }
0x290: {  	v48 =	vld [tilespmem:s28+$0xF520];
	[tilespmem:s26+$0x17540] =	vst v46;
	v44 =	vadd.f32 v44, v18  }
0x291: {  	[tilespmem:s26+$0x17550] =	vst v45;
	v55 =	vmul.f32 v47, v11  }
0x292: {  	v45 =	vld [tilespmem:s28+$0x7530];
	[tilespmem:s26+$0x17560] =	vst v44  }
0x293: {  	v44 =	vld [tilespmem:s28+$0xF530];
	v46 =	vadd.f32 v55, v19  }
0x294: {  	v39 =	vadd.f32 v41, v39;
	v56 =	vld [tilespmem:s28+$0x7540]  }
0x295: {  	v49 =	vld [tilespmem:s28+$0xF540];
	v36 =	vadd.f32 v36, v42;
	[tilespmem:s17+$0x17570] =	vst v46  }
0x296: {  	v58 =	vmul.f32 v39, v39;
	v57 =	vld [tilespmem:s28+$0x7550]  }
0x297: {  	v37 =	vadd.f32 v48, v37;
	v59 =	vadd.f32 v36, v39;
	v60 =	vmul.f32 v36, v36;
	v50 =	vld [tilespmem:s28+$0xF550]  }
0x298: {  	v61 =	vld [tilespmem:s28+$0x7560];
	v44 =	vadd.f32 v44, v45  }
0x299: {  	v51 =	vld [tilespmem:s28+$0xF560];
	v62 =	vmul.f32 v37, v37;
	v46 =	vadd.f32 v37, v59;
	v42 =	vadd.f32 v60, v58  }
0x29a: {  	v63 =	vld [tilespmem:s28+$0x7570];
	v47 =	vadd.f32 v49, v56  }
0x29b: {  	v52 =	vld [tilespmem:s28+$0xF570];
	v46 =	vadd.f32 v44, v46;
	v42 =	vadd.f32 v62, v42;
	v53 =	vmul.f32 v44, v44  }
0x29c: {  	v41 =	vadd.f32 v50, v57  }
0x29d: {  	v54 =	vmul.f32 v47, v47;
	v46 =	vadd.f32 v47, v46;
	v42 =	vadd.f32 v53, v42  }
0x29e: {  	v45 =	vadd.f32 v51, v61  }
0x29f: {  	v55 =	vmul.f32 v41, v41;
	v46 =	vadd.f32 v41, v46;
	v42 =	vadd.f32 v54, v42  }
0x2a0: {  	v49 =	vadd.f32 v52, v63  }
0x2a1: {  	v56 =	vmul.f32 v45, v45;
	v46 =	vadd.f32 v45, v46;
	v42 =	vadd.f32 v55, v42;
	_ =	sdelay $0x1  }
0x2a2: {  	v57 =	vmul.f32 v49, v49;
	v46 =	vadd.f32 v49, v46;
	v42 =	vadd.f32 v56, v42  }
0x2a3: {  	v38 =	vadd.f32 v43, v38;
	v58 =	vperm.xlane v40, v3  }
0x2a4: {  	v59 =	vperm.xlane v46, v0;
	v42 =	vadd.f32 v57, v42  }
0x2a5: {  	v60 =	vperm.xlane v38, v3;
	v40 =	vadd.f32 v40, v58  }
0x2a6: {  	v43 =	vadd.f32 v46, v59;
	v61 =	vperm.xlane v42, v0  }
0x2a7: {  	v38 =	vadd.f32 v60, v38;
	v40 =	vmul.f32 $7.812500000e-03, v40  }
0x2a8: {  	v62 =	vperm.xlane v43, v1;
	v42 =	vadd.f32 v61, v42  }
0x2a9: {  	v38 =	vmul.f32 $7.812500000e-03, v38;
	v63 =	vmul.f32 v40, v40  }
0x2aa: {  	v43 =	vadd.f32 v43, v62;
	v52 =	vperm.xlane v42, v1  }
0x2ab: {  	v38 =	vsub.f32 v38, v63  }
0x2ac: {  	v53 =	vperm.xlane v43, v2;
	v42 =	vadd.f32 v52, v42  }
0x2ad: {  	v38 =	vadd.f32 $9.999999740e-06, v38  }
0x2ae: {  	v43 =	vadd.f32 v43, v53;
	v54 =	vperm.xlane v42, v2  }
0x2af: {  	v28 =	vmul.f32 v35, v28;
	v32 =	vmul.f32 v35, v32;
	v55 =	vshra.s32 v38, $0x1  }
0x2b0: {  	v38 =	vmul.f32 $5.000000000e-01, v38;
	v56 =	vperm.xlane v43, v3;
	v42 =	vadd.f32 v54, v42  }
0x2b1: {  	v33 =	vmul.f32 v35, v33;
	v34 =	vmul.f32 v35, v34;
	v57 =	vsub.s32 $0x5F3759DF, v55  }
0x2b2: {  	v48 =	vmul.f32 v57, v38;
	v43 =	vadd.f32 v43, v56;
	v58 =	vperm.xlane v42, v3  }
0x2b3: {  	v31 =	vmul.f32 v35, v31;
	v29 =	vmul.f32 v35, v29  }
0x2b4: {  	v48 =	vmul.f32 v57, v48;
	v43 =	vmul.f32 $7.812500000e-03, v43;
	v42 =	vadd.f32 v58, v42  }
0x2b5: {  	v30 =	vmul.f32 v35, v30;
	v28 =	vmul.f32 v28, v4  }
0x2b6: {  	v48 =	vsub.f32 $1.500000000e+00, v48;
	v42 =	vmul.f32 $7.812500000e-03, v42;
	v59 =	vmul.f32 v43, v43  }
0x2b7: {  	v32 =	vmul.f32 v32, v5;
	v33 =	vmul.f32 v33, v6  }
0x2b8: {  	v34 =	vmul.f32 v34, v7;
	v60 =	vmul.f32 v57, v48;
	v42 =	vsub.f32 v42, v59  }
0x2b9: {  	v31 =	vmul.f32 v31, v8;
	v29 =	vmul.f32 v29, v9  }
0x2ba: {  	v28 =	vadd.f32 v28, v12;
	v38 =	vmul.f32 v60, v38;
	v42 =	vadd.f32 $9.999999740e-06, v42  }
0x2bb: {  	v30 =	vmul.f32 v30, v10;
	v32 =	vadd.f32 v32, v13;
	v33 =	vadd.f32 v33, v14  }
0x2bc: {  	v38 =	vmul.f32 v38, v60;
	v61 =	vshra.s32 v42, $0x1;
	v42 =	vmul.f32 $5.000000000e-01, v42  }
0x2bd: {  	v34 =	vadd.f32 v34, v15;
	v31 =	vadd.f32 v31, v16;
	v46 =	vsub.s32 $0x5F3759DF, v61  }
0x2be: {  	v29 =	vadd.f32 v29, v17;
	v38 =	vsub.f32 $1.500000000e+00, v38;
	v62 =	vmul.f32 v46, v42  }
0x2bf: {  	[tilespmem:s17+$0x17500] =	vst v28;
	v28 =	vadd.f32 v30, v18;
	v22 =	vsub.f32 v22, v40  }
0x2c0: {  	v25 =	vsub.f32 v25, v40;
	v35 =	vmul.f32 v38, v60;
	v63 =	vmul.f32 v46, v62  }
0x2c1: {  	v20 =	vsub.f32 v20, v40;
	v21 =	vsub.f32 v21, v40  }
0x2c2: {  	v23 =	vsub.f32 v23, v40;
	v25 =	vmul.f32 v35, v25;
	v38 =	vsub.f32 $1.500000000e+00, v63  }
0x2c3: {  	v24 =	vsub.f32 v24, v40;
	v22 =	vmul.f32 v35, v22;
	v20 =	vmul.f32 v35, v20  }
0x2c4: {  	v26 =	vsub.f32 v26, v40;
	v21 =	vmul.f32 v35, v21;
	v38 =	vmul.f32 v46, v38  }
0x2c5: {  	[tilespmem:s17+$0x17510] =	vst v32;
	v27 =	vsub.f32 v27, v40;
	v23 =	vmul.f32 v35, v23;
	v24 =	vmul.f32 v35, v24  }
0x2c6: {  	[tilespmem:s17+$0x17520] =	vst v33;
	v40 =	vsub.f32 v39, v43;
	v26 =	vmul.f32 v35, v26;
	v30 =	vmul.f32 v38, v42  }
0x2c7: {  	[tilespmem:s17+$0x17540] =	vst v31;
	v27 =	vmul.f32 v35, v27;
	v31 =	vsub.f32 v44, v43;
	v25 =	vmul.f32 v25, v11  }
0x2c8: {  	[tilespmem:s17+$0x17530] =	vst v34;
	v48 =	vsub.f32 v47, v43;
	v22 =	vmul.f32 v22, v4;
	v30 =	vmul.f32 v30, v38  }
0x2c9: {  	[tilespmem:s17+$0x17550] =	vst v29;
	v29 =	vsub.f32 v41, v43;
	v21 =	vmul.f32 v21, v6;
	v25 =	vadd.f32 v25, v19  }
0x2ca: {  	[tilespmem:s17+$0x17560] =	vst v28;
	v20 =	vmul.f32 v20, v5;
	v22 =	vadd.f32 v22, v12;
	v30 =	vsub.f32 $1.500000000e+00, v30  }
0x2cb: {  	v28 =	vsub.f32 v49, v43;
	v24 =	vmul.f32 v24, v8;
	v21 =	vadd.f32 v21, v14;
	[tilespmem:s8+$0x17570] =	vst v25  }
0x2cc: {  	v23 =	vmul.f32 v23, v7;
	v20 =	vadd.f32 v20, v13;
	[tilespmem:s8+$0x17500] =	vst v22;
	v25 =	vmul.f32 v30, v38  }
0x2cd: {  	v22 =	vmul.f32 v26, v9;
	v26 =	vmul.f32 v27, v10;
	[tilespmem:s8+$0x17520] =	vst v21;
	v21 =	vadd.f32 v24, v16  }
0x2ce: {  	v23 =	vadd.f32 v23, v15;
	[tilespmem:s8+$0x17510] =	vst v20;
	v42 =	vsub.f32 v36, v43;
	v20 =	vmul.f32 v25, v28  }
0x2cf: {  	v22 =	vadd.f32 v22, v17;
	[tilespmem:s8+$0x17540] =	vst v21;
	v21 =	vadd.f32 v26, v18;
	v24 =	vmul.f32 v25, v40  }
0x2d0: {  	[tilespmem:s8+$0x17530] =	vst v23;
	v46 =	vsub.f32 v37, v43;
	v23 =	vmul.f32 v25, v42;
	v20 =	vmul.f32 v20, v11  }
0x2d1: {  	[tilespmem:s8+$0x17550] =	vst v22;
	v30 =	vsub.f32 v45, v43;
	v22 =	vmul.f32 v25, v31;
	v24 =	vmul.f32 v24, v4  }
0x2d2: {  	[tilespmem:s8+$0x17560] =	vst v21;
	v21 =	vmul.f32 v25, v48;
	v23 =	vmul.f32 v23, v5;
	v20 =	vadd.f32 v20, v19  }
0x2d3: {  	v26 =	vmul.f32 v25, v46;
	v22 =	vmul.f32 v22, v7;
	v24 =	vadd.f32 v24, v12  }
0x2d4: {  	v21 =	vmul.f32 v21, v8;
	v23 =	vadd.f32 v23, v13;
	[tilespmem:s28+$0x17570] =	vst v20;
	v20 =	vmul.f32 v25, v29  }
0x2d5: {  	v26 =	vmul.f32 v26, v6;
	v22 =	vadd.f32 v22, v15;
	v25 =	vmul.f32 v25, v30;
	[tilespmem:s28+$0x17500] =	vst v24  }
0x2d6: {  	v21 =	vadd.f32 v21, v16;
	[tilespmem:s28+$0x17510] =	vst v23;
	v20 =	vmul.f32 v20, v9  }
0x2d7: {  	v24 =	vadd.f32 v26, v14;
	[tilespmem:s28+$0x17530] =	vst v22;
	v23 =	vmul.f32 v25, v10  }
0x2d8: {  	[tilespmem:s28+$0x17540] =	vst v21;
	v20 =	vadd.f32 v20, v17  }
0x2d9: {  	s30 =	sadd.s32 s12, s15;
	[tilespmem:s28+$0x17520] =	vst v24;
	v21 =	vadd.f32 v23, v18  }
0x2da: {  	s8 =	sshrl.u32 s30, $0x3;
	[tilespmem:s28+$0x17550] =	vst v20  }
0x2db: {  	s8 =	sadd.s32 s6, s8;
	[tilespmem:s28+$0x17560] =	vst v21  }
0x2dc: {  	[hbm4b:s8+s7] =	stream.linear.scatter [tilespmem:s23], [sflag:$0x7], $0x2000, $0x38;
	[tilespmem:$0x1B500] =	vst v63  }
0x2dd: {  	s8 =	sadd.s32 @!p1 $0x6, s11  }
0x2de: {  	s12 =	sshll.u32 @!p1 s8, $0xD  }
0x2df: {  	s12 =	sadd.s32 @!p1 s9, s12  }
0x2e0: {  	s26 =	simm.s32 @!p1 $0x7500;
	s12 =	sshrl.u32 @!p1 s12, $0x3  }
0x2e1: {  	s17 =	simm.s32 @!p1 $0x0;
	s8 =	sshll.u32 @!p1 s8, $0x7;
	s12 =	sadd.s32 @!p1 s0, s12  }
0x2e2: {  	[tilespmem:s26], [sflag:$0x3] =	stream.linear.gather @!p1 [hbm4b:s12+s17], $0x2000, $0x38;
	[tilespmem:$0x1B500] =	vst v63  }
0x2e3: {  	s8 =	sand.u32 @!p1 $0x3FFFFF80, s8;
	s12 =	simm.s32 @!p1 $0x40;
	s17 =	simm.s32 @!p1 $0xF500  }
0x2e4: {  	[tilespmem:s17], [sflag:$0x3] =	stream.indirect.gather @!p1 [hbm4b:s2+s12], $0x80, s8, s12, $0xb8;
	[tilespmem:$0x1B500] =	vst v63  }
0x2e5: {  	_ =	swait.ge [sflag:s24], $0x2000  }
0x2e6: {  	[sflag:s24] =	ssyncset.done $0x0  }
0x2e7: {  	[sflag:s24] =	ssyncadd.s32 $0xFFFFE000  }
0x2e8: {  	_ =	swait.ge [sflag:s24], $0x2000  }
0x2e9: {  	[sflag:s24] =	ssyncset.done $0x0  }
0x2ea: {  	s8 =	simm.s32 @!p0 $0x8;
	[sflag:s24] =	ssyncadd.s32 $0xFFFFE000  }
0x2eb: {  	_ =	swait.ge @!p0 [sflag:s8], $0x2000  }
0x2ec: {  	[sflag:s8] =	ssyncset.done @!p0 $0x0  }
0x2ed: {  	s17 =	simm.s32 $0x0;
	[sflag:s8] =	ssyncadd.s32 @!p0 $0xFFFFE000  }
0x2ee: {  	v20 =	vld [tilespmem:s17+$0x9520]  }
0x2ef: {  	v21 =	vld [tilespmem:s17+$0x9500]  }
0x2f0: {  	v22 =	vld [tilespmem:s17+$0x11500]  }
0x2f1: {  	v23 =	vld [tilespmem:s17+$0x9510]  }
0x2f2: {  	v24 =	vld [tilespmem:s17+$0x11510]  }
0x2f3: {  	v25 =	vld [tilespmem:s17+$0x11520]  }
0x2f4: {  	v26 =	vld [tilespmem:s17+$0x9530]  }
0x2f5: {  	v27 =	vld [tilespmem:s17+$0x11530]  }
0x2f6: {  	v28 =	vld [tilespmem:s17+$0x9540]  }
0x2f7: {  	v21 =	vadd.f32 v22, v21;
	v22 =	vadd.f32 v24, v23;
	v23 =	vld [tilespmem:s17+$0x11540]  }
0x2f8: {  	v31 =	vld [tilespmem:s17+$0x11550];
	v20 =	vadd.f32 v25, v20  }
0x2f9: {  	v24 =	vld [tilespmem:s17+$0x9550];
	v25 =	vmul.f32 v21, v21;
	v29 =	vadd.f32 v22, v21;
	v30 =	vmul.f32 v22, v22  }
0x2fa: {  	v49 =	vld [tilespmem:s17+$0x11560];
	v26 =	vadd.f32 v27, v26  }
0x2fb: {  	v27 =	vld [tilespmem:s17+$0x9560];
	v29 =	vadd.f32 v20, v29;
	v25 =	vadd.f32 v30, v25;
	v30 =	vmul.f32 v20, v20  }
0x2fc: {  	v50 =	vld [tilespmem:s17+$0x11570];
	v23 =	vadd.f32 v23, v28  }
0x2fd: {  	v28 =	vld [tilespmem:s17+$0x9570];
	v29 =	vadd.f32 v26, v29;
	v25 =	vadd.f32 v30, v25;
	v30 =	vmul.f32 v26, v26  }
0x2fe: {  	v24 =	vadd.f32 v31, v24  }
0x2ff: {  	v31 =	vmul.f32 v23, v23;
	v29 =	vadd.f32 v23, v29;
	v25 =	vadd.f32 v30, v25  }
0x300: {  	v27 =	vadd.f32 v49, v27  }
0x301: {  	v30 =	vmul.f32 v24, v24;
	v29 =	vadd.f32 v24, v29;
	v25 =	vadd.f32 v31, v25  }
0x302: {  	v28 =	vadd.f32 v50, v28  }
0x303: {  	v29 =	vadd.f32 v27, v29;
	v25 =	vadd.f32 v30, v25;
	v30 =	vmul.f32 v27, v27;
	_ =	sdelay $0x1  }
0x304: {  	v29 =	vadd.f32 v28, v29;
	v25 =	vadd.f32 v30, v25;
	v30 =	vmul.f32 v28, v28;
	_ =	sdelay $0x1  }
0x305: {  	v31 =	vperm.xlane v29, v0;
	v25 =	vadd.f32 v30, v25;
	_ =	sdelay $0x1  }
0x306: {  	v29 =	vadd.f32 v29, v31;
	v30 =	vperm.xlane v25, v0;
	_ =	sdelay $0x1  }
0x307: {  	v31 =	vperm.xlane v29, v1;
	v25 =	vadd.f32 v30, v25;
	_ =	sdelay $0x1  }
0x308: {  	s12 =	simm.s32 $0x80;
	v29 =	vadd.f32 v29, v31;
	v30 =	vperm.xlane v25, v1  }
0x309: {  	v51 =	vld [tilespmem:s12+$0x9500]  }
0x30a: {  	v53 =	vld [tilespmem:s12+$0x11500];
	v52 =	vperm.xlane v29, v2;
	v25 =	vadd.f32 v30, v25  }
0x30b: {  	v54 =	vld [tilespmem:s12+$0x11510]  }
0x30c: {  	v30 =	vld [tilespmem:s12+$0x9510];
	v29 =	vadd.f32 v29, v52;
	v55 =	vperm.xlane v25, v2  }
0x30d: {  	v56 =	vld [tilespmem:s12+$0x11520]  }
0x30e: {  	v31 =	vld [tilespmem:s12+$0x9520];
	v57 =	vperm.xlane v29, v3;
	v25 =	vadd.f32 v55, v25  }
0x30f: {  	v58 =	vld [tilespmem:s12+$0x9530]  }
0x310: {  	v59 =	vld [tilespmem:s12+$0x11530];
	v32 =	vadd.f32 v53, v51;
	v37 =	vadd.f32 v29, v57;
	v60 =	vperm.xlane v25, v3  }
0x311: {  	v61 =	vld [tilespmem:s12+$0x9540];
	v30 =	vadd.f32 v54, v30  }
0x312: {  	v62 =	vld [tilespmem:s12+$0x11540];
	v46 =	vmul.f32 v32, v32;
	v40 =	vmul.f32 $7.812500000e-03, v37;
	v25 =	vadd.f32 v60, v25  }
0x313: {  	v63 =	vld [tilespmem:s12+$0x9550];
	v29 =	vadd.f32 v56, v31;
	v47 =	vadd.f32 v30, v32;
	v48 =	vmul.f32 v30, v30  }
0x314: {  	v49 =	vld [tilespmem:s12+$0x11550];
	v25 =	vmul.f32 $7.812500000e-03, v25;
	v50 =	vmul.f32 v40, v40  }
0x315: {  	v51 =	vld [tilespmem:s12+$0x9560];
	v31 =	vadd.f32 v59, v58;
	v52 =	vadd.f32 v29, v47  }
0x316: {  	v53 =	vld [tilespmem:s12+$0x11560];
	v54 =	vmul.f32 v29, v29;
	v37 =	vadd.f32 v48, v46;
	v25 =	vsub.f32 v25, v50  }
0x317: {  	v35 =	vadd.f32 v62, v61;
	v55 =	vld [tilespmem:s12+$0x9570];
	v38 =	vadd.f32 v31, v52  }
0x318: {  	v56 =	vld [tilespmem:s12+$0x11570];
	v57 =	vmul.f32 v31, v31;
	v41 =	vadd.f32 v54, v37;
	v25 =	vadd.f32 $9.999999740e-06, v25  }
0x319: {  	v59 =	vmul.f32 v35, v35;
	v37 =	vadd.f32 v49, v63;
	v58 =	vadd.f32 v35, v38  }
0x31a: {  	v41 =	vadd.f32 v57, v41;
	v60 =	vshra.s32 v25, $0x1;
	v25 =	vmul.f32 $5.000000000e-01, v25  }
0x31b: {  	v38 =	vadd.f32 v53, v51;
	v61 =	vadd.f32 v37, v58;
	v62 =	vsub.s32 $0x5F3759DF, v60  }
0x31c: {  	v63 =	vmul.f32 v37, v37;
	v41 =	vadd.f32 v59, v41;
	v44 =	vmul.f32 v62, v25  }
0x31d: {  	v36 =	vadd.f32 v56, v55;
	v33 =	vadd.f32 v38, v61  }
0x31e: {  	v49 =	vmul.f32 v38, v38;
	v48 =	vadd.f32 v63, v41;
	v50 =	vmul.f32 v62, v44  }
0x31f: {  	v33 =	vadd.f32 v36, v33  }
0x320: {  	v51 =	vmul.f32 v36, v36;
	v34 =	vadd.f32 v49, v48;
	v42 =	vsub.f32 $1.500000000e+00, v50  }
0x321: {  	v52 =	vperm.xlane v33, v0  }
0x322: {  	v34 =	vadd.f32 v51, v34;
	v39 =	vmul.f32 v62, v42  }
0x323: {  	v33 =	vadd.f32 v33, v52  }
0x324: {  	v41 =	vperm.xlane v34, v0;
	v25 =	vmul.f32 v39, v25  }
0x325: {  	v53 =	vperm.xlane v33, v1  }
0x326: {  	v34 =	vadd.f32 v41, v34;
	v25 =	vmul.f32 v25, v39  }
0x327: {  	s8 =	simm.s32 $0x100;
	v21 =	vsub.f32 v21, v40;
	v33 =	vadd.f32 v33, v53  }
0x328: {  	v43 =	vld [tilespmem:s8+$0x9500];
	v22 =	vsub.f32 v22, v40;
	v54 =	vperm.xlane v34, v1;
	v25 =	vsub.f32 $1.500000000e+00, v25  }
0x329: {  	v28 =	vsub.f32 v28, v40;
	v20 =	vsub.f32 v20, v40;
	v56 =	vld [tilespmem:s8+$0x11500];
	v55 =	vperm.xlane v33, v2  }
0x32a: {  	v26 =	vsub.f32 v26, v40;
	v57 =	vld [tilespmem:s8+$0x9510];
	v34 =	vadd.f32 v54, v34;
	v25 =	vmul.f32 v25, v39  }
0x32b: {  	v23 =	vsub.f32 v23, v40;
	v58 =	vld [tilespmem:s8+$0x11510];
	v33 =	vadd.f32 v33, v55  }
0x32c: {  	v24 =	vsub.f32 v24, v40;
	v60 =	vld [tilespmem:s8+$0x11520];
	v59 =	vperm.xlane v34, v2;
	v28 =	vmul.f32 v25, v28  }
0x32d: {  	v40 =	vsub.f32 v27, v40;
	v41 =	vld [tilespmem:s8+$0x9520];
	v47 =	vmul.f32 v25, v21;
	v21 =	vperm.xlane v33, v3  }
0x32e: {  	v27 =	vld [tilespmem:s8+$0x11530];
	v34 =	vadd.f32 v59, v34;
	v48 =	vmul.f32 v25, v22;
	v28 =	vmul.f32 v28, v11  }
0x32f: {  	v61 =	vld [tilespmem:s8+$0x9530];
	v49 =	vmul.f32 v25, v20;
	v52 =	vmul.f32 v25, v26  }
0x330: {  	v63 =	vld [tilespmem:s8+$0x9540];
	v62 =	vperm.xlane v34, v3;
	v33 =	vadd.f32 v33, v21;
	v28 =	vadd.f32 v28, v19  }
0x331: {  	v22 =	vadd.f32 v56, v43;
	v20 =	vadd.f32 v58, v57;
	v26 =	vld [tilespmem:s8+$0x11540];
	v50 =	vmul.f32 v25, v23  }
0x332: {  	v21 =	vadd.f32 v60, v41;
	v55 =	vadd.f32 v62, v34;
	v43 =	vmul.f32 $7.812500000e-03, v33;
	[tilespmem:s17+$0x19570] =	vst v28  }
0x333: {  	v56 =	vmul.f32 v22, v22;
	v57 =	vadd.f32 v20, v22;
	v42 =	vmul.f32 v20, v20;
	v34 =	vld [tilespmem:s8+$0x9550]  }
0x334: {  	v23 =	vadd.f32 v27, v61;
	v33 =	vmul.f32 $7.812500000e-03, v55;
	v59 =	vmul.f32 v43, v43;
	v58 =	vld [tilespmem:s8+$0x11550]  }
0x335: {  	v44 =	vmul.f32 v25, v24;
	v60 =	vadd.f32 v21, v57;
	v39 =	vadd.f32 v42, v56;
	v27 =	vld [tilespmem:s8+$0x9560]  }
0x336: {  	v62 =	vmul.f32 v21, v21;
	v24 =	vadd.f32 v26, v63;
	v61 =	vld [tilespmem:s8+$0x11560];
	v33 =	vsub.f32 v33, v59  }
0x337: {  	v28 =	vsub.f32 v32, v43;
	v32 =	vadd.f32 v23, v60;
	v63 =	vld [tilespmem:s8+$0x9570]  }
0x338: {  	v55 =	vmul.f32 v23, v23;
	v39 =	vadd.f32 v62, v39;
	v54 =	vld [tilespmem:s8+$0x11570];
	v33 =	vadd.f32 $9.999999740e-06, v33  }
0x339: {  	v56 =	vmul.f32 v24, v24;
	v32 =	vadd.f32 v24, v32;
	v26 =	vadd.f32 v58, v34  }
0x33a: {  	v39 =	vadd.f32 v55, v39;
	v57 =	vshra.s32 v33, $0x1;
	v45 =	vmul.f32 $5.000000000e-01, v33  }
0x33b: {  	v27 =	vadd.f32 v61, v27;
	v58 =	vsub.s32 $0x5F3759DF, v57;
	v32 =	vadd.f32 v26, v32  }
0x33c: {  	v59 =	vadd.f32 v56, v39;
	v60 =	vmul.f32 v26, v26;
	v61 =	vmul.f32 v58, v45  }
0x33d: {  	v40 =	vmul.f32 v25, v40;
	v25 =	vadd.f32 v54, v63;
	v32 =	vadd.f32 v27, v32  }
0x33e: {  	v62 =	vmul.f32 v27, v27;
	v33 =	vadd.f32 v60, v59;
	v39 =	vmul.f32 v58, v61  }
0x33f: {  	v63 =	vmul.f32 v47, v4;
	v46 =	vadd.f32 v25, v32;
	v32 =	vsub.f32 v30, v43  }
0x340: {  	v55 =	vmul.f32 v25, v25;
	v30 =	vadd.f32 v62, v33;
	v39 =	vsub.f32 $1.500000000e+00, v39  }
0x341: {  	v34 =	vsub.f32 v31, v43;
	v31 =	vsub.f32 v35, v43;
	v56 =	vperm.xlane v46, v0  }
0x342: {  	v57 =	vmul.f32 v48, v5;
	v47 =	vadd.f32 v55, v30;
	v53 =	vmul.f32 v58, v39  }
0x343: {  	v61 =	vmul.f32 v49, v6;
	v33 =	vsub.f32 v29, v43;
	v58 =	vadd.f32 v46, v56  }
0x344: {  	v29 =	vsub.f32 v37, v43;
	v59 =	vperm.xlane v47, v0;
	v60 =	vmul.f32 v53, v45  }
0x345: {  	v30 =	vadd.f32 v63, v12;
	v55 =	vadd.f32 v57, v13;
	v62 =	vperm.xlane v58, v1  }
0x346: {  	v57 =	vmul.f32 v50, v8;
	v63 =	vadd.f32 v59, v47;
	v42 =	vmul.f32 v60, v53  }
0x347: {  	s26 =	simm.s32 $0x180;
	[tilespmem:s17+$0x19500] =	vst v30;
	v30 =	vsub.f32 v38, v43;
	v56 =	vmul.f32 v52, v7;
	v58 =	vadd.f32 v58, v62  }
0x348: {  	v45 =	vadd.f32 v61, v14;
	v37 =	vld [tilespmem:s26+$0x9520];
	v59 =	vperm.xlane v63, v1;
	v60 =	vsub.f32 $1.500000000e+00, v42  }
0x349: {  	v61 =	vmul.f32 v44, v9;
	v39 =	vld [tilespmem:s26+$0x9500];
	v48 =	vadd.f32 v56, v15;
	v62 =	vperm.xlane v58, v2  }
0x34a: {  	v41 =	vld [tilespmem:s26+$0x11500];
	[tilespmem:s17+$0x19510] =	vst v55;
	v38 =	vadd.f32 v59, v63;
	v35 =	vmul.f32 v60, v53;
	v63 =	vsub.f32 v36, v43  }
0x34b: {  	v44 =	vmul.f32 v40, v10;
	v46 =	vadd.f32 v57, v16;
	v42 =	vld [tilespmem:s26+$0x9510];
	[tilespmem:s17+$0x19520] =	vst v45;
	v45 =	vadd.f32 v61, v17  }
0x34c: {  	s13 =	sadd.s32 s13, s16;
	s28 =	simm.s32 $0x800;
	v36 =	vld [tilespmem:s26+$0x11510];
	[tilespmem:s17+$0x19530] =	vst v48;
	v40 =	vadd.f32 v58, v62;
	v43 =	vperm.xlane v38, v2;
	v47 =	vmul.f32 v35, v63  }
.LBB2_9:
0x34d: {  	p0 =	sne.s32 s28, $0x7E00;
	v48 =	vld [tilespmem:s26+$0x11520];
	v49 =	vmul.f32 v35, v28;
	v50 =	vmul.f32 v35, v32;
	[tilespmem:s17+$0x19540] =	vst v46;
	v28 =	vadd.f32 v44, v18  }
0x34e: {  	v32 =	vperm.xlane v40, v3;
	v38 =	vadd.f32 v43, v38;
	v43 =	vmul.f32 v47, v11;
	[tilespmem:s17+$0x19550] =	vst v45  }
0x34f: {  	v46 =	vmul.f32 v35, v34;
	v45 =	vmul.f32 v35, v33;
	v44 =	vld [tilespmem:s26+$0x9530];
	[tilespmem:s17+$0x19560] =	vst v28;
	s17 =	smov.u32 s12;
	s12 =	smov.u32 s8;
	s8 =	smov.u32 s26  }
0x350: {  	v33 =	vld [tilespmem:s8+$0x11530];
	v28 =	vadd.f32 v40, v32;
	v32 =	vperm.xlane v38, v3;
	v34 =	vadd.f32 v43, v19  }
0x351: {  	v39 =	vadd.f32 v41, v39;
	v41 =	vmul.f32 v35, v31;
	v36 =	vadd.f32 v36, v42;
	v40 =	vld [tilespmem:s8+$0x9540]  }
0x352: {  	v31 =	vadd.f32 v48, v37;
	v37 =	vld [tilespmem:s8+$0x11540];
	v42 =	vmul.f32 $7.812500000e-03, v28;
	v28 =	vadd.f32 v32, v38;
	[tilespmem:s17+$0x19570] =	vst v34  }
0x353: {  	v34 =	vmul.f32 v39, v39;
	v32 =	vld [tilespmem:s8+$0x9550];
	v38 =	vadd.f32 v36, v39;
	v43 =	vmul.f32 v36, v36  }
0x354: {  	v47 =	vld [tilespmem:s8+$0x11550];
	v48 =	vmul.f32 $7.812500000e-03, v28;
	v51 =	vmul.f32 v42, v42;
	v28 =	vsub.f32 v22, v42;
	v22 =	vmovc v39  }
0x355: {  	v39 =	vadd.f32 v33, v44;
	v33 =	vld [tilespmem:s8+$0x9560];
	v38 =	vadd.f32 v31, v38;
	v44 =	vmul.f32 v35, v29  }
0x356: {  	v34 =	vadd.f32 v43, v34;
	v43 =	vmul.f32 v31, v31;
	v29 =	vld [tilespmem:s8+$0x11560];
	v48 =	vsub.f32 v48, v51  }
0x357: {  	v35 =	vmul.f32 v35, v30;
	v37 =	vadd.f32 v37, v40;
	v40 =	vld [tilespmem:s8+$0x9570];
	v38 =	vadd.f32 v39, v38  }
0x358: {  	v34 =	vadd.f32 v43, v34;
	v43 =	vmul.f32 v39, v39;
	v30 =	vld [tilespmem:s8+$0x11570];
	v48 =	vadd.f32 $9.999999740e-06, v48  }
0x359: {  	v47 =	vadd.f32 v47, v32;
	v32 =	vadd.f32 v37, v38;
	v38 =	vmul.f32 v37, v37  }
0x35a: {  	v34 =	vadd.f32 v43, v34;
	v43 =	vshra.s32 v48, $0x1;
	v48 =	vmul.f32 $5.000000000e-01, v48  }
0x35b: {  	v51 =	vadd.f32 v29, v33;
	v29 =	vadd.f32 v47, v32;
	v43 =	vsub.s32 $0x5F3759DF, v43  }
0x35c: {  	v32 =	vadd.f32 v38, v34;
	v33 =	vmul.f32 v47, v47;
	v34 =	vmul.f32 v43, v48  }
0x35d: {  	v38 =	vmul.f32 v49, v4;
	v40 =	vadd.f32 v30, v40;
	v29 =	vadd.f32 v51, v29  }
0x35e: {  	v30 =	vadd.f32 v33, v32;
	v33 =	vmul.f32 v51, v51;
	v34 =	vmul.f32 v43, v34  }
0x35f: {  	v49 =	vmul.f32 v50, v5;
	v32 =	vsub.f32 v20, v42;
	v20 =	vmovc v36;
	v29 =	vadd.f32 v40, v29  }
0x360: {  	v30 =	vadd.f32 v33, v30;
	v36 =	vmul.f32 v40, v40;
	v50 =	vsub.f32 $1.500000000e+00, v34  }
0x361: {  	v33 =	vsub.f32 v21, v42;
	v21 =	vmovc v31;
	v34 =	vsub.f32 v23, v42;
	v52 =	vperm.xlane v29, v0  }
0x362: {  	v31 =	vsub.f32 v24, v42;
	v23 =	vmovc v39;
	v36 =	vadd.f32 v36, v30;
	v43 =	vmul.f32 v43, v50  }
0x363: {  	v45 =	vmul.f32 v45, v6;
	v24 =	vmovc v37;
	v39 =	vadd.f32 v29, v52;
	v29 =	vsub.f32 v26, v42  }
0x364: {  	v30 =	vsub.f32 v27, v42;
	v37 =	vperm.xlane v36, v0;
	v26 =	vmovc v47;
	v48 =	vmul.f32 v43, v48  }
0x365: {  	v46 =	vmul.f32 v46, v7;
	v38 =	vadd.f32 v38, v12;
	v27 =	vmovc v51;
	v47 =	vperm.xlane v39, v1  }
0x366: {  	v50 =	vmul.f32 v41, v8;
	v36 =	vadd.f32 v37, v36;
	v48 =	vmul.f32 v48, v43  }
0x367: {  	s26 =	sshra.s32 s28, $0x2;
	v51 =	vmul.f32 v44, v9;
	v44 =	vmul.f32 v35, v10;
	v47 =	vadd.f32 v39, v47;
	[tilespmem:s17+$0x19500] =	vst v38  }
.Ltmp5:
0x368: {  	v49 =	vadd.f32 v49, v13;
	v35 =	vperm.xlane v36, v1;
	v37 =	vld [tilespmem:s26+$0x9520];
	v48 =	vsub.f32 $1.500000000e+00, v48;
	(pc) =	sbr.rel @p0 .LBB2_9-.Ltmp5, $4  }
0x369: {  	v53 =	vadd.f32 v46, v15;
	v45 =	vadd.f32 v45, v14;
	v39 =	vld [tilespmem:s26+$0x9500];
	v52 =	vperm.xlane v47, v2  }
0x36a: {  	v38 =	vadd.f32 v35, v36;
	v41 =	vld [tilespmem:s26+$0x11500];
	v35 =	vmul.f32 v48, v43;
	v48 =	vsub.f32 v25, v42;
	[tilespmem:s17+$0x19510] =	vst v49  }
0x36b: {  	v46 =	vadd.f32 v50, v16;
	v25 =	vmov v40;
	v42 =	vld [tilespmem:s26+$0x9510];
	[tilespmem:s17+$0x19520] =	vst v45;
	v45 =	vadd.f32 v51, v17  }
0x36c: {  	s28 =	sadd.s32 $0x200, s28;
	v40 =	vadd.f32 v47, v52;
	v43 =	vperm.xlane v38, v2;
	v36 =	vld [tilespmem:s26+$0x11510];
	v47 =	vmul.f32 v35, v48;
	[tilespmem:s17+$0x19530] =	vst v53  }
0x36d: {  	v48 =	vld [tilespmem:s26+$0x11520];
	[tilespmem:s17+$0x19540] =	vst v46;
	v44 =	vadd.f32 v44, v18  }
0x36e: {  	[tilespmem:s17+$0x19550] =	vst v45;
	v54 =	vmul.f32 v47, v11  }
0x36f: {  	v45 =	vld [tilespmem:s26+$0x9530];
	[tilespmem:s17+$0x19560] =	vst v44  }
0x370: {  	v44 =	vld [tilespmem:s26+$0x11530];
	v46 =	vadd.f32 v54, v19  }
0x371: {  	v39 =	vadd.f32 v41, v39;
	v55 =	vld [tilespmem:s26+$0x9540]  }
0x372: {  	v49 =	vld [tilespmem:s26+$0x11540];
	v36 =	vadd.f32 v36, v42;
	[tilespmem:s12+$0x19570] =	vst v46  }
0x373: {  	v57 =	vmul.f32 v39, v39;
	v56 =	vld [tilespmem:s26+$0x9550]  }
0x374: {  	v37 =	vadd.f32 v48, v37;
	v58 =	vadd.f32 v36, v39;
	v59 =	vmul.f32 v36, v36;
	v50 =	vld [tilespmem:s26+$0x11550]  }
0x375: {  	v60 =	vld [tilespmem:s26+$0x9560];
	v44 =	vadd.f32 v44, v45  }
0x376: {  	v51 =	vld [tilespmem:s26+$0x11560];
	v61 =	vmul.f32 v37, v37;
	v46 =	vadd.f32 v37, v58;
	v42 =	vadd.f32 v59, v57  }
0x377: {  	v62 =	vld [tilespmem:s26+$0x9570];
	v47 =	vadd.f32 v49, v55  }
0x378: {  	v52 =	vld [tilespmem:s26+$0x11570];
	v46 =	vadd.f32 v44, v46;
	v42 =	vadd.f32 v61, v42;
	v63 =	vmul.f32 v44, v44  }
0x379: {  	v41 =	vadd.f32 v50, v56  }
0x37a: {  	v53 =	vmul.f32 v47, v47;
	v46 =	vadd.f32 v47, v46;
	v42 =	vadd.f32 v63, v42  }
0x37b: {  	v45 =	vadd.f32 v51, v60  }
0x37c: {  	v54 =	vmul.f32 v41, v41;
	v46 =	vadd.f32 v41, v46;
	v42 =	vadd.f32 v53, v42  }
0x37d: {  	v49 =	vadd.f32 v52, v62  }
0x37e: {  	v55 =	vmul.f32 v45, v45;
	v46 =	vadd.f32 v45, v46;
	v42 =	vadd.f32 v54, v42;
	_ =	sdelay $0x1  }
0x37f: {  	v56 =	vmul.f32 v49, v49;
	v46 =	vadd.f32 v49, v46;
	v42 =	vadd.f32 v55, v42  }
0x380: {  	v38 =	vadd.f32 v43, v38;
	v57 =	vperm.xlane v40, v3  }
0x381: {  	v58 =	vperm.xlane v46, v0;
	v42 =	vadd.f32 v56, v42  }
0x382: {  	v59 =	vperm.xlane v38, v3;
	v40 =	vadd.f32 v40, v57  }
0x383: {  	v43 =	vadd.f32 v46, v58;
	v60 =	vperm.xlane v42, v0  }
0x384: {  	v38 =	vadd.f32 v59, v38;
	v40 =	vmul.f32 $7.812500000e-03, v40  }
0x385: {  	v61 =	vperm.xlane v43, v1;
	v42 =	vadd.f32 v60, v42  }
0x386: {  	v38 =	vmul.f32 $7.812500000e-03, v38;
	v62 =	vmul.f32 v40, v40  }
0x387: {  	v43 =	vadd.f32 v43, v61;
	v63 =	vperm.xlane v42, v1  }
0x388: {  	v38 =	vsub.f32 v38, v62  }
0x389: {  	v51 =	vperm.xlane v43, v2;
	v42 =	vadd.f32 v63, v42  }
0x38a: {  	v38 =	vadd.f32 $9.999999740e-06, v38  }
0x38b: {  	v43 =	vadd.f32 v43, v51;
	v52 =	vperm.xlane v42, v2  }
0x38c: {  	v53 =	vshra.s32 v38, $0x1  }
0x38d: {  	v38 =	vmul.f32 $5.000000000e-01, v38;
	v54 =	vperm.xlane v43, v3;
	v42 =	vadd.f32 v52, v42  }
0x38e: {  	v28 =	vmul.f32 v35, v28;
	v32 =	vmul.f32 v35, v32;
	v55 =	vsub.s32 $0x5F3759DF, v53  }
0x38f: {  	v48 =	vmul.f32 v55, v38;
	v43 =	vadd.f32 v43, v54;
	v56 =	vperm.xlane v42, v3  }
0x390: {  	v33 =	vmul.f32 v35, v33;
	v34 =	vmul.f32 v35, v34  }
0x391: {  	v48 =	vmul.f32 v55, v48;
	v43 =	vmul.f32 $7.812500000e-03, v43;
	v42 =	vadd.f32 v56, v42  }
0x392: {  	v31 =	vmul.f32 v35, v31;
	v29 =	vmul.f32 v35, v29  }
0x393: {  	v48 =	vsub.f32 $1.500000000e+00, v48;
	v42 =	vmul.f32 $7.812500000e-03, v42;
	v57 =	vmul.f32 v43, v43  }
0x394: {  	v28 =	vmul.f32 v28, v4;
	v32 =	vmul.f32 v32, v5  }
0x395: {  	v33 =	vmul.f32 v33, v6;
	v58 =	vmul.f32 v55, v48;
	v42 =	vsub.f32 v42, v57  }
0x396: {  	v34 =	vmul.f32 v34, v7;
	v31 =	vmul.f32 v31, v8  }
0x397: {  	v28 =	vadd.f32 v28, v12;
	v38 =	vmul.f32 v58, v38;
	v42 =	vadd.f32 $9.999999740e-06, v42  }
0x398: {  	v29 =	vmul.f32 v29, v9;
	v32 =	vadd.f32 v32, v13;
	v33 =	vadd.f32 v33, v14  }
0x399: {  	v38 =	vmul.f32 v38, v58;
	v59 =	vshra.s32 v42, $0x1;
	v42 =	vmul.f32 $5.000000000e-01, v42  }
0x39a: {  	v34 =	vadd.f32 v34, v15;
	v31 =	vadd.f32 v31, v16;
	v46 =	vsub.s32 $0x5F3759DF, v59  }
0x39b: {  	v29 =	vadd.f32 v29, v17;
	v38 =	vsub.f32 $1.500000000e+00, v38;
	v60 =	vmul.f32 v46, v42  }
0x39c: {  	v30 =	vmul.f32 v35, v30;
	v22 =	vsub.f32 v22, v40;
	v20 =	vsub.f32 v20, v40  }
0x39d: {  	v25 =	vsub.f32 v25, v40;
	v35 =	vmul.f32 v38, v58;
	v61 =	vmul.f32 v46, v60  }
0x39e: {  	v30 =	vmul.f32 v30, v10;
	v21 =	vsub.f32 v21, v40;
	v23 =	vsub.f32 v23, v40  }
0x39f: {  	v24 =	vsub.f32 v24, v40;
	v25 =	vmul.f32 v35, v25;
	v38 =	vsub.f32 $1.500000000e+00, v61  }
0x3a0: {  	v26 =	vsub.f32 v26, v40;
	v22 =	vmul.f32 v35, v22;
	v20 =	vmul.f32 v35, v20  }
0x3a1: {  	v27 =	vsub.f32 v27, v40;
	v21 =	vmul.f32 v35, v21;
	v38 =	vmul.f32 v46, v38  }
0x3a2: {  	[tilespmem:s12+$0x19500] =	vst v28;
	v62 =	vadd.f32 v30, v18;
	v23 =	vmul.f32 v35, v23;
	v24 =	vmul.f32 v35, v24  }
0x3a3: {  	[tilespmem:s12+$0x19510] =	vst v32;
	v39 =	vsub.f32 v39, v43;
	v26 =	vmul.f32 v35, v26;
	v63 =	vmul.f32 v38, v42  }
0x3a4: {  	[tilespmem:s12+$0x19520] =	vst v33;
	v27 =	vmul.f32 v35, v27;
	v40 =	vsub.f32 v36, v43;
	v44 =	vsub.f32 v44, v43  }
0x3a5: {  	[tilespmem:s12+$0x19530] =	vst v34;
	v50 =	vsub.f32 v49, v43;
	v25 =	vmul.f32 v25, v11;
	v30 =	vmul.f32 v63, v38  }
0x3a6: {  	[tilespmem:s12+$0x19540] =	vst v31;
	v51 =	vsub.f32 v45, v43;
	v22 =	vmul.f32 v22, v4;
	v20 =	vmul.f32 v20, v5  }
0x3a7: {  	[tilespmem:s12+$0x19550] =	vst v29;
	v21 =	vmul.f32 v21, v6;
	v25 =	vadd.f32 v25, v19;
	v30 =	vsub.f32 $1.500000000e+00, v30  }
0x3a8: {  	[tilespmem:s12+$0x19560] =	vst v62;
	v23 =	vmul.f32 v23, v7;
	v24 =	vmul.f32 v24, v8;
	v22 =	vadd.f32 v22, v12  }
0x3a9: {  	v53 =	vmul.f32 v27, v10;
	v20 =	vadd.f32 v20, v13;
	[tilespmem:s8+$0x19570] =	vst v25;
	v48 =	vmul.f32 v30, v38  }
0x3aa: {  	v52 =	vmul.f32 v26, v9;
	v21 =	vadd.f32 v21, v14;
	v23 =	vadd.f32 v23, v15;
	[tilespmem:s8+$0x19500] =	vst v22  }
0x3ab: {  	v54 =	vadd.f32 v24, v16;
	v57 =	vadd.f32 v53, v18;
	[tilespmem:s8+$0x19510] =	vst v20;
	v20 =	vmul.f32 v48, v50  }
0x3ac: {  	[tilespmem:s8+$0x19520] =	vst v21;
	v22 =	vadd.f32 v52, v17;
	v42 =	vsub.f32 v37, v43;
	v55 =	vmul.f32 v48, v39  }
0x3ad: {  	[tilespmem:s8+$0x19530] =	vst v23;
	v46 =	vsub.f32 v47, v43;
	v56 =	vmul.f32 v48, v40;
	v20 =	vmul.f32 v20, v11  }
0x3ae: {  	[tilespmem:s8+$0x19540] =	vst v54;
	v47 =	vsub.f32 v41, v43;
	v58 =	vmul.f32 v48, v42;
	v24 =	vmul.f32 v55, v4  }
0x3af: {  	[tilespmem:s8+$0x19560] =	vst v57;
	v59 =	vmul.f32 v48, v44;
	v23 =	vmul.f32 v56, v5;
	v20 =	vadd.f32 v20, v19  }
0x3b0: {  	[tilespmem:s8+$0x19550] =	vst v22;
	v60 =	vmul.f32 v48, v46;
	v26 =	vmul.f32 v58, v6;
	v24 =	vadd.f32 v24, v12  }
0x3b1: {  	v25 =	vmul.f32 v48, v51;
	v22 =	vmul.f32 v59, v7;
	v23 =	vadd.f32 v23, v13;
	[tilespmem:s26+$0x19570] =	vst v20  }
0x3b2: {  	v21 =	vmul.f32 v60, v8;
	v61 =	vadd.f32 v26, v14;
	v20 =	vmul.f32 v48, v47;
	[tilespmem:s26+$0x19500] =	vst v24  }
0x3b3: {  	v62 =	vmul.f32 v25, v10;
	v22 =	vadd.f32 v22, v15;
	[tilespmem:s26+$0x19510] =	vst v23  }
0x3b4: {  	v21 =	vadd.f32 v21, v16;
	[tilespmem:s26+$0x19520] =	vst v61;
	v20 =	vmul.f32 v20, v9  }
.Ltmp6:
0x3b5: {  	v63 =	vadd.f32 v62, v18;
	[tilespmem:s26+$0x19530] =	vst v22;
	(pc) =	sbr.rel @p1 .LBB2_12-.Ltmp6, $4  }
0x3b6: {  	[tilespmem:s26+$0x19540] =	vst v21;
	v20 =	vadd.f32 v20, v17  }
0x3b7: {  	s30 =	sshll.u32 s13, $0x4;
	[tilespmem:s26+$0x19560] =	vst v63  }
0x3b8: {  	s8 =	sadd.s32 s6, s30;
	[tilespmem:s26+$0x19550] =	vst v20  }
0x3b9: {  	[hbm4b:s8+s7] =	stream.linear.scatter [tilespmem:s25], [sflag:$0x8], $0x2000, $0x38;
	[tilespmem:$0x1B500] =	vst v63  }
0x3ba: {  	s8 =	sadd.s32 $0x7, s11  }
0x3bb: {  	s11 =	sshll.u32 s8, $0xD  }
0x3bc: {  	s11 =	sadd.s32 s9, s11  }
.Ltmp7:
0x3bd: {  	s11 =	sshrl.u32 s11, $0x3;
	(pc) =	sbr.rel .LBB2_2-.Ltmp7, $4  }
0x3be: {  	s8 =	sshll.u32 s8, $0x7;
	s11 =	sadd.s32 s0, s11  }
0x3bf: {  	[tilespmem:s31], [sflag:$0x4] =	stream.linear.gather [hbm4b:s11+s7], $0x2000, $0x38;
	[tilespmem:$0x1B500] =	vst v63  }
0x3c0: {  	s10 =	sadd.s32 $0x1, s10;
	s8 =	sand.u32 $0x3FFFFF80, s8  }
0x3c1: {  	[tilespmem:s1], [sflag:$0x4] =	stream.indirect.gather [hbm4b:s2+s22], $0x80, s8, s22, $0xb8;
	[tilespmem:$0x1B500] =	vst v63  }
.LBB2_13:
0x3c2: {  	_ =	sfence.sel $0x180000  }
0x3c3: {  	[bflag:$0x0] =	sbarrier.arrive $0xFFFF  }
0x3c4: {  	_ =	strace $0x90000047  }
0x3c5: {  	s0 =	stileid.u32;
	[bflag:$0x2] =	sbarrier.arrive $0xFFFF  }
0x3c6: {  	p0 =	sne.s32 s0, $0x0;
	s0 =	rddreg [dreg:$0x6]  }
0x3c7: {  	s0 =	sadd.s32 @!p0 $0x100000, s0  }
0x3c8: {  	[sflag:s0] =	ssyncadd.tile.s32 @!p0 $0x1;
	_ =	shalt  }
.Lfunc_end2:
_tile_overlayer_lowered:
.L_overlay_start_2:
0x3c9: {  	(tag) =	ssettag $0x2  }
0x3ca: {  	s0 =	rddreg [dreg:$0x0];
	s2 =	stileid.u32  }
0x3cb: {  	s1 =	rddreg [dreg:$0x1];
	p0 =	sne.s32 s2, $0x0  }
0x3cc: {  	s3 =	rddreg [dreg:$0x2];
	[bflag:$0x3] =	sbarrier.arrive $0xFFFF;
	s2 =	simm.s32 @!p0 $0x1C09  }
0x3cd: {  	[timem:s3], [sflag:s2] =	dma.local @!p0 [hbm:s0], s1  }
0x3ce: {  	s0 =	simm.s32 @!p0 $0x9  }
0x3cf: {  	_ =	swait.ge @!p0 [sflag:s0], s1  }
0x3d0: {  	s1 =	ssub.s32 @!p0 $0x0, s1;
	[sflag:s0] =	ssyncset.done @!p0 $0x0  }
0x3d1: {  	[sflag:s0] =	ssyncadd.s32 @!p0 s1  }
0x3d2: {  	[bflag:$0x3] =	sbarrier.arrive $0xFFFF  }
0x3d3: {  	_ =	shalt  }

</sc_bundles>
